<compile_context>
chip_gen: v7x
topology: tpu7x:2x2x1
jax: 0.10.2.dev20260603
libtpu: 0.0.44.dev20260713+nightly
codegen_flags: <defaults>
</compile_context>

<pallas_src>
import functools

import jax
import jax.numpy as jnp
from jax import lax
from jax.experimental import pallas as pl
from jax.experimental.pallas import tpu as pltpu
from jax.experimental.pallas import tpu_sc as plsc

N = 10000
E = 320000
D = 128
PADW = 16
NC, NS = 2, 16
NTILES = NC * NS
CH = 80
NCHUNKS_ALL = E // CH
KPT = NCHUNKS_ALL // NTILES
RPT = 632
RPT_LAST = N - (NS - 1) * RPT


def _proj_body(hid, re_, ws, wr, wq, bq, ps_o, pr_o, pq_o):
    ps_o[...] = jnp.dot(hid[...], ws[...], preferred_element_type=jnp.float32)
    pr_o[...] = jnp.dot(re_[...], wr[...], preferred_element_type=jnp.float32)
    pq_o[...] = (jnp.dot(re_[...], wq[...], preferred_element_type=jnp.float32)
                 + bq[...])


def _proj_tables(hidden, re_, ws_p, wr_p, wq_p, bq_p):
    bs = 1000
    grid = (N // bs,)
    return pl.pallas_call(
        _proj_body,
        grid=grid,
        in_specs=[
            pl.BlockSpec((bs, D), lambda i: (i, 0)),
            pl.BlockSpec((bs, D), lambda i: (i, 0)),
            pl.BlockSpec((D, PADW), lambda i: (0, 0)),
            pl.BlockSpec((D, PADW), lambda i: (0, 0)),
            pl.BlockSpec((D, PADW), lambda i: (0, 0)),
            pl.BlockSpec((1, PADW), lambda i: (0, 0)),
        ],
        out_specs=[
            pl.BlockSpec((bs, PADW), lambda i: (i, 0)),
            pl.BlockSpec((bs, PADW), lambda i: (i, 0)),
            pl.BlockSpec((bs, PADW), lambda i: (i, 0)),
        ],
        out_shape=[jax.ShapeDtypeStruct((N, PADW), jnp.float32)] * 3,
    )(hidden, re_, ws_p, wr_p, wq_p, bq_p)


def _sc_body(idx_h, qrel_h, hid_h, re_h, wv_h,
             p0_h, p1_h, p2_h, p3_h, p4_h, p5_h, p6_h, p7_h, p8_h, p9_h,
             p10_h, p11_h, p12_h, p13_h, p14_h, out_h,
             idx_v0, idx_v1, qi_v0, qi_v1, att_v0, att_v1,
             hs_v0, hs_v1, hr_v0, hr_v1, alpha_v, wv_v, agg_s,
             sem_a0, sem_a1, sem_q0, sem_q1):
    planes = (p0_h, p1_h, p2_h, p3_h, p4_h, p5_h, p6_h, p7_h, p8_h, p9_h,
              p10_h, p11_h, p12_h, p13_h, p14_h)
    cid = lax.axis_index("c")
    sid = lax.axis_index("s")
    wid = cid * NS + sid

    sets = (
        dict(idx=idx_v0, qi=qi_v0, att=att_v0, hs=hs_v0, hr=hr_v0,
             sem_a=sem_a0, sem_q=sem_q0),
        dict(idx=idx_v1, qi=qi_v1, att=att_v1, hs=hs_v1, hr=hr_v1,
             sem_a=sem_a1, sem_q=sem_q1),
    )

    zf = jnp.zeros((16,), jnp.float32)

    pltpu.sync_copy(wv_h, wv_v)

    hs_v = hs_v0
    def _zrow(rr, carry):
        for dblk in range(D // 16):
            hs_v[rr, pl.ds(dblk * 16, 16)] = zf
        return carry
    lax.fori_loop(0, CH, _zrow, 0)

    def _zero_rows(start, count):
        nfull = count // CH
        def _zagg(k, carry):
            pltpu.sync_copy(hs_v, agg_s.at[pl.ds(start + k * CH, CH)])
            return carry
        lax.fori_loop(0, nfull, _zagg, 0)
        rem = count - nfull * CH
        if rem:
            pltpu.sync_copy(hs_v.at[pl.ds(0, rem)],
                            agg_s.at[pl.ds(start + nfull * CH, rem)])

    @pl.when(sid < NS - 1)
    def _():
        _zero_rows(sid * RPT, RPT)

    @pl.when(sid == NS - 1)
    def _():
        _zero_rows(sid * RPT, RPT_LAST)
    plsc.subcore_barrier()

    def _main_copies(st):
        cps = []
        for j in range(5):
            cps.append((planes[j].at[st["idx"].at[0]], st["att"].at[j],
                        st["sem_a"]))
            cps.append((planes[5 + j].at[st["idx"].at[1]],
                        st["att"].at[5 + j], st["sem_a"]))
        cps.append((hid_h.at[st["idx"].at[0]], st["hs"], st["sem_a"]))
        cps.append((re_h.at[st["idx"].at[1]], st["hr"], st["sem_a"]))
        return cps

    def _fire1(k, st):
        c = wid + NTILES * k
        pltpu.sync_copy(idx_h.at[c], st["idx"])
        pltpu.async_copy(qrel_h.at[st["idx"].at[2]], st["qi"], st["sem_q"])
        for t in _main_copies(st):
            pltpu.async_copy(*t)

    def _fire2(st):
        pltpu.make_async_copy(qrel_h.at[st["idx"].at[2]], st["qi"],
                              st["sem_q"]).wait()
        for j in range(5):
            pltpu.async_copy(planes[10 + j].at[st["qi"]],
                             st["att"].at[10 + j], st["sem_a"])

    def _consume(st):
        for t in _main_copies(st):
            pltpu.make_async_copy(*t).wait()
        for j in range(5):
            pltpu.make_async_copy(planes[10 + j].at[st["qi"]],
                                  st["att"].at[10 + j], st["sem_a"]).wait()
        att = st["att"]
        wvec = wv_v[...]
        for g in range(CH // 16):
            logit = jnp.broadcast_to(wvec[5], (16,))
            for j in range(5):
                sj = att[j, pl.ds(g * 16, 16)]
                rj = att[5 + j, pl.ds(g * 16, 16)]
                qj = att[10 + j, pl.ds(g * 16, 16)]
                logit = logit + jnp.maximum(sj + rj + qj, 0.0) * wvec[j]
            alpha = 1.0 / (1.0 + jnp.exp(-logit))
            alpha_v[pl.ds(g * 16, 16)] = alpha

        hsb, hrb = st["hs"], st["hr"]
        def _msg(e, c2):
            a = jnp.broadcast_to(alpha_v[pl.ds(e, 16)][0], (16,))
            for dblk in range(D // 16):
                h1 = hsb[e, pl.ds(dblk * 16, 16)]
                h2 = hrb[e, pl.ds(dblk * 16, 16)]
                hsb[e, pl.ds(dblk * 16, 16)] = a * (h1 + h2)
            return c2
        lax.fori_loop(0, CH, _msg, 0)

        pltpu.sync_copy(hsb, agg_s.at[st["idx"].at[3]], add=True)

    _fire1(0, sets[0])

    def _pair(i, carry):
        k0 = 2 * i
        _fire2(sets[0])
        _fire1(k0 + 1, sets[1])
        _consume(sets[0])
        _fire2(sets[1])
        _fire1(k0 + 2, sets[0])
        _consume(sets[1])
        return carry

    lax.fori_loop(0, (KPT - 1) // 2, _pair, 0)
    _fire2(sets[0])
    _consume(sets[0])
    plsc.subcore_barrier()

    @pl.when(sid < NS - 1)
    def _():
        pltpu.sync_copy(agg_s.at[pl.ds(sid * RPT, RPT)],
                        out_h.at[cid, pl.ds(sid * RPT, RPT)])

    @pl.when(sid == NS - 1)
    def _():
        pltpu.sync_copy(agg_s.at[pl.ds(sid * RPT, RPT_LAST)],
                        out_h.at[cid, pl.ds(sid * RPT, RPT_LAST)])


def _sc_edges(idxpack, q_rel, hidden, re_, wv, planes):
    mesh = plsc.VectorSubcoreMesh(core_axis_name="c", subcore_axis_name="s")
    f = pl.kernel(
        _sc_body,
        out_type=jax.ShapeDtypeStruct((NC, N, D), jnp.float32),
        mesh=mesh,
        compiler_params=pltpu.CompilerParams(needs_layout_passes=False),
        scratch_types=[
            pltpu.VMEM((4, CH), jnp.int32),
            pltpu.VMEM((4, CH), jnp.int32),
            pltpu.VMEM((CH,), jnp.int32),
            pltpu.VMEM((CH,), jnp.int32),
            pltpu.VMEM((15, CH), jnp.float32),
            pltpu.VMEM((15, CH), jnp.float32),
            pltpu.VMEM((CH, D), jnp.float32),
            pltpu.VMEM((CH, D), jnp.float32),
            pltpu.VMEM((CH, D), jnp.float32),
            pltpu.VMEM((CH, D), jnp.float32),
            pltpu.VMEM((CH + 16,), jnp.float32),
            pltpu.VMEM((16,), jnp.float32),
            pltpu.VMEM_SHARED((N, D), jnp.float32),
            pltpu.SemaphoreType.DMA,
            pltpu.SemaphoreType.DMA,
            pltpu.SemaphoreType.DMA,
            pltpu.SemaphoreType.DMA,
        ],
    )
    return f(idxpack, q_rel, hidden, re_, wv, *planes)


def _final_body(p0, p1, wh, delta, out_o):
    acc = p0[...] + p1[...] + delta[0, 0]
    out_o[...] = jnp.dot(acc, wh[...], preferred_element_type=jnp.float32)


def _final(p0, p1, wh, delta):
    bs = 1000
    return pl.pallas_call(
        _final_body,
        grid=(N // bs,),
        in_specs=[
            pl.BlockSpec((bs, D), lambda i: (i, 0)),
            pl.BlockSpec((bs, D), lambda i: (i, 0)),
            pl.BlockSpec((D, D), lambda i: (0, 0)),
            pl.BlockSpec(memory_space=pltpu.SMEM),
        ],
        out_specs=pl.BlockSpec((bs, D), lambda i: (i, 0)),
        out_shape=jax.ShapeDtypeStruct((N, D), jnp.float32),
    )(p0, p1, wh, delta)


def kernel(q_sub, q_rel, hidden, edges, n_node, old_nodes_new_idx, rela_embed,
           Ws_attn, Wr_attn, Wqr_attn_W, Wqr_attn_b, w_alpha_W, w_alpha_b,
           W_h):
    idxpack = (edges[:, jnp.array([4, 2, 0, 5])]
               .reshape(NCHUNKS_ALL, CH, 4)
               .transpose(0, 2, 1))
    re_ = rela_embed[:N]

    ws_p = jnp.pad(Ws_attn, ((0, 0), (0, PADW - 5)))
    wr_p = jnp.pad(Wr_attn, ((0, 0), (0, PADW - 5)))
    wq_p = jnp.pad(Wqr_attn_W, ((0, 0), (0, PADW - 5)))
    bq_p = jnp.pad(Wqr_attn_b, (0, PADW - 5)).reshape(1, PADW)

    ps, pr, pq = _proj_tables(hidden, re_, ws_p, wr_p, wq_p, bq_p)
    planes = tuple(ps[:, j] for j in range(5)) \
        + tuple(pr[:, j] for j in range(5)) \
        + tuple(pq[:, j] for j in range(5))

    wv = jnp.concatenate([w_alpha_W[:, 0], w_alpha_b,
                          jnp.zeros((10,), jnp.float32)])

    partials = _sc_edges(idxpack, q_rel.astype(jnp.int32),
                         hidden, re_, wv, planes)

    delta = jnp.asarray(n_node - N, jnp.float32).reshape(1, 1)
    return _final(partials[0], partials[1], W_h, delta)

# --- scband reference (transcript-rebuilt; emitter-appended) ---
"""Pipeline reference for scband-tred-gnn-82437602279986 (READ-ONLY COPY).

The authoritative reference and input builder live on the scoring server;
editing this copy changes nothing except your own understanding.
"""

import jax, jax.numpy as jnp
import numpy as np

N_NODE = 10000
E = 320000
D = 128
ATTN = 5
N_REL = 5000
VOCAB = 2 * N_REL + 1
NQ = 10000


def setup_inputs(seed: int = 0) -> dict:
    key = jax.random.key(seed)
    ks = jax.random.split(key, 12)
    q_sub = jax.random.randint(ks[0], (NQ,), 0, N_NODE)
    q_rel = jax.random.randint(ks[1], (NQ,), 0, NQ)
    hidden = jax.random.normal(ks[2], (N_NODE, D), dtype=jnp.float32)
    edges = jax.random.randint(ks[3], (E, 6), 0, N_NODE)
    old_nodes_new_idx = jax.random.randint(ks[4], (NQ,), 0, N_NODE)
    # learned parameters (GNNLayer with in_dim=out_dim=128, attn_dim=5, n_rel=5000)
    rela_embed = jax.random.normal(ks[5], (VOCAB, D), dtype=jnp.float32) * 0.02
    Ws_attn = jax.random.normal(ks[6], (D, ATTN), dtype=jnp.float32) * 0.05
    Wr_attn = jax.random.normal(ks[7], (D, ATTN), dtype=jnp.float32) * 0.05
    Wqr_attn_W = jax.random.normal(ks[8], (D, ATTN), dtype=jnp.float32) * 0.05
    Wqr_attn_b = jnp.zeros((ATTN,), dtype=jnp.float32)
    w_alpha_W = jax.random.normal(ks[9], (ATTN, 1), dtype=jnp.float32) * 0.05
    w_alpha_b = jnp.zeros((1,), dtype=jnp.float32)
    W_h = jax.random.normal(ks[10], (D, D), dtype=jnp.float32) * 0.05
    return {
        "q_sub": q_sub, "q_rel": q_rel, "hidden": hidden, "edges": edges,
        "n_node": N_NODE, "old_nodes_new_idx": old_nodes_new_idx,
        "rela_embed": rela_embed, "Ws_attn": Ws_attn, "Wr_attn": Wr_attn,
        "Wqr_attn_W": Wqr_attn_W, "Wqr_attn_b": Wqr_attn_b,
        "w_alpha_W": w_alpha_W, "w_alpha_b": w_alpha_b, "W_h": W_h,
    }


def reference(q_sub, q_rel, hidden, edges, n_node, old_nodes_new_idx,
              rela_embed, Ws_attn, Wr_attn, Wqr_attn_W, Wqr_attn_b,
              w_alpha_W, w_alpha_b, W_h):
    sub = edges[:, 4]
    rel = edges[:, 2]
    obj = edges[:, 5]
    r_idx = edges[:, 0]
    hs = jnp.take(hidden, sub, axis=0)                      # gather [E, D]
    hr = jnp.take(rela_embed, rel, axis=0)                  # embedding gather [E, D]
    h_qr = jnp.take(rela_embed, q_rel, axis=0)[r_idx]       # embedding + gather [E, D]
    message = hs + hr
    attn = jax.nn.relu(hs @ Ws_attn + hr @ Wr_attn + h_qr @ Wqr_attn_W + Wqr_attn_b)
    alpha = jax.nn.sigmoid(attn @ w_alpha_W + w_alpha_b)    # [E, 1]
    message = alpha * message
    num_segments = hidden.shape[0]
    message_agg = jax.ops.segment_sum(message, obj, num_segments=num_segments)  # scatter-add [N, D]
    message_agg = message_agg + jnp.asarray(n_node - num_segments, dtype=message_agg.dtype)
    hidden_new = message_agg @ W_h                          # act = identity
    return hidden_new

if __name__ == "__main__":
    import jax
    _d = setup_inputs()
    print(jax.jit(kernel)(*tuple(_d.values())))

</pallas_src>

<mosaic_0001>
#map = affine_map<(d0, d1) -> (0, 0, 0)>
#map1 = affine_map<(d0, d1) -> (0)>
#map2 = affine_map<(d0, d1) -> (0, 0)>
module attributes {stable_mosaic.version = 14 : i64} {
  func.func @_sc_body(%arg0: i32, %arg1: i32, %arg2: memref<4000x4x80xi32, #tpu.memory_space<hbm>>, %arg3: memref<10000xi32, #tpu.memory_space<hbm>>, %arg4: memref<10000x128xf32, #tpu.memory_space<hbm>>, %arg5: memref<10000x128xf32, #tpu.memory_space<hbm>>, %arg6: memref<16xf32, #tpu.memory_space<hbm>>, %arg7: memref<10000xf32, #tpu.memory_space<hbm>>, %arg8: memref<10000xf32, #tpu.memory_space<hbm>>, %arg9: memref<10000xf32, #tpu.memory_space<hbm>>, %arg10: memref<10000xf32, #tpu.memory_space<hbm>>, %arg11: memref<10000xf32, #tpu.memory_space<hbm>>, %arg12: memref<10000xf32, #tpu.memory_space<hbm>>, %arg13: memref<10000xf32, #tpu.memory_space<hbm>>, %arg14: memref<10000xf32, #tpu.memory_space<hbm>>, %arg15: memref<10000xf32, #tpu.memory_space<hbm>>, %arg16: memref<10000xf32, #tpu.memory_space<hbm>>, %arg17: memref<10000xf32, #tpu.memory_space<hbm>>, %arg18: memref<10000xf32, #tpu.memory_space<hbm>>, %arg19: memref<10000xf32, #tpu.memory_space<hbm>>, %arg20: memref<10000xf32, #tpu.memory_space<hbm>>, %arg21: memref<10000xf32, #tpu.memory_space<hbm>>, %arg22: memref<2x10000x128xf32, #tpu.memory_space<hbm>>, %arg23: memref<4x80xi32, #tpu.memory_space<vmem>>, %arg24: memref<4x80xi32, #tpu.memory_space<vmem>>, %arg25: memref<80xi32, #tpu.memory_space<vmem>>, %arg26: memref<80xi32, #tpu.memory_space<vmem>>, %arg27: memref<15x80xf32, #tpu.memory_space<vmem>>, %arg28: memref<15x80xf32, #tpu.memory_space<vmem>>, %arg29: memref<80x128xf32, #tpu.memory_space<vmem>>, %arg30: memref<80x128xf32, #tpu.memory_space<vmem>>, %arg31: memref<80x128xf32, #tpu.memory_space<vmem>>, %arg32: memref<80x128xf32, #tpu.memory_space<vmem>>, %arg33: memref<96xf32, #tpu.memory_space<vmem>>, %arg34: memref<16xf32, #tpu.memory_space<vmem>>, %arg35: memref<10000x128xf32, #tpu.memory_space<vmem_shared>>, %arg36: memref<!tpu.dma_semaphore, #tpu.memory_space<semaphore_mem>>, %arg37: memref<!tpu.dma_semaphore, #tpu.memory_space<semaphore_mem>>, %arg38: memref<!tpu.dma_semaphore, #tpu.memory_space<semaphore_mem>>, %arg39: memref<!tpu.dma_semaphore, #tpu.memory_space<semaphore_mem>>) attributes {dimension_semantics = [#tpu.dimension_semantics<core_parallel>, #tpu.dimension_semantics<subcore_parallel>], iteration_bounds = array<i64: 2, 16>, scalar_prefetch = 0 : i64, scratch_operands = 17 : i64, tpu.core_type = #tpu.core_type<sc_vector_subcore>, window_params = [{transform_indices = #map}, {transform_indices = #map1}, {transform_indices = #map2}, {transform_indices = #map2}, {transform_indices = #map1}, {transform_indices = #map1}, {transform_indices = #map1}, {transform_indices = #map1}, {transform_indices = #map1}, {transform_indices = #map1}, {transform_indices = #map1}, {transform_indices = #map1}, {transform_indices = #map1}, {transform_indices = #map1}, {transform_indices = #map1}, {transform_indices = #map1}, {transform_indices = #map1}, {transform_indices = #map1}, {transform_indices = #map1}, {transform_indices = #map1}, {transform_indices = #map}]} {
    %mul3A = arith.constant 16 : i32
    %mul3A_0 = arith.muli %arg0, %mul3A : i32
    %add3A = arith.addi %mul3A_0, %arg1 : i32
    %broadcast_in_dim3A = arith.constant 0.000000e+00 : f32
    %broadcast_in_dim3A_1 = vector.broadcast %broadcast_in_dim3A : f32 to vector<16xf32>
    "tpu.region"() ({
      %run_scoped3A_955 = tpu.sem_alloc : memref<!tpu.dma_semaphore, #tpu.memory_space<semaphore_mem>>
      tpu.enqueue_dma source(%arg6 : memref<16xf32, #tpu.memory_space<hbm>>) target(%arg34 : memref<16xf32, #tpu.memory_space<vmem>>) target_semaphore(%run_scoped3A_955 : memref<!tpu.dma_semaphore, #tpu.memory_space<semaphore_mem>>)
      tpu.wait_dma2 semaphore(%run_scoped3A_955 : memref<!tpu.dma_semaphore, #tpu.memory_space<semaphore_mem>>) src(%arg6 : memref<16xf32, #tpu.memory_space<hbm>>) dst(%arg34 : memref<16xf32, #tpu.memory_space<vmem>>)
      tpu.yield
    }) : () -> ()
    %scan3A = arith.constant 0 : i32
    %scan3A_2 = arith.constant 0 : i32
    %scan3A_3 = arith.constant 80 : i32
    %scan3A_4 = arith.addi %scan3A_2, %scan3A_3 : i32
    %scan3A_5 = arith.constant 1 : i32
    scf.for %scan3A_955 = %scan3A_2 to %scan3A_4 step %scan3A_5  : i32 {
      %swap3A_956 = arith.index_cast %scan3A_955 : i32 to index
      %swap3A_957 = arith.constant 0 : index
      %swap3A_958 = tpu.vector_load %arg29[%swap3A_956, %swap3A_957] {strides = array<i32>} : memref<80x128xf32, #tpu.memory_space<vmem>>, vector<16xf32>,
      tpu.vector_store %arg29[%swap3A_956, %swap3A_957], %broadcast_in_dim3A_1 {strides = array<i32>} : memref<80x128xf32, #tpu.memory_space<vmem>>, vector<16xf32>,
      %swap3A_959 = arith.index_cast %scan3A_955 : i32 to index
      %swap3A_960 = arith.constant 16 : index
      %swap3A_961 = tpu.vector_load %arg29[%swap3A_959, %swap3A_960] {strides = array<i32>} : memref<80x128xf32, #tpu.memory_space<vmem>>, vector<16xf32>,
      tpu.vector_store %arg29[%swap3A_959, %swap3A_960], %broadcast_in_dim3A_1 {strides = array<i32>} : memref<80x128xf32, #tpu.memory_space<vmem>>, vector<16xf32>,
      %swap3A_962 = arith.index_cast %scan3A_955 : i32 to index
      %swap3A_963 = arith.constant 32 : index
      %swap3A_964 = tpu.vector_load %arg29[%swap3A_962, %swap3A_963] {strides = array<i32>} : memref<80x128xf32, #tpu.memory_space<vmem>>, vector<16xf32>,
      tpu.vector_store %arg29[%swap3A_962, %swap3A_963], %broadcast_in_dim3A_1 {strides = array<i32>} : memref<80x128xf32, #tpu.memory_space<vmem>>, vector<16xf32>,
      %swap3A_965 = arith.index_cast %scan3A_955 : i32 to index
      %swap3A_966 = arith.constant 48 : index
      %swap3A_967 = tpu.vector_load %arg29[%swap3A_965, %swap3A_966] {strides = array<i32>} : memref<80x128xf32, #tpu.memory_space<vmem>>, vector<16xf32>,
      tpu.vector_store %arg29[%swap3A_965, %swap3A_966], %broadcast_in_dim3A_1 {strides = array<i32>} : memref<80x128xf32, #tpu.memory_space<vmem>>, vector<16xf32>,
      %swap3A_968 = arith.index_cast %scan3A_955 : i32 to index
      %swap3A_969 = arith.constant 64 : index
      %swap3A_970 = tpu.vector_load %arg29[%swap3A_968, %swap3A_969] {strides = array<i32>} : memref<80x128xf32, #tpu.memory_space<vmem>>, vector<16xf32>,
      tpu.vector_store %arg29[%swap3A_968, %swap3A_969], %broadcast_in_dim3A_1 {strides = array<i32>} : memref<80x128xf32, #tpu.memory_space<vmem>>, vector<16xf32>,
      %swap3A_971 = arith.index_cast %scan3A_955 : i32 to index
      %swap3A_972 = arith.constant 80 : index
      %swap3A_973 = tpu.vector_load %arg29[%swap3A_971, %swap3A_972] {strides = array<i32>} : memref<80x128xf32, #tpu.memory_space<vmem>>, vector<16xf32>,
      tpu.vector_store %arg29[%swap3A_971, %swap3A_972], %broadcast_in_dim3A_1 {strides = array<i32>} : memref<80x128xf32, #tpu.memory_space<vmem>>, vector<16xf32>,
      %swap3A_974 = arith.index_cast %scan3A_955 : i32 to index
      %swap3A_975 = arith.constant 96 : index
      %swap3A_976 = tpu.vector_load %arg29[%swap3A_974, %swap3A_975] {strides = array<i32>} : memref<80x128xf32, #tpu.memory_space<vmem>>, vector<16xf32>,
      tpu.vector_store %arg29[%swap3A_974, %swap3A_975], %broadcast_in_dim3A_1 {strides = array<i32>} : memref<80x128xf32, #tpu.memory_space<vmem>>, vector<16xf32>,
      %swap3A_977 = arith.index_cast %scan3A_955 : i32 to index
      %swap3A_978 = arith.constant 112 : index
      %swap3A_979 = tpu.vector_load %arg29[%swap3A_977, %swap3A_978] {strides = array<i32>} : memref<80x128xf32, #tpu.memory_space<vmem>>, vector<16xf32>,
      tpu.vector_store %arg29[%swap3A_977, %swap3A_978], %broadcast_in_dim3A_1 {strides = array<i32>} : memref<80x128xf32, #tpu.memory_space<vmem>>, vector<16xf32>,
    }
    %scan3A_6 = arith.constant 80 : i32
    %lt3A = arith.constant 15 : i32
    %lt3A_7 = arith.cmpi slt, %arg1, %lt3A : i32
    %convert_element_type3A = arith.extui %lt3A_7 : i1 to i32
    %cond3A = arith.constant 0 : i32
    %cond3A_8 = arith.cmpi ne, %convert_element_type3A, %cond3A : i32
    scf.if %cond3A_8 {
      %mul3A_955 = arith.constant 632 : i32
      %mul3A_956 = arith.muli %arg1, %mul3A_955 : i32
      %scan3A_957 = arith.constant 0 : i32
      %scan3A_958 = arith.constant 0 : i32
      %scan3A_959 = arith.constant 7 : i32
      %scan3A_960 = arith.addi %scan3A_958, %scan3A_959 : i32
      %scan3A_961 = arith.constant 1 : i32
      scf.for %scan3A_965 = %scan3A_958 to %scan3A_960 step %scan3A_961  : i32 {
        %mul3A_966 = arith.constant 80 : i32
        %mul3A_967 = arith.muli %scan3A_965, %mul3A_966 : i32
        %add3A_968 = arith.addi %mul3A_956, %mul3A_967 : i32
        "tpu.region"() ({
          %run_scoped3A_969 = tpu.sem_alloc : memref<!tpu.dma_semaphore, #tpu.memory_space<semaphore_mem>>
          %dma_start3A_970 = arith.constant 0 : i32
          %dma_start3A_971 = tpu.memref_slice %arg35[%add3A_968, %dma_start3A_970] : memref<10000x128xf32, #tpu.memory_space<vmem_shared>> -> memref<80x128xf32, #tpu.memory_space<vmem_shared>>
          %dma_start3A_972 = arith.constant 0 : i32
          %dma_start3A_973 = tpu.memref_slice %arg35[%add3A_968, %dma_start3A_972] : memref<10000x128xf32, #tpu.memory_space<vmem_shared>> -> memref<80x128xf32, #tpu.memory_space<vmem_shared>>
          tpu.enqueue_dma source(%arg29 : memref<80x128xf32, #tpu.memory_space<vmem>>) target(%dma_start3A_973 : memref<80x128xf32, #tpu.memory_space<vmem_shared>>) target_semaphore(%run_scoped3A_969 : memref<!tpu.dma_semaphore, #tpu.memory_space<semaphore_mem>>)
          %dma_wait3A_974 = arith.constant 0 : i32
          %dma_wait3A_975 = tpu.memref_slice %arg35[%add3A_968, %dma_wait3A_974] : memref<10000x128xf32, #tpu.memory_space<vmem_shared>> -> memref<80x128xf32, #tpu.memory_space<vmem_shared>>
          %dma_wait3A_976 = arith.constant 0 : i32
          %dma_wait3A_977 = tpu.memref_slice %arg35[%add3A_968, %dma_wait3A_976] : memref<10000x128xf32, #tpu.memory_space<vmem_shared>> -> memref<80x128xf32, #tpu.memory_space<vmem_shared>>
          tpu.wait_dma2 semaphore(%run_scoped3A_969 : memref<!tpu.dma_semaphore, #tpu.memory_space<semaphore_mem>>) src(%arg29 : memref<80x128xf32, #tpu.memory_space<vmem>>) dst(%dma_wait3A_977 : memref<80x128xf32, #tpu.memory_space<vmem_shared>>)
          tpu.yield
        }) : () -> ()
      }
      %scan3A_962 = arith.constant 7 : i32
      %add3A_963 = arith.constant 560 : i32
      %add3A_964 = arith.addi %mul3A_956, %add3A_963 : i32
      "tpu.region"() ({
        %run_scoped3A_965 = tpu.sem_alloc : memref<!tpu.dma_semaphore, #tpu.memory_space<semaphore_mem>>
        %dma_start3A_966 = arith.constant 0 : i32
        %dma_start3A_967 = arith.constant 0 : i32
        %dma_start3A_968 = tpu.memref_slice %arg29[%dma_start3A_966, %dma_start3A_967] : memref<80x128xf32, #tpu.memory_space<vmem>> -> memref<72x128xf32, #tpu.memory_space<vmem>>
        %dma_start3A_969 = arith.constant 0 : i32
        %dma_start3A_970 = tpu.memref_slice %arg35[%add3A_964, %dma_start3A_969] : memref<10000x128xf32, #tpu.memory_space<vmem_shared>> -> memref<72x128xf32, #tpu.memory_space<vmem_shared>>
        %dma_start3A_971 = arith.constant 0 : i32
        %dma_start3A_972 = tpu.memref_slice %arg35[%add3A_964, %dma_start3A_971] : memref<10000x128xf32, #tpu.memory_space<vmem_shared>> -> memref<72x128xf32, #tpu.memory_space<vmem_shared>>
        %dma_start3A_973 = arith.constant 0 : i32
        %dma_start3A_974 = arith.constant 0 : i32
        %dma_start3A_975 = tpu.memref_slice %arg29[%dma_start3A_973, %dma_start3A_974] : memref<80x128xf32, #tpu.memory_space<vmem>> -> memref<72x128xf32, #tpu.memory_space<vmem>>
        tpu.enqueue_dma source(%dma_start3A_975 : memref<72x128xf32, #tpu.memory_space<vmem>>) target(%dma_start3A_972 : memref<72x128xf32, #tpu.memory_space<vmem_shared>>) target_semaphore(%run_scoped3A_965 : memref<!tpu.dma_semaphore, #tpu.memory_space<semaphore_mem>>)
        %dma_wait3A_976 = arith.constant 0 : i32
        %dma_wait3A_977 = arith.constant 0 : i32
        %dma_wait3A_978 = tpu.memref_slice %arg29[%dma_wait3A_976, %dma_wait3A_977] : memref<80x128xf32, #tpu.memory_space<vmem>> -> memref<72x128xf32, #tpu.memory_space<vmem>>
        %dma_wait3A_979 = arith.constant 0 : i32
        %dma_wait3A_980 = tpu.memref_slice %arg35[%add3A_964, %dma_wait3A_979] : memref<10000x128xf32, #tpu.memory_space<vmem_shared>> -> memref<72x128xf32, #tpu.memory_space<vmem_shared>>
        %dma_wait3A_981 = arith.constant 0 : i32
        %dma_wait3A_982 = tpu.memref_slice %arg35[%add3A_964, %dma_wait3A_981] : memref<10000x128xf32, #tpu.memory_space<vmem_shared>> -> memref<72x128xf32, #tpu.memory_space<vmem_shared>>
        %dma_wait3A_983 = arith.constant 0 : i32
        %dma_wait3A_984 = arith.constant 0 : i32
        %dma_wait3A_985 = tpu.memref_slice %arg29[%dma_wait3A_983, %dma_wait3A_984] : memref<80x128xf32, #tpu.memory_space<vmem>> -> memref<72x128xf32, #tpu.memory_space<vmem>>
        tpu.wait_dma2 semaphore(%run_scoped3A_965 : memref<!tpu.dma_semaphore, #tpu.memory_space<semaphore_mem>>) src(%dma_wait3A_985 : memref<72x128xf32, #tpu.memory_space<vmem>>) dst(%dma_wait3A_982 : memref<72x128xf32, #tpu.memory_space<vmem_shared>>)
        tpu.yield
      }) : () -> ()
    } else {
    }
    %eq3A = arith.constant 15 : i32
    %eq3A_9 = arith.cmpi eq, %arg1, %eq3A : i32
    %convert_element_type3A_10 = arith.extui %eq3A_9 : i1 to i32
    %cond3A_11 = arith.constant 0 : i32
    %cond3A_12 = arith.cmpi ne, %convert_element_type3A_10, %cond3A_11 : i32
    scf.if %cond3A_12 {
      %mul3A_955 = arith.constant 632 : i32
      %mul3A_956 = arith.muli %arg1, %mul3A_955 : i32
      %scan3A_957 = arith.constant 0 : i32
      %scan3A_958 = arith.constant 0 : i32
      %scan3A_959 = arith.constant 6 : i32
      %scan3A_960 = arith.addi %scan3A_958, %scan3A_959 : i32
      %scan3A_961 = arith.constant 1 : i32
      scf.for %scan3A_965 = %scan3A_958 to %scan3A_960 step %scan3A_961  : i32 {
        %mul3A_966 = arith.constant 80 : i32
        %mul3A_967 = arith.muli %scan3A_965, %mul3A_966 : i32
        %add3A_968 = arith.addi %mul3A_956, %mul3A_967 : i32
        "tpu.region"() ({
          %run_scoped3A_969 = tpu.sem_alloc : memref<!tpu.dma_semaphore, #tpu.memory_space<semaphore_mem>>
          %dma_start3A_970 = arith.constant 0 : i32
          %dma_start3A_971 = tpu.memref_slice %arg35[%add3A_968, %dma_start3A_970] : memref<10000x128xf32, #tpu.memory_space<vmem_shared>> -> memref<80x128xf32, #tpu.memory_space<vmem_shared>>
          %dma_start3A_972 = arith.constant 0 : i32
          %dma_start3A_973 = tpu.memref_slice %arg35[%add3A_968, %dma_start3A_972] : memref<10000x128xf32, #tpu.memory_space<vmem_shared>> -> memref<80x128xf32, #tpu.memory_space<vmem_shared>>
          tpu.enqueue_dma source(%arg29 : memref<80x128xf32, #tpu.memory_space<vmem>>) target(%dma_start3A_973 : memref<80x128xf32, #tpu.memory_space<vmem_shared>>) target_semaphore(%run_scoped3A_969 : memref<!tpu.dma_semaphore, #tpu.memory_space<semaphore_mem>>)
          %dma_wait3A_974 = arith.constant 0 : i32
          %dma_wait3A_975 = tpu.memref_slice %arg35[%add3A_968, %dma_wait3A_974] : memref<10000x128xf32, #tpu.memory_space<vmem_shared>> -> memref<80x128xf32, #tpu.memory_space<vmem_shared>>
          %dma_wait3A_976 = arith.constant 0 : i32
          %dma_wait3A_977 = tpu.memref_slice %arg35[%add3A_968, %dma_wait3A_976] : memref<10000x128xf32, #tpu.memory_space<vmem_shared>> -> memref<80x128xf32, #tpu.memory_space<vmem_shared>>
          tpu.wait_dma2 semaphore(%run_scoped3A_969 : memref<!tpu.dma_semaphore, #tpu.memory_space<semaphore_mem>>) src(%arg29 : memref<80x128xf32, #tpu.memory_space<vmem>>) dst(%dma_wait3A_977 : memref<80x128xf32, #tpu.memory_space<vmem_shared>>)
          tpu.yield
        }) : () -> ()
      }
      %scan3A_962 = arith.constant 6 : i32
      %add3A_963 = arith.constant 480 : i32
      %add3A_964 = arith.addi %mul3A_956, %add3A_963 : i32
      "tpu.region"() ({
        %run_scoped3A_965 = tpu.sem_alloc : memref<!tpu.dma_semaphore, #tpu.memory_space<semaphore_mem>>
        %dma_start3A_966 = arith.constant 0 : i32
        %dma_start3A_967 = arith.constant 0 : i32
        %dma_start3A_968 = tpu.memref_slice %arg29[%dma_start3A_966, %dma_start3A_967] : memref<80x128xf32, #tpu.memory_space<vmem>> -> memref<40x128xf32, #tpu.memory_space<vmem>>
        %dma_start3A_969 = arith.constant 0 : i32
        %dma_start3A_970 = tpu.memref_slice %arg35[%add3A_964, %dma_start3A_969] : memref<10000x128xf32, #tpu.memory_space<vmem_shared>> -> memref<40x128xf32, #tpu.memory_space<vmem_shared>>
        %dma_start3A_971 = arith.constant 0 : i32
        %dma_start3A_972 = tpu.memref_slice %arg35[%add3A_964, %dma_start3A_971] : memref<10000x128xf32, #tpu.memory_space<vmem_shared>> -> memref<40x128xf32, #tpu.memory_space<vmem_shared>>
        %dma_start3A_973 = arith.constant 0 : i32
        %dma_start3A_974 = arith.constant 0 : i32
        %dma_start3A_975 = tpu.memref_slice %arg29[%dma_start3A_973, %dma_start3A_974] : memref<80x128xf32, #tpu.memory_space<vmem>> -> memref<40x128xf32, #tpu.memory_space<vmem>>
        tpu.enqueue_dma source(%dma_start3A_975 : memref<40x128xf32, #tpu.memory_space<vmem>>) target(%dma_start3A_972 : memref<40x128xf32, #tpu.memory_space<vmem_shared>>) target_semaphore(%run_scoped3A_965 : memref<!tpu.dma_semaphore, #tpu.memory_space<semaphore_mem>>)
        %dma_wait3A_976 = arith.constant 0 : i32
        %dma_wait3A_977 = arith.constant 0 : i32
        %dma_wait3A_978 = tpu.memref_slice %arg29[%dma_wait3A_976, %dma_wait3A_977] : memref<80x128xf32, #tpu.memory_space<vmem>> -> memref<40x128xf32, #tpu.memory_space<vmem>>
        %dma_wait3A_979 = arith.constant 0 : i32
        %dma_wait3A_980 = tpu.memref_slice %arg35[%add3A_964, %dma_wait3A_979] : memref<10000x128xf32, #tpu.memory_space<vmem_shared>> -> memref<40x128xf32, #tpu.memory_space<vmem_shared>>
        %dma_wait3A_981 = arith.constant 0 : i32
        %dma_wait3A_982 = tpu.memref_slice %arg35[%add3A_964, %dma_wait3A_981] : memref<10000x128xf32, #tpu.memory_space<vmem_shared>> -> memref<40x128xf32, #tpu.memory_space<vmem_shared>>
        %dma_wait3A_983 = arith.constant 0 : i32
        %dma_wait3A_984 = arith.constant 0 : i32
        %dma_wait3A_985 = tpu.memref_slice %arg29[%dma_wait3A_983, %dma_wait3A_984] : memref<80x128xf32, #tpu.memory_space<vmem>> -> memref<40x128xf32, #tpu.memory_space<vmem>>
        tpu.wait_dma2 semaphore(%run_scoped3A_965 : memref<!tpu.dma_semaphore, #tpu.memory_space<semaphore_mem>>) src(%dma_wait3A_985 : memref<40x128xf32, #tpu.memory_space<vmem>>) dst(%dma_wait3A_982 : memref<40x128xf32, #tpu.memory_space<vmem_shared>>)
        tpu.yield
      }) : () -> ()
    } else {
    }
    %barrier3A = arith.constant 0 : index
    tpu.barrier barrier_id(%barrier3A)
    %add3A_13 = arith.constant 0 : i32
    %add3A_14 = arith.addi %add3A, %add3A_13 : i32
    "tpu.region"() ({
      %run_scoped3A_955 = tpu.sem_alloc : memref<!tpu.dma_semaphore, #tpu.memory_space<semaphore_mem>>
      %dma_start3A_956 = arith.constant 0 : i32
      %dma_start3A_957 = arith.constant 0 : i32
      %dma_start3A_958 = tpu.memref_slice %arg2[%add3A_14, %dma_start3A_956, %dma_start3A_957] : memref<4000x4x80xi32, #tpu.memory_space<hbm>> -> memref<1x4x80xi32, #tpu.memory_space<hbm>>
      %dma_start3A_959 = tpu.memref_squeeze %dma_start3A_958 : memref<1x4x80xi32, #tpu.memory_space<hbm>> -> memref<4x80xi32, #tpu.memory_space<hbm>>
      %dma_start3A_960 = arith.constant 0 : i32
      %dma_start3A_961 = arith.constant 0 : i32
      %dma_start3A_962 = tpu.memref_slice %arg2[%add3A_14, %dma_start3A_960, %dma_start3A_961] : memref<4000x4x80xi32, #tpu.memory_space<hbm>> -> memref<1x4x80xi32, #tpu.memory_space<hbm>>
      %dma_start3A_963 = tpu.memref_squeeze %dma_start3A_962 : memref<1x4x80xi32, #tpu.memory_space<hbm>> -> memref<4x80xi32, #tpu.memory_space<hbm>>
      tpu.enqueue_dma source(%dma_start3A_963 : memref<4x80xi32, #tpu.memory_space<hbm>>) target(%arg23 : memref<4x80xi32, #tpu.memory_space<vmem>>) target_semaphore(%run_scoped3A_955 : memref<!tpu.dma_semaphore, #tpu.memory_space<semaphore_mem>>)
      %dma_wait3A_964 = arith.constant 0 : i32
      %dma_wait3A_965 = arith.constant 0 : i32
      %dma_wait3A_966 = tpu.memref_slice %arg2[%add3A_14, %dma_wait3A_964, %dma_wait3A_965] : memref<4000x4x80xi32, #tpu.memory_space<hbm>> -> memref<1x4x80xi32, #tpu.memory_space<hbm>>
      %dma_wait3A_967 = tpu.memref_squeeze %dma_wait3A_966 : memref<1x4x80xi32, #tpu.memory_space<hbm>> -> memref<4x80xi32, #tpu.memory_space<hbm>>
      %dma_wait3A_968 = arith.constant 0 : i32
      %dma_wait3A_969 = arith.constant 0 : i32
      %dma_wait3A_970 = tpu.memref_slice %arg2[%add3A_14, %dma_wait3A_968, %dma_wait3A_969] : memref<4000x4x80xi32, #tpu.memory_space<hbm>> -> memref<1x4x80xi32, #tpu.memory_space<hbm>>
      %dma_wait3A_971 = tpu.memref_squeeze %dma_wait3A_970 : memref<1x4x80xi32, #tpu.memory_space<hbm>> -> memref<4x80xi32, #tpu.memory_space<hbm>>
      tpu.wait_dma2 semaphore(%run_scoped3A_955 : memref<!tpu.dma_semaphore, #tpu.memory_space<semaphore_mem>>) src(%dma_wait3A_971 : memref<4x80xi32, #tpu.memory_space<hbm>>) dst(%arg23 : memref<4x80xi32, #tpu.memory_space<vmem>>)
      tpu.yield
    }) : () -> ()
    %dma_start3A = arith.constant 2 : i32
    %dma_start3A_15 = arith.constant 0 : i32
    %dma_start3A_16 = tpu.memref_slice %arg23[%dma_start3A, %dma_start3A_15] : memref<4x80xi32, #tpu.memory_space<vmem>> -> memref<1x80xi32, #tpu.memory_space<vmem>>
    %dma_start3A_17 = tpu.memref_squeeze %dma_start3A_16 : memref<1x80xi32, #tpu.memory_space<vmem>> -> memref<80xi32, #tpu.memory_space<vmem>>
    %dma_start3A_18 = arith.constant 0 : i32
    %dma_start3A_19 = tpu.memref_slice %arg3[%dma_start3A_18] : memref<10000xi32, #tpu.memory_space<hbm>> -> memref<10000xi32, #tpu.memory_space<hbm>>
    tpu.enqueue_indirect_dma source(%dma_start3A_19 : memref<10000xi32, #tpu.memory_space<hbm>>) target(%arg25 : memref<80xi32, #tpu.memory_space<vmem>>) offsets(%dma_start3A_17 : memref<80xi32, #tpu.memory_space<vmem>>) semaphore(%arg38 : memref<!tpu.dma_semaphore, #tpu.memory_space<semaphore_mem>>)
    %dma_start3A_20 = arith.constant 0 : i32
    %dma_start3A_21 = arith.constant 0 : i32
    %dma_start3A_22 = arith.constant 0 : i32
    %dma_start3A_23 = tpu.memref_slice %arg27[%dma_start3A_21, %dma_start3A_22] : memref<15x80xf32, #tpu.memory_space<vmem>> -> memref<1x80xf32, #tpu.memory_space<vmem>>
    %dma_start3A_24 = tpu.memref_squeeze %dma_start3A_23 : memref<1x80xf32, #tpu.memory_space<vmem>> -> memref<80xf32, #tpu.memory_space<vmem>>
    %dma_start3A_25 = arith.constant 0 : i32
    %dma_start3A_26 = tpu.memref_slice %arg23[%dma_start3A_20, %dma_start3A_25] : memref<4x80xi32, #tpu.memory_space<vmem>> -> memref<1x80xi32, #tpu.memory_space<vmem>>
    %dma_start3A_27 = tpu.memref_squeeze %dma_start3A_26 : memref<1x80xi32, #tpu.memory_space<vmem>> -> memref<80xi32, #tpu.memory_space<vmem>>
    %dma_start3A_28 = arith.constant 0 : i32
    %dma_start3A_29 = tpu.memref_slice %arg7[%dma_start3A_28] : memref<10000xf32, #tpu.memory_space<hbm>> -> memref<10000xf32, #tpu.memory_space<hbm>>
    tpu.enqueue_indirect_dma source(%dma_start3A_29 : memref<10000xf32, #tpu.memory_space<hbm>>) target(%dma_start3A_24 : memref<80xf32, #tpu.memory_space<vmem>>) offsets(%dma_start3A_27 : memref<80xi32, #tpu.memory_space<vmem>>) semaphore(%arg36 : memref<!tpu.dma_semaphore, #tpu.memory_space<semaphore_mem>>)
    %dma_start3A_30 = arith.constant 1 : i32
    %dma_start3A_31 = arith.constant 5 : i32
    %dma_start3A_32 = arith.constant 0 : i32
    %dma_start3A_33 = tpu.memref_slice %arg27[%dma_start3A_31, %dma_start3A_32] : memref<15x80xf32, #tpu.memory_space<vmem>> -> memref<1x80xf32, #tpu.memory_space<vmem>>
    %dma_start3A_34 = tpu.memref_squeeze %dma_start3A_33 : memref<1x80xf32, #tpu.memory_space<vmem>> -> memref<80xf32, #tpu.memory_space<vmem>>
    %dma_start3A_35 = arith.constant 0 : i32
    %dma_start3A_36 = tpu.memref_slice %arg23[%dma_start3A_30, %dma_start3A_35] : memref<4x80xi32, #tpu.memory_space<vmem>> -> memref<1x80xi32, #tpu.memory_space<vmem>>
    %dma_start3A_37 = tpu.memref_squeeze %dma_start3A_36 : memref<1x80xi32, #tpu.memory_space<vmem>> -> memref<80xi32, #tpu.memory_space<vmem>>
    %dma_start3A_38 = arith.constant 0 : i32
    %dma_start3A_39 = tpu.memref_slice %arg12[%dma_start3A_38] : memref<10000xf32, #tpu.memory_space<hbm>> -> memref<10000xf32, #tpu.memory_space<hbm>>
    tpu.enqueue_indirect_dma source(%dma_start3A_39 : memref<10000xf32, #tpu.memory_space<hbm>>) target(%dma_start3A_34 : memref<80xf32, #tpu.memory_space<vmem>>) offsets(%dma_start3A_37 : memref<80xi32, #tpu.memory_space<vmem>>) semaphore(%arg36 : memref<!tpu.dma_semaphore, #tpu.memory_space<semaphore_mem>>)
    %dma_start3A_40 = arith.constant 0 : i32
    %dma_start3A_41 = arith.constant 1 : i32
    %dma_start3A_42 = arith.constant 0 : i32
    %dma_start3A_43 = tpu.memref_slice %arg27[%dma_start3A_41, %dma_start3A_42] : memref<15x80xf32, #tpu.memory_space<vmem>> -> memref<1x80xf32, #tpu.memory_space<vmem>>
    %dma_start3A_44 = tpu.memref_squeeze %dma_start3A_43 : memref<1x80xf32, #tpu.memory_space<vmem>> -> memref<80xf32, #tpu.memory_space<vmem>>
    %dma_start3A_45 = arith.constant 0 : i32
    %dma_start3A_46 = tpu.memref_slice %arg23[%dma_start3A_40, %dma_start3A_45] : memref<4x80xi32, #tpu.memory_space<vmem>> -> memref<1x80xi32, #tpu.memory_space<vmem>>
    %dma_start3A_47 = tpu.memref_squeeze %dma_start3A_46 : memref<1x80xi32, #tpu.memory_space<vmem>> -> memref<80xi32, #tpu.memory_space<vmem>>
    %dma_start3A_48 = arith.constant 0 : i32
    %dma_start3A_49 = tpu.memref_slice %arg8[%dma_start3A_48] : memref<10000xf32, #tpu.memory_space<hbm>> -> memref<10000xf32, #tpu.memory_space<hbm>>
    tpu.enqueue_indirect_dma source(%dma_start3A_49 : memref<10000xf32, #tpu.memory_space<hbm>>) target(%dma_start3A_44 : memref<80xf32, #tpu.memory_space<vmem>>) offsets(%dma_start3A_47 : memref<80xi32, #tpu.memory_space<vmem>>) semaphore(%arg36 : memref<!tpu.dma_semaphore, #tpu.memory_space<semaphore_mem>>)
    %dma_start3A_50 = arith.constant 1 : i32
    %dma_start3A_51 = arith.constant 6 : i32
    %dma_start3A_52 = arith.constant 0 : i32
    %dma_start3A_53 = tpu.memref_slice %arg27[%dma_start3A_51, %dma_start3A_52] : memref<15x80xf32, #tpu.memory_space<vmem>> -> memref<1x80xf32, #tpu.memory_space<vmem>>
    %dma_start3A_54 = tpu.memref_squeeze %dma_start3A_53 : memref<1x80xf32, #tpu.memory_space<vmem>> -> memref<80xf32, #tpu.memory_space<vmem>>
    %dma_start3A_55 = arith.constant 0 : i32
    %dma_start3A_56 = tpu.memref_slice %arg23[%dma_start3A_50, %dma_start3A_55] : memref<4x80xi32, #tpu.memory_space<vmem>> -> memref<1x80xi32, #tpu.memory_space<vmem>>
    %dma_start3A_57 = tpu.memref_squeeze %dma_start3A_56 : memref<1x80xi32, #tpu.memory_space<vmem>> -> memref<80xi32, #tpu.memory_space<vmem>>
    %dma_start3A_58 = arith.constant 0 : i32
    %dma_start3A_59 = tpu.memref_slice %arg13[%dma_start3A_58] : memref<10000xf32, #tpu.memory_space<hbm>> -> memref<10000xf32, #tpu.memory_space<hbm>>
    tpu.enqueue_indirect_dma source(%dma_start3A_59 : memref<10000xf32, #tpu.memory_space<hbm>>) target(%dma_start3A_54 : memref<80xf32, #tpu.memory_space<vmem>>) offsets(%dma_start3A_57 : memref<80xi32, #tpu.memory_space<vmem>>) semaphore(%arg36 : memref<!tpu.dma_semaphore, #tpu.memory_space<semaphore_mem>>)
    %dma_start3A_60 = arith.constant 0 : i32
    %dma_start3A_61 = arith.constant 2 : i32
    %dma_start3A_62 = arith.constant 0 : i32
    %dma_start3A_63 = tpu.memref_slice %arg27[%dma_start3A_61, %dma_start3A_62] : memref<15x80xf32, #tpu.memory_space<vmem>> -> memref<1x80xf32, #tpu.memory_space<vmem>>
    %dma_start3A_64 = tpu.memref_squeeze %dma_start3A_63 : memref<1x80xf32, #tpu.memory_space<vmem>> -> memref<80xf32, #tpu.memory_space<vmem>>
    %dma_start3A_65 = arith.constant 0 : i32
    %dma_start3A_66 = tpu.memref_slice %arg23[%dma_start3A_60, %dma_start3A_65] : memref<4x80xi32, #tpu.memory_space<vmem>> -> memref<1x80xi32, #tpu.memory_space<vmem>>
    %dma_start3A_67 = tpu.memref_squeeze %dma_start3A_66 : memref<1x80xi32, #tpu.memory_space<vmem>> -> memref<80xi32, #tpu.memory_space<vmem>>
    %dma_start3A_68 = arith.constant 0 : i32
    %dma_start3A_69 = tpu.memref_slice %arg9[%dma_start3A_68] : memref<10000xf32, #tpu.memory_space<hbm>> -> memref<10000xf32, #tpu.memory_space<hbm>>
    tpu.enqueue_indirect_dma source(%dma_start3A_69 : memref<10000xf32, #tpu.memory_space<hbm>>) target(%dma_start3A_64 : memref<80xf32, #tpu.memory_space<vmem>>) offsets(%dma_start3A_67 : memref<80xi32, #tpu.memory_space<vmem>>) semaphore(%arg36 : memref<!tpu.dma_semaphore, #tpu.memory_space<semaphore_mem>>)
    %dma_start3A_70 = arith.constant 1 : i32
    %dma_start3A_71 = arith.constant 7 : i32
    %dma_start3A_72 = arith.constant 0 : i32
    %dma_start3A_73 = tpu.memref_slice %arg27[%dma_start3A_71, %dma_start3A_72] : memref<15x80xf32, #tpu.memory_space<vmem>> -> memref<1x80xf32, #tpu.memory_space<vmem>>
    %dma_start3A_74 = tpu.memref_squeeze %dma_start3A_73 : memref<1x80xf32, #tpu.memory_space<vmem>> -> memref<80xf32, #tpu.memory_space<vmem>>
    %dma_start3A_75 = arith.constant 0 : i32
    %dma_start3A_76 = tpu.memref_slice %arg23[%dma_start3A_70, %dma_start3A_75] : memref<4x80xi32, #tpu.memory_space<vmem>> -> memref<1x80xi32, #tpu.memory_space<vmem>>
    %dma_start3A_77 = tpu.memref_squeeze %dma_start3A_76 : memref<1x80xi32, #tpu.memory_space<vmem>> -> memref<80xi32, #tpu.memory_space<vmem>>
    %dma_start3A_78 = arith.constant 0 : i32
    %dma_start3A_79 = tpu.memref_slice %arg14[%dma_start3A_78] : memref<10000xf32, #tpu.memory_space<hbm>> -> memref<10000xf32, #tpu.memory_space<hbm>>
    tpu.enqueue_indirect_dma source(%dma_start3A_79 : memref<10000xf32, #tpu.memory_space<hbm>>) target(%dma_start3A_74 : memref<80xf32, #tpu.memory_space<vmem>>) offsets(%dma_start3A_77 : memref<80xi32, #tpu.memory_space<vmem>>) semaphore(%arg36 : memref<!tpu.dma_semaphore, #tpu.memory_space<semaphore_mem>>)
    %dma_start3A_80 = arith.constant 0 : i32
    %dma_start3A_81 = arith.constant 3 : i32
    %dma_start3A_82 = arith.constant 0 : i32
    %dma_start3A_83 = tpu.memref_slice %arg27[%dma_start3A_81, %dma_start3A_82] : memref<15x80xf32, #tpu.memory_space<vmem>> -> memref<1x80xf32, #tpu.memory_space<vmem>>
    %dma_start3A_84 = tpu.memref_squeeze %dma_start3A_83 : memref<1x80xf32, #tpu.memory_space<vmem>> -> memref<80xf32, #tpu.memory_space<vmem>>
    %dma_start3A_85 = arith.constant 0 : i32
    %dma_start3A_86 = tpu.memref_slice %arg23[%dma_start3A_80, %dma_start3A_85] : memref<4x80xi32, #tpu.memory_space<vmem>> -> memref<1x80xi32, #tpu.memory_space<vmem>>
    %dma_start3A_87 = tpu.memref_squeeze %dma_start3A_86 : memref<1x80xi32, #tpu.memory_space<vmem>> -> memref<80xi32, #tpu.memory_space<vmem>>
    %dma_start3A_88 = arith.constant 0 : i32
    %dma_start3A_89 = tpu.memref_slice %arg10[%dma_start3A_88] : memref<10000xf32, #tpu.memory_space<hbm>> -> memref<10000xf32, #tpu.memory_space<hbm>>
    tpu.enqueue_indirect_dma source(%dma_start3A_89 : memref<10000xf32, #tpu.memory_space<hbm>>) target(%dma_start3A_84 : memref<80xf32, #tpu.memory_space<vmem>>) offsets(%dma_start3A_87 : memref<80xi32, #tpu.memory_space<vmem>>) semaphore(%arg36 : memref<!tpu.dma_semaphore, #tpu.memory_space<semaphore_mem>>)
    %dma_start3A_90 = arith.constant 1 : i32
    %dma_start3A_91 = arith.constant 8 : i32
    %dma_start3A_92 = arith.constant 0 : i32
    %dma_start3A_93 = tpu.memref_slice %arg27[%dma_start3A_91, %dma_start3A_92] : memref<15x80xf32, #tpu.memory_space<vmem>> -> memref<1x80xf32, #tpu.memory_space<vmem>>
    %dma_start3A_94 = tpu.memref_squeeze %dma_start3A_93 : memref<1x80xf32, #tpu.memory_space<vmem>> -> memref<80xf32, #tpu.memory_space<vmem>>
    %dma_start3A_95 = arith.constant 0 : i32
    %dma_start3A_96 = tpu.memref_slice %arg23[%dma_start3A_90, %dma_start3A_95] : memref<4x80xi32, #tpu.memory_space<vmem>> -> memref<1x80xi32, #tpu.memory_space<vmem>>
    %dma_start3A_97 = tpu.memref_squeeze %dma_start3A_96 : memref<1x80xi32, #tpu.memory_space<vmem>> -> memref<80xi32, #tpu.memory_space<vmem>>
    %dma_start3A_98 = arith.constant 0 : i32
    %dma_start3A_99 = tpu.memref_slice %arg15[%dma_start3A_98] : memref<10000xf32, #tpu.memory_space<hbm>> -> memref<10000xf32, #tpu.memory_space<hbm>>
    tpu.enqueue_indirect_dma source(%dma_start3A_99 : memref<10000xf32, #tpu.memory_space<hbm>>) target(%dma_start3A_94 : memref<80xf32, #tpu.memory_space<vmem>>) offsets(%dma_start3A_97 : memref<80xi32, #tpu.memory_space<vmem>>) semaphore(%arg36 : memref<!tpu.dma_semaphore, #tpu.memory_space<semaphore_mem>>)
    %dma_start3A_100 = arith.constant 0 : i32
    %dma_start3A_101 = arith.constant 4 : i32
    %dma_start3A_102 = arith.constant 0 : i32
    %dma_start3A_103 = tpu.memref_slice %arg27[%dma_start3A_101, %dma_start3A_102] : memref<15x80xf32, #tpu.memory_space<vmem>> -> memref<1x80xf32, #tpu.memory_space<vmem>>
    %dma_start3A_104 = tpu.memref_squeeze %dma_start3A_103 : memref<1x80xf32, #tpu.memory_space<vmem>> -> memref<80xf32, #tpu.memory_space<vmem>>
    %dma_start3A_105 = arith.constant 0 : i32
    %dma_start3A_106 = tpu.memref_slice %arg23[%dma_start3A_100, %dma_start3A_105] : memref<4x80xi32, #tpu.memory_space<vmem>> -> memref<1x80xi32, #tpu.memory_space<vmem>>
    %dma_start3A_107 = tpu.memref_squeeze %dma_start3A_106 : memref<1x80xi32, #tpu.memory_space<vmem>> -> memref<80xi32, #tpu.memory_space<vmem>>
    %dma_start3A_108 = arith.constant 0 : i32
    %dma_start3A_109 = tpu.memref_slice %arg11[%dma_start3A_108] : memref<10000xf32, #tpu.memory_space<hbm>> -> memref<10000xf32, #tpu.memory_space<hbm>>
    tpu.enqueue_indirect_dma source(%dma_start3A_109 : memref<10000xf32, #tpu.memory_space<hbm>>) target(%dma_start3A_104 : memref<80xf32, #tpu.memory_space<vmem>>) offsets(%dma_start3A_107 : memref<80xi32, #tpu.memory_space<vmem>>) semaphore(%arg36 : memref<!tpu.dma_semaphore, #tpu.memory_space<semaphore_mem>>)
    %dma_start3A_110 = arith.constant 1 : i32
    %dma_start3A_111 = arith.constant 9 : i32
    %dma_start3A_112 = arith.constant 0 : i32
    %dma_start3A_113 = tpu.memref_slice %arg27[%dma_start3A_111, %dma_start3A_112] : memref<15x80xf32, #tpu.memory_space<vmem>> -> memref<1x80xf32, #tpu.memory_space<vmem>>
    %dma_start3A_114 = tpu.memref_squeeze %dma_start3A_113 : memref<1x80xf32, #tpu.memory_space<vmem>> -> memref<80xf32, #tpu.memory_space<vmem>>
    %dma_start3A_115 = arith.constant 0 : i32
    %dma_start3A_116 = tpu.memref_slice %arg23[%dma_start3A_110, %dma_start3A_115] : memref<4x80xi32, #tpu.memory_space<vmem>> -> memref<1x80xi32, #tpu.memory_space<vmem>>
    %dma_start3A_117 = tpu.memref_squeeze %dma_start3A_116 : memref<1x80xi32, #tpu.memory_space<vmem>> -> memref<80xi32, #tpu.memory_space<vmem>>
    %dma_start3A_118 = arith.constant 0 : i32
    %dma_start3A_119 = tpu.memref_slice %arg16[%dma_start3A_118] : memref<10000xf32, #tpu.memory_space<hbm>> -> memref<10000xf32, #tpu.memory_space<hbm>>
    tpu.enqueue_indirect_dma source(%dma_start3A_119 : memref<10000xf32, #tpu.memory_space<hbm>>) target(%dma_start3A_114 : memref<80xf32, #tpu.memory_space<vmem>>) offsets(%dma_start3A_117 : memref<80xi32, #tpu.memory_space<vmem>>) semaphore(%arg36 : memref<!tpu.dma_semaphore, #tpu.memory_space<semaphore_mem>>)
    %dma_start3A_120 = arith.constant 0 : i32
    %dma_start3A_121 = arith.constant 0 : i32
    %dma_start3A_122 = tpu.memref_slice %arg23[%dma_start3A_120, %dma_start3A_121] : memref<4x80xi32, #tpu.memory_space<vmem>> -> memref<1x80xi32, #tpu.memory_space<vmem>>
    %dma_start3A_123 = tpu.memref_squeeze %dma_start3A_122 : memref<1x80xi32, #tpu.memory_space<vmem>> -> memref<80xi32, #tpu.memory_space<vmem>>
    %dma_start3A_124 = arith.constant 0 : i32
    %dma_start3A_125 = arith.constant 0 : i32
    %dma_start3A_126 = tpu.memref_slice %arg4[%dma_start3A_124, %dma_start3A_125] : memref<10000x128xf32, #tpu.memory_space<hbm>> -> memref<10000x128xf32, #tpu.memory_space<hbm>>
    tpu.enqueue_indirect_dma source(%dma_start3A_126 : memref<10000x128xf32, #tpu.memory_space<hbm>>) target(%arg29 : memref<80x128xf32, #tpu.memory_space<vmem>>) offsets(%dma_start3A_123 : memref<80xi32, #tpu.memory_space<vmem>>) semaphore(%arg36 : memref<!tpu.dma_semaphore, #tpu.memory_space<semaphore_mem>>)
    %dma_start3A_127 = arith.constant 1 : i32
    %dma_start3A_128 = arith.constant 0 : i32
    %dma_start3A_129 = tpu.memref_slice %arg23[%dma_start3A_127, %dma_start3A_128] : memref<4x80xi32, #tpu.memory_space<vmem>> -> memref<1x80xi32, #tpu.memory_space<vmem>>
    %dma_start3A_130 = tpu.memref_squeeze %dma_start3A_129 : memref<1x80xi32, #tpu.memory_space<vmem>> -> memref<80xi32, #tpu.memory_space<vmem>>
    %dma_start3A_131 = arith.constant 0 : i32
    %dma_start3A_132 = arith.constant 0 : i32
    %dma_start3A_133 = tpu.memref_slice %arg5[%dma_start3A_131, %dma_start3A_132] : memref<10000x128xf32, #tpu.memory_space<hbm>> -> memref<10000x128xf32, #tpu.memory_space<hbm>>
    tpu.enqueue_indirect_dma source(%dma_start3A_133 : memref<10000x128xf32, #tpu.memory_space<hbm>>) target(%arg31 : memref<80x128xf32, #tpu.memory_space<vmem>>) offsets(%dma_start3A_130 : memref<80xi32, #tpu.memory_space<vmem>>) semaphore(%arg36 : memref<!tpu.dma_semaphore, #tpu.memory_space<semaphore_mem>>)
    %scan3A_134 = arith.constant 0 : i32
    %scan3A_135 = arith.constant 0 : i32
    %scan3A_136 = arith.constant 62 : i32
    %scan3A_137 = arith.addi %scan3A_135, %scan3A_136 : i32
    %scan3A_138 = arith.constant 1 : i32
    scf.for %scan3A_955 = %scan3A_135 to %scan3A_137 step %scan3A_138  : i32 {
      %mul3A_956 = arith.constant 2 : i32
      %mul3A_957 = arith.muli %mul3A_956, %scan3A_955 : i32
      %dma_wait3A_958 = arith.constant 2 : i32
      %dma_wait3A_959 = arith.constant 0 : i32
      %dma_wait3A_960 = tpu.memref_slice %arg23[%dma_wait3A_958, %dma_wait3A_959] : memref<4x80xi32, #tpu.memory_space<vmem>> -> memref<1x80xi32, #tpu.memory_space<vmem>>
      %dma_wait3A_961 = tpu.memref_squeeze %dma_wait3A_960 : memref<1x80xi32, #tpu.memory_space<vmem>> -> memref<80xi32, #tpu.memory_space<vmem>>
      %dma_wait3A_962 = arith.constant 0 : i32
      %dma_wait3A_963 = tpu.memref_slice %arg3[%dma_wait3A_962] : memref<10000xi32, #tpu.memory_space<hbm>> -> memref<10000xi32, #tpu.memory_space<hbm>>
      tpu.wait_indirect_dma semaphore(%arg38 : memref<!tpu.dma_semaphore, #tpu.memory_space<semaphore_mem>>) src(%dma_wait3A_963 : memref<10000xi32, #tpu.memory_space<hbm>>) dst(%arg25 : memref<80xi32, #tpu.memory_space<vmem>>)
      %dma_start3A_964 = arith.constant 10 : i32
      %dma_start3A_965 = arith.constant 0 : i32
      %dma_start3A_966 = tpu.memref_slice %arg27[%dma_start3A_964, %dma_start3A_965] : memref<15x80xf32, #tpu.memory_space<vmem>> -> memref<1x80xf32, #tpu.memory_space<vmem>>
      %dma_start3A_967 = tpu.memref_squeeze %dma_start3A_966 : memref<1x80xf32, #tpu.memory_space<vmem>> -> memref<80xf32, #tpu.memory_space<vmem>>
      %dma_start3A_968 = arith.constant 0 : i32
      %dma_start3A_969 = tpu.memref_slice %arg17[%dma_start3A_968] : memref<10000xf32, #tpu.memory_space<hbm>> -> memref<10000xf32, #tpu.memory_space<hbm>>
      tpu.enqueue_indirect_dma source(%dma_start3A_969 : memref<10000xf32, #tpu.memory_space<hbm>>) target(%dma_start3A_967 : memref<80xf32, #tpu.memory_space<vmem>>) offsets(%arg25 : memref<80xi32, #tpu.memory_space<vmem>>) semaphore(%arg36 : memref<!tpu.dma_semaphore, #tpu.memory_space<semaphore_mem>>)
      %dma_start3A_970 = arith.constant 11 : i32
      %dma_start3A_971 = arith.constant 0 : i32
      %dma_start3A_972 = tpu.memref_slice %arg27[%dma_start3A_970, %dma_start3A_971] : memref<15x80xf32, #tpu.memory_space<vmem>> -> memref<1x80xf32, #tpu.memory_space<vmem>>
      %dma_start3A_973 = tpu.memref_squeeze %dma_start3A_972 : memref<1x80xf32, #tpu.memory_space<vmem>> -> memref<80xf32, #tpu.memory_space<vmem>>
      %dma_start3A_974 = arith.constant 0 : i32
      %dma_start3A_975 = tpu.memref_slice %arg18[%dma_start3A_974] : memref<10000xf32, #tpu.memory_space<hbm>> -> memref<10000xf32, #tpu.memory_space<hbm>>
      tpu.enqueue_indirect_dma source(%dma_start3A_975 : memref<10000xf32, #tpu.memory_space<hbm>>) target(%dma_start3A_973 : memref<80xf32, #tpu.memory_space<vmem>>) offsets(%arg25 : memref<80xi32, #tpu.memory_space<vmem>>) semaphore(%arg36 : memref<!tpu.dma_semaphore, #tpu.memory_space<semaphore_mem>>)
      %dma_start3A_976 = arith.constant 12 : i32
      %dma_start3A_977 = arith.constant 0 : i32
      %dma_start3A_978 = tpu.memref_slice %arg27[%dma_start3A_976, %dma_start3A_977] : memref<15x80xf32, #tpu.memory_space<vmem>> -> memref<1x80xf32, #tpu.memory_space<vmem>>
      %dma_start3A_979 = tpu.memref_squeeze %dma_start3A_978 : memref<1x80xf32, #tpu.memory_space<vmem>> -> memref<80xf32, #tpu.memory_space<vmem>>
      %dma_start3A_980 = arith.constant 0 : i32
      %dma_start3A_981 = tpu.memref_slice %arg19[%dma_start3A_980] : memref<10000xf32, #tpu.memory_space<hbm>> -> memref<10000xf32, #tpu.memory_space<hbm>>
      tpu.enqueue_indirect_dma source(%dma_start3A_981 : memref<10000xf32, #tpu.memory_space<hbm>>) target(%dma_start3A_979 : memref<80xf32, #tpu.memory_space<vmem>>) offsets(%arg25 : memref<80xi32, #tpu.memory_space<vmem>>) semaphore(%arg36 : memref<!tpu.dma_semaphore, #tpu.memory_space<semaphore_mem>>)
      %dma_start3A_982 = arith.constant 13 : i32
      %dma_start3A_983 = arith.constant 0 : i32
      %dma_start3A_984 = tpu.memref_slice %arg27[%dma_start3A_982, %dma_start3A_983] : memref<15x80xf32, #tpu.memory_space<vmem>> -> memref<1x80xf32, #tpu.memory_space<vmem>>
      %dma_start3A_985 = tpu.memref_squeeze %dma_start3A_984 : memref<1x80xf32, #tpu.memory_space<vmem>> -> memref<80xf32, #tpu.memory_space<vmem>>
      %dma_start3A_986 = arith.constant 0 : i32
      %dma_start3A_987 = tpu.memref_slice %arg20[%dma_start3A_986] : memref<10000xf32, #tpu.memory_space<hbm>> -> memref<10000xf32, #tpu.memory_space<hbm>>
      tpu.enqueue_indirect_dma source(%dma_start3A_987 : memref<10000xf32, #tpu.memory_space<hbm>>) target(%dma_start3A_985 : memref<80xf32, #tpu.memory_space<vmem>>) offsets(%arg25 : memref<80xi32, #tpu.memory_space<vmem>>) semaphore(%arg36 : memref<!tpu.dma_semaphore, #tpu.memory_space<semaphore_mem>>)
      %dma_start3A_988 = arith.constant 14 : i32
      %dma_start3A_989 = arith.constant 0 : i32
      %dma_start3A_990 = tpu.memref_slice %arg27[%dma_start3A_988, %dma_start3A_989] : memref<15x80xf32, #tpu.memory_space<vmem>> -> memref<1x80xf32, #tpu.memory_space<vmem>>
      %dma_start3A_991 = tpu.memref_squeeze %dma_start3A_990 : memref<1x80xf32, #tpu.memory_space<vmem>> -> memref<80xf32, #tpu.memory_space<vmem>>
      %dma_start3A_992 = arith.constant 0 : i32
      %dma_start3A_993 = tpu.memref_slice %arg21[%dma_start3A_992] : memref<10000xf32, #tpu.memory_space<hbm>> -> memref<10000xf32, #tpu.memory_space<hbm>>
      tpu.enqueue_indirect_dma source(%dma_start3A_993 : memref<10000xf32, #tpu.memory_space<hbm>>) target(%dma_start3A_991 : memref<80xf32, #tpu.memory_space<vmem>>) offsets(%arg25 : memref<80xi32, #tpu.memory_space<vmem>>) semaphore(%arg36 : memref<!tpu.dma_semaphore, #tpu.memory_space<semaphore_mem>>)
      %add3A_994 = arith.constant 1 : i32
      %add3A_995 = arith.addi %mul3A_957, %add3A_994 : i32
      %mul3A_996 = arith.constant 32 : i32
      %mul3A_997 = arith.muli %mul3A_996, %add3A_995 : i32
      %add3A_998 = arith.addi %add3A, %mul3A_997 : i32
      "tpu.region"() ({
        %run_scoped3A_2836 = tpu.sem_alloc : memref<!tpu.dma_semaphore, #tpu.memory_space<semaphore_mem>>
        %dma_start3A_2837 = arith.constant 0 : i32
        %dma_start3A_2838 = arith.constant 0 : i32
        %dma_start3A_2839 = tpu.memref_slice %arg2[%add3A_998, %dma_start3A_2837, %dma_start3A_2838] : memref<4000x4x80xi32, #tpu.memory_space<hbm>> -> memref<1x4x80xi32, #tpu.memory_space<hbm>>
        %dma_start3A_2840 = tpu.memref_squeeze %dma_start3A_2839 : memref<1x4x80xi32, #tpu.memory_space<hbm>> -> memref<4x80xi32, #tpu.memory_space<hbm>>
        %dma_start3A_2841 = arith.constant 0 : i32
        %dma_start3A_2842 = arith.constant 0 : i32
        %dma_start3A_2843 = tpu.memref_slice %arg2[%add3A_998, %dma_start3A_2841, %dma_start3A_2842] : memref<4000x4x80xi32, #tpu.memory_space<hbm>> -> memref<1x4x80xi32, #tpu.memory_space<hbm>>
        %dma_start3A_2844 = tpu.memref_squeeze %dma_start3A_2843 : memref<1x4x80xi32, #tpu.memory_space<hbm>> -> memref<4x80xi32, #tpu.memory_space<hbm>>
        tpu.enqueue_dma source(%dma_start3A_2844 : memref<4x80xi32, #tpu.memory_space<hbm>>) target(%arg24 : memref<4x80xi32, #tpu.memory_space<vmem>>) target_semaphore(%run_scoped3A_2836 : memref<!tpu.dma_semaphore, #tpu.memory_space<semaphore_mem>>)
        %dma_wait3A_2845 = arith.constant 0 : i32
        %dma_wait3A_2846 = arith.constant 0 : i32
        %dma_wait3A_2847 = tpu.memref_slice %arg2[%add3A_998, %dma_wait3A_2845, %dma_wait3A_2846] : memref<4000x4x80xi32, #tpu.memory_space<hbm>> -> memref<1x4x80xi32, #tpu.memory_space<hbm>>
        %dma_wait3A_2848 = tpu.memref_squeeze %dma_wait3A_2847 : memref<1x4x80xi32, #tpu.memory_space<hbm>> -> memref<4x80xi32, #tpu.memory_space<hbm>>
        %dma_wait3A_2849 = arith.constant 0 : i32
        %dma_wait3A_2850 = arith.constant 0 : i32
        %dma_wait3A_2851 = tpu.memref_slice %arg2[%add3A_998, %dma_wait3A_2849, %dma_wait3A_2850] : memref<4000x4x80xi32, #tpu.memory_space<hbm>> -> memref<1x4x80xi32, #tpu.memory_space<hbm>>
        %dma_wait3A_2852 = tpu.memref_squeeze %dma_wait3A_2851 : memref<1x4x80xi32, #tpu.memory_space<hbm>> -> memref<4x80xi32, #tpu.memory_space<hbm>>
        tpu.wait_dma2 semaphore(%run_scoped3A_2836 : memref<!tpu.dma_semaphore, #tpu.memory_space<semaphore_mem>>) src(%dma_wait3A_2852 : memref<4x80xi32, #tpu.memory_space<hbm>>) dst(%arg24 : memref<4x80xi32, #tpu.memory_space<vmem>>)
        tpu.yield
      }) : () -> ()
      %dma_start3A_999 = arith.constant 2 : i32
      %dma_start3A_1000 = arith.constant 0 : i32
      %dma_start3A_1001 = tpu.memref_slice %arg24[%dma_start3A_999, %dma_start3A_1000] : memref<4x80xi32, #tpu.memory_space<vmem>> -> memref<1x80xi32, #tpu.memory_space<vmem>>
      %dma_start3A_1002 = tpu.memref_squeeze %dma_start3A_1001 : memref<1x80xi32, #tpu.memory_space<vmem>> -> memref<80xi32, #tpu.memory_space<vmem>>
      %dma_start3A_1003 = arith.constant 0 : i32
      %dma_start3A_1004 = tpu.memref_slice %arg3[%dma_start3A_1003] : memref<10000xi32, #tpu.memory_space<hbm>> -> memref<10000xi32, #tpu.memory_space<hbm>>
      tpu.enqueue_indirect_dma source(%dma_start3A_1004 : memref<10000xi32, #tpu.memory_space<hbm>>) target(%arg26 : memref<80xi32, #tpu.memory_space<vmem>>) offsets(%dma_start3A_1002 : memref<80xi32, #tpu.memory_space<vmem>>) semaphore(%arg39 : memref<!tpu.dma_semaphore, #tpu.memory_space<semaphore_mem>>)
      %dma_start3A_1005 = arith.constant 0 : i32
      %dma_start3A_1006 = arith.constant 0 : i32
      %dma_start3A_1007 = arith.constant 0 : i32
      %dma_start3A_1008 = tpu.memref_slice %arg28[%dma_start3A_1006, %dma_start3A_1007] : memref<15x80xf32, #tpu.memory_space<vmem>> -> memref<1x80xf32, #tpu.memory_space<vmem>>
      %dma_start3A_1009 = tpu.memref_squeeze %dma_start3A_1008 : memref<1x80xf32, #tpu.memory_space<vmem>> -> memref<80xf32, #tpu.memory_space<vmem>>
      %dma_start3A_1010 = arith.constant 0 : i32
      %dma_start3A_1011 = tpu.memref_slice %arg24[%dma_start3A_1005, %dma_start3A_1010] : memref<4x80xi32, #tpu.memory_space<vmem>> -> memref<1x80xi32, #tpu.memory_space<vmem>>
      %dma_start3A_1012 = tpu.memref_squeeze %dma_start3A_1011 : memref<1x80xi32, #tpu.memory_space<vmem>> -> memref<80xi32, #tpu.memory_space<vmem>>
      %dma_start3A_1013 = arith.constant 0 : i32
      %dma_start3A_1014 = tpu.memref_slice %arg7[%dma_start3A_1013] : memref<10000xf32, #tpu.memory_space<hbm>> -> memref<10000xf32, #tpu.memory_space<hbm>>
      tpu.enqueue_indirect_dma source(%dma_start3A_1014 : memref<10000xf32, #tpu.memory_space<hbm>>) target(%dma_start3A_1009 : memref<80xf32, #tpu.memory_space<vmem>>) offsets(%dma_start3A_1012 : memref<80xi32, #tpu.memory_space<vmem>>) semaphore(%arg37 : memref<!tpu.dma_semaphore, #tpu.memory_space<semaphore_mem>>)
      %dma_start3A_1015 = arith.constant 1 : i32
      %dma_start3A_1016 = arith.constant 5 : i32
      %dma_start3A_1017 = arith.constant 0 : i32
      %dma_start3A_1018 = tpu.memref_slice %arg28[%dma_start3A_1016, %dma_start3A_1017] : memref<15x80xf32, #tpu.memory_space<vmem>> -> memref<1x80xf32, #tpu.memory_space<vmem>>
      %dma_start3A_1019 = tpu.memref_squeeze %dma_start3A_1018 : memref<1x80xf32, #tpu.memory_space<vmem>> -> memref<80xf32, #tpu.memory_space<vmem>>
      %dma_start3A_1020 = arith.constant 0 : i32
      %dma_start3A_1021 = tpu.memref_slice %arg24[%dma_start3A_1015, %dma_start3A_1020] : memref<4x80xi32, #tpu.memory_space<vmem>> -> memref<1x80xi32, #tpu.memory_space<vmem>>
      %dma_start3A_1022 = tpu.memref_squeeze %dma_start3A_1021 : memref<1x80xi32, #tpu.memory_space<vmem>> -> memref<80xi32, #tpu.memory_space<vmem>>
      %dma_start3A_1023 = arith.constant 0 : i32
      %dma_start3A_1024 = tpu.memref_slice %arg12[%dma_start3A_1023] : memref<10000xf32, #tpu.memory_space<hbm>> -> memref<10000xf32, #tpu.memory_space<hbm>>
      tpu.enqueue_indirect_dma source(%dma_start3A_1024 : memref<10000xf32, #tpu.memory_space<hbm>>) target(%dma_start3A_1019 : memref<80xf32, #tpu.memory_space<vmem>>) offsets(%dma_start3A_1022 : memref<80xi32, #tpu.memory_space<vmem>>) semaphore(%arg37 : memref<!tpu.dma_semaphore, #tpu.memory_space<semaphore_mem>>)
      %dma_start3A_1025 = arith.constant 0 : i32
      %dma_start3A_1026 = arith.constant 1 : i32
      %dma_start3A_1027 = arith.constant 0 : i32
      %dma_start3A_1028 = tpu.memref_slice %arg28[%dma_start3A_1026, %dma_start3A_1027] : memref<15x80xf32, #tpu.memory_space<vmem>> -> memref<1x80xf32, #tpu.memory_space<vmem>>
      %dma_start3A_1029 = tpu.memref_squeeze %dma_start3A_1028 : memref<1x80xf32, #tpu.memory_space<vmem>> -> memref<80xf32, #tpu.memory_space<vmem>>
      %dma_start3A_1030 = arith.constant 0 : i32
      %dma_start3A_1031 = tpu.memref_slice %arg24[%dma_start3A_1025, %dma_start3A_1030] : memref<4x80xi32, #tpu.memory_space<vmem>> -> memref<1x80xi32, #tpu.memory_space<vmem>>
      %dma_start3A_1032 = tpu.memref_squeeze %dma_start3A_1031 : memref<1x80xi32, #tpu.memory_space<vmem>> -> memref<80xi32, #tpu.memory_space<vmem>>
      %dma_start3A_1033 = arith.constant 0 : i32
      %dma_start3A_1034 = tpu.memref_slice %arg8[%dma_start3A_1033] : memref<10000xf32, #tpu.memory_space<hbm>> -> memref<10000xf32, #tpu.memory_space<hbm>>
      tpu.enqueue_indirect_dma source(%dma_start3A_1034 : memref<10000xf32, #tpu.memory_space<hbm>>) target(%dma_start3A_1029 : memref<80xf32, #tpu.memory_space<vmem>>) offsets(%dma_start3A_1032 : memref<80xi32, #tpu.memory_space<vmem>>) semaphore(%arg37 : memref<!tpu.dma_semaphore, #tpu.memory_space<semaphore_mem>>)
      %dma_start3A_1035 = arith.constant 1 : i32
      %dma_start3A_1036 = arith.constant 6 : i32
      %dma_start3A_1037 = arith.constant 0 : i32
      %dma_start3A_1038 = tpu.memref_slice %arg28[%dma_start3A_1036, %dma_start3A_1037] : memref<15x80xf32, #tpu.memory_space<vmem>> -> memref<1x80xf32, #tpu.memory_space<vmem>>
      %dma_start3A_1039 = tpu.memref_squeeze %dma_start3A_1038 : memref<1x80xf32, #tpu.memory_space<vmem>> -> memref<80xf32, #tpu.memory_space<vmem>>
      %dma_start3A_1040 = arith.constant 0 : i32
      %dma_start3A_1041 = tpu.memref_slice %arg24[%dma_start3A_1035, %dma_start3A_1040] : memref<4x80xi32, #tpu.memory_space<vmem>> -> memref<1x80xi32, #tpu.memory_space<vmem>>
      %dma_start3A_1042 = tpu.memref_squeeze %dma_start3A_1041 : memref<1x80xi32, #tpu.memory_space<vmem>> -> memref<80xi32, #tpu.memory_space<vmem>>
      %dma_start3A_1043 = arith.constant 0 : i32
      %dma_start3A_1044 = tpu.memref_slice %arg13[%dma_start3A_1043] : memref<10000xf32, #tpu.memory_space<hbm>> -> memref<10000xf32, #tpu.memory_space<hbm>>
      tpu.enqueue_indirect_dma source(%dma_start3A_1044 : memref<10000xf32, #tpu.memory_space<hbm>>) target(%dma_start3A_1039 : memref<80xf32, #tpu.memory_space<vmem>>) offsets(%dma_start3A_1042 : memref<80xi32, #tpu.memory_space<vmem>>) semaphore(%arg37 : memref<!tpu.dma_semaphore, #tpu.memory_space<semaphore_mem>>)
      %dma_start3A_1045 = arith.constant 0 : i32
      %dma_start3A_1046 = arith.constant 2 : i32
      %dma_start3A_1047 = arith.constant 0 : i32
      %dma_start3A_1048 = tpu.memref_slice %arg28[%dma_start3A_1046, %dma_start3A_1047] : memref<15x80xf32, #tpu.memory_space<vmem>> -> memref<1x80xf32, #tpu.memory_space<vmem>>
      %dma_start3A_1049 = tpu.memref_squeeze %dma_start3A_1048 : memref<1x80xf32, #tpu.memory_space<vmem>> -> memref<80xf32, #tpu.memory_space<vmem>>
      %dma_start3A_1050 = arith.constant 0 : i32
      %dma_start3A_1051 = tpu.memref_slice %arg24[%dma_start3A_1045, %dma_start3A_1050] : memref<4x80xi32, #tpu.memory_space<vmem>> -> memref<1x80xi32, #tpu.memory_space<vmem>>
      %dma_start3A_1052 = tpu.memref_squeeze %dma_start3A_1051 : memref<1x80xi32, #tpu.memory_space<vmem>> -> memref<80xi32, #tpu.memory_space<vmem>>
      %dma_start3A_1053 = arith.constant 0 : i32
      %dma_start3A_1054 = tpu.memref_slice %arg9[%dma_start3A_1053] : memref<10000xf32, #tpu.memory_space<hbm>> -> memref<10000xf32, #tpu.memory_space<hbm>>
      tpu.enqueue_indirect_dma source(%dma_start3A_1054 : memref<10000xf32, #tpu.memory_space<hbm>>) target(%dma_start3A_1049 : memref<80xf32, #tpu.memory_space<vmem>>) offsets(%dma_start3A_1052 : memref<80xi32, #tpu.memory_space<vmem>>) semaphore(%arg37 : memref<!tpu.dma_semaphore, #tpu.memory_space<semaphore_mem>>)
      %dma_start3A_1055 = arith.constant 1 : i32
      %dma_start3A_1056 = arith.constant 7 : i32
      %dma_start3A_1057 = arith.constant 0 : i32
      %dma_start3A_1058 = tpu.memref_slice %arg28[%dma_start3A_1056, %dma_start3A_1057] : memref<15x80xf32, #tpu.memory_space<vmem>> -> memref<1x80xf32, #tpu.memory_space<vmem>>
      %dma_start3A_1059 = tpu.memref_squeeze %dma_start3A_1058 : memref<1x80xf32, #tpu.memory_space<vmem>> -> memref<80xf32, #tpu.memory_space<vmem>>
      %dma_start3A_1060 = arith.constant 0 : i32
      %dma_start3A_1061 = tpu.memref_slice %arg24[%dma_start3A_1055, %dma_start3A_1060] : memref<4x80xi32, #tpu.memory_space<vmem>> -> memref<1x80xi32, #tpu.memory_space<vmem>>
      %dma_start3A_1062 = tpu.memref_squeeze %dma_start3A_1061 : memref<1x80xi32, #tpu.memory_space<vmem>> -> memref<80xi32, #tpu.memory_space<vmem>>
      %dma_start3A_1063 = arith.constant 0 : i32
      %dma_start3A_1064 = tpu.memref_slice %arg14[%dma_start3A_1063] : memref<10000xf32, #tpu.memory_space<hbm>> -> memref<10000xf32, #tpu.memory_space<hbm>>
      tpu.enqueue_indirect_dma source(%dma_start3A_1064 : memref<10000xf32, #tpu.memory_space<hbm>>) target(%dma_start3A_1059 : memref<80xf32, #tpu.memory_space<vmem>>) offsets(%dma_start3A_1062 : memref<80xi32, #tpu.memory_space<vmem>>) semaphore(%arg37 : memref<!tpu.dma_semaphore, #tpu.memory_space<semaphore_mem>>)
      %dma_start3A_1065 = arith.constant 0 : i32
      %dma_start3A_1066 = arith.constant 3 : i32
      %dma_start3A_1067 = arith.constant 0 : i32
      %dma_start3A_1068 = tpu.memref_slice %arg28[%dma_start3A_1066, %dma_start3A_1067] : memref<15x80xf32, #tpu.memory_space<vmem>> -> memref<1x80xf32, #tpu.memory_space<vmem>>
      %dma_start3A_1069 = tpu.memref_squeeze %dma_start3A_1068 : memref<1x80xf32, #tpu.memory_space<vmem>> -> memref<80xf32, #tpu.memory_space<vmem>>
      %dma_start3A_1070 = arith.constant 0 : i32
      %dma_start3A_1071 = tpu.memref_slice %arg24[%dma_start3A_1065, %dma_start3A_1070] : memref<4x80xi32, #tpu.memory_space<vmem>> -> memref<1x80xi32, #tpu.memory_space<vmem>>
      %dma_start3A_1072 = tpu.memref_squeeze %dma_start3A_1071 : memref<1x80xi32, #tpu.memory_space<vmem>> -> memref<80xi32, #tpu.memory_space<vmem>>
      %dma_start3A_1073 = arith.constant 0 : i32
      %dma_start3A_1074 = tpu.memref_slice %arg10[%dma_start3A_1073] : memref<10000xf32, #tpu.memory_space<hbm>> -> memref<10000xf32, #tpu.memory_space<hbm>>
      tpu.enqueue_indirect_dma source(%dma_start3A_1074 : memref<10000xf32, #tpu.memory_space<hbm>>) target(%dma_start3A_1069 : memref<80xf32, #tpu.memory_space<vmem>>) offsets(%dma_start3A_1072 : memref<80xi32, #tpu.memory_space<vmem>>) semaphore(%arg37 : memref<!tpu.dma_semaphore, #tpu.memory_space<semaphore_mem>>)
      %dma_start3A_1075 = arith.constant 1 : i32
      %dma_start3A_1076 = arith.constant 8 : i32
      %dma_start3A_1077 = arith.constant 0 : i32
      %dma_start3A_1078 = tpu.memref_slice %arg28[%dma_start3A_1076, %dma_start3A_1077] : memref<15x80xf32, #tpu.memory_space<vmem>> -> memref<1x80xf32, #tpu.memory_space<vmem>>
      %dma_start3A_1079 = tpu.memref_squeeze %dma_start3A_1078 : memref<1x80xf32, #tpu.memory_space<vmem>> -> memref<80xf32, #tpu.memory_space<vmem>>
      %dma_start3A_1080 = arith.constant 0 : i32
      %dma_start3A_1081 = tpu.memref_slice %arg24[%dma_start3A_1075, %dma_start3A_1080] : memref<4x80xi32, #tpu.memory_space<vmem>> -> memref<1x80xi32, #tpu.memory_space<vmem>>
      %dma_start3A_1082 = tpu.memref_squeeze %dma_start3A_1081 : memref<1x80xi32, #tpu.memory_space<vmem>> -> memref<80xi32, #tpu.memory_space<vmem>>
      %dma_start3A_1083 = arith.constant 0 : i32
      %dma_start3A_1084 = tpu.memref_slice %arg15[%dma_start3A_1083] : memref<10000xf32, #tpu.memory_space<hbm>> -> memref<10000xf32, #tpu.memory_space<hbm>>
      tpu.enqueue_indirect_dma source(%dma_start3A_1084 : memref<10000xf32, #tpu.memory_space<hbm>>) target(%dma_start3A_1079 : memref<80xf32, #tpu.memory_space<vmem>>) offsets(%dma_start3A_1082 : memref<80xi32, #tpu.memory_space<vmem>>) semaphore(%arg37 : memref<!tpu.dma_semaphore, #tpu.memory_space<semaphore_mem>>)
      %dma_start3A_1085 = arith.constant 0 : i32
      %dma_start3A_1086 = arith.constant 4 : i32
      %dma_start3A_1087 = arith.constant 0 : i32
      %dma_start3A_1088 = tpu.memref_slice %arg28[%dma_start3A_1086, %dma_start3A_1087] : memref<15x80xf32, #tpu.memory_space<vmem>> -> memref<1x80xf32, #tpu.memory_space<vmem>>
      %dma_start3A_1089 = tpu.memref_squeeze %dma_start3A_1088 : memref<1x80xf32, #tpu.memory_space<vmem>> -> memref<80xf32, #tpu.memory_space<vmem>>
      %dma_start3A_1090 = arith.constant 0 : i32
      %dma_start3A_1091 = tpu.memref_slice %arg24[%dma_start3A_1085, %dma_start3A_1090] : memref<4x80xi32, #tpu.memory_space<vmem>> -> memref<1x80xi32, #tpu.memory_space<vmem>>
      %dma_start3A_1092 = tpu.memref_squeeze %dma_start3A_1091 : memref<1x80xi32, #tpu.memory_space<vmem>> -> memref<80xi32, #tpu.memory_space<vmem>>
      %dma_start3A_1093 = arith.constant 0 : i32
      %dma_start3A_1094 = tpu.memref_slice %arg11[%dma_start3A_1093] : memref<10000xf32, #tpu.memory_space<hbm>> -> memref<10000xf32, #tpu.memory_space<hbm>>
      tpu.enqueue_indirect_dma source(%dma_start3A_1094 : memref<10000xf32, #tpu.memory_space<hbm>>) target(%dma_start3A_1089 : memref<80xf32, #tpu.memory_space<vmem>>) offsets(%dma_start3A_1092 : memref<80xi32, #tpu.memory_space<vmem>>) semaphore(%arg37 : memref<!tpu.dma_semaphore, #tpu.memory_space<semaphore_mem>>)
      %dma_start3A_1095 = arith.constant 1 : i32
      %dma_start3A_1096 = arith.constant 9 : i32
      %dma_start3A_1097 = arith.constant 0 : i32
      %dma_start3A_1098 = tpu.memref_slice %arg28[%dma_start3A_1096, %dma_start3A_1097] : memref<15x80xf32, #tpu.memory_space<vmem>> -> memref<1x80xf32, #tpu.memory_space<vmem>>
      %dma_start3A_1099 = tpu.memref_squeeze %dma_start3A_1098 : memref<1x80xf32, #tpu.memory_space<vmem>> -> memref<80xf32, #tpu.memory_space<vmem>>
      %dma_start3A_1100 = arith.constant 0 : i32
      %dma_start3A_1101 = tpu.memref_slice %arg24[%dma_start3A_1095, %dma_start3A_1100] : memref<4x80xi32, #tpu.memory_space<vmem>> -> memref<1x80xi32, #tpu.memory_space<vmem>>
      %dma_start3A_1102 = tpu.memref_squeeze %dma_start3A_1101 : memref<1x80xi32, #tpu.memory_space<vmem>> -> memref<80xi32, #tpu.memory_space<vmem>>
      %dma_start3A_1103 = arith.constant 0 : i32
      %dma_start3A_1104 = tpu.memref_slice %arg16[%dma_start3A_1103] : memref<10000xf32, #tpu.memory_space<hbm>> -> memref<10000xf32, #tpu.memory_space<hbm>>
      tpu.enqueue_indirect_dma source(%dma_start3A_1104 : memref<10000xf32, #tpu.memory_space<hbm>>) target(%dma_start3A_1099 : memref<80xf32, #tpu.memory_space<vmem>>) offsets(%dma_start3A_1102 : memref<80xi32, #tpu.memory_space<vmem>>) semaphore(%arg37 : memref<!tpu.dma_semaphore, #tpu.memory_space<semaphore_mem>>)
      %dma_start3A_1105 = arith.constant 0 : i32
      %dma_start3A_1106 = arith.constant 0 : i32
      %dma_start3A_1107 = tpu.memref_slice %arg24[%dma_start3A_1105, %dma_start3A_1106] : memref<4x80xi32, #tpu.memory_space<vmem>> -> memref<1x80xi32, #tpu.memory_space<vmem>>
      %dma_start3A_1108 = tpu.memref_squeeze %dma_start3A_1107 : memref<1x80xi32, #tpu.memory_space<vmem>> -> memref<80xi32, #tpu.memory_space<vmem>>
      %dma_start3A_1109 = arith.constant 0 : i32
      %dma_start3A_1110 = arith.constant 0 : i32
      %dma_start3A_1111 = tpu.memref_slice %arg4[%dma_start3A_1109, %dma_start3A_1110] : memref<10000x128xf32, #tpu.memory_space<hbm>> -> memref<10000x128xf32, #tpu.memory_space<hbm>>
      tpu.enqueue_indirect_dma source(%dma_start3A_1111 : memref<10000x128xf32, #tpu.memory_space<hbm>>) target(%arg30 : memref<80x128xf32, #tpu.memory_space<vmem>>) offsets(%dma_start3A_1108 : memref<80xi32, #tpu.memory_space<vmem>>) semaphore(%arg37 : memref<!tpu.dma_semaphore, #tpu.memory_space<semaphore_mem>>)
      %dma_start3A_1112 = arith.constant 1 : i32
      %dma_start3A_1113 = arith.constant 0 : i32
      %dma_start3A_1114 = tpu.memref_slice %arg24[%dma_start3A_1112, %dma_start3A_1113] : memref<4x80xi32, #tpu.memory_space<vmem>> -> memref<1x80xi32, #tpu.memory_space<vmem>>
      %dma_start3A_1115 = tpu.memref_squeeze %dma_start3A_1114 : memref<1x80xi32, #tpu.memory_space<vmem>> -> memref<80xi32, #tpu.memory_space<vmem>>
      %dma_start3A_1116 = arith.constant 0 : i32
      %dma_start3A_1117 = arith.constant 0 : i32
      %dma_start3A_1118 = tpu.memref_slice %arg5[%dma_start3A_1116, %dma_start3A_1117] : memref<10000x128xf32, #tpu.memory_space<hbm>> -> memref<10000x128xf32, #tpu.memory_space<hbm>>
      tpu.enqueue_indirect_dma source(%dma_start3A_1118 : memref<10000x128xf32, #tpu.memory_space<hbm>>) target(%arg32 : memref<80x128xf32, #tpu.memory_space<vmem>>) offsets(%dma_start3A_1115 : memref<80xi32, #tpu.memory_space<vmem>>) semaphore(%arg37 : memref<!tpu.dma_semaphore, #tpu.memory_space<semaphore_mem>>)
      %dma_wait3A_1119 = arith.constant 0 : i32
      %dma_wait3A_1120 = arith.constant 0 : i32
      %dma_wait3A_1121 = arith.constant 0 : i32
      %dma_wait3A_1122 = tpu.memref_slice %arg27[%dma_wait3A_1120, %dma_wait3A_1121] : memref<15x80xf32, #tpu.memory_space<vmem>> -> memref<1x80xf32, #tpu.memory_space<vmem>>
      %dma_wait3A_1123 = tpu.memref_squeeze %dma_wait3A_1122 : memref<1x80xf32, #tpu.memory_space<vmem>> -> memref<80xf32, #tpu.memory_space<vmem>>
      %dma_wait3A_1124 = arith.constant 0 : i32
      %dma_wait3A_1125 = tpu.memref_slice %arg23[%dma_wait3A_1119, %dma_wait3A_1124] : memref<4x80xi32, #tpu.memory_space<vmem>> -> memref<1x80xi32, #tpu.memory_space<vmem>>
      %dma_wait3A_1126 = tpu.memref_squeeze %dma_wait3A_1125 : memref<1x80xi32, #tpu.memory_space<vmem>> -> memref<80xi32, #tpu.memory_space<vmem>>
      %dma_wait3A_1127 = arith.constant 0 : i32
      %dma_wait3A_1128 = tpu.memref_slice %arg7[%dma_wait3A_1127] : memref<10000xf32, #tpu.memory_space<hbm>> -> memref<10000xf32, #tpu.memory_space<hbm>>
      tpu.wait_indirect_dma semaphore(%arg36 : memref<!tpu.dma_semaphore, #tpu.memory_space<semaphore_mem>>) src(%dma_wait3A_1128 : memref<10000xf32, #tpu.memory_space<hbm>>) dst(%dma_wait3A_1123 : memref<80xf32, #tpu.memory_space<vmem>>)
      %dma_wait3A_1129 = arith.constant 1 : i32
      %dma_wait3A_1130 = arith.constant 5 : i32
      %dma_wait3A_1131 = arith.constant 0 : i32
      %dma_wait3A_1132 = tpu.memref_slice %arg27[%dma_wait3A_1130, %dma_wait3A_1131] : memref<15x80xf32, #tpu.memory_space<vmem>> -> memref<1x80xf32, #tpu.memory_space<vmem>>
      %dma_wait3A_1133 = tpu.memref_squeeze %dma_wait3A_1132 : memref<1x80xf32, #tpu.memory_space<vmem>> -> memref<80xf32, #tpu.memory_space<vmem>>
      %dma_wait3A_1134 = arith.constant 0 : i32
      %dma_wait3A_1135 = tpu.memref_slice %arg23[%dma_wait3A_1129, %dma_wait3A_1134] : memref<4x80xi32, #tpu.memory_space<vmem>> -> memref<1x80xi32, #tpu.memory_space<vmem>>
      %dma_wait3A_1136 = tpu.memref_squeeze %dma_wait3A_1135 : memref<1x80xi32, #tpu.memory_space<vmem>> -> memref<80xi32, #tpu.memory_space<vmem>>
      %dma_wait3A_1137 = arith.constant 0 : i32
      %dma_wait3A_1138 = tpu.memref_slice %arg12[%dma_wait3A_1137] : memref<10000xf32, #tpu.memory_space<hbm>> -> memref<10000xf32, #tpu.memory_space<hbm>>
      tpu.wait_indirect_dma semaphore(%arg36 : memref<!tpu.dma_semaphore, #tpu.memory_space<semaphore_mem>>) src(%dma_wait3A_1138 : memref<10000xf32, #tpu.memory_space<hbm>>) dst(%dma_wait3A_1133 : memref<80xf32, #tpu.memory_space<vmem>>)
      %dma_wait3A_1139 = arith.constant 0 : i32
      %dma_wait3A_1140 = arith.constant 1 : i32
      %dma_wait3A_1141 = arith.constant 0 : i32
      %dma_wait3A_1142 = tpu.memref_slice %arg27[%dma_wait3A_1140, %dma_wait3A_1141] : memref<15x80xf32, #tpu.memory_space<vmem>> -> memref<1x80xf32, #tpu.memory_space<vmem>>
      %dma_wait3A_1143 = tpu.memref_squeeze %dma_wait3A_1142 : memref<1x80xf32, #tpu.memory_space<vmem>> -> memref<80xf32, #tpu.memory_space<vmem>>
      %dma_wait3A_1144 = arith.constant 0 : i32
      %dma_wait3A_1145 = tpu.memref_slice %arg23[%dma_wait3A_1139, %dma_wait3A_1144] : memref<4x80xi32, #tpu.memory_space<vmem>> -> memref<1x80xi32, #tpu.memory_space<vmem>>
      %dma_wait3A_1146 = tpu.memref_squeeze %dma_wait3A_1145 : memref<1x80xi32, #tpu.memory_space<vmem>> -> memref<80xi32, #tpu.memory_space<vmem>>
      %dma_wait3A_1147 = arith.constant 0 : i32
      %dma_wait3A_1148 = tpu.memref_slice %arg8[%dma_wait3A_1147] : memref<10000xf32, #tpu.memory_space<hbm>> -> memref<10000xf32, #tpu.memory_space<hbm>>
      tpu.wait_indirect_dma semaphore(%arg36 : memref<!tpu.dma_semaphore, #tpu.memory_space<semaphore_mem>>) src(%dma_wait3A_1148 : memref<10000xf32, #tpu.memory_space<hbm>>) dst(%dma_wait3A_1143 : memref<80xf32, #tpu.memory_space<vmem>>)
      %dma_wait3A_1149 = arith.constant 1 : i32
      %dma_wait3A_1150 = arith.constant 6 : i32
      %dma_wait3A_1151 = arith.constant 0 : i32
      %dma_wait3A_1152 = tpu.memref_slice %arg27[%dma_wait3A_1150, %dma_wait3A_1151] : memref<15x80xf32, #tpu.memory_space<vmem>> -> memref<1x80xf32, #tpu.memory_space<vmem>>
      %dma_wait3A_1153 = tpu.memref_squeeze %dma_wait3A_1152 : memref<1x80xf32, #tpu.memory_space<vmem>> -> memref<80xf32, #tpu.memory_space<vmem>>
      %dma_wait3A_1154 = arith.constant 0 : i32
      %dma_wait3A_1155 = tpu.memref_slice %arg23[%dma_wait3A_1149, %dma_wait3A_1154] : memref<4x80xi32, #tpu.memory_space<vmem>> -> memref<1x80xi32, #tpu.memory_space<vmem>>
      %dma_wait3A_1156 = tpu.memref_squeeze %dma_wait3A_1155 : memref<1x80xi32, #tpu.memory_space<vmem>> -> memref<80xi32, #tpu.memory_space<vmem>>
      %dma_wait3A_1157 = arith.constant 0 : i32
      %dma_wait3A_1158 = tpu.memref_slice %arg13[%dma_wait3A_1157] : memref<10000xf32, #tpu.memory_space<hbm>> -> memref<10000xf32, #tpu.memory_space<hbm>>
      tpu.wait_indirect_dma semaphore(%arg36 : memref<!tpu.dma_semaphore, #tpu.memory_space<semaphore_mem>>) src(%dma_wait3A_1158 : memref<10000xf32, #tpu.memory_space<hbm>>) dst(%dma_wait3A_1153 : memref<80xf32, #tpu.memory_space<vmem>>)
      %dma_wait3A_1159 = arith.constant 0 : i32
      %dma_wait3A_1160 = arith.constant 2 : i32
      %dma_wait3A_1161 = arith.constant 0 : i32
      %dma_wait3A_1162 = tpu.memref_slice %arg27[%dma_wait3A_1160, %dma_wait3A_1161] : memref<15x80xf32, #tpu.memory_space<vmem>> -> memref<1x80xf32, #tpu.memory_space<vmem>>
      %dma_wait3A_1163 = tpu.memref_squeeze %dma_wait3A_1162 : memref<1x80xf32, #tpu.memory_space<vmem>> -> memref<80xf32, #tpu.memory_space<vmem>>
      %dma_wait3A_1164 = arith.constant 0 : i32
      %dma_wait3A_1165 = tpu.memref_slice %arg23[%dma_wait3A_1159, %dma_wait3A_1164] : memref<4x80xi32, #tpu.memory_space<vmem>> -> memref<1x80xi32, #tpu.memory_space<vmem>>
      %dma_wait3A_1166 = tpu.memref_squeeze %dma_wait3A_1165 : memref<1x80xi32, #tpu.memory_space<vmem>> -> memref<80xi32, #tpu.memory_space<vmem>>
      %dma_wait3A_1167 = arith.constant 0 : i32
      %dma_wait3A_1168 = tpu.memref_slice %arg9[%dma_wait3A_1167] : memref<10000xf32, #tpu.memory_space<hbm>> -> memref<10000xf32, #tpu.memory_space<hbm>>
      tpu.wait_indirect_dma semaphore(%arg36 : memref<!tpu.dma_semaphore, #tpu.memory_space<semaphore_mem>>) src(%dma_wait3A_1168 : memref<10000xf32, #tpu.memory_space<hbm>>) dst(%dma_wait3A_1163 : memref<80xf32, #tpu.memory_space<vmem>>)
      %dma_wait3A_1169 = arith.constant 1 : i32
      %dma_wait3A_1170 = arith.constant 7 : i32
      %dma_wait3A_1171 = arith.constant 0 : i32
      %dma_wait3A_1172 = tpu.memref_slice %arg27[%dma_wait3A_1170, %dma_wait3A_1171] : memref<15x80xf32, #tpu.memory_space<vmem>> -> memref<1x80xf32, #tpu.memory_space<vmem>>
      %dma_wait3A_1173 = tpu.memref_squeeze %dma_wait3A_1172 : memref<1x80xf32, #tpu.memory_space<vmem>> -> memref<80xf32, #tpu.memory_space<vmem>>
      %dma_wait3A_1174 = arith.constant 0 : i32
      %dma_wait3A_1175 = tpu.memref_slice %arg23[%dma_wait3A_1169, %dma_wait3A_1174] : memref<4x80xi32, #tpu.memory_space<vmem>> -> memref<1x80xi32, #tpu.memory_space<vmem>>
      %dma_wait3A_1176 = tpu.memref_squeeze %dma_wait3A_1175 : memref<1x80xi32, #tpu.memory_space<vmem>> -> memref<80xi32, #tpu.memory_space<vmem>>
      %dma_wait3A_1177 = arith.constant 0 : i32
      %dma_wait3A_1178 = tpu.memref_slice %arg14[%dma_wait3A_1177] : memref<10000xf32, #tpu.memory_space<hbm>> -> memref<10000xf32, #tpu.memory_space<hbm>>
      tpu.wait_indirect_dma semaphore(%arg36 : memref<!tpu.dma_semaphore, #tpu.memory_space<semaphore_mem>>) src(%dma_wait3A_1178 : memref<10000xf32, #tpu.memory_space<hbm>>) dst(%dma_wait3A_1173 : memref<80xf32, #tpu.memory_space<vmem>>)
      %dma_wait3A_1179 = arith.constant 0 : i32
      %dma_wait3A_1180 = arith.constant 3 : i32
      %dma_wait3A_1181 = arith.constant 0 : i32
      %dma_wait3A_1182 = tpu.memref_slice %arg27[%dma_wait3A_1180, %dma_wait3A_1181] : memref<15x80xf32, #tpu.memory_space<vmem>> -> memref<1x80xf32, #tpu.memory_space<vmem>>
      %dma_wait3A_1183 = tpu.memref_squeeze %dma_wait3A_1182 : memref<1x80xf32, #tpu.memory_space<vmem>> -> memref<80xf32, #tpu.memory_space<vmem>>
      %dma_wait3A_1184 = arith.constant 0 : i32
      %dma_wait3A_1185 = tpu.memref_slice %arg23[%dma_wait3A_1179, %dma_wait3A_1184] : memref<4x80xi32, #tpu.memory_space<vmem>> -> memref<1x80xi32, #tpu.memory_space<vmem>>
      %dma_wait3A_1186 = tpu.memref_squeeze %dma_wait3A_1185 : memref<1x80xi32, #tpu.memory_space<vmem>> -> memref<80xi32, #tpu.memory_space<vmem>>
      %dma_wait3A_1187 = arith.constant 0 : i32
      %dma_wait3A_1188 = tpu.memref_slice %arg10[%dma_wait3A_1187] : memref<10000xf32, #tpu.memory_space<hbm>> -> memref<10000xf32, #tpu.memory_space<hbm>>
      tpu.wait_indirect_dma semaphore(%arg36 : memref<!tpu.dma_semaphore, #tpu.memory_space<semaphore_mem>>) src(%dma_wait3A_1188 : memref<10000xf32, #tpu.memory_space<hbm>>) dst(%dma_wait3A_1183 : memref<80xf32, #tpu.memory_space<vmem>>)
      %dma_wait3A_1189 = arith.constant 1 : i32
      %dma_wait3A_1190 = arith.constant 8 : i32
      %dma_wait3A_1191 = arith.constant 0 : i32
      %dma_wait3A_1192 = tpu.memref_slice %arg27[%dma_wait3A_1190, %dma_wait3A_1191] : memref<15x80xf32, #tpu.memory_space<vmem>> -> memref<1x80xf32, #tpu.memory_space<vmem>>
      %dma_wait3A_1193 = tpu.memref_squeeze %dma_wait3A_1192 : memref<1x80xf32, #tpu.memory_space<vmem>> -> memref<80xf32, #tpu.memory_space<vmem>>
      %dma_wait3A_1194 = arith.constant 0 : i32
      %dma_wait3A_1195 = tpu.memref_slice %arg23[%dma_wait3A_1189, %dma_wait3A_1194] : memref<4x80xi32, #tpu.memory_space<vmem>> -> memref<1x80xi32, #tpu.memory_space<vmem>>
      %dma_wait3A_1196 = tpu.memref_squeeze %dma_wait3A_1195 : memref<1x80xi32, #tpu.memory_space<vmem>> -> memref<80xi32, #tpu.memory_space<vmem>>
      %dma_wait3A_1197 = arith.constant 0 : i32
      %dma_wait3A_1198 = tpu.memref_slice %arg15[%dma_wait3A_1197] : memref<10000xf32, #tpu.memory_space<hbm>> -> memref<10000xf32, #tpu.memory_space<hbm>>
      tpu.wait_indirect_dma semaphore(%arg36 : memref<!tpu.dma_semaphore, #tpu.memory_space<semaphore_mem>>) src(%dma_wait3A_1198 : memref<10000xf32, #tpu.memory_space<hbm>>) dst(%dma_wait3A_1193 : memref<80xf32, #tpu.memory_space<vmem>>)
      %dma_wait3A_1199 = arith.constant 0 : i32
      %dma_wait3A_1200 = arith.constant 4 : i32
      %dma_wait3A_1201 = arith.constant 0 : i32
      %dma_wait3A_1202 = tpu.memref_slice %arg27[%dma_wait3A_1200, %dma_wait3A_1201] : memref<15x80xf32, #tpu.memory_space<vmem>> -> memref<1x80xf32, #tpu.memory_space<vmem>>
      %dma_wait3A_1203 = tpu.memref_squeeze %dma_wait3A_1202 : memref<1x80xf32, #tpu.memory_space<vmem>> -> memref<80xf32, #tpu.memory_space<vmem>>
      %dma_wait3A_1204 = arith.constant 0 : i32
      %dma_wait3A_1205 = tpu.memref_slice %arg23[%dma_wait3A_1199, %dma_wait3A_1204] : memref<4x80xi32, #tpu.memory_space<vmem>> -> memref<1x80xi32, #tpu.memory_space<vmem>>
      %dma_wait3A_1206 = tpu.memref_squeeze %dma_wait3A_1205 : memref<1x80xi32, #tpu.memory_space<vmem>> -> memref<80xi32, #tpu.memory_space<vmem>>
      %dma_wait3A_1207 = arith.constant 0 : i32
      %dma_wait3A_1208 = tpu.memref_slice %arg11[%dma_wait3A_1207] : memref<10000xf32, #tpu.memory_space<hbm>> -> memref<10000xf32, #tpu.memory_space<hbm>>
      tpu.wait_indirect_dma semaphore(%arg36 : memref<!tpu.dma_semaphore, #tpu.memory_space<semaphore_mem>>) src(%dma_wait3A_1208 : memref<10000xf32, #tpu.memory_space<hbm>>) dst(%dma_wait3A_1203 : memref<80xf32, #tpu.memory_space<vmem>>)
      %dma_wait3A_1209 = arith.constant 1 : i32
      %dma_wait3A_1210 = arith.constant 9 : i32
      %dma_wait3A_1211 = arith.constant 0 : i32
      %dma_wait3A_1212 = tpu.memref_slice %arg27[%dma_wait3A_1210, %dma_wait3A_1211] : memref<15x80xf32, #tpu.memory_space<vmem>> -> memref<1x80xf32, #tpu.memory_space<vmem>>
      %dma_wait3A_1213 = tpu.memref_squeeze %dma_wait3A_1212 : memref<1x80xf32, #tpu.memory_space<vmem>> -> memref<80xf32, #tpu.memory_space<vmem>>
      %dma_wait3A_1214 = arith.constant 0 : i32
      %dma_wait3A_1215 = tpu.memref_slice %arg23[%dma_wait3A_1209, %dma_wait3A_1214] : memref<4x80xi32, #tpu.memory_space<vmem>> -> memref<1x80xi32, #tpu.memory_space<vmem>>
      %dma_wait3A_1216 = tpu.memref_squeeze %dma_wait3A_1215 : memref<1x80xi32, #tpu.memory_space<vmem>> -> memref<80xi32, #tpu.memory_space<vmem>>
      %dma_wait3A_1217 = arith.constant 0 : i32
      %dma_wait3A_1218 = tpu.memref_slice %arg16[%dma_wait3A_1217] : memref<10000xf32, #tpu.memory_space<hbm>> -> memref<10000xf32, #tpu.memory_space<hbm>>
      tpu.wait_indirect_dma semaphore(%arg36 : memref<!tpu.dma_semaphore, #tpu.memory_space<semaphore_mem>>) src(%dma_wait3A_1218 : memref<10000xf32, #tpu.memory_space<hbm>>) dst(%dma_wait3A_1213 : memref<80xf32, #tpu.memory_space<vmem>>)
      %dma_wait3A_1219 = arith.constant 0 : i32
      %dma_wait3A_1220 = arith.constant 0 : i32
      %dma_wait3A_1221 = tpu.memref_slice %arg23[%dma_wait3A_1219, %dma_wait3A_1220] : memref<4x80xi32, #tpu.memory_space<vmem>> -> memref<1x80xi32, #tpu.memory_space<vmem>>
      %dma_wait3A_1222 = tpu.memref_squeeze %dma_wait3A_1221 : memref<1x80xi32, #tpu.memory_space<vmem>> -> memref<80xi32, #tpu.memory_space<vmem>>
      %dma_wait3A_1223 = arith.constant 0 : i32
      %dma_wait3A_1224 = arith.constant 0 : i32
      %dma_wait3A_1225 = tpu.memref_slice %arg4[%dma_wait3A_1223, %dma_wait3A_1224] : memref<10000x128xf32, #tpu.memory_space<hbm>> -> memref<10000x128xf32, #tpu.memory_space<hbm>>
      tpu.wait_indirect_dma semaphore(%arg36 : memref<!tpu.dma_semaphore, #tpu.memory_space<semaphore_mem>>) src(%dma_wait3A_1225 : memref<10000x128xf32, #tpu.memory_space<hbm>>) dst(%arg29 : memref<80x128xf32, #tpu.memory_space<vmem>>)
      %dma_wait3A_1226 = arith.constant 1 : i32
      %dma_wait3A_1227 = arith.constant 0 : i32
      %dma_wait3A_1228 = tpu.memref_slice %arg23[%dma_wait3A_1226, %dma_wait3A_1227] : memref<4x80xi32, #tpu.memory_space<vmem>> -> memref<1x80xi32, #tpu.memory_space<vmem>>
      %dma_wait3A_1229 = tpu.memref_squeeze %dma_wait3A_1228 : memref<1x80xi32, #tpu.memory_space<vmem>> -> memref<80xi32, #tpu.memory_space<vmem>>
      %dma_wait3A_1230 = arith.constant 0 : i32
      %dma_wait3A_1231 = arith.constant 0 : i32
      %dma_wait3A_1232 = tpu.memref_slice %arg5[%dma_wait3A_1230, %dma_wait3A_1231] : memref<10000x128xf32, #tpu.memory_space<hbm>> -> memref<10000x128xf32, #tpu.memory_space<hbm>>
      tpu.wait_indirect_dma semaphore(%arg36 : memref<!tpu.dma_semaphore, #tpu.memory_space<semaphore_mem>>) src(%dma_wait3A_1232 : memref<10000x128xf32, #tpu.memory_space<hbm>>) dst(%arg31 : memref<80x128xf32, #tpu.memory_space<vmem>>)
      %dma_wait3A_1233 = arith.constant 10 : i32
      %dma_wait3A_1234 = arith.constant 0 : i32
      %dma_wait3A_1235 = tpu.memref_slice %arg27[%dma_wait3A_1233, %dma_wait3A_1234] : memref<15x80xf32, #tpu.memory_space<vmem>> -> memref<1x80xf32, #tpu.memory_space<vmem>>
      %dma_wait3A_1236 = tpu.memref_squeeze %dma_wait3A_1235 : memref<1x80xf32, #tpu.memory_space<vmem>> -> memref<80xf32, #tpu.memory_space<vmem>>
      %dma_wait3A_1237 = arith.constant 0 : i32
      %dma_wait3A_1238 = tpu.memref_slice %arg17[%dma_wait3A_1237] : memref<10000xf32, #tpu.memory_space<hbm>> -> memref<10000xf32, #tpu.memory_space<hbm>>
      tpu.wait_indirect_dma semaphore(%arg36 : memref<!tpu.dma_semaphore, #tpu.memory_space<semaphore_mem>>) src(%dma_wait3A_1238 : memref<10000xf32, #tpu.memory_space<hbm>>) dst(%dma_wait3A_1236 : memref<80xf32, #tpu.memory_space<vmem>>)
      %dma_wait3A_1239 = arith.constant 11 : i32
      %dma_wait3A_1240 = arith.constant 0 : i32
      %dma_wait3A_1241 = tpu.memref_slice %arg27[%dma_wait3A_1239, %dma_wait3A_1240] : memref<15x80xf32, #tpu.memory_space<vmem>> -> memref<1x80xf32, #tpu.memory_space<vmem>>
      %dma_wait3A_1242 = tpu.memref_squeeze %dma_wait3A_1241 : memref<1x80xf32, #tpu.memory_space<vmem>> -> memref<80xf32, #tpu.memory_space<vmem>>
      %dma_wait3A_1243 = arith.constant 0 : i32
      %dma_wait3A_1244 = tpu.memref_slice %arg18[%dma_wait3A_1243] : memref<10000xf32, #tpu.memory_space<hbm>> -> memref<10000xf32, #tpu.memory_space<hbm>>
      tpu.wait_indirect_dma semaphore(%arg36 : memref<!tpu.dma_semaphore, #tpu.memory_space<semaphore_mem>>) src(%dma_wait3A_1244 : memref<10000xf32, #tpu.memory_space<hbm>>) dst(%dma_wait3A_1242 : memref<80xf32, #tpu.memory_space<vmem>>)
      %dma_wait3A_1245 = arith.constant 12 : i32
      %dma_wait3A_1246 = arith.constant 0 : i32
      %dma_wait3A_1247 = tpu.memref_slice %arg27[%dma_wait3A_1245, %dma_wait3A_1246] : memref<15x80xf32, #tpu.memory_space<vmem>> -> memref<1x80xf32, #tpu.memory_space<vmem>>
      %dma_wait3A_1248 = tpu.memref_squeeze %dma_wait3A_1247 : memref<1x80xf32, #tpu.memory_space<vmem>> -> memref<80xf32, #tpu.memory_space<vmem>>
      %dma_wait3A_1249 = arith.constant 0 : i32
      %dma_wait3A_1250 = tpu.memref_slice %arg19[%dma_wait3A_1249] : memref<10000xf32, #tpu.memory_space<hbm>> -> memref<10000xf32, #tpu.memory_space<hbm>>
      tpu.wait_indirect_dma semaphore(%arg36 : memref<!tpu.dma_semaphore, #tpu.memory_space<semaphore_mem>>) src(%dma_wait3A_1250 : memref<10000xf32, #tpu.memory_space<hbm>>) dst(%dma_wait3A_1248 : memref<80xf32, #tpu.memory_space<vmem>>)
      %dma_wait3A_1251 = arith.constant 13 : i32
      %dma_wait3A_1252 = arith.constant 0 : i32
      %dma_wait3A_1253 = tpu.memref_slice %arg27[%dma_wait3A_1251, %dma_wait3A_1252] : memref<15x80xf32, #tpu.memory_space<vmem>> -> memref<1x80xf32, #tpu.memory_space<vmem>>
      %dma_wait3A_1254 = tpu.memref_squeeze %dma_wait3A_1253 : memref<1x80xf32, #tpu.memory_space<vmem>> -> memref<80xf32, #tpu.memory_space<vmem>>
      %dma_wait3A_1255 = arith.constant 0 : i32
      %dma_wait3A_1256 = tpu.memref_slice %arg20[%dma_wait3A_1255] : memref<10000xf32, #tpu.memory_space<hbm>> -> memref<10000xf32, #tpu.memory_space<hbm>>
      tpu.wait_indirect_dma semaphore(%arg36 : memref<!tpu.dma_semaphore, #tpu.memory_space<semaphore_mem>>) src(%dma_wait3A_1256 : memref<10000xf32, #tpu.memory_space<hbm>>) dst(%dma_wait3A_1254 : memref<80xf32, #tpu.memory_space<vmem>>)
      %dma_wait3A_1257 = arith.constant 14 : i32
      %dma_wait3A_1258 = arith.constant 0 : i32
      %dma_wait3A_1259 = tpu.memref_slice %arg27[%dma_wait3A_1257, %dma_wait3A_1258] : memref<15x80xf32, #tpu.memory_space<vmem>> -> memref<1x80xf32, #tpu.memory_space<vmem>>
      %dma_wait3A_1260 = tpu.memref_squeeze %dma_wait3A_1259 : memref<1x80xf32, #tpu.memory_space<vmem>> -> memref<80xf32, #tpu.memory_space<vmem>>
      %dma_wait3A_1261 = arith.constant 0 : i32
      %dma_wait3A_1262 = tpu.memref_slice %arg21[%dma_wait3A_1261] : memref<10000xf32, #tpu.memory_space<hbm>> -> memref<10000xf32, #tpu.memory_space<hbm>>
      tpu.wait_indirect_dma semaphore(%arg36 : memref<!tpu.dma_semaphore, #tpu.memory_space<semaphore_mem>>) src(%dma_wait3A_1262 : memref<10000xf32, #tpu.memory_space<hbm>>) dst(%dma_wait3A_1260 : memref<80xf32, #tpu.memory_space<vmem>>)
      %get3A_1263 = arith.constant 0 : index
      %get3A_1264 = tpu.vector_load %arg34[%get3A_1263] {strides = array<i32>} : memref<16xf32, #tpu.memory_space<vmem>>, vector<16xf32>,
      %slice3A_1265 = vector.extract_strided_slice %get3A_1264 {offsets = [5], sizes = [1], strides = [1]} : vector<16xf32> to vector<1xf32>
      %squeeze3A_1266 = vector.extract %slice3A_1265[0] : f32 from vector<1xf32>
      %broadcast_in_dim3A_1267 = vector.broadcast %squeeze3A_1266 : f32 to vector<16xf32>
      %get3A_1268 = arith.constant 0 : i32
      %get3A_1269 = arith.index_cast %get3A_1268 : i32 to index
      %get3A_1270 = arith.constant 0 : index
      %get3A_1271 = tpu.vector_load %arg27[%get3A_1269, %get3A_1270] {strides = array<i32>} : memref<15x80xf32, #tpu.memory_space<vmem>>, vector<16xf32>,
      %get3A_1272 = arith.constant 5 : i32
      %get3A_1273 = arith.index_cast %get3A_1272 : i32 to index
      %get3A_1274 = arith.constant 0 : index
      %get3A_1275 = tpu.vector_load %arg27[%get3A_1273, %get3A_1274] {strides = array<i32>} : memref<15x80xf32, #tpu.memory_space<vmem>>, vector<16xf32>,
      %get3A_1276 = arith.constant 10 : i32
      %get3A_1277 = arith.index_cast %get3A_1276 : i32 to index
      %get3A_1278 = arith.constant 0 : index
      %get3A_1279 = tpu.vector_load %arg27[%get3A_1277, %get3A_1278] {strides = array<i32>} : memref<15x80xf32, #tpu.memory_space<vmem>>, vector<16xf32>,
      %add3A_1280 = arith.addf %get3A_1271, %get3A_1275 : vector<16xf32>
      %add3A_1281 = arith.addf %add3A_1280, %get3A_1279 : vector<16xf32>
      %max3A_1282 = arith.constant 0.000000e+00 : f32
      %max3A_1283 = vector.broadcast %max3A_1282 : f32 to vector<16xf32>
      %max3A_1284 = arith.maximumf %add3A_1281, %max3A_1283 : vector<16xf32>
      %slice3A_1285 = vector.extract_strided_slice %get3A_1264 {offsets = [0], sizes = [1], strides = [1]} : vector<16xf32> to vector<1xf32>
      %squeeze3A_1286 = vector.extract %slice3A_1285[0] : f32 from vector<1xf32>
      %mul3A_1287 = vector.broadcast %squeeze3A_1286 : f32 to vector<16xf32>
      %mul3A_1288 = arith.mulf %max3A_1284, %mul3A_1287 : vector<16xf32>
      %add3A_1289 = arith.addf %broadcast_in_dim3A_1267, %mul3A_1288 : vector<16xf32>
      %get3A_1290 = arith.constant 1 : i32
      %get3A_1291 = arith.index_cast %get3A_1290 : i32 to index
      %get3A_1292 = arith.constant 0 : index
      %get3A_1293 = tpu.vector_load %arg27[%get3A_1291, %get3A_1292] {strides = array<i32>} : memref<15x80xf32, #tpu.memory_space<vmem>>, vector<16xf32>,
      %get3A_1294 = arith.constant 6 : i32
      %get3A_1295 = arith.index_cast %get3A_1294 : i32 to index
      %get3A_1296 = arith.constant 0 : index
      %get3A_1297 = tpu.vector_load %arg27[%get3A_1295, %get3A_1296] {strides = array<i32>} : memref<15x80xf32, #tpu.memory_space<vmem>>, vector<16xf32>,
      %get3A_1298 = arith.constant 11 : i32
      %get3A_1299 = arith.index_cast %get3A_1298 : i32 to index
      %get3A_1300 = arith.constant 0 : index
      %get3A_1301 = tpu.vector_load %arg27[%get3A_1299, %get3A_1300] {strides = array<i32>} : memref<15x80xf32, #tpu.memory_space<vmem>>, vector<16xf32>,
      %add3A_1302 = arith.addf %get3A_1293, %get3A_1297 : vector<16xf32>
      %add3A_1303 = arith.addf %add3A_1302, %get3A_1301 : vector<16xf32>
      %max3A_1304 = arith.constant 0.000000e+00 : f32
      %max3A_1305 = vector.broadcast %max3A_1304 : f32 to vector<16xf32>
      %max3A_1306 = arith.maximumf %add3A_1303, %max3A_1305 : vector<16xf32>
      %slice3A_1307 = vector.extract_strided_slice %get3A_1264 {offsets = [1], sizes = [1], strides = [1]} : vector<16xf32> to vector<1xf32>
      %squeeze3A_1308 = vector.extract %slice3A_1307[0] : f32 from vector<1xf32>
      %mul3A_1309 = vector.broadcast %squeeze3A_1308 : f32 to vector<16xf32>
      %mul3A_1310 = arith.mulf %max3A_1306, %mul3A_1309 : vector<16xf32>
      %add3A_1311 = arith.addf %add3A_1289, %mul3A_1310 : vector<16xf32>
      %get3A_1312 = arith.constant 2 : i32
      %get3A_1313 = arith.index_cast %get3A_1312 : i32 to index
      %get3A_1314 = arith.constant 0 : index
      %get3A_1315 = tpu.vector_load %arg27[%get3A_1313, %get3A_1314] {strides = array<i32>} : memref<15x80xf32, #tpu.memory_space<vmem>>, vector<16xf32>,
      %get3A_1316 = arith.constant 7 : i32
      %get3A_1317 = arith.index_cast %get3A_1316 : i32 to index
      %get3A_1318 = arith.constant 0 : index
      %get3A_1319 = tpu.vector_load %arg27[%get3A_1317, %get3A_1318] {strides = array<i32>} : memref<15x80xf32, #tpu.memory_space<vmem>>, vector<16xf32>,
      %get3A_1320 = arith.constant 12 : i32
      %get3A_1321 = arith.index_cast %get3A_1320 : i32 to index
      %get3A_1322 = arith.constant 0 : index
      %get3A_1323 = tpu.vector_load %arg27[%get3A_1321, %get3A_1322] {strides = array<i32>} : memref<15x80xf32, #tpu.memory_space<vmem>>, vector<16xf32>,
      %add3A_1324 = arith.addf %get3A_1315, %get3A_1319 : vector<16xf32>
      %add3A_1325 = arith.addf %add3A_1324, %get3A_1323 : vector<16xf32>
      %max3A_1326 = arith.constant 0.000000e+00 : f32
      %max3A_1327 = vector.broadcast %max3A_1326 : f32 to vector<16xf32>
      %max3A_1328 = arith.maximumf %add3A_1325, %max3A_1327 : vector<16xf32>
      %slice3A_1329 = vector.extract_strided_slice %get3A_1264 {offsets = [2], sizes = [1], strides = [1]} : vector<16xf32> to vector<1xf32>
      %squeeze3A_1330 = vector.extract %slice3A_1329[0] : f32 from vector<1xf32>
      %mul3A_1331 = vector.broadcast %squeeze3A_1330 : f32 to vector<16xf32>
      %mul3A_1332 = arith.mulf %max3A_1328, %mul3A_1331 : vector<16xf32>
      %add3A_1333 = arith.addf %add3A_1311, %mul3A_1332 : vector<16xf32>
      %get3A_1334 = arith.constant 3 : i32
      %get3A_1335 = arith.index_cast %get3A_1334 : i32 to index
      %get3A_1336 = arith.constant 0 : index
      %get3A_1337 = tpu.vector_load %arg27[%get3A_1335, %get3A_1336] {strides = array<i32>} : memref<15x80xf32, #tpu.memory_space<vmem>>, vector<16xf32>,
      %get3A_1338 = arith.constant 8 : i32
      %get3A_1339 = arith.index_cast %get3A_1338 : i32 to index
      %get3A_1340 = arith.constant 0 : index
      %get3A_1341 = tpu.vector_load %arg27[%get3A_1339, %get3A_1340] {strides = array<i32>} : memref<15x80xf32, #tpu.memory_space<vmem>>, vector<16xf32>,
      %get3A_1342 = arith.constant 13 : i32
      %get3A_1343 = arith.index_cast %get3A_1342 : i32 to index
      %get3A_1344 = arith.constant 0 : index
      %get3A_1345 = tpu.vector_load %arg27[%get3A_1343, %get3A_1344] {strides = array<i32>} : memref<15x80xf32, #tpu.memory_space<vmem>>, vector<16xf32>,
      %add3A_1346 = arith.addf %get3A_1337, %get3A_1341 : vector<16xf32>
      %add3A_1347 = arith.addf %add3A_1346, %get3A_1345 : vector<16xf32>
      %max3A_1348 = arith.constant 0.000000e+00 : f32
      %max3A_1349 = vector.broadcast %max3A_1348 : f32 to vector<16xf32>
      %max3A_1350 = arith.maximumf %add3A_1347, %max3A_1349 : vector<16xf32>
      %slice3A_1351 = vector.extract_strided_slice %get3A_1264 {offsets = [3], sizes = [1], strides = [1]} : vector<16xf32> to vector<1xf32>
      %squeeze3A_1352 = vector.extract %slice3A_1351[0] : f32 from vector<1xf32>
      %mul3A_1353 = vector.broadcast %squeeze3A_1352 : f32 to vector<16xf32>
      %mul3A_1354 = arith.mulf %max3A_1350, %mul3A_1353 : vector<16xf32>
      %add3A_1355 = arith.addf %add3A_1333, %mul3A_1354 : vector<16xf32>
      %get3A_1356 = arith.constant 4 : i32
      %get3A_1357 = arith.index_cast %get3A_1356 : i32 to index
      %get3A_1358 = arith.constant 0 : index
      %get3A_1359 = tpu.vector_load %arg27[%get3A_1357, %get3A_1358] {strides = array<i32>} : memref<15x80xf32, #tpu.memory_space<vmem>>, vector<16xf32>,
      %get3A_1360 = arith.constant 9 : i32
      %get3A_1361 = arith.index_cast %get3A_1360 : i32 to index
      %get3A_1362 = arith.constant 0 : index
      %get3A_1363 = tpu.vector_load %arg27[%get3A_1361, %get3A_1362] {strides = array<i32>} : memref<15x80xf32, #tpu.memory_space<vmem>>, vector<16xf32>,
      %get3A_1364 = arith.constant 14 : i32
      %get3A_1365 = arith.index_cast %get3A_1364 : i32 to index
      %get3A_1366 = arith.constant 0 : index
      %get3A_1367 = tpu.vector_load %arg27[%get3A_1365, %get3A_1366] {strides = array<i32>} : memref<15x80xf32, #tpu.memory_space<vmem>>, vector<16xf32>,
      %add3A_1368 = arith.addf %get3A_1359, %get3A_1363 : vector<16xf32>
      %add3A_1369 = arith.addf %add3A_1368, %get3A_1367 : vector<16xf32>
      %max3A_1370 = arith.constant 0.000000e+00 : f32
      %max3A_1371 = vector.broadcast %max3A_1370 : f32 to vector<16xf32>
      %max3A_1372 = arith.maximumf %add3A_1369, %max3A_1371 : vector<16xf32>
      %slice3A_1373 = vector.extract_strided_slice %get3A_1264 {offsets = [4], sizes = [1], strides = [1]} : vector<16xf32> to vector<1xf32>
      %squeeze3A_1374 = vector.extract %slice3A_1373[0] : f32 from vector<1xf32>
      %mul3A_1375 = vector.broadcast %squeeze3A_1374 : f32 to vector<16xf32>
      %mul3A_1376 = arith.mulf %max3A_1372, %mul3A_1375 : vector<16xf32>
      %add3A_1377 = arith.addf %add3A_1355, %mul3A_1376 : vector<16xf32>
      %neg3A_1378 = arith.constant 0.000000e+00 : f32
      %neg3A_1379 = vector.broadcast %neg3A_1378 : f32 to vector<16xf32>
      %neg3A_1380 = arith.subf %neg3A_1379, %add3A_1377 : vector<16xf32>
      %exp3A_1381 = math.exp %neg3A_1380 : vector<16xf32>
      %add3A_1382 = arith.constant 1.000000e+00 : f32
      %add3A_1383 = vector.broadcast %add3A_1382 : f32 to vector<16xf32>
      %add3A_1384 = arith.addf %add3A_1383, %exp3A_1381 : vector<16xf32>
      %div3A_1385 = arith.constant 1.000000e+00 : f32
      %div3A_1386 = vector.broadcast %div3A_1385 : f32 to vector<16xf32>
      %div3A_1387 = arith.divf %div3A_1386, %add3A_1384 : vector<16xf32>
      %swap3A_1388 = arith.constant 0 : index
      %swap3A_1389 = tpu.vector_load %arg33[%swap3A_1388] {strides = array<i32>} : memref<96xf32, #tpu.memory_space<vmem>>, vector<16xf32>,
      tpu.vector_store %arg33[%swap3A_1388], %div3A_1387 {strides = array<i32>} : memref<96xf32, #tpu.memory_space<vmem>>, vector<16xf32>,
      %slice3A_1390 = vector.extract_strided_slice %get3A_1264 {offsets = [5], sizes = [1], strides = [1]} : vector<16xf32> to vector<1xf32>
      %squeeze3A_1391 = vector.extract %slice3A_1390[0] : f32 from vector<1xf32>
      %broadcast_in_dim3A_1392 = vector.broadcast %squeeze3A_1391 : f32 to vector<16xf32>
      %get3A_1393 = arith.constant 0 : i32
      %get3A_1394 = arith.index_cast %get3A_1393 : i32 to index
      %get3A_1395 = arith.constant 16 : index
      %get3A_1396 = tpu.vector_load %arg27[%get3A_1394, %get3A_1395] {strides = array<i32>} : memref<15x80xf32, #tpu.memory_space<vmem>>, vector<16xf32>,
      %get3A_1397 = arith.constant 5 : i32
      %get3A_1398 = arith.index_cast %get3A_1397 : i32 to index
      %get3A_1399 = arith.constant 16 : index
      %get3A_1400 = tpu.vector_load %arg27[%get3A_1398, %get3A_1399] {strides = array<i32>} : memref<15x80xf32, #tpu.memory_space<vmem>>, vector<16xf32>,
      %get3A_1401 = arith.constant 10 : i32
      %get3A_1402 = arith.index_cast %get3A_1401 : i32 to index
      %get3A_1403 = arith.constant 16 : index
      %get3A_1404 = tpu.vector_load %arg27[%get3A_1402, %get3A_1403] {strides = array<i32>} : memref<15x80xf32, #tpu.memory_space<vmem>>, vector<16xf32>,
      %add3A_1405 = arith.addf %get3A_1396, %get3A_1400 : vector<16xf32>
      %add3A_1406 = arith.addf %add3A_1405, %get3A_1404 : vector<16xf32>
      %max3A_1407 = arith.constant 0.000000e+00 : f32
      %max3A_1408 = vector.broadcast %max3A_1407 : f32 to vector<16xf32>
      %max3A_1409 = arith.maximumf %add3A_1406, %max3A_1408 : vector<16xf32>
      %slice3A_1410 = vector.extract_strided_slice %get3A_1264 {offsets = [0], sizes = [1], strides = [1]} : vector<16xf32> to vector<1xf32>
      %squeeze3A_1411 = vector.extract %slice3A_1410[0] : f32 from vector<1xf32>
      %mul3A_1412 = vector.broadcast %squeeze3A_1411 : f32 to vector<16xf32>
      %mul3A_1413 = arith.mulf %max3A_1409, %mul3A_1412 : vector<16xf32>
      %add3A_1414 = arith.addf %broadcast_in_dim3A_1392, %mul3A_1413 : vector<16xf32>
      %get3A_1415 = arith.constant 1 : i32
      %get3A_1416 = arith.index_cast %get3A_1415 : i32 to index
      %get3A_1417 = arith.constant 16 : index
      %get3A_1418 = tpu.vector_load %arg27[%get3A_1416, %get3A_1417] {strides = array<i32>} : memref<15x80xf32, #tpu.memory_space<vmem>>, vector<16xf32>,
      %get3A_1419 = arith.constant 6 : i32
      %get3A_1420 = arith.index_cast %get3A_1419 : i32 to index
      %get3A_1421 = arith.constant 16 : index
      %get3A_1422 = tpu.vector_load %arg27[%get3A_1420, %get3A_1421] {strides = array<i32>} : memref<15x80xf32, #tpu.memory_space<vmem>>, vector<16xf32>,
      %get3A_1423 = arith.constant 11 : i32
      %get3A_1424 = arith.index_cast %get3A_1423 : i32 to index
      %get3A_1425 = arith.constant 16 : index
      %get3A_1426 = tpu.vector_load %arg27[%get3A_1424, %get3A_1425] {strides = array<i32>} : memref<15x80xf32, #tpu.memory_space<vmem>>, vector<16xf32>,
      %add3A_1427 = arith.addf %get3A_1418, %get3A_1422 : vector<16xf32>
      %add3A_1428 = arith.addf %add3A_1427, %get3A_1426 : vector<16xf32>
      %max3A_1429 = arith.constant 0.000000e+00 : f32
      %max3A_1430 = vector.broadcast %max3A_1429 : f32 to vector<16xf32>
      %max3A_1431 = arith.maximumf %add3A_1428, %max3A_1430 : vector<16xf32>
      %slice3A_1432 = vector.extract_strided_slice %get3A_1264 {offsets = [1], sizes = [1], strides = [1]} : vector<16xf32> to vector<1xf32>
      %squeeze3A_1433 = vector.extract %slice3A_1432[0] : f32 from vector<1xf32>
      %mul3A_1434 = vector.broadcast %squeeze3A_1433 : f32 to vector<16xf32>
      %mul3A_1435 = arith.mulf %max3A_1431, %mul3A_1434 : vector<16xf32>
      %add3A_1436 = arith.addf %add3A_1414, %mul3A_1435 : vector<16xf32>
      %get3A_1437 = arith.constant 2 : i32
      %get3A_1438 = arith.index_cast %get3A_1437 : i32 to index
      %get3A_1439 = arith.constant 16 : index
      %get3A_1440 = tpu.vector_load %arg27[%get3A_1438, %get3A_1439] {strides = array<i32>} : memref<15x80xf32, #tpu.memory_space<vmem>>, vector<16xf32>,
      %get3A_1441 = arith.constant 7 : i32
      %get3A_1442 = arith.index_cast %get3A_1441 : i32 to index
      %get3A_1443 = arith.constant 16 : index
      %get3A_1444 = tpu.vector_load %arg27[%get3A_1442, %get3A_1443] {strides = array<i32>} : memref<15x80xf32, #tpu.memory_space<vmem>>, vector<16xf32>,
      %get3A_1445 = arith.constant 12 : i32
      %get3A_1446 = arith.index_cast %get3A_1445 : i32 to index
      %get3A_1447 = arith.constant 16 : index
      %get3A_1448 = tpu.vector_load %arg27[%get3A_1446, %get3A_1447] {strides = array<i32>} : memref<15x80xf32, #tpu.memory_space<vmem>>, vector<16xf32>,
      %add3A_1449 = arith.addf %get3A_1440, %get3A_1444 : vector<16xf32>
      %add3A_1450 = arith.addf %add3A_1449, %get3A_1448 : vector<16xf32>
      %max3A_1451 = arith.constant 0.000000e+00 : f32
      %max3A_1452 = vector.broadcast %max3A_1451 : f32 to vector<16xf32>
      %max3A_1453 = arith.maximumf %add3A_1450, %max3A_1452 : vector<16xf32>
      %slice3A_1454 = vector.extract_strided_slice %get3A_1264 {offsets = [2], sizes = [1], strides = [1]} : vector<16xf32> to vector<1xf32>
      %squeeze3A_1455 = vector.extract %slice3A_1454[0] : f32 from vector<1xf32>
      %mul3A_1456 = vector.broadcast %squeeze3A_1455 : f32 to vector<16xf32>
      %mul3A_1457 = arith.mulf %max3A_1453, %mul3A_1456 : vector<16xf32>
      %add3A_1458 = arith.addf %add3A_1436, %mul3A_1457 : vector<16xf32>
      %get3A_1459 = arith.constant 3 : i32
      %get3A_1460 = arith.index_cast %get3A_1459 : i32 to index
      %get3A_1461 = arith.constant 16 : index
      %get3A_1462 = tpu.vector_load %arg27[%get3A_1460, %get3A_1461] {strides = array<i32>} : memref<15x80xf32, #tpu.memory_space<vmem>>, vector<16xf32>,
      %get3A_1463 = arith.constant 8 : i32
      %get3A_1464 = arith.index_cast %get3A_1463 : i32 to index
      %get3A_1465 = arith.constant 16 : index
      %get3A_1466 = tpu.vector_load %arg27[%get3A_1464, %get3A_1465] {strides = array<i32>} : memref<15x80xf32, #tpu.memory_space<vmem>>, vector<16xf32>,
      %get3A_1467 = arith.constant 13 : i32
      %get3A_1468 = arith.index_cast %get3A_1467 : i32 to index
      %get3A_1469 = arith.constant 16 : index
      %get3A_1470 = tpu.vector_load %arg27[%get3A_1468, %get3A_1469] {strides = array<i32>} : memref<15x80xf32, #tpu.memory_space<vmem>>, vector<16xf32>,
      %add3A_1471 = arith.addf %get3A_1462, %get3A_1466 : vector<16xf32>
      %add3A_1472 = arith.addf %add3A_1471, %get3A_1470 : vector<16xf32>
      %max3A_1473 = arith.constant 0.000000e+00 : f32
      %max3A_1474 = vector.broadcast %max3A_1473 : f32 to vector<16xf32>
      %max3A_1475 = arith.maximumf %add3A_1472, %max3A_1474 : vector<16xf32>
      %slice3A_1476 = vector.extract_strided_slice %get3A_1264 {offsets = [3], sizes = [1], strides = [1]} : vector<16xf32> to vector<1xf32>
      %squeeze3A_1477 = vector.extract %slice3A_1476[0] : f32 from vector<1xf32>
      %mul3A_1478 = vector.broadcast %squeeze3A_1477 : f32 to vector<16xf32>
      %mul3A_1479 = arith.mulf %max3A_1475, %mul3A_1478 : vector<16xf32>
      %add3A_1480 = arith.addf %add3A_1458, %mul3A_1479 : vector<16xf32>
      %get3A_1481 = arith.constant 4 : i32
      %get3A_1482 = arith.index_cast %get3A_1481 : i32 to index
      %get3A_1483 = arith.constant 16 : index
      %get3A_1484 = tpu.vector_load %arg27[%get3A_1482, %get3A_1483] {strides = array<i32>} : memref<15x80xf32, #tpu.memory_space<vmem>>, vector<16xf32>,
      %get3A_1485 = arith.constant 9 : i32
      %get3A_1486 = arith.index_cast %get3A_1485 : i32 to index
      %get3A_1487 = arith.constant 16 : index
      %get3A_1488 = tpu.vector_load %arg27[%get3A_1486, %get3A_1487] {strides = array<i32>} : memref<15x80xf32, #tpu.memory_space<vmem>>, vector<16xf32>,
      %get3A_1489 = arith.constant 14 : i32
      %get3A_1490 = arith.index_cast %get3A_1489 : i32 to index
      %get3A_1491 = arith.constant 16 : index
      %get3A_1492 = tpu.vector_load %arg27[%get3A_1490, %get3A_1491] {strides = array<i32>} : memref<15x80xf32, #tpu.memory_space<vmem>>, vector<16xf32>,
      %add3A_1493 = arith.addf %get3A_1484, %get3A_1488 : vector<16xf32>
      %add3A_1494 = arith.addf %add3A_1493, %get3A_1492 : vector<16xf32>
      %max3A_1495 = arith.constant 0.000000e+00 : f32
      %max3A_1496 = vector.broadcast %max3A_1495 : f32 to vector<16xf32>
      %max3A_1497 = arith.maximumf %add3A_1494, %max3A_1496 : vector<16xf32>
      %slice3A_1498 = vector.extract_strided_slice %get3A_1264 {offsets = [4], sizes = [1], strides = [1]} : vector<16xf32> to vector<1xf32>
      %squeeze3A_1499 = vector.extract %slice3A_1498[0] : f32 from vector<1xf32>
      %mul3A_1500 = vector.broadcast %squeeze3A_1499 : f32 to vector<16xf32>
      %mul3A_1501 = arith.mulf %max3A_1497, %mul3A_1500 : vector<16xf32>
      %add3A_1502 = arith.addf %add3A_1480, %mul3A_1501 : vector<16xf32>
      %neg3A_1503 = arith.constant 0.000000e+00 : f32
      %neg3A_1504 = vector.broadcast %neg3A_1503 : f32 to vector<16xf32>
      %neg3A_1505 = arith.subf %neg3A_1504, %add3A_1502 : vector<16xf32>
      %exp3A_1506 = math.exp %neg3A_1505 : vector<16xf32>
      %add3A_1507 = arith.constant 1.000000e+00 : f32
      %add3A_1508 = vector.broadcast %add3A_1507 : f32 to vector<16xf32>
      %add3A_1509 = arith.addf %add3A_1508, %exp3A_1506 : vector<16xf32>
      %div3A_1510 = arith.constant 1.000000e+00 : f32
      %div3A_1511 = vector.broadcast %div3A_1510 : f32 to vector<16xf32>
      %div3A_1512 = arith.divf %div3A_1511, %add3A_1509 : vector<16xf32>
      %swap3A_1513 = arith.constant 16 : index
      %swap3A_1514 = tpu.vector_load %arg33[%swap3A_1513] {strides = array<i32>} : memref<96xf32, #tpu.memory_space<vmem>>, vector<16xf32>,
      tpu.vector_store %arg33[%swap3A_1513], %div3A_1512 {strides = array<i32>} : memref<96xf32, #tpu.memory_space<vmem>>, vector<16xf32>,
      %slice3A_1515 = vector.extract_strided_slice %get3A_1264 {offsets = [5], sizes = [1], strides = [1]} : vector<16xf32> to vector<1xf32>
      %squeeze3A_1516 = vector.extract %slice3A_1515[0] : f32 from vector<1xf32>
      %broadcast_in_dim3A_1517 = vector.broadcast %squeeze3A_1516 : f32 to vector<16xf32>
      %get3A_1518 = arith.constant 0 : i32
      %get3A_1519 = arith.index_cast %get3A_1518 : i32 to index
      %get3A_1520 = arith.constant 32 : index
      %get3A_1521 = tpu.vector_load %arg27[%get3A_1519, %get3A_1520] {strides = array<i32>} : memref<15x80xf32, #tpu.memory_space<vmem>>, vector<16xf32>,
      %get3A_1522 = arith.constant 5 : i32
      %get3A_1523 = arith.index_cast %get3A_1522 : i32 to index
      %get3A_1524 = arith.constant 32 : index
      %get3A_1525 = tpu.vector_load %arg27[%get3A_1523, %get3A_1524] {strides = array<i32>} : memref<15x80xf32, #tpu.memory_space<vmem>>, vector<16xf32>,
      %get3A_1526 = arith.constant 10 : i32
      %get3A_1527 = arith.index_cast %get3A_1526 : i32 to index
      %get3A_1528 = arith.constant 32 : index
      %get3A_1529 = tpu.vector_load %arg27[%get3A_1527, %get3A_1528] {strides = array<i32>} : memref<15x80xf32, #tpu.memory_space<vmem>>, vector<16xf32>,
      %add3A_1530 = arith.addf %get3A_1521, %get3A_1525 : vector<16xf32>
      %add3A_1531 = arith.addf %add3A_1530, %get3A_1529 : vector<16xf32>
      %max3A_1532 = arith.constant 0.000000e+00 : f32
      %max3A_1533 = vector.broadcast %max3A_1532 : f32 to vector<16xf32>
      %max3A_1534 = arith.maximumf %add3A_1531, %max3A_1533 : vector<16xf32>
      %slice3A_1535 = vector.extract_strided_slice %get3A_1264 {offsets = [0], sizes = [1], strides = [1]} : vector<16xf32> to vector<1xf32>
      %squeeze3A_1536 = vector.extract %slice3A_1535[0] : f32 from vector<1xf32>
      %mul3A_1537 = vector.broadcast %squeeze3A_1536 : f32 to vector<16xf32>
      %mul3A_1538 = arith.mulf %max3A_1534, %mul3A_1537 : vector<16xf32>
      %add3A_1539 = arith.addf %broadcast_in_dim3A_1517, %mul3A_1538 : vector<16xf32>
      %get3A_1540 = arith.constant 1 : i32
      %get3A_1541 = arith.index_cast %get3A_1540 : i32 to index
      %get3A_1542 = arith.constant 32 : index
      %get3A_1543 = tpu.vector_load %arg27[%get3A_1541, %get3A_1542] {strides = array<i32>} : memref<15x80xf32, #tpu.memory_space<vmem>>, vector<16xf32>,
      %get3A_1544 = arith.constant 6 : i32
      %get3A_1545 = arith.index_cast %get3A_1544 : i32 to index
      %get3A_1546 = arith.constant 32 : index
      %get3A_1547 = tpu.vector_load %arg27[%get3A_1545, %get3A_1546] {strides = array<i32>} : memref<15x80xf32, #tpu.memory_space<vmem>>, vector<16xf32>,
      %get3A_1548 = arith.constant 11 : i32
      %get3A_1549 = arith.index_cast %get3A_1548 : i32 to index
      %get3A_1550 = arith.constant 32 : index
      %get3A_1551 = tpu.vector_load %arg27[%get3A_1549, %get3A_1550] {strides = array<i32>} : memref<15x80xf32, #tpu.memory_space<vmem>>, vector<16xf32>,
      %add3A_1552 = arith.addf %get3A_1543, %get3A_1547 : vector<16xf32>
      %add3A_1553 = arith.addf %add3A_1552, %get3A_1551 : vector<16xf32>
      %max3A_1554 = arith.constant 0.000000e+00 : f32
      %max3A_1555 = vector.broadcast %max3A_1554 : f32 to vector<16xf32>
      %max3A_1556 = arith.maximumf %add3A_1553, %max3A_1555 : vector<16xf32>
      %slice3A_1557 = vector.extract_strided_slice %get3A_1264 {offsets = [1], sizes = [1], strides = [1]} : vector<16xf32> to vector<1xf32>
      %squeeze3A_1558 = vector.extract %slice3A_1557[0] : f32 from vector<1xf32>
      %mul3A_1559 = vector.broadcast %squeeze3A_1558 : f32 to vector<16xf32>
      %mul3A_1560 = arith.mulf %max3A_1556, %mul3A_1559 : vector<16xf32>
      %add3A_1561 = arith.addf %add3A_1539, %mul3A_1560 : vector<16xf32>
      %get3A_1562 = arith.constant 2 : i32
      %get3A_1563 = arith.index_cast %get3A_1562 : i32 to index
      %get3A_1564 = arith.constant 32 : index
      %get3A_1565 = tpu.vector_load %arg27[%get3A_1563, %get3A_1564] {strides = array<i32>} : memref<15x80xf32, #tpu.memory_space<vmem>>, vector<16xf32>,
      %get3A_1566 = arith.constant 7 : i32
      %get3A_1567 = arith.index_cast %get3A_1566 : i32 to index
      %get3A_1568 = arith.constant 32 : index
      %get3A_1569 = tpu.vector_load %arg27[%get3A_1567, %get3A_1568] {strides = array<i32>} : memref<15x80xf32, #tpu.memory_space<vmem>>, vector<16xf32>,
      %get3A_1570 = arith.constant 12 : i32
      %get3A_1571 = arith.index_cast %get3A_1570 : i32 to index
      %get3A_1572 = arith.constant 32 : index
      %get3A_1573 = tpu.vector_load %arg27[%get3A_1571, %get3A_1572] {strides = array<i32>} : memref<15x80xf32, #tpu.memory_space<vmem>>, vector<16xf32>,
      %add3A_1574 = arith.addf %get3A_1565, %get3A_1569 : vector<16xf32>
      %add3A_1575 = arith.addf %add3A_1574, %get3A_1573 : vector<16xf32>
      %max3A_1576 = arith.constant 0.000000e+00 : f32
      %max3A_1577 = vector.broadcast %max3A_1576 : f32 to vector<16xf32>
      %max3A_1578 = arith.maximumf %add3A_1575, %max3A_1577 : vector<16xf32>
      %slice3A_1579 = vector.extract_strided_slice %get3A_1264 {offsets = [2], sizes = [1], strides = [1]} : vector<16xf32> to vector<1xf32>
      %squeeze3A_1580 = vector.extract %slice3A_1579[0] : f32 from vector<1xf32>
      %mul3A_1581 = vector.broadcast %squeeze3A_1580 : f32 to vector<16xf32>
      %mul3A_1582 = arith.mulf %max3A_1578, %mul3A_1581 : vector<16xf32>
      %add3A_1583 = arith.addf %add3A_1561, %mul3A_1582 : vector<16xf32>
      %get3A_1584 = arith.constant 3 : i32
      %get3A_1585 = arith.index_cast %get3A_1584 : i32 to index
      %get3A_1586 = arith.constant 32 : index
      %get3A_1587 = tpu.vector_load %arg27[%get3A_1585, %get3A_1586] {strides = array<i32>} : memref<15x80xf32, #tpu.memory_space<vmem>>, vector<16xf32>,
      %get3A_1588 = arith.constant 8 : i32
      %get3A_1589 = arith.index_cast %get3A_1588 : i32 to index
      %get3A_1590 = arith.constant 32 : index
      %get3A_1591 = tpu.vector_load %arg27[%get3A_1589, %get3A_1590] {strides = array<i32>} : memref<15x80xf32, #tpu.memory_space<vmem>>, vector<16xf32>,
      %get3A_1592 = arith.constant 13 : i32
      %get3A_1593 = arith.index_cast %get3A_1592 : i32 to index
      %get3A_1594 = arith.constant 32 : index
      %get3A_1595 = tpu.vector_load %arg27[%get3A_1593, %get3A_1594] {strides = array<i32>} : memref<15x80xf32, #tpu.memory_space<vmem>>, vector<16xf32>,
      %add3A_1596 = arith.addf %get3A_1587, %get3A_1591 : vector<16xf32>
      %add3A_1597 = arith.addf %add3A_1596, %get3A_1595 : vector<16xf32>
      %max3A_1598 = arith.constant 0.000000e+00 : f32
      %max3A_1599 = vector.broadcast %max3A_1598 : f32 to vector<16xf32>
      %max3A_1600 = arith.maximumf %add3A_1597, %max3A_1599 : vector<16xf32>
      %slice3A_1601 = vector.extract_strided_slice %get3A_1264 {offsets = [3], sizes = [1], strides = [1]} : vector<16xf32> to vector<1xf32>
      %squeeze3A_1602 = vector.extract %slice3A_1601[0] : f32 from vector<1xf32>
      %mul3A_1603 = vector.broadcast %squeeze3A_1602 : f32 to vector<16xf32>
      %mul3A_1604 = arith.mulf %max3A_1600, %mul3A_1603 : vector<16xf32>
      %add3A_1605 = arith.addf %add3A_1583, %mul3A_1604 : vector<16xf32>
      %get3A_1606 = arith.constant 4 : i32
      %get3A_1607 = arith.index_cast %get3A_1606 : i32 to index
      %get3A_1608 = arith.constant 32 : index
      %get3A_1609 = tpu.vector_load %arg27[%get3A_1607, %get3A_1608] {strides = array<i32>} : memref<15x80xf32, #tpu.memory_space<vmem>>, vector<16xf32>,
      %get3A_1610 = arith.constant 9 : i32
      %get3A_1611 = arith.index_cast %get3A_1610 : i32 to index
      %get3A_1612 = arith.constant 32 : index
      %get3A_1613 = tpu.vector_load %arg27[%get3A_1611, %get3A_1612] {strides = array<i32>} : memref<15x80xf32, #tpu.memory_space<vmem>>, vector<16xf32>,
      %get3A_1614 = arith.constant 14 : i32
      %get3A_1615 = arith.index_cast %get3A_1614 : i32 to index
      %get3A_1616 = arith.constant 32 : index
      %get3A_1617 = tpu.vector_load %arg27[%get3A_1615, %get3A_1616] {strides = array<i32>} : memref<15x80xf32, #tpu.memory_space<vmem>>, vector<16xf32>,
      %add3A_1618 = arith.addf %get3A_1609, %get3A_1613 : vector<16xf32>
      %add3A_1619 = arith.addf %add3A_1618, %get3A_1617 : vector<16xf32>
      %max3A_1620 = arith.constant 0.000000e+00 : f32
      %max3A_1621 = vector.broadcast %max3A_1620 : f32 to vector<16xf32>
      %max3A_1622 = arith.maximumf %add3A_1619, %max3A_1621 : vector<16xf32>
      %slice3A_1623 = vector.extract_strided_slice %get3A_1264 {offsets = [4], sizes = [1], strides = [1]} : vector<16xf32> to vector<1xf32>
      %squeeze3A_1624 = vector.extract %slice3A_1623[0] : f32 from vector<1xf32>
      %mul3A_1625 = vector.broadcast %squeeze3A_1624 : f32 to vector<16xf32>
      %mul3A_1626 = arith.mulf %max3A_1622, %mul3A_1625 : vector<16xf32>
      %add3A_1627 = arith.addf %add3A_1605, %mul3A_1626 : vector<16xf32>
      %neg3A_1628 = arith.constant 0.000000e+00 : f32
      %neg3A_1629 = vector.broadcast %neg3A_1628 : f32 to vector<16xf32>
      %neg3A_1630 = arith.subf %neg3A_1629, %add3A_1627 : vector<16xf32>
      %exp3A_1631 = math.exp %neg3A_1630 : vector<16xf32>
      %add3A_1632 = arith.constant 1.000000e+00 : f32
      %add3A_1633 = vector.broadcast %add3A_1632 : f32 to vector<16xf32>
      %add3A_1634 = arith.addf %add3A_1633, %exp3A_1631 : vector<16xf32>
      %div3A_1635 = arith.constant 1.000000e+00 : f32
      %div3A_1636 = vector.broadcast %div3A_1635 : f32 to vector<16xf32>
      %div3A_1637 = arith.divf %div3A_1636, %add3A_1634 : vector<16xf32>
      %swap3A_1638 = arith.constant 32 : index
      %swap3A_1639 = tpu.vector_load %arg33[%swap3A_1638] {strides = array<i32>} : memref<96xf32, #tpu.memory_space<vmem>>, vector<16xf32>,
      tpu.vector_store %arg33[%swap3A_1638], %div3A_1637 {strides = array<i32>} : memref<96xf32, #tpu.memory_space<vmem>>, vector<16xf32>,
      %slice3A_1640 = vector.extract_strided_slice %get3A_1264 {offsets = [5], sizes = [1], strides = [1]} : vector<16xf32> to vector<1xf32>
      %squeeze3A_1641 = vector.extract %slice3A_1640[0] : f32 from vector<1xf32>
      %broadcast_in_dim3A_1642 = vector.broadcast %squeeze3A_1641 : f32 to vector<16xf32>
      %get3A_1643 = arith.constant 0 : i32
      %get3A_1644 = arith.index_cast %get3A_1643 : i32 to index
      %get3A_1645 = arith.constant 48 : index
      %get3A_1646 = tpu.vector_load %arg27[%get3A_1644, %get3A_1645] {strides = array<i32>} : memref<15x80xf32, #tpu.memory_space<vmem>>, vector<16xf32>,
      %get3A_1647 = arith.constant 5 : i32
      %get3A_1648 = arith.index_cast %get3A_1647 : i32 to index
      %get3A_1649 = arith.constant 48 : index
      %get3A_1650 = tpu.vector_load %arg27[%get3A_1648, %get3A_1649] {strides = array<i32>} : memref<15x80xf32, #tpu.memory_space<vmem>>, vector<16xf32>,
      %get3A_1651 = arith.constant 10 : i32
      %get3A_1652 = arith.index_cast %get3A_1651 : i32 to index
      %get3A_1653 = arith.constant 48 : index
      %get3A_1654 = tpu.vector_load %arg27[%get3A_1652, %get3A_1653] {strides = array<i32>} : memref<15x80xf32, #tpu.memory_space<vmem>>, vector<16xf32>,
      %add3A_1655 = arith.addf %get3A_1646, %get3A_1650 : vector<16xf32>
      %add3A_1656 = arith.addf %add3A_1655, %get3A_1654 : vector<16xf32>
      %max3A_1657 = arith.constant 0.000000e+00 : f32
      %max3A_1658 = vector.broadcast %max3A_1657 : f32 to vector<16xf32>
      %max3A_1659 = arith.maximumf %add3A_1656, %max3A_1658 : vector<16xf32>
      %slice3A_1660 = vector.extract_strided_slice %get3A_1264 {offsets = [0], sizes = [1], strides = [1]} : vector<16xf32> to vector<1xf32>
      %squeeze3A_1661 = vector.extract %slice3A_1660[0] : f32 from vector<1xf32>
      %mul3A_1662 = vector.broadcast %squeeze3A_1661 : f32 to vector<16xf32>
      %mul3A_1663 = arith.mulf %max3A_1659, %mul3A_1662 : vector<16xf32>
      %add3A_1664 = arith.addf %broadcast_in_dim3A_1642, %mul3A_1663 : vector<16xf32>
      %get3A_1665 = arith.constant 1 : i32
      %get3A_1666 = arith.index_cast %get3A_1665 : i32 to index
      %get3A_1667 = arith.constant 48 : index
      %get3A_1668 = tpu.vector_load %arg27[%get3A_1666, %get3A_1667] {strides = array<i32>} : memref<15x80xf32, #tpu.memory_space<vmem>>, vector<16xf32>,
      %get3A_1669 = arith.constant 6 : i32
      %get3A_1670 = arith.index_cast %get3A_1669 : i32 to index
      %get3A_1671 = arith.constant 48 : index
      %get3A_1672 = tpu.vector_load %arg27[%get3A_1670, %get3A_1671] {strides = array<i32>} : memref<15x80xf32, #tpu.memory_space<vmem>>, vector<16xf32>,
      %get3A_1673 = arith.constant 11 : i32
      %get3A_1674 = arith.index_cast %get3A_1673 : i32 to index
      %get3A_1675 = arith.constant 48 : index
      %get3A_1676 = tpu.vector_load %arg27[%get3A_1674, %get3A_1675] {strides = array<i32>} : memref<15x80xf32, #tpu.memory_space<vmem>>, vector<16xf32>,
      %add3A_1677 = arith.addf %get3A_1668, %get3A_1672 : vector<16xf32>
      %add3A_1678 = arith.addf %add3A_1677, %get3A_1676 : vector<16xf32>
      %max3A_1679 = arith.constant 0.000000e+00 : f32
      %max3A_1680 = vector.broadcast %max3A_1679 : f32 to vector<16xf32>
      %max3A_1681 = arith.maximumf %add3A_1678, %max3A_1680 : vector<16xf32>
      %slice3A_1682 = vector.extract_strided_slice %get3A_1264 {offsets = [1], sizes = [1], strides = [1]} : vector<16xf32> to vector<1xf32>
      %squeeze3A_1683 = vector.extract %slice3A_1682[0] : f32 from vector<1xf32>
      %mul3A_1684 = vector.broadcast %squeeze3A_1683 : f32 to vector<16xf32>
      %mul3A_1685 = arith.mulf %max3A_1681, %mul3A_1684 : vector<16xf32>
      %add3A_1686 = arith.addf %add3A_1664, %mul3A_1685 : vector<16xf32>
      %get3A_1687 = arith.constant 2 : i32
      %get3A_1688 = arith.index_cast %get3A_1687 : i32 to index
      %get3A_1689 = arith.constant 48 : index
      %get3A_1690 = tpu.vector_load %arg27[%get3A_1688, %get3A_1689] {strides = array<i32>} : memref<15x80xf32, #tpu.memory_space<vmem>>, vector<16xf32>,
      %get3A_1691 = arith.constant 7 : i32
      %get3A_1692 = arith.index_cast %get3A_1691 : i32 to index
      %get3A_1693 = arith.constant 48 : index
      %get3A_1694 = tpu.vector_load %arg27[%get3A_1692, %get3A_1693] {strides = array<i32>} : memref<15x80xf32, #tpu.memory_space<vmem>>, vector<16xf32>,
      %get3A_1695 = arith.constant 12 : i32
      %get3A_1696 = arith.index_cast %get3A_1695 : i32 to index
      %get3A_1697 = arith.constant 48 : index
      %get3A_1698 = tpu.vector_load %arg27[%get3A_1696, %get3A_1697] {strides = array<i32>} : memref<15x80xf32, #tpu.memory_space<vmem>>, vector<16xf32>,
      %add3A_1699 = arith.addf %get3A_1690, %get3A_1694 : vector<16xf32>
      %add3A_1700 = arith.addf %add3A_1699, %get3A_1698 : vector<16xf32>
      %max3A_1701 = arith.constant 0.000000e+00 : f32
      %max3A_1702 = vector.broadcast %max3A_1701 : f32 to vector<16xf32>
      %max3A_1703 = arith.maximumf %add3A_1700, %max3A_1702 : vector<16xf32>
      %slice3A_1704 = vector.extract_strided_slice %get3A_1264 {offsets = [2], sizes = [1], strides = [1]} : vector<16xf32> to vector<1xf32>
      %squeeze3A_1705 = vector.extract %slice3A_1704[0] : f32 from vector<1xf32>
      %mul3A_1706 = vector.broadcast %squeeze3A_1705 : f32 to vector<16xf32>
      %mul3A_1707 = arith.mulf %max3A_1703, %mul3A_1706 : vector<16xf32>
      %add3A_1708 = arith.addf %add3A_1686, %mul3A_1707 : vector<16xf32>
      %get3A_1709 = arith.constant 3 : i32
      %get3A_1710 = arith.index_cast %get3A_1709 : i32 to index
      %get3A_1711 = arith.constant 48 : index
      %get3A_1712 = tpu.vector_load %arg27[%get3A_1710, %get3A_1711] {strides = array<i32>} : memref<15x80xf32, #tpu.memory_space<vmem>>, vector<16xf32>,
      %get3A_1713 = arith.constant 8 : i32
      %get3A_1714 = arith.index_cast %get3A_1713 : i32 to index
      %get3A_1715 = arith.constant 48 : index
      %get3A_1716 = tpu.vector_load %arg27[%get3A_1714, %get3A_1715] {strides = array<i32>} : memref<15x80xf32, #tpu.memory_space<vmem>>, vector<16xf32>,
      %get3A_1717 = arith.constant 13 : i32
      %get3A_1718 = arith.index_cast %get3A_1717 : i32 to index
      %get3A_1719 = arith.constant 48 : index
      %get3A_1720 = tpu.vector_load %arg27[%get3A_1718, %get3A_1719] {strides = array<i32>} : memref<15x80xf32, #tpu.memory_space<vmem>>, vector<16xf32>,
      %add3A_1721 = arith.addf %get3A_1712, %get3A_1716 : vector<16xf32>
      %add3A_1722 = arith.addf %add3A_1721, %get3A_1720 : vector<16xf32>
      %max3A_1723 = arith.constant 0.000000e+00 : f32
      %max3A_1724 = vector.broadcast %max3A_1723 : f32 to vector<16xf32>
      %max3A_1725 = arith.maximumf %add3A_1722, %max3A_1724 : vector<16xf32>
      %slice3A_1726 = vector.extract_strided_slice %get3A_1264 {offsets = [3], sizes = [1], strides = [1]} : vector<16xf32> to vector<1xf32>
      %squeeze3A_1727 = vector.extract %slice3A_1726[0] : f32 from vector<1xf32>
      %mul3A_1728 = vector.broadcast %squeeze3A_1727 : f32 to vector<16xf32>
      %mul3A_1729 = arith.mulf %max3A_1725, %mul3A_1728 : vector<16xf32>
      %add3A_1730 = arith.addf %add3A_1708, %mul3A_1729 : vector<16xf32>
      %get3A_1731 = arith.constant 4 : i32
      %get3A_1732 = arith.index_cast %get3A_1731 : i32 to index
      %get3A_1733 = arith.constant 48 : index
      %get3A_1734 = tpu.vector_load %arg27[%get3A_1732, %get3A_1733] {strides = array<i32>} : memref<15x80xf32, #tpu.memory_space<vmem>>, vector<16xf32>,
      %get3A_1735 = arith.constant 9 : i32
      %get3A_1736 = arith.index_cast %get3A_1735 : i32 to index
      %get3A_1737 = arith.constant 48 : index
      %get3A_1738 = tpu.vector_load %arg27[%get3A_1736, %get3A_1737] {strides = array<i32>} : memref<15x80xf32, #tpu.memory_space<vmem>>, vector<16xf32>,
      %get3A_1739 = arith.constant 14 : i32
      %get3A_1740 = arith.index_cast %get3A_1739 : i32 to index
      %get3A_1741 = arith.constant 48 : index
      %get3A_1742 = tpu.vector_load %arg27[%get3A_1740, %get3A_1741] {strides = array<i32>} : memref<15x80xf32, #tpu.memory_space<vmem>>, vector<16xf32>,
      %add3A_1743 = arith.addf %get3A_1734, %get3A_1738 : vector<16xf32>
      %add3A_1744 = arith.addf %add3A_1743, %get3A_1742 : vector<16xf32>
      %max3A_1745 = arith.constant 0.000000e+00 : f32
      %max3A_1746 = vector.broadcast %max3A_1745 : f32 to vector<16xf32>
      %max3A_1747 = arith.maximumf %add3A_1744, %max3A_1746 : vector<16xf32>
      %slice3A_1748 = vector.extract_strided_slice %get3A_1264 {offsets = [4], sizes = [1], strides = [1]} : vector<16xf32> to vector<1xf32>
      %squeeze3A_1749 = vector.extract %slice3A_1748[0] : f32 from vector<1xf32>
      %mul3A_1750 = vector.broadcast %squeeze3A_1749 : f32 to vector<16xf32>
      %mul3A_1751 = arith.mulf %max3A_1747, %mul3A_1750 : vector<16xf32>
      %add3A_1752 = arith.addf %add3A_1730, %mul3A_1751 : vector<16xf32>
      %neg3A_1753 = arith.constant 0.000000e+00 : f32
      %neg3A_1754 = vector.broadcast %neg3A_1753 : f32 to vector<16xf32>
      %neg3A_1755 = arith.subf %neg3A_1754, %add3A_1752 : vector<16xf32>
      %exp3A_1756 = math.exp %neg3A_1755 : vector<16xf32>
      %add3A_1757 = arith.constant 1.000000e+00 : f32
      %add3A_1758 = vector.broadcast %add3A_1757 : f32 to vector<16xf32>
      %add3A_1759 = arith.addf %add3A_1758, %exp3A_1756 : vector<16xf32>
      %div3A_1760 = arith.constant 1.000000e+00 : f32
      %div3A_1761 = vector.broadcast %div3A_1760 : f32 to vector<16xf32>
      %div3A_1762 = arith.divf %div3A_1761, %add3A_1759 : vector<16xf32>
      %swap3A_1763 = arith.constant 48 : index
      %swap3A_1764 = tpu.vector_load %arg33[%swap3A_1763] {strides = array<i32>} : memref<96xf32, #tpu.memory_space<vmem>>, vector<16xf32>,
      tpu.vector_store %arg33[%swap3A_1763], %div3A_1762 {strides = array<i32>} : memref<96xf32, #tpu.memory_space<vmem>>, vector<16xf32>,
      %slice3A_1765 = vector.extract_strided_slice %get3A_1264 {offsets = [5], sizes = [1], strides = [1]} : vector<16xf32> to vector<1xf32>
      %squeeze3A_1766 = vector.extract %slice3A_1765[0] : f32 from vector<1xf32>
      %broadcast_in_dim3A_1767 = vector.broadcast %squeeze3A_1766 : f32 to vector<16xf32>
      %get3A_1768 = arith.constant 0 : i32
      %get3A_1769 = arith.index_cast %get3A_1768 : i32 to index
      %get3A_1770 = arith.constant 64 : index
      %get3A_1771 = tpu.vector_load %arg27[%get3A_1769, %get3A_1770] {strides = array<i32>} : memref<15x80xf32, #tpu.memory_space<vmem>>, vector<16xf32>,
      %get3A_1772 = arith.constant 5 : i32
      %get3A_1773 = arith.index_cast %get3A_1772 : i32 to index
      %get3A_1774 = arith.constant 64 : index
      %get3A_1775 = tpu.vector_load %arg27[%get3A_1773, %get3A_1774] {strides = array<i32>} : memref<15x80xf32, #tpu.memory_space<vmem>>, vector<16xf32>,
      %get3A_1776 = arith.constant 10 : i32
      %get3A_1777 = arith.index_cast %get3A_1776 : i32 to index
      %get3A_1778 = arith.constant 64 : index
      %get3A_1779 = tpu.vector_load %arg27[%get3A_1777, %get3A_1778] {strides = array<i32>} : memref<15x80xf32, #tpu.memory_space<vmem>>, vector<16xf32>,
      %add3A_1780 = arith.addf %get3A_1771, %get3A_1775 : vector<16xf32>
      %add3A_1781 = arith.addf %add3A_1780, %get3A_1779 : vector<16xf32>
      %max3A_1782 = arith.constant 0.000000e+00 : f32
      %max3A_1783 = vector.broadcast %max3A_1782 : f32 to vector<16xf32>
      %max3A_1784 = arith.maximumf %add3A_1781, %max3A_1783 : vector<16xf32>
      %slice3A_1785 = vector.extract_strided_slice %get3A_1264 {offsets = [0], sizes = [1], strides = [1]} : vector<16xf32> to vector<1xf32>
      %squeeze3A_1786 = vector.extract %slice3A_1785[0] : f32 from vector<1xf32>
      %mul3A_1787 = vector.broadcast %squeeze3A_1786 : f32 to vector<16xf32>
      %mul3A_1788 = arith.mulf %max3A_1784, %mul3A_1787 : vector<16xf32>
      %add3A_1789 = arith.addf %broadcast_in_dim3A_1767, %mul3A_1788 : vector<16xf32>
      %get3A_1790 = arith.constant 1 : i32
      %get3A_1791 = arith.index_cast %get3A_1790 : i32 to index
      %get3A_1792 = arith.constant 64 : index
      %get3A_1793 = tpu.vector_load %arg27[%get3A_1791, %get3A_1792] {strides = array<i32>} : memref<15x80xf32, #tpu.memory_space<vmem>>, vector<16xf32>,
      %get3A_1794 = arith.constant 6 : i32
      %get3A_1795 = arith.index_cast %get3A_1794 : i32 to index
      %get3A_1796 = arith.constant 64 : index
      %get3A_1797 = tpu.vector_load %arg27[%get3A_1795, %get3A_1796] {strides = array<i32>} : memref<15x80xf32, #tpu.memory_space<vmem>>, vector<16xf32>,
      %get3A_1798 = arith.constant 11 : i32
      %get3A_1799 = arith.index_cast %get3A_1798 : i32 to index
      %get3A_1800 = arith.constant 64 : index
      %get3A_1801 = tpu.vector_load %arg27[%get3A_1799, %get3A_1800] {strides = array<i32>} : memref<15x80xf32, #tpu.memory_space<vmem>>, vector<16xf32>,
      %add3A_1802 = arith.addf %get3A_1793, %get3A_1797 : vector<16xf32>
      %add3A_1803 = arith.addf %add3A_1802, %get3A_1801 : vector<16xf32>
      %max3A_1804 = arith.constant 0.000000e+00 : f32
      %max3A_1805 = vector.broadcast %max3A_1804 : f32 to vector<16xf32>
      %max3A_1806 = arith.maximumf %add3A_1803, %max3A_1805 : vector<16xf32>
      %slice3A_1807 = vector.extract_strided_slice %get3A_1264 {offsets = [1], sizes = [1], strides = [1]} : vector<16xf32> to vector<1xf32>
      %squeeze3A_1808 = vector.extract %slice3A_1807[0] : f32 from vector<1xf32>
      %mul3A_1809 = vector.broadcast %squeeze3A_1808 : f32 to vector<16xf32>
      %mul3A_1810 = arith.mulf %max3A_1806, %mul3A_1809 : vector<16xf32>
      %add3A_1811 = arith.addf %add3A_1789, %mul3A_1810 : vector<16xf32>
      %get3A_1812 = arith.constant 2 : i32
      %get3A_1813 = arith.index_cast %get3A_1812 : i32 to index
      %get3A_1814 = arith.constant 64 : index
      %get3A_1815 = tpu.vector_load %arg27[%get3A_1813, %get3A_1814] {strides = array<i32>} : memref<15x80xf32, #tpu.memory_space<vmem>>, vector<16xf32>,
      %get3A_1816 = arith.constant 7 : i32
      %get3A_1817 = arith.index_cast %get3A_1816 : i32 to index
      %get3A_1818 = arith.constant 64 : index
      %get3A_1819 = tpu.vector_load %arg27[%get3A_1817, %get3A_1818] {strides = array<i32>} : memref<15x80xf32, #tpu.memory_space<vmem>>, vector<16xf32>,
      %get3A_1820 = arith.constant 12 : i32
      %get3A_1821 = arith.index_cast %get3A_1820 : i32 to index
      %get3A_1822 = arith.constant 64 : index
      %get3A_1823 = tpu.vector_load %arg27[%get3A_1821, %get3A_1822] {strides = array<i32>} : memref<15x80xf32, #tpu.memory_space<vmem>>, vector<16xf32>,
      %add3A_1824 = arith.addf %get3A_1815, %get3A_1819 : vector<16xf32>
      %add3A_1825 = arith.addf %add3A_1824, %get3A_1823 : vector<16xf32>
      %max3A_1826 = arith.constant 0.000000e+00 : f32
      %max3A_1827 = vector.broadcast %max3A_1826 : f32 to vector<16xf32>
      %max3A_1828 = arith.maximumf %add3A_1825, %max3A_1827 : vector<16xf32>
      %slice3A_1829 = vector.extract_strided_slice %get3A_1264 {offsets = [2], sizes = [1], strides = [1]} : vector<16xf32> to vector<1xf32>
      %squeeze3A_1830 = vector.extract %slice3A_1829[0] : f32 from vector<1xf32>
      %mul3A_1831 = vector.broadcast %squeeze3A_1830 : f32 to vector<16xf32>
      %mul3A_1832 = arith.mulf %max3A_1828, %mul3A_1831 : vector<16xf32>
      %add3A_1833 = arith.addf %add3A_1811, %mul3A_1832 : vector<16xf32>
      %get3A_1834 = arith.constant 3 : i32
      %get3A_1835 = arith.index_cast %get3A_1834 : i32 to index
      %get3A_1836 = arith.constant 64 : index
      %get3A_1837 = tpu.vector_load %arg27[%get3A_1835, %get3A_1836] {strides = array<i32>} : memref<15x80xf32, #tpu.memory_space<vmem>>, vector<16xf32>,
      %get3A_1838 = arith.constant 8 : i32
      %get3A_1839 = arith.index_cast %get3A_1838 : i32 to index
      %get3A_1840 = arith.constant 64 : index
      %get3A_1841 = tpu.vector_load %arg27[%get3A_1839, %get3A_1840] {strides = array<i32>} : memref<15x80xf32, #tpu.memory_space<vmem>>, vector<16xf32>,
      %get3A_1842 = arith.constant 13 : i32
      %get3A_1843 = arith.index_cast %get3A_1842 : i32 to index
      %get3A_1844 = arith.constant 64 : index
      %get3A_1845 = tpu.vector_load %arg27[%get3A_1843, %get3A_1844] {strides = array<i32>} : memref<15x80xf32, #tpu.memory_space<vmem>>, vector<16xf32>,
      %add3A_1846 = arith.addf %get3A_1837, %get3A_1841 : vector<16xf32>
      %add3A_1847 = arith.addf %add3A_1846, %get3A_1845 : vector<16xf32>
      %max3A_1848 = arith.constant 0.000000e+00 : f32
      %max3A_1849 = vector.broadcast %max3A_1848 : f32 to vector<16xf32>
      %max3A_1850 = arith.maximumf %add3A_1847, %max3A_1849 : vector<16xf32>
      %slice3A_1851 = vector.extract_strided_slice %get3A_1264 {offsets = [3], sizes = [1], strides = [1]} : vector<16xf32> to vector<1xf32>
      %squeeze3A_1852 = vector.extract %slice3A_1851[0] : f32 from vector<1xf32>
      %mul3A_1853 = vector.broadcast %squeeze3A_1852 : f32 to vector<16xf32>
      %mul3A_1854 = arith.mulf %max3A_1850, %mul3A_1853 : vector<16xf32>
      %add3A_1855 = arith.addf %add3A_1833, %mul3A_1854 : vector<16xf32>
      %get3A_1856 = arith.constant 4 : i32
      %get3A_1857 = arith.index_cast %get3A_1856 : i32 to index
      %get3A_1858 = arith.constant 64 : index
      %get3A_1859 = tpu.vector_load %arg27[%get3A_1857, %get3A_1858] {strides = array<i32>} : memref<15x80xf32, #tpu.memory_space<vmem>>, vector<16xf32>,
      %get3A_1860 = arith.constant 9 : i32
      %get3A_1861 = arith.index_cast %get3A_1860 : i32 to index
      %get3A_1862 = arith.constant 64 : index
      %get3A_1863 = tpu.vector_load %arg27[%get3A_1861, %get3A_1862] {strides = array<i32>} : memref<15x80xf32, #tpu.memory_space<vmem>>, vector<16xf32>,
      %get3A_1864 = arith.constant 14 : i32
      %get3A_1865 = arith.index_cast %get3A_1864 : i32 to index
      %get3A_1866 = arith.constant 64 : index
      %get3A_1867 = tpu.vector_load %arg27[%get3A_1865, %get3A_1866] {strides = array<i32>} : memref<15x80xf32, #tpu.memory_space<vmem>>, vector<16xf32>,
      %add3A_1868 = arith.addf %get3A_1859, %get3A_1863 : vector<16xf32>
      %add3A_1869 = arith.addf %add3A_1868, %get3A_1867 : vector<16xf32>
      %max3A_1870 = arith.constant 0.000000e+00 : f32
      %max3A_1871 = vector.broadcast %max3A_1870 : f32 to vector<16xf32>
      %max3A_1872 = arith.maximumf %add3A_1869, %max3A_1871 : vector<16xf32>
      %slice3A_1873 = vector.extract_strided_slice %get3A_1264 {offsets = [4], sizes = [1], strides = [1]} : vector<16xf32> to vector<1xf32>
      %squeeze3A_1874 = vector.extract %slice3A_1873[0] : f32 from vector<1xf32>
      %mul3A_1875 = vector.broadcast %squeeze3A_1874 : f32 to vector<16xf32>
      %mul3A_1876 = arith.mulf %max3A_1872, %mul3A_1875 : vector<16xf32>
      %add3A_1877 = arith.addf %add3A_1855, %mul3A_1876 : vector<16xf32>
      %neg3A_1878 = arith.constant 0.000000e+00 : f32
      %neg3A_1879 = vector.broadcast %neg3A_1878 : f32 to vector<16xf32>
      %neg3A_1880 = arith.subf %neg3A_1879, %add3A_1877 : vector<16xf32>
      %exp3A_1881 = math.exp %neg3A_1880 : vector<16xf32>
      %add3A_1882 = arith.constant 1.000000e+00 : f32
      %add3A_1883 = vector.broadcast %add3A_1882 : f32 to vector<16xf32>
      %add3A_1884 = arith.addf %add3A_1883, %exp3A_1881 : vector<16xf32>
      %div3A_1885 = arith.constant 1.000000e+00 : f32
      %div3A_1886 = vector.broadcast %div3A_1885 : f32 to vector<16xf32>
      %div3A_1887 = arith.divf %div3A_1886, %add3A_1884 : vector<16xf32>
      %swap3A_1888 = arith.constant 64 : index
      %swap3A_1889 = tpu.vector_load %arg33[%swap3A_1888] {strides = array<i32>} : memref<96xf32, #tpu.memory_space<vmem>>, vector<16xf32>,
      tpu.vector_store %arg33[%swap3A_1888], %div3A_1887 {strides = array<i32>} : memref<96xf32, #tpu.memory_space<vmem>>, vector<16xf32>,
      %scan3A_1890 = arith.constant 0 : i32
      %scan3A_1891 = arith.constant 0 : i32
      %scan3A_1892 = arith.constant 80 : i32
      %scan3A_1893 = arith.addi %scan3A_1891, %scan3A_1892 : i32
      %scan3A_1894 = arith.constant 1 : i32
      scf.for %scan3A_2836 = %scan3A_1891 to %scan3A_1893 step %scan3A_1894  : i32 {
        %get3A_2837 = arith.index_cast %scan3A_2836 : i32 to index
        %get3A_2838 = tpu.vector_load %arg33[%get3A_2837] {strides = array<i32>} : memref<96xf32, #tpu.memory_space<vmem>>, vector<16xf32>,
        %slice3A_2839 = vector.extract_strided_slice %get3A_2838 {offsets = [0], sizes = [1], strides = [1]} : vector<16xf32> to vector<1xf32>
        %squeeze3A_2840 = vector.extract %slice3A_2839[0] : f32 from vector<1xf32>
        %broadcast_in_dim3A_2841 = vector.broadcast %squeeze3A_2840 : f32 to vector<16xf32>
        %get3A_2842 = arith.index_cast %scan3A_2836 : i32 to index
        %get3A_2843 = arith.constant 0 : index
        %get3A_2844 = tpu.vector_load %arg29[%get3A_2842, %get3A_2843] {strides = array<i32>} : memref<80x128xf32, #tpu.memory_space<vmem>>, vector<16xf32>,
        %get3A_2845 = arith.index_cast %scan3A_2836 : i32 to index
        %get3A_2846 = arith.constant 0 : index
        %get3A_2847 = tpu.vector_load %arg31[%get3A_2845, %get3A_2846] {strides = array<i32>} : memref<80x128xf32, #tpu.memory_space<vmem>>, vector<16xf32>,
        %add3A_2848 = arith.addf %get3A_2844, %get3A_2847 : vector<16xf32>
        %mul3A_2849 = arith.mulf %broadcast_in_dim3A_2841, %add3A_2848 : vector<16xf32>
        %swap3A_2850 = arith.index_cast %scan3A_2836 : i32 to index
        %swap3A_2851 = arith.constant 0 : index
        %swap3A_2852 = tpu.vector_load %arg29[%swap3A_2850, %swap3A_2851] {strides = array<i32>} : memref<80x128xf32, #tpu.memory_space<vmem>>, vector<16xf32>,
        tpu.vector_store %arg29[%swap3A_2850, %swap3A_2851], %mul3A_2849 {strides = array<i32>} : memref<80x128xf32, #tpu.memory_space<vmem>>, vector<16xf32>,
        %get3A_2853 = arith.index_cast %scan3A_2836 : i32 to index
        %get3A_2854 = arith.constant 16 : index
        %get3A_2855 = tpu.vector_load %arg29[%get3A_2853, %get3A_2854] {strides = array<i32>} : memref<80x128xf32, #tpu.memory_space<vmem>>, vector<16xf32>,
        %get3A_2856 = arith.index_cast %scan3A_2836 : i32 to index
        %get3A_2857 = arith.constant 16 : index
        %get3A_2858 = tpu.vector_load %arg31[%get3A_2856, %get3A_2857] {strides = array<i32>} : memref<80x128xf32, #tpu.memory_space<vmem>>, vector<16xf32>,
        %add3A_2859 = arith.addf %get3A_2855, %get3A_2858 : vector<16xf32>
        %mul3A_2860 = arith.mulf %broadcast_in_dim3A_2841, %add3A_2859 : vector<16xf32>
        %swap3A_2861 = arith.index_cast %scan3A_2836 : i32 to index
        %swap3A_2862 = arith.constant 16 : index
        %swap3A_2863 = tpu.vector_load %arg29[%swap3A_2861, %swap3A_2862] {strides = array<i32>} : memref<80x128xf32, #tpu.memory_space<vmem>>, vector<16xf32>,
        tpu.vector_store %arg29[%swap3A_2861, %swap3A_2862], %mul3A_2860 {strides = array<i32>} : memref<80x128xf32, #tpu.memory_space<vmem>>, vector<16xf32>,
        %get3A_2864 = arith.index_cast %scan3A_2836 : i32 to index
        %get3A_2865 = arith.constant 32 : index
        %get3A_2866 = tpu.vector_load %arg29[%get3A_2864, %get3A_2865] {strides = array<i32>} : memref<80x128xf32, #tpu.memory_space<vmem>>, vector<16xf32>,
        %get3A_2867 = arith.index_cast %scan3A_2836 : i32 to index
        %get3A_2868 = arith.constant 32 : index
        %get3A_2869 = tpu.vector_load %arg31[%get3A_2867, %get3A_2868] {strides = array<i32>} : memref<80x128xf32, #tpu.memory_space<vmem>>, vector<16xf32>,
        %add3A_2870 = arith.addf %get3A_2866, %get3A_2869 : vector<16xf32>
        %mul3A_2871 = arith.mulf %broadcast_in_dim3A_2841, %add3A_2870 : vector<16xf32>
        %swap3A_2872 = arith.index_cast %scan3A_2836 : i32 to index
        %swap3A_2873 = arith.constant 32 : index
        %swap3A_2874 = tpu.vector_load %arg29[%swap3A_2872, %swap3A_2873] {strides = array<i32>} : memref<80x128xf32, #tpu.memory_space<vmem>>, vector<16xf32>,
        tpu.vector_store %arg29[%swap3A_2872, %swap3A_2873], %mul3A_2871 {strides = array<i32>} : memref<80x128xf32, #tpu.memory_space<vmem>>, vector<16xf32>,
        %get3A_2875 = arith.index_cast %scan3A_2836 : i32 to index
        %get3A_2876 = arith.constant 48 : index
        %get3A_2877 = tpu.vector_load %arg29[%get3A_2875, %get3A_2876] {strides = array<i32>} : memref<80x128xf32, #tpu.memory_space<vmem>>, vector<16xf32>,
        %get3A_2878 = arith.index_cast %scan3A_2836 : i32 to index
        %get3A_2879 = arith.constant 48 : index
        %get3A_2880 = tpu.vector_load %arg31[%get3A_2878, %get3A_2879] {strides = array<i32>} : memref<80x128xf32, #tpu.memory_space<vmem>>, vector<16xf32>,
        %add3A_2881 = arith.addf %get3A_2877, %get3A_2880 : vector<16xf32>
        %mul3A_2882 = arith.mulf %broadcast_in_dim3A_2841, %add3A_2881 : vector<16xf32>
        %swap3A_2883 = arith.index_cast %scan3A_2836 : i32 to index
        %swap3A_2884 = arith.constant 48 : index
        %swap3A_2885 = tpu.vector_load %arg29[%swap3A_2883, %swap3A_2884] {strides = array<i32>} : memref<80x128xf32, #tpu.memory_space<vmem>>, vector<16xf32>,
        tpu.vector_store %arg29[%swap3A_2883, %swap3A_2884], %mul3A_2882 {strides = array<i32>} : memref<80x128xf32, #tpu.memory_space<vmem>>, vector<16xf32>,
        %get3A_2886 = arith.index_cast %scan3A_2836 : i32 to index
        %get3A_2887 = arith.constant 64 : index
        %get3A_2888 = tpu.vector_load %arg29[%get3A_2886, %get3A_2887] {strides = array<i32>} : memref<80x128xf32, #tpu.memory_space<vmem>>, vector<16xf32>,
        %get3A_2889 = arith.index_cast %scan3A_2836 : i32 to index
        %get3A_2890 = arith.constant 64 : index
        %get3A_2891 = tpu.vector_load %arg31[%get3A_2889, %get3A_2890] {strides = array<i32>} : memref<80x128xf32, #tpu.memory_space<vmem>>, vector<16xf32>,
        %add3A_2892 = arith.addf %get3A_2888, %get3A_2891 : vector<16xf32>
        %mul3A_2893 = arith.mulf %broadcast_in_dim3A_2841, %add3A_2892 : vector<16xf32>
        %swap3A_2894 = arith.index_cast %scan3A_2836 : i32 to index
        %swap3A_2895 = arith.constant 64 : index
        %swap3A_2896 = tpu.vector_load %arg29[%swap3A_2894, %swap3A_2895] {strides = array<i32>} : memref<80x128xf32, #tpu.memory_space<vmem>>, vector<16xf32>,
        tpu.vector_store %arg29[%swap3A_2894, %swap3A_2895], %mul3A_2893 {strides = array<i32>} : memref<80x128xf32, #tpu.memory_space<vmem>>, vector<16xf32>,
        %get3A_2897 = arith.index_cast %scan3A_2836 : i32 to index
        %get3A_2898 = arith.constant 80 : index
        %get3A_2899 = tpu.vector_load %arg29[%get3A_2897, %get3A_2898] {strides = array<i32>} : memref<80x128xf32, #tpu.memory_space<vmem>>, vector<16xf32>,
        %get3A_2900 = arith.index_cast %scan3A_2836 : i32 to index
        %get3A_2901 = arith.constant 80 : index
        %get3A_2902 = tpu.vector_load %arg31[%get3A_2900, %get3A_2901] {strides = array<i32>} : memref<80x128xf32, #tpu.memory_space<vmem>>, vector<16xf32>,
        %add3A_2903 = arith.addf %get3A_2899, %get3A_2902 : vector<16xf32>
        %mul3A_2904 = arith.mulf %broadcast_in_dim3A_2841, %add3A_2903 : vector<16xf32>
        %swap3A_2905 = arith.index_cast %scan3A_2836 : i32 to index
        %swap3A_2906 = arith.constant 80 : index
        %swap3A_2907 = tpu.vector_load %arg29[%swap3A_2905, %swap3A_2906] {strides = array<i32>} : memref<80x128xf32, #tpu.memory_space<vmem>>, vector<16xf32>,
        tpu.vector_store %arg29[%swap3A_2905, %swap3A_2906], %mul3A_2904 {strides = array<i32>} : memref<80x128xf32, #tpu.memory_space<vmem>>, vector<16xf32>,
        %get3A_2908 = arith.index_cast %scan3A_2836 : i32 to index
        %get3A_2909 = arith.constant 96 : index
        %get3A_2910 = tpu.vector_load %arg29[%get3A_2908, %get3A_2909] {strides = array<i32>} : memref<80x128xf32, #tpu.memory_space<vmem>>, vector<16xf32>,
        %get3A_2911 = arith.index_cast %scan3A_2836 : i32 to index
        %get3A_2912 = arith.constant 96 : index
        %get3A_2913 = tpu.vector_load %arg31[%get3A_2911, %get3A_2912] {strides = array<i32>} : memref<80x128xf32, #tpu.memory_space<vmem>>, vector<16xf32>,
        %add3A_2914 = arith.addf %get3A_2910, %get3A_2913 : vector<16xf32>
        %mul3A_2915 = arith.mulf %broadcast_in_dim3A_2841, %add3A_2914 : vector<16xf32>
        %swap3A_2916 = arith.index_cast %scan3A_2836 : i32 to index
        %swap3A_2917 = arith.constant 96 : index
        %swap3A_2918 = tpu.vector_load %arg29[%swap3A_2916, %swap3A_2917] {strides = array<i32>} : memref<80x128xf32, #tpu.memory_space<vmem>>, vector<16xf32>,
        tpu.vector_store %arg29[%swap3A_2916, %swap3A_2917], %mul3A_2915 {strides = array<i32>} : memref<80x128xf32, #tpu.memory_space<vmem>>, vector<16xf32>,
        %get3A_2919 = arith.index_cast %scan3A_2836 : i32 to index
        %get3A_2920 = arith.constant 112 : index
        %get3A_2921 = tpu.vector_load %arg29[%get3A_2919, %get3A_2920] {strides = array<i32>} : memref<80x128xf32, #tpu.memory_space<vmem>>, vector<16xf32>,
        %get3A_2922 = arith.index_cast %scan3A_2836 : i32 to index
        %get3A_2923 = arith.constant 112 : index
        %get3A_2924 = tpu.vector_load %arg31[%get3A_2922, %get3A_2923] {strides = array<i32>} : memref<80x128xf32, #tpu.memory_space<vmem>>, vector<16xf32>,
        %add3A_2925 = arith.addf %get3A_2921, %get3A_2924 : vector<16xf32>
        %mul3A_2926 = arith.mulf %broadcast_in_dim3A_2841, %add3A_2925 : vector<16xf32>
        %swap3A_2927 = arith.index_cast %scan3A_2836 : i32 to index
        %swap3A_2928 = arith.constant 112 : index
        %swap3A_2929 = tpu.vector_load %arg29[%swap3A_2927, %swap3A_2928] {strides = array<i32>} : memref<80x128xf32, #tpu.memory_space<vmem>>, vector<16xf32>,
        tpu.vector_store %arg29[%swap3A_2927, %swap3A_2928], %mul3A_2926 {strides = array<i32>} : memref<80x128xf32, #tpu.memory_space<vmem>>, vector<16xf32>,
      }
      %scan3A_1895 = arith.constant 80 : i32
      %run_scoped3A_1896 = arith.constant 3 : i32
      "tpu.region"() ({
        %run_scoped3A_2836 = tpu.sem_alloc : memref<!tpu.dma_semaphore, #tpu.memory_space<semaphore_mem>>
        %dma_start3A_2837 = arith.constant 0 : i32
        %dma_start3A_2838 = tpu.memref_slice %arg23[%run_scoped3A_1896, %dma_start3A_2837] : memref<4x80xi32, #tpu.memory_space<vmem>> -> memref<1x80xi32, #tpu.memory_space<vmem>>
        %dma_start3A_2839 = tpu.memref_squeeze %dma_start3A_2838 : memref<1x80xi32, #tpu.memory_space<vmem>> -> memref<80xi32, #tpu.memory_space<vmem>>
        %dma_start3A_2840 = arith.constant 0 : i32
        %dma_start3A_2841 = arith.constant 0 : i32
        %dma_start3A_2842 = tpu.memref_slice %arg35[%dma_start3A_2840, %dma_start3A_2841] : memref<10000x128xf32, #tpu.memory_space<vmem_shared>> -> memref<10000x128xf32, #tpu.memory_space<vmem_shared>>
        tpu.enqueue_indirect_dma source(%arg29 : memref<80x128xf32, #tpu.memory_space<vmem>>) target(%dma_start3A_2842 : memref<10000x128xf32, #tpu.memory_space<vmem_shared>>) offsets(%dma_start3A_2839 : memref<80xi32, #tpu.memory_space<vmem>>) semaphore(%run_scoped3A_2836 : memref<!tpu.dma_semaphore, #tpu.memory_space<semaphore_mem>>) {add = true}
        %dma_wait3A_2843 = arith.constant 0 : i32
        %dma_wait3A_2844 = tpu.memref_slice %arg23[%run_scoped3A_1896, %dma_wait3A_2843] : memref<4x80xi32, #tpu.memory_space<vmem>> -> memref<1x80xi32, #tpu.memory_space<vmem>>
        %dma_wait3A_2845 = tpu.memref_squeeze %dma_wait3A_2844 : memref<1x80xi32, #tpu.memory_space<vmem>> -> memref<80xi32, #tpu.memory_space<vmem>>
        %dma_wait3A_2846 = arith.constant 0 : i32
        %dma_wait3A_2847 = arith.constant 0 : i32
        %dma_wait3A_2848 = tpu.memref_slice %arg35[%dma_wait3A_2846, %dma_wait3A_2847] : memref<10000x128xf32, #tpu.memory_space<vmem_shared>> -> memref<10000x128xf32, #tpu.memory_space<vmem_shared>>
        tpu.wait_indirect_dma semaphore(%run_scoped3A_2836 : memref<!tpu.dma_semaphore, #tpu.memory_space<semaphore_mem>>) src(%arg29 : memref<80x128xf32, #tpu.memory_space<vmem>>) dst(%dma_wait3A_2848 : memref<10000x128xf32, #tpu.memory_space<vmem_shared>>)
        tpu.yield
      }) : () -> ()
      %dma_wait3A_1897 = arith.constant 2 : i32
      %dma_wait3A_1898 = arith.constant 0 : i32
      %dma_wait3A_1899 = tpu.memref_slice %arg24[%dma_wait3A_1897, %dma_wait3A_1898] : memref<4x80xi32, #tpu.memory_space<vmem>> -> memref<1x80xi32, #tpu.memory_space<vmem>>
      %dma_wait3A_1900 = tpu.memref_squeeze %dma_wait3A_1899 : memref<1x80xi32, #tpu.memory_space<vmem>> -> memref<80xi32, #tpu.memory_space<vmem>>
      %dma_wait3A_1901 = arith.constant 0 : i32
      %dma_wait3A_1902 = tpu.memref_slice %arg3[%dma_wait3A_1901] : memref<10000xi32, #tpu.memory_space<hbm>> -> memref<10000xi32, #tpu.memory_space<hbm>>
      tpu.wait_indirect_dma semaphore(%arg39 : memref<!tpu.dma_semaphore, #tpu.memory_space<semaphore_mem>>) src(%dma_wait3A_1902 : memref<10000xi32, #tpu.memory_space<hbm>>) dst(%arg26 : memref<80xi32, #tpu.memory_space<vmem>>)
      %dma_start3A_1903 = arith.constant 10 : i32
      %dma_start3A_1904 = arith.constant 0 : i32
      %dma_start3A_1905 = tpu.memref_slice %arg28[%dma_start3A_1903, %dma_start3A_1904] : memref<15x80xf32, #tpu.memory_space<vmem>> -> memref<1x80xf32, #tpu.memory_space<vmem>>
      %dma_start3A_1906 = tpu.memref_squeeze %dma_start3A_1905 : memref<1x80xf32, #tpu.memory_space<vmem>> -> memref<80xf32, #tpu.memory_space<vmem>>
      %dma_start3A_1907 = arith.constant 0 : i32
      %dma_start3A_1908 = tpu.memref_slice %arg17[%dma_start3A_1907] : memref<10000xf32, #tpu.memory_space<hbm>> -> memref<10000xf32, #tpu.memory_space<hbm>>
      tpu.enqueue_indirect_dma source(%dma_start3A_1908 : memref<10000xf32, #tpu.memory_space<hbm>>) target(%dma_start3A_1906 : memref<80xf32, #tpu.memory_space<vmem>>) offsets(%arg26 : memref<80xi32, #tpu.memory_space<vmem>>) semaphore(%arg37 : memref<!tpu.dma_semaphore, #tpu.memory_space<semaphore_mem>>)
      %dma_start3A_1909 = arith.constant 11 : i32
      %dma_start3A_1910 = arith.constant 0 : i32
      %dma_start3A_1911 = tpu.memref_slice %arg28[%dma_start3A_1909, %dma_start3A_1910] : memref<15x80xf32, #tpu.memory_space<vmem>> -> memref<1x80xf32, #tpu.memory_space<vmem>>
      %dma_start3A_1912 = tpu.memref_squeeze %dma_start3A_1911 : memref<1x80xf32, #tpu.memory_space<vmem>> -> memref<80xf32, #tpu.memory_space<vmem>>
      %dma_start3A_1913 = arith.constant 0 : i32
      %dma_start3A_1914 = tpu.memref_slice %arg18[%dma_start3A_1913] : memref<10000xf32, #tpu.memory_space<hbm>> -> memref<10000xf32, #tpu.memory_space<hbm>>
      tpu.enqueue_indirect_dma source(%dma_start3A_1914 : memref<10000xf32, #tpu.memory_space<hbm>>) target(%dma_start3A_1912 : memref<80xf32, #tpu.memory_space<vmem>>) offsets(%arg26 : memref<80xi32, #tpu.memory_space<vmem>>) semaphore(%arg37 : memref<!tpu.dma_semaphore, #tpu.memory_space<semaphore_mem>>)
      %dma_start3A_1915 = arith.constant 12 : i32
      %dma_start3A_1916 = arith.constant 0 : i32
      %dma_start3A_1917 = tpu.memref_slice %arg28[%dma_start3A_1915, %dma_start3A_1916] : memref<15x80xf32, #tpu.memory_space<vmem>> -> memref<1x80xf32, #tpu.memory_space<vmem>>
      %dma_start3A_1918 = tpu.memref_squeeze %dma_start3A_1917 : memref<1x80xf32, #tpu.memory_space<vmem>> -> memref<80xf32, #tpu.memory_space<vmem>>
      %dma_start3A_1919 = arith.constant 0 : i32
      %dma_start3A_1920 = tpu.memref_slice %arg19[%dma_start3A_1919] : memref<10000xf32, #tpu.memory_space<hbm>> -> memref<10000xf32, #tpu.memory_space<hbm>>
      tpu.enqueue_indirect_dma source(%dma_start3A_1920 : memref<10000xf32, #tpu.memory_space<hbm>>) target(%dma_start3A_1918 : memref<80xf32, #tpu.memory_space<vmem>>) offsets(%arg26 : memref<80xi32, #tpu.memory_space<vmem>>) semaphore(%arg37 : memref<!tpu.dma_semaphore, #tpu.memory_space<semaphore_mem>>)
      %dma_start3A_1921 = arith.constant 13 : i32
      %dma_start3A_1922 = arith.constant 0 : i32
      %dma_start3A_1923 = tpu.memref_slice %arg28[%dma_start3A_1921, %dma_start3A_1922] : memref<15x80xf32, #tpu.memory_space<vmem>> -> memref<1x80xf32, #tpu.memory_space<vmem>>
      %dma_start3A_1924 = tpu.memref_squeeze %dma_start3A_1923 : memref<1x80xf32, #tpu.memory_space<vmem>> -> memref<80xf32, #tpu.memory_space<vmem>>
      %dma_start3A_1925 = arith.constant 0 : i32
      %dma_start3A_1926 = tpu.memref_slice %arg20[%dma_start3A_1925] : memref<10000xf32, #tpu.memory_space<hbm>> -> memref<10000xf32, #tpu.memory_space<hbm>>
      tpu.enqueue_indirect_dma source(%dma_start3A_1926 : memref<10000xf32, #tpu.memory_space<hbm>>) target(%dma_start3A_1924 : memref<80xf32, #tpu.memory_space<vmem>>) offsets(%arg26 : memref<80xi32, #tpu.memory_space<vmem>>) semaphore(%arg37 : memref<!tpu.dma_semaphore, #tpu.memory_space<semaphore_mem>>)
      %dma_start3A_1927 = arith.constant 14 : i32
      %dma_start3A_1928 = arith.constant 0 : i32
      %dma_start3A_1929 = tpu.memref_slice %arg28[%dma_start3A_1927, %dma_start3A_1928] : memref<15x80xf32, #tpu.memory_space<vmem>> -> memref<1x80xf32, #tpu.memory_space<vmem>>
      %dma_start3A_1930 = tpu.memref_squeeze %dma_start3A_1929 : memref<1x80xf32, #tpu.memory_space<vmem>> -> memref<80xf32, #tpu.memory_space<vmem>>
      %dma_start3A_1931 = arith.constant 0 : i32
      %dma_start3A_1932 = tpu.memref_slice %arg21[%dma_start3A_1931] : memref<10000xf32, #tpu.memory_space<hbm>> -> memref<10000xf32, #tpu.memory_space<hbm>>
      tpu.enqueue_indirect_dma source(%dma_start3A_1932 : memref<10000xf32, #tpu.memory_space<hbm>>) target(%dma_start3A_1930 : memref<80xf32, #tpu.memory_space<vmem>>) offsets(%arg26 : memref<80xi32, #tpu.memory_space<vmem>>) semaphore(%arg37 : memref<!tpu.dma_semaphore, #tpu.memory_space<semaphore_mem>>)
      %add3A_1933 = arith.constant 2 : i32
      %add3A_1934 = arith.addi %mul3A_957, %add3A_1933 : i32
      %mul3A_1935 = arith.constant 32 : i32
      %mul3A_1936 = arith.muli %mul3A_1935, %add3A_1934 : i32
      %add3A_1937 = arith.addi %add3A, %mul3A_1936 : i32
      "tpu.region"() ({
        %run_scoped3A_2836 = tpu.sem_alloc : memref<!tpu.dma_semaphore, #tpu.memory_space<semaphore_mem>>
        %dma_start3A_2837 = arith.constant 0 : i32
        %dma_start3A_2838 = arith.constant 0 : i32
        %dma_start3A_2839 = tpu.memref_slice %arg2[%add3A_1937, %dma_start3A_2837, %dma_start3A_2838] : memref<4000x4x80xi32, #tpu.memory_space<hbm>> -> memref<1x4x80xi32, #tpu.memory_space<hbm>>
        %dma_start3A_2840 = tpu.memref_squeeze %dma_start3A_2839 : memref<1x4x80xi32, #tpu.memory_space<hbm>> -> memref<4x80xi32, #tpu.memory_space<hbm>>
        %dma_start3A_2841 = arith.constant 0 : i32
        %dma_start3A_2842 = arith.constant 0 : i32
        %dma_start3A_2843 = tpu.memref_slice %arg2[%add3A_1937, %dma_start3A_2841, %dma_start3A_2842] : memref<4000x4x80xi32, #tpu.memory_space<hbm>> -> memref<1x4x80xi32, #tpu.memory_space<hbm>>
        %dma_start3A_2844 = tpu.memref_squeeze %dma_start3A_2843 : memref<1x4x80xi32, #tpu.memory_space<hbm>> -> memref<4x80xi32, #tpu.memory_space<hbm>>
        tpu.enqueue_dma source(%dma_start3A_2844 : memref<4x80xi32, #tpu.memory_space<hbm>>) target(%arg23 : memref<4x80xi32, #tpu.memory_space<vmem>>) target_semaphore(%run_scoped3A_2836 : memref<!tpu.dma_semaphore, #tpu.memory_space<semaphore_mem>>)
        %dma_wait3A_2845 = arith.constant 0 : i32
        %dma_wait3A_2846 = arith.constant 0 : i32
        %dma_wait3A_2847 = tpu.memref_slice %arg2[%add3A_1937, %dma_wait3A_2845, %dma_wait3A_2846] : memref<4000x4x80xi32, #tpu.memory_space<hbm>> -> memref<1x4x80xi32, #tpu.memory_space<hbm>>
        %dma_wait3A_2848 = tpu.memref_squeeze %dma_wait3A_2847 : memref<1x4x80xi32, #tpu.memory_space<hbm>> -> memref<4x80xi32, #tpu.memory_space<hbm>>
        %dma_wait3A_2849 = arith.constant 0 : i32
        %dma_wait3A_2850 = arith.constant 0 : i32
        %dma_wait3A_2851 = tpu.memref_slice %arg2[%add3A_1937, %dma_wait3A_2849, %dma_wait3A_2850] : memref<4000x4x80xi32, #tpu.memory_space<hbm>> -> memref<1x4x80xi32, #tpu.memory_space<hbm>>
        %dma_wait3A_2852 = tpu.memref_squeeze %dma_wait3A_2851 : memref<1x4x80xi32, #tpu.memory_space<hbm>> -> memref<4x80xi32, #tpu.memory_space<hbm>>
        tpu.wait_dma2 semaphore(%run_scoped3A_2836 : memref<!tpu.dma_semaphore, #tpu.memory_space<semaphore_mem>>) src(%dma_wait3A_2852 : memref<4x80xi32, #tpu.memory_space<hbm>>) dst(%arg23 : memref<4x80xi32, #tpu.memory_space<vmem>>)
        tpu.yield
      }) : () -> ()
      %dma_start3A_1938 = arith.constant 2 : i32
      %dma_start3A_1939 = arith.constant 0 : i32
      %dma_start3A_1940 = tpu.memref_slice %arg23[%dma_start3A_1938, %dma_start3A_1939] : memref<4x80xi32, #tpu.memory_space<vmem>> -> memref<1x80xi32, #tpu.memory_space<vmem>>
      %dma_start3A_1941 = tpu.memref_squeeze %dma_start3A_1940 : memref<1x80xi32, #tpu.memory_space<vmem>> -> memref<80xi32, #tpu.memory_space<vmem>>
      %dma_start3A_1942 = arith.constant 0 : i32
      %dma_start3A_1943 = tpu.memref_slice %arg3[%dma_start3A_1942] : memref<10000xi32, #tpu.memory_space<hbm>> -> memref<10000xi32, #tpu.memory_space<hbm>>
      tpu.enqueue_indirect_dma source(%dma_start3A_1943 : memref<10000xi32, #tpu.memory_space<hbm>>) target(%arg25 : memref<80xi32, #tpu.memory_space<vmem>>) offsets(%dma_start3A_1941 : memref<80xi32, #tpu.memory_space<vmem>>) semaphore(%arg38 : memref<!tpu.dma_semaphore, #tpu.memory_space<semaphore_mem>>)
      %dma_start3A_1944 = arith.constant 0 : i32
      %dma_start3A_1945 = arith.constant 0 : i32
      %dma_start3A_1946 = arith.constant 0 : i32
      %dma_start3A_1947 = tpu.memref_slice %arg27[%dma_start3A_1945, %dma_start3A_1946] : memref<15x80xf32, #tpu.memory_space<vmem>> -> memref<1x80xf32, #tpu.memory_space<vmem>>
      %dma_start3A_1948 = tpu.memref_squeeze %dma_start3A_1947 : memref<1x80xf32, #tpu.memory_space<vmem>> -> memref<80xf32, #tpu.memory_space<vmem>>
      %dma_start3A_1949 = arith.constant 0 : i32
      %dma_start3A_1950 = tpu.memref_slice %arg23[%dma_start3A_1944, %dma_start3A_1949] : memref<4x80xi32, #tpu.memory_space<vmem>> -> memref<1x80xi32, #tpu.memory_space<vmem>>
      %dma_start3A_1951 = tpu.memref_squeeze %dma_start3A_1950 : memref<1x80xi32, #tpu.memory_space<vmem>> -> memref<80xi32, #tpu.memory_space<vmem>>
      %dma_start3A_1952 = arith.constant 0 : i32
      %dma_start3A_1953 = tpu.memref_slice %arg7[%dma_start3A_1952] : memref<10000xf32, #tpu.memory_space<hbm>> -> memref<10000xf32, #tpu.memory_space<hbm>>
      tpu.enqueue_indirect_dma source(%dma_start3A_1953 : memref<10000xf32, #tpu.memory_space<hbm>>) target(%dma_start3A_1948 : memref<80xf32, #tpu.memory_space<vmem>>) offsets(%dma_start3A_1951 : memref<80xi32, #tpu.memory_space<vmem>>) semaphore(%arg36 : memref<!tpu.dma_semaphore, #tpu.memory_space<semaphore_mem>>)
      %dma_start3A_1954 = arith.constant 1 : i32
      %dma_start3A_1955 = arith.constant 5 : i32
      %dma_start3A_1956 = arith.constant 0 : i32
      %dma_start3A_1957 = tpu.memref_slice %arg27[%dma_start3A_1955, %dma_start3A_1956] : memref<15x80xf32, #tpu.memory_space<vmem>> -> memref<1x80xf32, #tpu.memory_space<vmem>>
      %dma_start3A_1958 = tpu.memref_squeeze %dma_start3A_1957 : memref<1x80xf32, #tpu.memory_space<vmem>> -> memref<80xf32, #tpu.memory_space<vmem>>
      %dma_start3A_1959 = arith.constant 0 : i32
      %dma_start3A_1960 = tpu.memref_slice %arg23[%dma_start3A_1954, %dma_start3A_1959] : memref<4x80xi32, #tpu.memory_space<vmem>> -> memref<1x80xi32, #tpu.memory_space<vmem>>
      %dma_start3A_1961 = tpu.memref_squeeze %dma_start3A_1960 : memref<1x80xi32, #tpu.memory_space<vmem>> -> memref<80xi32, #tpu.memory_space<vmem>>
      %dma_start3A_1962 = arith.constant 0 : i32
      %dma_start3A_1963 = tpu.memref_slice %arg12[%dma_start3A_1962] : memref<10000xf32, #tpu.memory_space<hbm>> -> memref<10000xf32, #tpu.memory_space<hbm>>
      tpu.enqueue_indirect_dma source(%dma_start3A_1963 : memref<10000xf32, #tpu.memory_space<hbm>>) target(%dma_start3A_1958 : memref<80xf32, #tpu.memory_space<vmem>>) offsets(%dma_start3A_1961 : memref<80xi32, #tpu.memory_space<vmem>>) semaphore(%arg36 : memref<!tpu.dma_semaphore, #tpu.memory_space<semaphore_mem>>)
      %dma_start3A_1964 = arith.constant 0 : i32
      %dma_start3A_1965 = arith.constant 1 : i32
      %dma_start3A_1966 = arith.constant 0 : i32
      %dma_start3A_1967 = tpu.memref_slice %arg27[%dma_start3A_1965, %dma_start3A_1966] : memref<15x80xf32, #tpu.memory_space<vmem>> -> memref<1x80xf32, #tpu.memory_space<vmem>>
      %dma_start3A_1968 = tpu.memref_squeeze %dma_start3A_1967 : memref<1x80xf32, #tpu.memory_space<vmem>> -> memref<80xf32, #tpu.memory_space<vmem>>
      %dma_start3A_1969 = arith.constant 0 : i32
      %dma_start3A_1970 = tpu.memref_slice %arg23[%dma_start3A_1964, %dma_start3A_1969] : memref<4x80xi32, #tpu.memory_space<vmem>> -> memref<1x80xi32, #tpu.memory_space<vmem>>
      %dma_start3A_1971 = tpu.memref_squeeze %dma_start3A_1970 : memref<1x80xi32, #tpu.memory_space<vmem>> -> memref<80xi32, #tpu.memory_space<vmem>>
      %dma_start3A_1972 = arith.constant 0 : i32
      %dma_start3A_1973 = tpu.memref_slice %arg8[%dma_start3A_1972] : memref<10000xf32, #tpu.memory_space<hbm>> -> memref<10000xf32, #tpu.memory_space<hbm>>
      tpu.enqueue_indirect_dma source(%dma_start3A_1973 : memref<10000xf32, #tpu.memory_space<hbm>>) target(%dma_start3A_1968 : memref<80xf32, #tpu.memory_space<vmem>>) offsets(%dma_start3A_1971 : memref<80xi32, #tpu.memory_space<vmem>>) semaphore(%arg36 : memref<!tpu.dma_semaphore, #tpu.memory_space<semaphore_mem>>)
      %dma_start3A_1974 = arith.constant 1 : i32
      %dma_start3A_1975 = arith.constant 6 : i32
      %dma_start3A_1976 = arith.constant 0 : i32
      %dma_start3A_1977 = tpu.memref_slice %arg27[%dma_start3A_1975, %dma_start3A_1976] : memref<15x80xf32, #tpu.memory_space<vmem>> -> memref<1x80xf32, #tpu.memory_space<vmem>>
      %dma_start3A_1978 = tpu.memref_squeeze %dma_start3A_1977 : memref<1x80xf32, #tpu.memory_space<vmem>> -> memref<80xf32, #tpu.memory_space<vmem>>
      %dma_start3A_1979 = arith.constant 0 : i32
      %dma_start3A_1980 = tpu.memref_slice %arg23[%dma_start3A_1974, %dma_start3A_1979] : memref<4x80xi32, #tpu.memory_space<vmem>> -> memref<1x80xi32, #tpu.memory_space<vmem>>
      %dma_start3A_1981 = tpu.memref_squeeze %dma_start3A_1980 : memref<1x80xi32, #tpu.memory_space<vmem>> -> memref<80xi32, #tpu.memory_space<vmem>>
      %dma_start3A_1982 = arith.constant 0 : i32
      %dma_start3A_1983 = tpu.memref_slice %arg13[%dma_start3A_1982] : memref<10000xf32, #tpu.memory_space<hbm>> -> memref<10000xf32, #tpu.memory_space<hbm>>
      tpu.enqueue_indirect_dma source(%dma_start3A_1983 : memref<10000xf32, #tpu.memory_space<hbm>>) target(%dma_start3A_1978 : memref<80xf32, #tpu.memory_space<vmem>>) offsets(%dma_start3A_1981 : memref<80xi32, #tpu.memory_space<vmem>>) semaphore(%arg36 : memref<!tpu.dma_semaphore, #tpu.memory_space<semaphore_mem>>)
      %dma_start3A_1984 = arith.constant 0 : i32
      %dma_start3A_1985 = arith.constant 2 : i32
      %dma_start3A_1986 = arith.constant 0 : i32
      %dma_start3A_1987 = tpu.memref_slice %arg27[%dma_start3A_1985, %dma_start3A_1986] : memref<15x80xf32, #tpu.memory_space<vmem>> -> memref<1x80xf32, #tpu.memory_space<vmem>>
      %dma_start3A_1988 = tpu.memref_squeeze %dma_start3A_1987 : memref<1x80xf32, #tpu.memory_space<vmem>> -> memref<80xf32, #tpu.memory_space<vmem>>
      %dma_start3A_1989 = arith.constant 0 : i32
      %dma_start3A_1990 = tpu.memref_slice %arg23[%dma_start3A_1984, %dma_start3A_1989] : memref<4x80xi32, #tpu.memory_space<vmem>> -> memref<1x80xi32, #tpu.memory_space<vmem>>
      %dma_start3A_1991 = tpu.memref_squeeze %dma_start3A_1990 : memref<1x80xi32, #tpu.memory_space<vmem>> -> memref<80xi32, #tpu.memory_space<vmem>>
      %dma_start3A_1992 = arith.constant 0 : i32
      %dma_start3A_1993 = tpu.memref_slice %arg9[%dma_start3A_1992] : memref<10000xf32, #tpu.memory_space<hbm>> -> memref<10000xf32, #tpu.memory_space<hbm>>
      tpu.enqueue_indirect_dma source(%dma_start3A_1993 : memref<10000xf32, #tpu.memory_space<hbm>>) target(%dma_start3A_1988 : memref<80xf32, #tpu.memory_space<vmem>>) offsets(%dma_start3A_1991 : memref<80xi32, #tpu.memory_space<vmem>>) semaphore(%arg36 : memref<!tpu.dma_semaphore, #tpu.memory_space<semaphore_mem>>)
      %dma_start3A_1994 = arith.constant 1 : i32
      %dma_start3A_1995 = arith.constant 7 : i32
      %dma_start3A_1996 = arith.constant 0 : i32
      %dma_start3A_1997 = tpu.memref_slice %arg27[%dma_start3A_1995, %dma_start3A_1996] : memref<15x80xf32, #tpu.memory_space<vmem>> -> memref<1x80xf32, #tpu.memory_space<vmem>>
      %dma_start3A_1998 = tpu.memref_squeeze %dma_start3A_1997 : memref<1x80xf32, #tpu.memory_space<vmem>> -> memref<80xf32, #tpu.memory_space<vmem>>
      %dma_start3A_1999 = arith.constant 0 : i32
      %dma_start3A_2000 = tpu.memref_slice %arg23[%dma_start3A_1994, %dma_start3A_1999] : memref<4x80xi32, #tpu.memory_space<vmem>> -> memref<1x80xi32, #tpu.memory_space<vmem>>
      %dma_start3A_2001 = tpu.memref_squeeze %dma_start3A_2000 : memref<1x80xi32, #tpu.memory_space<vmem>> -> memref<80xi32, #tpu.memory_space<vmem>>
      %dma_start3A_2002 = arith.constant 0 : i32
      %dma_start3A_2003 = tpu.memref_slice %arg14[%dma_start3A_2002] : memref<10000xf32, #tpu.memory_space<hbm>> -> memref<10000xf32, #tpu.memory_space<hbm>>
      tpu.enqueue_indirect_dma source(%dma_start3A_2003 : memref<10000xf32, #tpu.memory_space<hbm>>) target(%dma_start3A_1998 : memref<80xf32, #tpu.memory_space<vmem>>) offsets(%dma_start3A_2001 : memref<80xi32, #tpu.memory_space<vmem>>) semaphore(%arg36 : memref<!tpu.dma_semaphore, #tpu.memory_space<semaphore_mem>>)
      %dma_start3A_2004 = arith.constant 0 : i32
      %dma_start3A_2005 = arith.constant 3 : i32
      %dma_start3A_2006 = arith.constant 0 : i32
      %dma_start3A_2007 = tpu.memref_slice %arg27[%dma_start3A_2005, %dma_start3A_2006] : memref<15x80xf32, #tpu.memory_space<vmem>> -> memref<1x80xf32, #tpu.memory_space<vmem>>
      %dma_start3A_2008 = tpu.memref_squeeze %dma_start3A_2007 : memref<1x80xf32, #tpu.memory_space<vmem>> -> memref<80xf32, #tpu.memory_space<vmem>>
      %dma_start3A_2009 = arith.constant 0 : i32
      %dma_start3A_2010 = tpu.memref_slice %arg23[%dma_start3A_2004, %dma_start3A_2009] : memref<4x80xi32, #tpu.memory_space<vmem>> -> memref<1x80xi32, #tpu.memory_space<vmem>>
      %dma_start3A_2011 = tpu.memref_squeeze %dma_start3A_2010 : memref<1x80xi32, #tpu.memory_space<vmem>> -> memref<80xi32, #tpu.memory_space<vmem>>
      %dma_start3A_2012 = arith.constant 0 : i32
      %dma_start3A_2013 = tpu.memref_slice %arg10[%dma_start3A_2012] : memref<10000xf32, #tpu.memory_space<hbm>> -> memref<10000xf32, #tpu.memory_space<hbm>>
      tpu.enqueue_indirect_dma source(%dma_start3A_2013 : memref<10000xf32, #tpu.memory_space<hbm>>) target(%dma_start3A_2008 : memref<80xf32, #tpu.memory_space<vmem>>) offsets(%dma_start3A_2011 : memref<80xi32, #tpu.memory_space<vmem>>) semaphore(%arg36 : memref<!tpu.dma_semaphore, #tpu.memory_space<semaphore_mem>>)
      %dma_start3A_2014 = arith.constant 1 : i32
      %dma_start3A_2015 = arith.constant 8 : i32
      %dma_start3A_2016 = arith.constant 0 : i32
      %dma_start3A_2017 = tpu.memref_slice %arg27[%dma_start3A_2015, %dma_start3A_2016] : memref<15x80xf32, #tpu.memory_space<vmem>> -> memref<1x80xf32, #tpu.memory_space<vmem>>
      %dma_start3A_2018 = tpu.memref_squeeze %dma_start3A_2017 : memref<1x80xf32, #tpu.memory_space<vmem>> -> memref<80xf32, #tpu.memory_space<vmem>>
      %dma_start3A_2019 = arith.constant 0 : i32
      %dma_start3A_2020 = tpu.memref_slice %arg23[%dma_start3A_2014, %dma_start3A_2019] : memref<4x80xi32, #tpu.memory_space<vmem>> -> memref<1x80xi32, #tpu.memory_space<vmem>>
      %dma_start3A_2021 = tpu.memref_squeeze %dma_start3A_2020 : memref<1x80xi32, #tpu.memory_space<vmem>> -> memref<80xi32, #tpu.memory_space<vmem>>
      %dma_start3A_2022 = arith.constant 0 : i32
      %dma_start3A_2023 = tpu.memref_slice %arg15[%dma_start3A_2022] : memref<10000xf32, #tpu.memory_space<hbm>> -> memref<10000xf32, #tpu.memory_space<hbm>>
      tpu.enqueue_indirect_dma source(%dma_start3A_2023 : memref<10000xf32, #tpu.memory_space<hbm>>) target(%dma_start3A_2018 : memref<80xf32, #tpu.memory_space<vmem>>) offsets(%dma_start3A_2021 : memref<80xi32, #tpu.memory_space<vmem>>) semaphore(%arg36 : memref<!tpu.dma_semaphore, #tpu.memory_space<semaphore_mem>>)
      %dma_start3A_2024 = arith.constant 0 : i32
      %dma_start3A_2025 = arith.constant 4 : i32
      %dma_start3A_2026 = arith.constant 0 : i32
      %dma_start3A_2027 = tpu.memref_slice %arg27[%dma_start3A_2025, %dma_start3A_2026] : memref<15x80xf32, #tpu.memory_space<vmem>> -> memref<1x80xf32, #tpu.memory_space<vmem>>
      %dma_start3A_2028 = tpu.memref_squeeze %dma_start3A_2027 : memref<1x80xf32, #tpu.memory_space<vmem>> -> memref<80xf32, #tpu.memory_space<vmem>>
      %dma_start3A_2029 = arith.constant 0 : i32
      %dma_start3A_2030 = tpu.memref_slice %arg23[%dma_start3A_2024, %dma_start3A_2029] : memref<4x80xi32, #tpu.memory_space<vmem>> -> memref<1x80xi32, #tpu.memory_space<vmem>>
      %dma_start3A_2031 = tpu.memref_squeeze %dma_start3A_2030 : memref<1x80xi32, #tpu.memory_space<vmem>> -> memref<80xi32, #tpu.memory_space<vmem>>
      %dma_start3A_2032 = arith.constant 0 : i32
      %dma_start3A_2033 = tpu.memref_slice %arg11[%dma_start3A_2032] : memref<10000xf32, #tpu.memory_space<hbm>> -> memref<10000xf32, #tpu.memory_space<hbm>>
      tpu.enqueue_indirect_dma source(%dma_start3A_2033 : memref<10000xf32, #tpu.memory_space<hbm>>) target(%dma_start3A_2028 : memref<80xf32, #tpu.memory_space<vmem>>) offsets(%dma_start3A_2031 : memref<80xi32, #tpu.memory_space<vmem>>) semaphore(%arg36 : memref<!tpu.dma_semaphore, #tpu.memory_space<semaphore_mem>>)
      %dma_start3A_2034 = arith.constant 1 : i32
      %dma_start3A_2035 = arith.constant 9 : i32
      %dma_start3A_2036 = arith.constant 0 : i32
      %dma_start3A_2037 = tpu.memref_slice %arg27[%dma_start3A_2035, %dma_start3A_2036] : memref<15x80xf32, #tpu.memory_space<vmem>> -> memref<1x80xf32, #tpu.memory_space<vmem>>
      %dma_start3A_2038 = tpu.memref_squeeze %dma_start3A_2037 : memref<1x80xf32, #tpu.memory_space<vmem>> -> memref<80xf32, #tpu.memory_space<vmem>>
      %dma_start3A_2039 = arith.constant 0 : i32
      %dma_start3A_2040 = tpu.memref_slice %arg23[%dma_start3A_2034, %dma_start3A_2039] : memref<4x80xi32, #tpu.memory_space<vmem>> -> memref<1x80xi32, #tpu.memory_space<vmem>>
      %dma_start3A_2041 = tpu.memref_squeeze %dma_start3A_2040 : memref<1x80xi32, #tpu.memory_space<vmem>> -> memref<80xi32, #tpu.memory_space<vmem>>
      %dma_start3A_2042 = arith.constant 0 : i32
      %dma_start3A_2043 = tpu.memref_slice %arg16[%dma_start3A_2042] : memref<10000xf32, #tpu.memory_space<hbm>> -> memref<10000xf32, #tpu.memory_space<hbm>>
      tpu.enqueue_indirect_dma source(%dma_start3A_2043 : memref<10000xf32, #tpu.memory_space<hbm>>) target(%dma_start3A_2038 : memref<80xf32, #tpu.memory_space<vmem>>) offsets(%dma_start3A_2041 : memref<80xi32, #tpu.memory_space<vmem>>) semaphore(%arg36 : memref<!tpu.dma_semaphore, #tpu.memory_space<semaphore_mem>>)
      %dma_start3A_2044 = arith.constant 0 : i32
      %dma_start3A_2045 = arith.constant 0 : i32
      %dma_start3A_2046 = tpu.memref_slice %arg23[%dma_start3A_2044, %dma_start3A_2045] : memref<4x80xi32, #tpu.memory_space<vmem>> -> memref<1x80xi32, #tpu.memory_space<vmem>>
      %dma_start3A_2047 = tpu.memref_squeeze %dma_start3A_2046 : memref<1x80xi32, #tpu.memory_space<vmem>> -> memref<80xi32, #tpu.memory_space<vmem>>
      %dma_start3A_2048 = arith.constant 0 : i32
      %dma_start3A_2049 = arith.constant 0 : i32
      %dma_start3A_2050 = tpu.memref_slice %arg4[%dma_start3A_2048, %dma_start3A_2049] : memref<10000x128xf32, #tpu.memory_space<hbm>> -> memref<10000x128xf32, #tpu.memory_space<hbm>>
      tpu.enqueue_indirect_dma source(%dma_start3A_2050 : memref<10000x128xf32, #tpu.memory_space<hbm>>) target(%arg29 : memref<80x128xf32, #tpu.memory_space<vmem>>) offsets(%dma_start3A_2047 : memref<80xi32, #tpu.memory_space<vmem>>) semaphore(%arg36 : memref<!tpu.dma_semaphore, #tpu.memory_space<semaphore_mem>>)
      %dma_start3A_2051 = arith.constant 1 : i32
      %dma_start3A_2052 = arith.constant 0 : i32
      %dma_start3A_2053 = tpu.memref_slice %arg23[%dma_start3A_2051, %dma_start3A_2052] : memref<4x80xi32, #tpu.memory_space<vmem>> -> memref<1x80xi32, #tpu.memory_space<vmem>>
      %dma_start3A_2054 = tpu.memref_squeeze %dma_start3A_2053 : memref<1x80xi32, #tpu.memory_space<vmem>> -> memref<80xi32, #tpu.memory_space<vmem>>
      %dma_start3A_2055 = arith.constant 0 : i32
      %dma_start3A_2056 = arith.constant 0 : i32
      %dma_start3A_2057 = tpu.memref_slice %arg5[%dma_start3A_2055, %dma_start3A_2056] : memref<10000x128xf32, #tpu.memory_space<hbm>> -> memref<10000x128xf32, #tpu.memory_space<hbm>>
      tpu.enqueue_indirect_dma source(%dma_start3A_2057 : memref<10000x128xf32, #tpu.memory_space<hbm>>) target(%arg31 : memref<80x128xf32, #tpu.memory_space<vmem>>) offsets(%dma_start3A_2054 : memref<80xi32, #tpu.memory_space<vmem>>) semaphore(%arg36 : memref<!tpu.dma_semaphore, #tpu.memory_space<semaphore_mem>>)
      %dma_wait3A_2058 = arith.constant 0 : i32
      %dma_wait3A_2059 = arith.constant 0 : i32
      %dma_wait3A_2060 = arith.constant 0 : i32
      %dma_wait3A_2061 = tpu.memref_slice %arg28[%dma_wait3A_2059, %dma_wait3A_2060] : memref<15x80xf32, #tpu.memory_space<vmem>> -> memref<1x80xf32, #tpu.memory_space<vmem>>
      %dma_wait3A_2062 = tpu.memref_squeeze %dma_wait3A_2061 : memref<1x80xf32, #tpu.memory_space<vmem>> -> memref<80xf32, #tpu.memory_space<vmem>>
      %dma_wait3A_2063 = arith.constant 0 : i32
      %dma_wait3A_2064 = tpu.memref_slice %arg24[%dma_wait3A_2058, %dma_wait3A_2063] : memref<4x80xi32, #tpu.memory_space<vmem>> -> memref<1x80xi32, #tpu.memory_space<vmem>>
      %dma_wait3A_2065 = tpu.memref_squeeze %dma_wait3A_2064 : memref<1x80xi32, #tpu.memory_space<vmem>> -> memref<80xi32, #tpu.memory_space<vmem>>
      %dma_wait3A_2066 = arith.constant 0 : i32
      %dma_wait3A_2067 = tpu.memref_slice %arg7[%dma_wait3A_2066] : memref<10000xf32, #tpu.memory_space<hbm>> -> memref<10000xf32, #tpu.memory_space<hbm>>
      tpu.wait_indirect_dma semaphore(%arg37 : memref<!tpu.dma_semaphore, #tpu.memory_space<semaphore_mem>>) src(%dma_wait3A_2067 : memref<10000xf32, #tpu.memory_space<hbm>>) dst(%dma_wait3A_2062 : memref<80xf32, #tpu.memory_space<vmem>>)
      %dma_wait3A_2068 = arith.constant 1 : i32
      %dma_wait3A_2069 = arith.constant 5 : i32
      %dma_wait3A_2070 = arith.constant 0 : i32
      %dma_wait3A_2071 = tpu.memref_slice %arg28[%dma_wait3A_2069, %dma_wait3A_2070] : memref<15x80xf32, #tpu.memory_space<vmem>> -> memref<1x80xf32, #tpu.memory_space<vmem>>
      %dma_wait3A_2072 = tpu.memref_squeeze %dma_wait3A_2071 : memref<1x80xf32, #tpu.memory_space<vmem>> -> memref<80xf32, #tpu.memory_space<vmem>>
      %dma_wait3A_2073 = arith.constant 0 : i32
      %dma_wait3A_2074 = tpu.memref_slice %arg24[%dma_wait3A_2068, %dma_wait3A_2073] : memref<4x80xi32, #tpu.memory_space<vmem>> -> memref<1x80xi32, #tpu.memory_space<vmem>>
      %dma_wait3A_2075 = tpu.memref_squeeze %dma_wait3A_2074 : memref<1x80xi32, #tpu.memory_space<vmem>> -> memref<80xi32, #tpu.memory_space<vmem>>
      %dma_wait3A_2076 = arith.constant 0 : i32
      %dma_wait3A_2077 = tpu.memref_slice %arg12[%dma_wait3A_2076] : memref<10000xf32, #tpu.memory_space<hbm>> -> memref<10000xf32, #tpu.memory_space<hbm>>
      tpu.wait_indirect_dma semaphore(%arg37 : memref<!tpu.dma_semaphore, #tpu.memory_space<semaphore_mem>>) src(%dma_wait3A_2077 : memref<10000xf32, #tpu.memory_space<hbm>>) dst(%dma_wait3A_2072 : memref<80xf32, #tpu.memory_space<vmem>>)
      %dma_wait3A_2078 = arith.constant 0 : i32
      %dma_wait3A_2079 = arith.constant 1 : i32
      %dma_wait3A_2080 = arith.constant 0 : i32
      %dma_wait3A_2081 = tpu.memref_slice %arg28[%dma_wait3A_2079, %dma_wait3A_2080] : memref<15x80xf32, #tpu.memory_space<vmem>> -> memref<1x80xf32, #tpu.memory_space<vmem>>
      %dma_wait3A_2082 = tpu.memref_squeeze %dma_wait3A_2081 : memref<1x80xf32, #tpu.memory_space<vmem>> -> memref<80xf32, #tpu.memory_space<vmem>>
      %dma_wait3A_2083 = arith.constant 0 : i32
      %dma_wait3A_2084 = tpu.memref_slice %arg24[%dma_wait3A_2078, %dma_wait3A_2083] : memref<4x80xi32, #tpu.memory_space<vmem>> -> memref<1x80xi32, #tpu.memory_space<vmem>>
      %dma_wait3A_2085 = tpu.memref_squeeze %dma_wait3A_2084 : memref<1x80xi32, #tpu.memory_space<vmem>> -> memref<80xi32, #tpu.memory_space<vmem>>
      %dma_wait3A_2086 = arith.constant 0 : i32
      %dma_wait3A_2087 = tpu.memref_slice %arg8[%dma_wait3A_2086] : memref<10000xf32, #tpu.memory_space<hbm>> -> memref<10000xf32, #tpu.memory_space<hbm>>
      tpu.wait_indirect_dma semaphore(%arg37 : memref<!tpu.dma_semaphore, #tpu.memory_space<semaphore_mem>>) src(%dma_wait3A_2087 : memref<10000xf32, #tpu.memory_space<hbm>>) dst(%dma_wait3A_2082 : memref<80xf32, #tpu.memory_space<vmem>>)
      %dma_wait3A_2088 = arith.constant 1 : i32
      %dma_wait3A_2089 = arith.constant 6 : i32
      %dma_wait3A_2090 = arith.constant 0 : i32
      %dma_wait3A_2091 = tpu.memref_slice %arg28[%dma_wait3A_2089, %dma_wait3A_2090] : memref<15x80xf32, #tpu.memory_space<vmem>> -> memref<1x80xf32, #tpu.memory_space<vmem>>
      %dma_wait3A_2092 = tpu.memref_squeeze %dma_wait3A_2091 : memref<1x80xf32, #tpu.memory_space<vmem>> -> memref<80xf32, #tpu.memory_space<vmem>>
      %dma_wait3A_2093 = arith.constant 0 : i32
      %dma_wait3A_2094 = tpu.memref_slice %arg24[%dma_wait3A_2088, %dma_wait3A_2093] : memref<4x80xi32, #tpu.memory_space<vmem>> -> memref<1x80xi32, #tpu.memory_space<vmem>>
      %dma_wait3A_2095 = tpu.memref_squeeze %dma_wait3A_2094 : memref<1x80xi32, #tpu.memory_space<vmem>> -> memref<80xi32, #tpu.memory_space<vmem>>
      %dma_wait3A_2096 = arith.constant 0 : i32
      %dma_wait3A_2097 = tpu.memref_slice %arg13[%dma_wait3A_2096] : memref<10000xf32, #tpu.memory_space<hbm>> -> memref<10000xf32, #tpu.memory_space<hbm>>
      tpu.wait_indirect_dma semaphore(%arg37 : memref<!tpu.dma_semaphore, #tpu.memory_space<semaphore_mem>>) src(%dma_wait3A_2097 : memref<10000xf32, #tpu.memory_space<hbm>>) dst(%dma_wait3A_2092 : memref<80xf32, #tpu.memory_space<vmem>>)
      %dma_wait3A_2098 = arith.constant 0 : i32
      %dma_wait3A_2099 = arith.constant 2 : i32
      %dma_wait3A_2100 = arith.constant 0 : i32
      %dma_wait3A_2101 = tpu.memref_slice %arg28[%dma_wait3A_2099, %dma_wait3A_2100] : memref<15x80xf32, #tpu.memory_space<vmem>> -> memref<1x80xf32, #tpu.memory_space<vmem>>
      %dma_wait3A_2102 = tpu.memref_squeeze %dma_wait3A_2101 : memref<1x80xf32, #tpu.memory_space<vmem>> -> memref<80xf32, #tpu.memory_space<vmem>>
      %dma_wait3A_2103 = arith.constant 0 : i32
      %dma_wait3A_2104 = tpu.memref_slice %arg24[%dma_wait3A_2098, %dma_wait3A_2103] : memref<4x80xi32, #tpu.memory_space<vmem>> -> memref<1x80xi32, #tpu.memory_space<vmem>>
      %dma_wait3A_2105 = tpu.memref_squeeze %dma_wait3A_2104 : memref<1x80xi32, #tpu.memory_space<vmem>> -> memref<80xi32, #tpu.memory_space<vmem>>
      %dma_wait3A_2106 = arith.constant 0 : i32
      %dma_wait3A_2107 = tpu.memref_slice %arg9[%dma_wait3A_2106] : memref<10000xf32, #tpu.memory_space<hbm>> -> memref<10000xf32, #tpu.memory_space<hbm>>
      tpu.wait_indirect_dma semaphore(%arg37 : memref<!tpu.dma_semaphore, #tpu.memory_space<semaphore_mem>>) src(%dma_wait3A_2107 : memref<10000xf32, #tpu.memory_space<hbm>>) dst(%dma_wait3A_2102 : memref<80xf32, #tpu.memory_space<vmem>>)
      %dma_wait3A_2108 = arith.constant 1 : i32
      %dma_wait3A_2109 = arith.constant 7 : i32
      %dma_wait3A_2110 = arith.constant 0 : i32
      %dma_wait3A_2111 = tpu.memref_slice %arg28[%dma_wait3A_2109, %dma_wait3A_2110] : memref<15x80xf32, #tpu.memory_space<vmem>> -> memref<1x80xf32, #tpu.memory_space<vmem>>
      %dma_wait3A_2112 = tpu.memref_squeeze %dma_wait3A_2111 : memref<1x80xf32, #tpu.memory_space<vmem>> -> memref<80xf32, #tpu.memory_space<vmem>>
      %dma_wait3A_2113 = arith.constant 0 : i32
      %dma_wait3A_2114 = tpu.memref_slice %arg24[%dma_wait3A_2108, %dma_wait3A_2113] : memref<4x80xi32, #tpu.memory_space<vmem>> -> memref<1x80xi32, #tpu.memory_space<vmem>>
      %dma_wait3A_2115 = tpu.memref_squeeze %dma_wait3A_2114 : memref<1x80xi32, #tpu.memory_space<vmem>> -> memref<80xi32, #tpu.memory_space<vmem>>
      %dma_wait3A_2116 = arith.constant 0 : i32
      %dma_wait3A_2117 = tpu.memref_slice %arg14[%dma_wait3A_2116] : memref<10000xf32, #tpu.memory_space<hbm>> -> memref<10000xf32, #tpu.memory_space<hbm>>
      tpu.wait_indirect_dma semaphore(%arg37 : memref<!tpu.dma_semaphore, #tpu.memory_space<semaphore_mem>>) src(%dma_wait3A_2117 : memref<10000xf32, #tpu.memory_space<hbm>>) dst(%dma_wait3A_2112 : memref<80xf32, #tpu.memory_space<vmem>>)
      %dma_wait3A_2118 = arith.constant 0 : i32
      %dma_wait3A_2119 = arith.constant 3 : i32
      %dma_wait3A_2120 = arith.constant 0 : i32
      %dma_wait3A_2121 = tpu.memref_slice %arg28[%dma_wait3A_2119, %dma_wait3A_2120] : memref<15x80xf32, #tpu.memory_space<vmem>> -> memref<1x80xf32, #tpu.memory_space<vmem>>
      %dma_wait3A_2122 = tpu.memref_squeeze %dma_wait3A_2121 : memref<1x80xf32, #tpu.memory_space<vmem>> -> memref<80xf32, #tpu.memory_space<vmem>>
      %dma_wait3A_2123 = arith.constant 0 : i32
      %dma_wait3A_2124 = tpu.memref_slice %arg24[%dma_wait3A_2118, %dma_wait3A_2123] : memref<4x80xi32, #tpu.memory_space<vmem>> -> memref<1x80xi32, #tpu.memory_space<vmem>>
      %dma_wait3A_2125 = tpu.memref_squeeze %dma_wait3A_2124 : memref<1x80xi32, #tpu.memory_space<vmem>> -> memref<80xi32, #tpu.memory_space<vmem>>
      %dma_wait3A_2126 = arith.constant 0 : i32
      %dma_wait3A_2127 = tpu.memref_slice %arg10[%dma_wait3A_2126] : memref<10000xf32, #tpu.memory_space<hbm>> -> memref<10000xf32, #tpu.memory_space<hbm>>
      tpu.wait_indirect_dma semaphore(%arg37 : memref<!tpu.dma_semaphore, #tpu.memory_space<semaphore_mem>>) src(%dma_wait3A_2127 : memref<10000xf32, #tpu.memory_space<hbm>>) dst(%dma_wait3A_2122 : memref<80xf32, #tpu.memory_space<vmem>>)
      %dma_wait3A_2128 = arith.constant 1 : i32
      %dma_wait3A_2129 = arith.constant 8 : i32
      %dma_wait3A_2130 = arith.constant 0 : i32
      %dma_wait3A_2131 = tpu.memref_slice %arg28[%dma_wait3A_2129, %dma_wait3A_2130] : memref<15x80xf32, #tpu.memory_space<vmem>> -> memref<1x80xf32, #tpu.memory_space<vmem>>
      %dma_wait3A_2132 = tpu.memref_squeeze %dma_wait3A_2131 : memref<1x80xf32, #tpu.memory_space<vmem>> -> memref<80xf32, #tpu.memory_space<vmem>>
      %dma_wait3A_2133 = arith.constant 0 : i32
      %dma_wait3A_2134 = tpu.memref_slice %arg24[%dma_wait3A_2128, %dma_wait3A_2133] : memref<4x80xi32, #tpu.memory_space<vmem>> -> memref<1x80xi32, #tpu.memory_space<vmem>>
      %dma_wait3A_2135 = tpu.memref_squeeze %dma_wait3A_2134 : memref<1x80xi32, #tpu.memory_space<vmem>> -> memref<80xi32, #tpu.memory_space<vmem>>
      %dma_wait3A_2136 = arith.constant 0 : i32
      %dma_wait3A_2137 = tpu.memref_slice %arg15[%dma_wait3A_2136] : memref<10000xf32, #tpu.memory_space<hbm>> -> memref<10000xf32, #tpu.memory_space<hbm>>
      tpu.wait_indirect_dma semaphore(%arg37 : memref<!tpu.dma_semaphore, #tpu.memory_space<semaphore_mem>>) src(%dma_wait3A_2137 : memref<10000xf32, #tpu.memory_space<hbm>>) dst(%dma_wait3A_2132 : memref<80xf32, #tpu.memory_space<vmem>>)
      %dma_wait3A_2138 = arith.constant 0 : i32
      %dma_wait3A_2139 = arith.constant 4 : i32
      %dma_wait3A_2140 = arith.constant 0 : i32
      %dma_wait3A_2141 = tpu.memref_slice %arg28[%dma_wait3A_2139, %dma_wait3A_2140] : memref<15x80xf32, #tpu.memory_space<vmem>> -> memref<1x80xf32, #tpu.memory_space<vmem>>
      %dma_wait3A_2142 = tpu.memref_squeeze %dma_wait3A_2141 : memref<1x80xf32, #tpu.memory_space<vmem>> -> memref<80xf32, #tpu.memory_space<vmem>>
      %dma_wait3A_2143 = arith.constant 0 : i32
      %dma_wait3A_2144 = tpu.memref_slice %arg24[%dma_wait3A_2138, %dma_wait3A_2143] : memref<4x80xi32, #tpu.memory_space<vmem>> -> memref<1x80xi32, #tpu.memory_space<vmem>>
      %dma_wait3A_2145 = tpu.memref_squeeze %dma_wait3A_2144 : memref<1x80xi32, #tpu.memory_space<vmem>> -> memref<80xi32, #tpu.memory_space<vmem>>
      %dma_wait3A_2146 = arith.constant 0 : i32
      %dma_wait3A_2147 = tpu.memref_slice %arg11[%dma_wait3A_2146] : memref<10000xf32, #tpu.memory_space<hbm>> -> memref<10000xf32, #tpu.memory_space<hbm>>
      tpu.wait_indirect_dma semaphore(%arg37 : memref<!tpu.dma_semaphore, #tpu.memory_space<semaphore_mem>>) src(%dma_wait3A_2147 : memref<10000xf32, #tpu.memory_space<hbm>>) dst(%dma_wait3A_2142 : memref<80xf32, #tpu.memory_space<vmem>>)
      %dma_wait3A_2148 = arith.constant 1 : i32
      %dma_wait3A_2149 = arith.constant 9 : i32
      %dma_wait3A_2150 = arith.constant 0 : i32
      %dma_wait3A_2151 = tpu.memref_slice %arg28[%dma_wait3A_2149, %dma_wait3A_2150] : memref<15x80xf32, #tpu.memory_space<vmem>> -> memref<1x80xf32, #tpu.memory_space<vmem>>
      %dma_wait3A_2152 = tpu.memref_squeeze %dma_wait3A_2151 : memref<1x80xf32, #tpu.memory_space<vmem>> -> memref<80xf32, #tpu.memory_space<vmem>>
      %dma_wait3A_2153 = arith.constant 0 : i32
      %dma_wait3A_2154 = tpu.memref_slice %arg24[%dma_wait3A_2148, %dma_wait3A_2153] : memref<4x80xi32, #tpu.memory_space<vmem>> -> memref<1x80xi32, #tpu.memory_space<vmem>>
      %dma_wait3A_2155 = tpu.memref_squeeze %dma_wait3A_2154 : memref<1x80xi32, #tpu.memory_space<vmem>> -> memref<80xi32, #tpu.memory_space<vmem>>
      %dma_wait3A_2156 = arith.constant 0 : i32
      %dma_wait3A_2157 = tpu.memref_slice %arg16[%dma_wait3A_2156] : memref<10000xf32, #tpu.memory_space<hbm>> -> memref<10000xf32, #tpu.memory_space<hbm>>
      tpu.wait_indirect_dma semaphore(%arg37 : memref<!tpu.dma_semaphore, #tpu.memory_space<semaphore_mem>>) src(%dma_wait3A_2157 : memref<10000xf32, #tpu.memory_space<hbm>>) dst(%dma_wait3A_2152 : memref<80xf32, #tpu.memory_space<vmem>>)
      %dma_wait3A_2158 = arith.constant 0 : i32
      %dma_wait3A_2159 = arith.constant 0 : i32
      %dma_wait3A_2160 = tpu.memref_slice %arg24[%dma_wait3A_2158, %dma_wait3A_2159] : memref<4x80xi32, #tpu.memory_space<vmem>> -> memref<1x80xi32, #tpu.memory_space<vmem>>
      %dma_wait3A_2161 = tpu.memref_squeeze %dma_wait3A_2160 : memref<1x80xi32, #tpu.memory_space<vmem>> -> memref<80xi32, #tpu.memory_space<vmem>>
      %dma_wait3A_2162 = arith.constant 0 : i32
      %dma_wait3A_2163 = arith.constant 0 : i32
      %dma_wait3A_2164 = tpu.memref_slice %arg4[%dma_wait3A_2162, %dma_wait3A_2163] : memref<10000x128xf32, #tpu.memory_space<hbm>> -> memref<10000x128xf32, #tpu.memory_space<hbm>>
      tpu.wait_indirect_dma semaphore(%arg37 : memref<!tpu.dma_semaphore, #tpu.memory_space<semaphore_mem>>) src(%dma_wait3A_2164 : memref<10000x128xf32, #tpu.memory_space<hbm>>) dst(%arg30 : memref<80x128xf32, #tpu.memory_space<vmem>>)
      %dma_wait3A_2165 = arith.constant 1 : i32
      %dma_wait3A_2166 = arith.constant 0 : i32
      %dma_wait3A_2167 = tpu.memref_slice %arg24[%dma_wait3A_2165, %dma_wait3A_2166] : memref<4x80xi32, #tpu.memory_space<vmem>> -> memref<1x80xi32, #tpu.memory_space<vmem>>
      %dma_wait3A_2168 = tpu.memref_squeeze %dma_wait3A_2167 : memref<1x80xi32, #tpu.memory_space<vmem>> -> memref<80xi32, #tpu.memory_space<vmem>>
      %dma_wait3A_2169 = arith.constant 0 : i32
      %dma_wait3A_2170 = arith.constant 0 : i32
      %dma_wait3A_2171 = tpu.memref_slice %arg5[%dma_wait3A_2169, %dma_wait3A_2170] : memref<10000x128xf32, #tpu.memory_space<hbm>> -> memref<10000x128xf32, #tpu.memory_space<hbm>>
      tpu.wait_indirect_dma semaphore(%arg37 : memref<!tpu.dma_semaphore, #tpu.memory_space<semaphore_mem>>) src(%dma_wait3A_2171 : memref<10000x128xf32, #tpu.memory_space<hbm>>) dst(%arg32 : memref<80x128xf32, #tpu.memory_space<vmem>>)
      %dma_wait3A_2172 = arith.constant 10 : i32
      %dma_wait3A_2173 = arith.constant 0 : i32
      %dma_wait3A_2174 = tpu.memref_slice %arg28[%dma_wait3A_2172, %dma_wait3A_2173] : memref<15x80xf32, #tpu.memory_space<vmem>> -> memref<1x80xf32, #tpu.memory_space<vmem>>
      %dma_wait3A_2175 = tpu.memref_squeeze %dma_wait3A_2174 : memref<1x80xf32, #tpu.memory_space<vmem>> -> memref<80xf32, #tpu.memory_space<vmem>>
      %dma_wait3A_2176 = arith.constant 0 : i32
      %dma_wait3A_2177 = tpu.memref_slice %arg17[%dma_wait3A_2176] : memref<10000xf32, #tpu.memory_space<hbm>> -> memref<10000xf32, #tpu.memory_space<hbm>>
      tpu.wait_indirect_dma semaphore(%arg37 : memref<!tpu.dma_semaphore, #tpu.memory_space<semaphore_mem>>) src(%dma_wait3A_2177 : memref<10000xf32, #tpu.memory_space<hbm>>) dst(%dma_wait3A_2175 : memref<80xf32, #tpu.memory_space<vmem>>)
      %dma_wait3A_2178 = arith.constant 11 : i32
      %dma_wait3A_2179 = arith.constant 0 : i32
      %dma_wait3A_2180 = tpu.memref_slice %arg28[%dma_wait3A_2178, %dma_wait3A_2179] : memref<15x80xf32, #tpu.memory_space<vmem>> -> memref<1x80xf32, #tpu.memory_space<vmem>>
      %dma_wait3A_2181 = tpu.memref_squeeze %dma_wait3A_2180 : memref<1x80xf32, #tpu.memory_space<vmem>> -> memref<80xf32, #tpu.memory_space<vmem>>
      %dma_wait3A_2182 = arith.constant 0 : i32
      %dma_wait3A_2183 = tpu.memref_slice %arg18[%dma_wait3A_2182] : memref<10000xf32, #tpu.memory_space<hbm>> -> memref<10000xf32, #tpu.memory_space<hbm>>
      tpu.wait_indirect_dma semaphore(%arg37 : memref<!tpu.dma_semaphore, #tpu.memory_space<semaphore_mem>>) src(%dma_wait3A_2183 : memref<10000xf32, #tpu.memory_space<hbm>>) dst(%dma_wait3A_2181 : memref<80xf32, #tpu.memory_space<vmem>>)
      %dma_wait3A_2184 = arith.constant 12 : i32
      %dma_wait3A_2185 = arith.constant 0 : i32
      %dma_wait3A_2186 = tpu.memref_slice %arg28[%dma_wait3A_2184, %dma_wait3A_2185] : memref<15x80xf32, #tpu.memory_space<vmem>> -> memref<1x80xf32, #tpu.memory_space<vmem>>
      %dma_wait3A_2187 = tpu.memref_squeeze %dma_wait3A_2186 : memref<1x80xf32, #tpu.memory_space<vmem>> -> memref<80xf32, #tpu.memory_space<vmem>>
      %dma_wait3A_2188 = arith.constant 0 : i32
      %dma_wait3A_2189 = tpu.memref_slice %arg19[%dma_wait3A_2188] : memref<10000xf32, #tpu.memory_space<hbm>> -> memref<10000xf32, #tpu.memory_space<hbm>>
      tpu.wait_indirect_dma semaphore(%arg37 : memref<!tpu.dma_semaphore, #tpu.memory_space<semaphore_mem>>) src(%dma_wait3A_2189 : memref<10000xf32, #tpu.memory_space<hbm>>) dst(%dma_wait3A_2187 : memref<80xf32, #tpu.memory_space<vmem>>)
      %dma_wait3A_2190 = arith.constant 13 : i32
      %dma_wait3A_2191 = arith.constant 0 : i32
      %dma_wait3A_2192 = tpu.memref_slice %arg28[%dma_wait3A_2190, %dma_wait3A_2191] : memref<15x80xf32, #tpu.memory_space<vmem>> -> memref<1x80xf32, #tpu.memory_space<vmem>>
      %dma_wait3A_2193 = tpu.memref_squeeze %dma_wait3A_2192 : memref<1x80xf32, #tpu.memory_space<vmem>> -> memref<80xf32, #tpu.memory_space<vmem>>
      %dma_wait3A_2194 = arith.constant 0 : i32
      %dma_wait3A_2195 = tpu.memref_slice %arg20[%dma_wait3A_2194] : memref<10000xf32, #tpu.memory_space<hbm>> -> memref<10000xf32, #tpu.memory_space<hbm>>
      tpu.wait_indirect_dma semaphore(%arg37 : memref<!tpu.dma_semaphore, #tpu.memory_space<semaphore_mem>>) src(%dma_wait3A_2195 : memref<10000xf32, #tpu.memory_space<hbm>>) dst(%dma_wait3A_2193 : memref<80xf32, #tpu.memory_space<vmem>>)
      %dma_wait3A_2196 = arith.constant 14 : i32
      %dma_wait3A_2197 = arith.constant 0 : i32
      %dma_wait3A_2198 = tpu.memref_slice %arg28[%dma_wait3A_2196, %dma_wait3A_2197] : memref<15x80xf32, #tpu.memory_space<vmem>> -> memref<1x80xf32, #tpu.memory_space<vmem>>
      %dma_wait3A_2199 = tpu.memref_squeeze %dma_wait3A_2198 : memref<1x80xf32, #tpu.memory_space<vmem>> -> memref<80xf32, #tpu.memory_space<vmem>>
      %dma_wait3A_2200 = arith.constant 0 : i32
      %dma_wait3A_2201 = tpu.memref_slice %arg21[%dma_wait3A_2200] : memref<10000xf32, #tpu.memory_space<hbm>> -> memref<10000xf32, #tpu.memory_space<hbm>>
      tpu.wait_indirect_dma semaphore(%arg37 : memref<!tpu.dma_semaphore, #tpu.memory_space<semaphore_mem>>) src(%dma_wait3A_2201 : memref<10000xf32, #tpu.memory_space<hbm>>) dst(%dma_wait3A_2199 : memref<80xf32, #tpu.memory_space<vmem>>)
      %get3A_2202 = arith.constant 0 : index
      %get3A_2203 = tpu.vector_load %arg34[%get3A_2202] {strides = array<i32>} : memref<16xf32, #tpu.memory_space<vmem>>, vector<16xf32>,
      %slice3A_2204 = vector.extract_strided_slice %get3A_2203 {offsets = [5], sizes = [1], strides = [1]} : vector<16xf32> to vector<1xf32>
      %squeeze3A_2205 = vector.extract %slice3A_2204[0] : f32 from vector<1xf32>
      %broadcast_in_dim3A_2206 = vector.broadcast %squeeze3A_2205 : f32 to vector<16xf32>
      %get3A_2207 = arith.constant 0 : i32
      %get3A_2208 = arith.index_cast %get3A_2207 : i32 to index
      %get3A_2209 = arith.constant 0 : index
      %get3A_2210 = tpu.vector_load %arg28[%get3A_2208, %get3A_2209] {strides = array<i32>} : memref<15x80xf32, #tpu.memory_space<vmem>>, vector<16xf32>,
      %get3A_2211 = arith.constant 5 : i32
      %get3A_2212 = arith.index_cast %get3A_2211 : i32 to index
      %get3A_2213 = arith.constant 0 : index
      %get3A_2214 = tpu.vector_load %arg28[%get3A_2212, %get3A_2213] {strides = array<i32>} : memref<15x80xf32, #tpu.memory_space<vmem>>, vector<16xf32>,
      %get3A_2215 = arith.constant 10 : i32
      %get3A_2216 = arith.index_cast %get3A_2215 : i32 to index
      %get3A_2217 = arith.constant 0 : index
      %get3A_2218 = tpu.vector_load %arg28[%get3A_2216, %get3A_2217] {strides = array<i32>} : memref<15x80xf32, #tpu.memory_space<vmem>>, vector<16xf32>,
      %add3A_2219 = arith.addf %get3A_2210, %get3A_2214 : vector<16xf32>
      %add3A_2220 = arith.addf %add3A_2219, %get3A_2218 : vector<16xf32>
      %max3A_2221 = arith.constant 0.000000e+00 : f32
      %max3A_2222 = vector.broadcast %max3A_2221 : f32 to vector<16xf32>
      %max3A_2223 = arith.maximumf %add3A_2220, %max3A_2222 : vector<16xf32>
      %slice3A_2224 = vector.extract_strided_slice %get3A_2203 {offsets = [0], sizes = [1], strides = [1]} : vector<16xf32> to vector<1xf32>
      %squeeze3A_2225 = vector.extract %slice3A_2224[0] : f32 from vector<1xf32>
      %mul3A_2226 = vector.broadcast %squeeze3A_2225 : f32 to vector<16xf32>
      %mul3A_2227 = arith.mulf %max3A_2223, %mul3A_2226 : vector<16xf32>
      %add3A_2228 = arith.addf %broadcast_in_dim3A_2206, %mul3A_2227 : vector<16xf32>
      %get3A_2229 = arith.constant 1 : i32
      %get3A_2230 = arith.index_cast %get3A_2229 : i32 to index
      %get3A_2231 = arith.constant 0 : index
      %get3A_2232 = tpu.vector_load %arg28[%get3A_2230, %get3A_2231] {strides = array<i32>} : memref<15x80xf32, #tpu.memory_space<vmem>>, vector<16xf32>,
      %get3A_2233 = arith.constant 6 : i32
      %get3A_2234 = arith.index_cast %get3A_2233 : i32 to index
      %get3A_2235 = arith.constant 0 : index
      %get3A_2236 = tpu.vector_load %arg28[%get3A_2234, %get3A_2235] {strides = array<i32>} : memref<15x80xf32, #tpu.memory_space<vmem>>, vector<16xf32>,
      %get3A_2237 = arith.constant 11 : i32
      %get3A_2238 = arith.index_cast %get3A_2237 : i32 to index
      %get3A_2239 = arith.constant 0 : index
      %get3A_2240 = tpu.vector_load %arg28[%get3A_2238, %get3A_2239] {strides = array<i32>} : memref<15x80xf32, #tpu.memory_space<vmem>>, vector<16xf32>,
      %add3A_2241 = arith.addf %get3A_2232, %get3A_2236 : vector<16xf32>
      %add3A_2242 = arith.addf %add3A_2241, %get3A_2240 : vector<16xf32>
      %max3A_2243 = arith.constant 0.000000e+00 : f32
      %max3A_2244 = vector.broadcast %max3A_2243 : f32 to vector<16xf32>
      %max3A_2245 = arith.maximumf %add3A_2242, %max3A_2244 : vector<16xf32>
      %slice3A_2246 = vector.extract_strided_slice %get3A_2203 {offsets = [1], sizes = [1], strides = [1]} : vector<16xf32> to vector<1xf32>
      %squeeze3A_2247 = vector.extract %slice3A_2246[0] : f32 from vector<1xf32>
      %mul3A_2248 = vector.broadcast %squeeze3A_2247 : f32 to vector<16xf32>
      %mul3A_2249 = arith.mulf %max3A_2245, %mul3A_2248 : vector<16xf32>
      %add3A_2250 = arith.addf %add3A_2228, %mul3A_2249 : vector<16xf32>
      %get3A_2251 = arith.constant 2 : i32
      %get3A_2252 = arith.index_cast %get3A_2251 : i32 to index
      %get3A_2253 = arith.constant 0 : index
      %get3A_2254 = tpu.vector_load %arg28[%get3A_2252, %get3A_2253] {strides = array<i32>} : memref<15x80xf32, #tpu.memory_space<vmem>>, vector<16xf32>,
      %get3A_2255 = arith.constant 7 : i32
      %get3A_2256 = arith.index_cast %get3A_2255 : i32 to index
      %get3A_2257 = arith.constant 0 : index
      %get3A_2258 = tpu.vector_load %arg28[%get3A_2256, %get3A_2257] {strides = array<i32>} : memref<15x80xf32, #tpu.memory_space<vmem>>, vector<16xf32>,
      %get3A_2259 = arith.constant 12 : i32
      %get3A_2260 = arith.index_cast %get3A_2259 : i32 to index
      %get3A_2261 = arith.constant 0 : index
      %get3A_2262 = tpu.vector_load %arg28[%get3A_2260, %get3A_2261] {strides = array<i32>} : memref<15x80xf32, #tpu.memory_space<vmem>>, vector<16xf32>,
      %add3A_2263 = arith.addf %get3A_2254, %get3A_2258 : vector<16xf32>
      %add3A_2264 = arith.addf %add3A_2263, %get3A_2262 : vector<16xf32>
      %max3A_2265 = arith.constant 0.000000e+00 : f32
      %max3A_2266 = vector.broadcast %max3A_2265 : f32 to vector<16xf32>
      %max3A_2267 = arith.maximumf %add3A_2264, %max3A_2266 : vector<16xf32>
      %slice3A_2268 = vector.extract_strided_slice %get3A_2203 {offsets = [2], sizes = [1], strides = [1]} : vector<16xf32> to vector<1xf32>
      %squeeze3A_2269 = vector.extract %slice3A_2268[0] : f32 from vector<1xf32>
      %mul3A_2270 = vector.broadcast %squeeze3A_2269 : f32 to vector<16xf32>
      %mul3A_2271 = arith.mulf %max3A_2267, %mul3A_2270 : vector<16xf32>
      %add3A_2272 = arith.addf %add3A_2250, %mul3A_2271 : vector<16xf32>
      %get3A_2273 = arith.constant 3 : i32
      %get3A_2274 = arith.index_cast %get3A_2273 : i32 to index
      %get3A_2275 = arith.constant 0 : index
      %get3A_2276 = tpu.vector_load %arg28[%get3A_2274, %get3A_2275] {strides = array<i32>} : memref<15x80xf32, #tpu.memory_space<vmem>>, vector<16xf32>,
      %get3A_2277 = arith.constant 8 : i32
      %get3A_2278 = arith.index_cast %get3A_2277 : i32 to index
      %get3A_2279 = arith.constant 0 : index
      %get3A_2280 = tpu.vector_load %arg28[%get3A_2278, %get3A_2279] {strides = array<i32>} : memref<15x80xf32, #tpu.memory_space<vmem>>, vector<16xf32>,
      %get3A_2281 = arith.constant 13 : i32
      %get3A_2282 = arith.index_cast %get3A_2281 : i32 to index
      %get3A_2283 = arith.constant 0 : index
      %get3A_2284 = tpu.vector_load %arg28[%get3A_2282, %get3A_2283] {strides = array<i32>} : memref<15x80xf32, #tpu.memory_space<vmem>>, vector<16xf32>,
      %add3A_2285 = arith.addf %get3A_2276, %get3A_2280 : vector<16xf32>
      %add3A_2286 = arith.addf %add3A_2285, %get3A_2284 : vector<16xf32>
      %max3A_2287 = arith.constant 0.000000e+00 : f32
      %max3A_2288 = vector.broadcast %max3A_2287 : f32 to vector<16xf32>
      %max3A_2289 = arith.maximumf %add3A_2286, %max3A_2288 : vector<16xf32>
      %slice3A_2290 = vector.extract_strided_slice %get3A_2203 {offsets = [3], sizes = [1], strides = [1]} : vector<16xf32> to vector<1xf32>
      %squeeze3A_2291 = vector.extract %slice3A_2290[0] : f32 from vector<1xf32>
      %mul3A_2292 = vector.broadcast %squeeze3A_2291 : f32 to vector<16xf32>
      %mul3A_2293 = arith.mulf %max3A_2289, %mul3A_2292 : vector<16xf32>
      %add3A_2294 = arith.addf %add3A_2272, %mul3A_2293 : vector<16xf32>
      %get3A_2295 = arith.constant 4 : i32
      %get3A_2296 = arith.index_cast %get3A_2295 : i32 to index
      %get3A_2297 = arith.constant 0 : index
      %get3A_2298 = tpu.vector_load %arg28[%get3A_2296, %get3A_2297] {strides = array<i32>} : memref<15x80xf32, #tpu.memory_space<vmem>>, vector<16xf32>,
      %get3A_2299 = arith.constant 9 : i32
      %get3A_2300 = arith.index_cast %get3A_2299 : i32 to index
      %get3A_2301 = arith.constant 0 : index
      %get3A_2302 = tpu.vector_load %arg28[%get3A_2300, %get3A_2301] {strides = array<i32>} : memref<15x80xf32, #tpu.memory_space<vmem>>, vector<16xf32>,
      %get3A_2303 = arith.constant 14 : i32
      %get3A_2304 = arith.index_cast %get3A_2303 : i32 to index
      %get3A_2305 = arith.constant 0 : index
      %get3A_2306 = tpu.vector_load %arg28[%get3A_2304, %get3A_2305] {strides = array<i32>} : memref<15x80xf32, #tpu.memory_space<vmem>>, vector<16xf32>,
      %add3A_2307 = arith.addf %get3A_2298, %get3A_2302 : vector<16xf32>
      %add3A_2308 = arith.addf %add3A_2307, %get3A_2306 : vector<16xf32>
      %max3A_2309 = arith.constant 0.000000e+00 : f32
      %max3A_2310 = vector.broadcast %max3A_2309 : f32 to vector<16xf32>
      %max3A_2311 = arith.maximumf %add3A_2308, %max3A_2310 : vector<16xf32>
      %slice3A_2312 = vector.extract_strided_slice %get3A_2203 {offsets = [4], sizes = [1], strides = [1]} : vector<16xf32> to vector<1xf32>
      %squeeze3A_2313 = vector.extract %slice3A_2312[0] : f32 from vector<1xf32>
      %mul3A_2314 = vector.broadcast %squeeze3A_2313 : f32 to vector<16xf32>
      %mul3A_2315 = arith.mulf %max3A_2311, %mul3A_2314 : vector<16xf32>
      %add3A_2316 = arith.addf %add3A_2294, %mul3A_2315 : vector<16xf32>
      %neg3A_2317 = arith.constant 0.000000e+00 : f32
      %neg3A_2318 = vector.broadcast %neg3A_2317 : f32 to vector<16xf32>
      %neg3A_2319 = arith.subf %neg3A_2318, %add3A_2316 : vector<16xf32>
      %exp3A_2320 = math.exp %neg3A_2319 : vector<16xf32>
      %add3A_2321 = arith.constant 1.000000e+00 : f32
      %add3A_2322 = vector.broadcast %add3A_2321 : f32 to vector<16xf32>
      %add3A_2323 = arith.addf %add3A_2322, %exp3A_2320 : vector<16xf32>
      %div3A_2324 = arith.constant 1.000000e+00 : f32
      %div3A_2325 = vector.broadcast %div3A_2324 : f32 to vector<16xf32>
      %div3A_2326 = arith.divf %div3A_2325, %add3A_2323 : vector<16xf32>
      %swap3A_2327 = arith.constant 0 : index
      %swap3A_2328 = tpu.vector_load %arg33[%swap3A_2327] {strides = array<i32>} : memref<96xf32, #tpu.memory_space<vmem>>, vector<16xf32>,
      tpu.vector_store %arg33[%swap3A_2327], %div3A_2326 {strides = array<i32>} : memref<96xf32, #tpu.memory_space<vmem>>, vector<16xf32>,
      %slice3A_2329 = vector.extract_strided_slice %get3A_2203 {offsets = [5], sizes = [1], strides = [1]} : vector<16xf32> to vector<1xf32>
      %squeeze3A_2330 = vector.extract %slice3A_2329[0] : f32 from vector<1xf32>
      %broadcast_in_dim3A_2331 = vector.broadcast %squeeze3A_2330 : f32 to vector<16xf32>
      %get3A_2332 = arith.constant 0 : i32
      %get3A_2333 = arith.index_cast %get3A_2332 : i32 to index
      %get3A_2334 = arith.constant 16 : index
      %get3A_2335 = tpu.vector_load %arg28[%get3A_2333, %get3A_2334] {strides = array<i32>} : memref<15x80xf32, #tpu.memory_space<vmem>>, vector<16xf32>,
      %get3A_2336 = arith.constant 5 : i32
      %get3A_2337 = arith.index_cast %get3A_2336 : i32 to index
      %get3A_2338 = arith.constant 16 : index
      %get3A_2339 = tpu.vector_load %arg28[%get3A_2337, %get3A_2338] {strides = array<i32>} : memref<15x80xf32, #tpu.memory_space<vmem>>, vector<16xf32>,
      %get3A_2340 = arith.constant 10 : i32
      %get3A_2341 = arith.index_cast %get3A_2340 : i32 to index
      %get3A_2342 = arith.constant 16 : index
      %get3A_2343 = tpu.vector_load %arg28[%get3A_2341, %get3A_2342] {strides = array<i32>} : memref<15x80xf32, #tpu.memory_space<vmem>>, vector<16xf32>,
      %add3A_2344 = arith.addf %get3A_2335, %get3A_2339 : vector<16xf32>
      %add3A_2345 = arith.addf %add3A_2344, %get3A_2343 : vector<16xf32>
      %max3A_2346 = arith.constant 0.000000e+00 : f32
      %max3A_2347 = vector.broadcast %max3A_2346 : f32 to vector<16xf32>
      %max3A_2348 = arith.maximumf %add3A_2345, %max3A_2347 : vector<16xf32>
      %slice3A_2349 = vector.extract_strided_slice %get3A_2203 {offsets = [0], sizes = [1], strides = [1]} : vector<16xf32> to vector<1xf32>
      %squeeze3A_2350 = vector.extract %slice3A_2349[0] : f32 from vector<1xf32>
      %mul3A_2351 = vector.broadcast %squeeze3A_2350 : f32 to vector<16xf32>
      %mul3A_2352 = arith.mulf %max3A_2348, %mul3A_2351 : vector<16xf32>
      %add3A_2353 = arith.addf %broadcast_in_dim3A_2331, %mul3A_2352 : vector<16xf32>
      %get3A_2354 = arith.constant 1 : i32
      %get3A_2355 = arith.index_cast %get3A_2354 : i32 to index
      %get3A_2356 = arith.constant 16 : index
      %get3A_2357 = tpu.vector_load %arg28[%get3A_2355, %get3A_2356] {strides = array<i32>} : memref<15x80xf32, #tpu.memory_space<vmem>>, vector<16xf32>,
      %get3A_2358 = arith.constant 6 : i32
      %get3A_2359 = arith.index_cast %get3A_2358 : i32 to index
      %get3A_2360 = arith.constant 16 : index
      %get3A_2361 = tpu.vector_load %arg28[%get3A_2359, %get3A_2360] {strides = array<i32>} : memref<15x80xf32, #tpu.memory_space<vmem>>, vector<16xf32>,
      %get3A_2362 = arith.constant 11 : i32
      %get3A_2363 = arith.index_cast %get3A_2362 : i32 to index
      %get3A_2364 = arith.constant 16 : index
      %get3A_2365 = tpu.vector_load %arg28[%get3A_2363, %get3A_2364] {strides = array<i32>} : memref<15x80xf32, #tpu.memory_space<vmem>>, vector<16xf32>,
      %add3A_2366 = arith.addf %get3A_2357, %get3A_2361 : vector<16xf32>
      %add3A_2367 = arith.addf %add3A_2366, %get3A_2365 : vector<16xf32>
      %max3A_2368 = arith.constant 0.000000e+00 : f32
      %max3A_2369 = vector.broadcast %max3A_2368 : f32 to vector<16xf32>
      %max3A_2370 = arith.maximumf %add3A_2367, %max3A_2369 : vector<16xf32>
      %slice3A_2371 = vector.extract_strided_slice %get3A_2203 {offsets = [1], sizes = [1], strides = [1]} : vector<16xf32> to vector<1xf32>
      %squeeze3A_2372 = vector.extract %slice3A_2371[0] : f32 from vector<1xf32>
      %mul3A_2373 = vector.broadcast %squeeze3A_2372 : f32 to vector<16xf32>
      %mul3A_2374 = arith.mulf %max3A_2370, %mul3A_2373 : vector<16xf32>
      %add3A_2375 = arith.addf %add3A_2353, %mul3A_2374 : vector<16xf32>
      %get3A_2376 = arith.constant 2 : i32
      %get3A_2377 = arith.index_cast %get3A_2376 : i32 to index
      %get3A_2378 = arith.constant 16 : index
      %get3A_2379 = tpu.vector_load %arg28[%get3A_2377, %get3A_2378] {strides = array<i32>} : memref<15x80xf32, #tpu.memory_space<vmem>>, vector<16xf32>,
      %get3A_2380 = arith.constant 7 : i32
      %get3A_2381 = arith.index_cast %get3A_2380 : i32 to index
      %get3A_2382 = arith.constant 16 : index
      %get3A_2383 = tpu.vector_load %arg28[%get3A_2381, %get3A_2382] {strides = array<i32>} : memref<15x80xf32, #tpu.memory_space<vmem>>, vector<16xf32>,
      %get3A_2384 = arith.constant 12 : i32
      %get3A_2385 = arith.index_cast %get3A_2384 : i32 to index
      %get3A_2386 = arith.constant 16 : index
      %get3A_2387 = tpu.vector_load %arg28[%get3A_2385, %get3A_2386] {strides = array<i32>} : memref<15x80xf32, #tpu.memory_space<vmem>>, vector<16xf32>,
      %add3A_2388 = arith.addf %get3A_2379, %get3A_2383 : vector<16xf32>
      %add3A_2389 = arith.addf %add3A_2388, %get3A_2387 : vector<16xf32>
      %max3A_2390 = arith.constant 0.000000e+00 : f32
      %max3A_2391 = vector.broadcast %max3A_2390 : f32 to vector<16xf32>
      %max3A_2392 = arith.maximumf %add3A_2389, %max3A_2391 : vector<16xf32>
      %slice3A_2393 = vector.extract_strided_slice %get3A_2203 {offsets = [2], sizes = [1], strides = [1]} : vector<16xf32> to vector<1xf32>
      %squeeze3A_2394 = vector.extract %slice3A_2393[0] : f32 from vector<1xf32>
      %mul3A_2395 = vector.broadcast %squeeze3A_2394 : f32 to vector<16xf32>
      %mul3A_2396 = arith.mulf %max3A_2392, %mul3A_2395 : vector<16xf32>
      %add3A_2397 = arith.addf %add3A_2375, %mul3A_2396 : vector<16xf32>
      %get3A_2398 = arith.constant 3 : i32
      %get3A_2399 = arith.index_cast %get3A_2398 : i32 to index
      %get3A_2400 = arith.constant 16 : index
      %get3A_2401 = tpu.vector_load %arg28[%get3A_2399, %get3A_2400] {strides = array<i32>} : memref<15x80xf32, #tpu.memory_space<vmem>>, vector<16xf32>,
      %get3A_2402 = arith.constant 8 : i32
      %get3A_2403 = arith.index_cast %get3A_2402 : i32 to index
      %get3A_2404 = arith.constant 16 : index
      %get3A_2405 = tpu.vector_load %arg28[%get3A_2403, %get3A_2404] {strides = array<i32>} : memref<15x80xf32, #tpu.memory_space<vmem>>, vector<16xf32>,
      %get3A_2406 = arith.constant 13 : i32
      %get3A_2407 = arith.index_cast %get3A_2406 : i32 to index
      %get3A_2408 = arith.constant 16 : index
      %get3A_2409 = tpu.vector_load %arg28[%get3A_2407, %get3A_2408] {strides = array<i32>} : memref<15x80xf32, #tpu.memory_space<vmem>>, vector<16xf32>,
      %add3A_2410 = arith.addf %get3A_2401, %get3A_2405 : vector<16xf32>
      %add3A_2411 = arith.addf %add3A_2410, %get3A_2409 : vector<16xf32>
      %max3A_2412 = arith.constant 0.000000e+00 : f32
      %max3A_2413 = vector.broadcast %max3A_2412 : f32 to vector<16xf32>
      %max3A_2414 = arith.maximumf %add3A_2411, %max3A_2413 : vector<16xf32>
      %slice3A_2415 = vector.extract_strided_slice %get3A_2203 {offsets = [3], sizes = [1], strides = [1]} : vector<16xf32> to vector<1xf32>
      %squeeze3A_2416 = vector.extract %slice3A_2415[0] : f32 from vector<1xf32>
      %mul3A_2417 = vector.broadcast %squeeze3A_2416 : f32 to vector<16xf32>
      %mul3A_2418 = arith.mulf %max3A_2414, %mul3A_2417 : vector<16xf32>
      %add3A_2419 = arith.addf %add3A_2397, %mul3A_2418 : vector<16xf32>
      %get3A_2420 = arith.constant 4 : i32
      %get3A_2421 = arith.index_cast %get3A_2420 : i32 to index
      %get3A_2422 = arith.constant 16 : index
      %get3A_2423 = tpu.vector_load %arg28[%get3A_2421, %get3A_2422] {strides = array<i32>} : memref<15x80xf32, #tpu.memory_space<vmem>>, vector<16xf32>,
      %get3A_2424 = arith.constant 9 : i32
      %get3A_2425 = arith.index_cast %get3A_2424 : i32 to index
      %get3A_2426 = arith.constant 16 : index
      %get3A_2427 = tpu.vector_load %arg28[%get3A_2425, %get3A_2426] {strides = array<i32>} : memref<15x80xf32, #tpu.memory_space<vmem>>, vector<16xf32>,
      %get3A_2428 = arith.constant 14 : i32
      %get3A_2429 = arith.index_cast %get3A_2428 : i32 to index
      %get3A_2430 = arith.constant 16 : index
      %get3A_2431 = tpu.vector_load %arg28[%get3A_2429, %get3A_2430] {strides = array<i32>} : memref<15x80xf32, #tpu.memory_space<vmem>>, vector<16xf32>,
      %add3A_2432 = arith.addf %get3A_2423, %get3A_2427 : vector<16xf32>
      %add3A_2433 = arith.addf %add3A_2432, %get3A_2431 : vector<16xf32>
      %max3A_2434 = arith.constant 0.000000e+00 : f32
      %max3A_2435 = vector.broadcast %max3A_2434 : f32 to vector<16xf32>
      %max3A_2436 = arith.maximumf %add3A_2433, %max3A_2435 : vector<16xf32>
      %slice3A_2437 = vector.extract_strided_slice %get3A_2203 {offsets = [4], sizes = [1], strides = [1]} : vector<16xf32> to vector<1xf32>
      %squeeze3A_2438 = vector.extract %slice3A_2437[0] : f32 from vector<1xf32>
      %mul3A_2439 = vector.broadcast %squeeze3A_2438 : f32 to vector<16xf32>
      %mul3A_2440 = arith.mulf %max3A_2436, %mul3A_2439 : vector<16xf32>
      %add3A_2441 = arith.addf %add3A_2419, %mul3A_2440 : vector<16xf32>
      %neg3A_2442 = arith.constant 0.000000e+00 : f32
      %neg3A_2443 = vector.broadcast %neg3A_2442 : f32 to vector<16xf32>
      %neg3A_2444 = arith.subf %neg3A_2443, %add3A_2441 : vector<16xf32>
      %exp3A_2445 = math.exp %neg3A_2444 : vector<16xf32>
      %add3A_2446 = arith.constant 1.000000e+00 : f32
      %add3A_2447 = vector.broadcast %add3A_2446 : f32 to vector<16xf32>
      %add3A_2448 = arith.addf %add3A_2447, %exp3A_2445 : vector<16xf32>
      %div3A_2449 = arith.constant 1.000000e+00 : f32
      %div3A_2450 = vector.broadcast %div3A_2449 : f32 to vector<16xf32>
      %div3A_2451 = arith.divf %div3A_2450, %add3A_2448 : vector<16xf32>
      %swap3A_2452 = arith.constant 16 : index
      %swap3A_2453 = tpu.vector_load %arg33[%swap3A_2452] {strides = array<i32>} : memref<96xf32, #tpu.memory_space<vmem>>, vector<16xf32>,
      tpu.vector_store %arg33[%swap3A_2452], %div3A_2451 {strides = array<i32>} : memref<96xf32, #tpu.memory_space<vmem>>, vector<16xf32>,
      %slice3A_2454 = vector.extract_strided_slice %get3A_2203 {offsets = [5], sizes = [1], strides = [1]} : vector<16xf32> to vector<1xf32>
      %squeeze3A_2455 = vector.extract %slice3A_2454[0] : f32 from vector<1xf32>
      %broadcast_in_dim3A_2456 = vector.broadcast %squeeze3A_2455 : f32 to vector<16xf32>
      %get3A_2457 = arith.constant 0 : i32
      %get3A_2458 = arith.index_cast %get3A_2457 : i32 to index
      %get3A_2459 = arith.constant 32 : index
      %get3A_2460 = tpu.vector_load %arg28[%get3A_2458, %get3A_2459] {strides = array<i32>} : memref<15x80xf32, #tpu.memory_space<vmem>>, vector<16xf32>,
      %get3A_2461 = arith.constant 5 : i32
      %get3A_2462 = arith.index_cast %get3A_2461 : i32 to index
      %get3A_2463 = arith.constant 32 : index
      %get3A_2464 = tpu.vector_load %arg28[%get3A_2462, %get3A_2463] {strides = array<i32>} : memref<15x80xf32, #tpu.memory_space<vmem>>, vector<16xf32>,
      %get3A_2465 = arith.constant 10 : i32
      %get3A_2466 = arith.index_cast %get3A_2465 : i32 to index
      %get3A_2467 = arith.constant 32 : index
      %get3A_2468 = tpu.vector_load %arg28[%get3A_2466, %get3A_2467] {strides = array<i32>} : memref<15x80xf32, #tpu.memory_space<vmem>>, vector<16xf32>,
      %add3A_2469 = arith.addf %get3A_2460, %get3A_2464 : vector<16xf32>
      %add3A_2470 = arith.addf %add3A_2469, %get3A_2468 : vector<16xf32>
      %max3A_2471 = arith.constant 0.000000e+00 : f32
      %max3A_2472 = vector.broadcast %max3A_2471 : f32 to vector<16xf32>
      %max3A_2473 = arith.maximumf %add3A_2470, %max3A_2472 : vector<16xf32>
      %slice3A_2474 = vector.extract_strided_slice %get3A_2203 {offsets = [0], sizes = [1], strides = [1]} : vector<16xf32> to vector<1xf32>
      %squeeze3A_2475 = vector.extract %slice3A_2474[0] : f32 from vector<1xf32>
      %mul3A_2476 = vector.broadcast %squeeze3A_2475 : f32 to vector<16xf32>
      %mul3A_2477 = arith.mulf %max3A_2473, %mul3A_2476 : vector<16xf32>
      %add3A_2478 = arith.addf %broadcast_in_dim3A_2456, %mul3A_2477 : vector<16xf32>
      %get3A_2479 = arith.constant 1 : i32
      %get3A_2480 = arith.index_cast %get3A_2479 : i32 to index
      %get3A_2481 = arith.constant 32 : index
      %get3A_2482 = tpu.vector_load %arg28[%get3A_2480, %get3A_2481] {strides = array<i32>} : memref<15x80xf32, #tpu.memory_space<vmem>>, vector<16xf32>,
      %get3A_2483 = arith.constant 6 : i32
      %get3A_2484 = arith.index_cast %get3A_2483 : i32 to index
      %get3A_2485 = arith.constant 32 : index
      %get3A_2486 = tpu.vector_load %arg28[%get3A_2484, %get3A_2485] {strides = array<i32>} : memref<15x80xf32, #tpu.memory_space<vmem>>, vector<16xf32>,
      %get3A_2487 = arith.constant 11 : i32
      %get3A_2488 = arith.index_cast %get3A_2487 : i32 to index
      %get3A_2489 = arith.constant 32 : index
      %get3A_2490 = tpu.vector_load %arg28[%get3A_2488, %get3A_2489] {strides = array<i32>} : memref<15x80xf32, #tpu.memory_space<vmem>>, vector<16xf32>,
      %add3A_2491 = arith.addf %get3A_2482, %get3A_2486 : vector<16xf32>
      %add3A_2492 = arith.addf %add3A_2491, %get3A_2490 : vector<16xf32>
      %max3A_2493 = arith.constant 0.000000e+00 : f32
      %max3A_2494 = vector.broadcast %max3A_2493 : f32 to vector<16xf32>
      %max3A_2495 = arith.maximumf %add3A_2492, %max3A_2494 : vector<16xf32>
      %slice3A_2496 = vector.extract_strided_slice %get3A_2203 {offsets = [1], sizes = [1], strides = [1]} : vector<16xf32> to vector<1xf32>
      %squeeze3A_2497 = vector.extract %slice3A_2496[0] : f32 from vector<1xf32>
      %mul3A_2498 = vector.broadcast %squeeze3A_2497 : f32 to vector<16xf32>
      %mul3A_2499 = arith.mulf %max3A_2495, %mul3A_2498 : vector<16xf32>
      %add3A_2500 = arith.addf %add3A_2478, %mul3A_2499 : vector<16xf32>
      %get3A_2501 = arith.constant 2 : i32
      %get3A_2502 = arith.index_cast %get3A_2501 : i32 to index
      %get3A_2503 = arith.constant 32 : index
      %get3A_2504 = tpu.vector_load %arg28[%get3A_2502, %get3A_2503] {strides = array<i32>} : memref<15x80xf32, #tpu.memory_space<vmem>>, vector<16xf32>,
      %get3A_2505 = arith.constant 7 : i32
      %get3A_2506 = arith.index_cast %get3A_2505 : i32 to index
      %get3A_2507 = arith.constant 32 : index
      %get3A_2508 = tpu.vector_load %arg28[%get3A_2506, %get3A_2507] {strides = array<i32>} : memref<15x80xf32, #tpu.memory_space<vmem>>, vector<16xf32>,
      %get3A_2509 = arith.constant 12 : i32
      %get3A_2510 = arith.index_cast %get3A_2509 : i32 to index
      %get3A_2511 = arith.constant 32 : index
      %get3A_2512 = tpu.vector_load %arg28[%get3A_2510, %get3A_2511] {strides = array<i32>} : memref<15x80xf32, #tpu.memory_space<vmem>>, vector<16xf32>,
      %add3A_2513 = arith.addf %get3A_2504, %get3A_2508 : vector<16xf32>
      %add3A_2514 = arith.addf %add3A_2513, %get3A_2512 : vector<16xf32>
      %max3A_2515 = arith.constant 0.000000e+00 : f32
      %max3A_2516 = vector.broadcast %max3A_2515 : f32 to vector<16xf32>
      %max3A_2517 = arith.maximumf %add3A_2514, %max3A_2516 : vector<16xf32>
      %slice3A_2518 = vector.extract_strided_slice %get3A_2203 {offsets = [2], sizes = [1], strides = [1]} : vector<16xf32> to vector<1xf32>
      %squeeze3A_2519 = vector.extract %slice3A_2518[0] : f32 from vector<1xf32>
      %mul3A_2520 = vector.broadcast %squeeze3A_2519 : f32 to vector<16xf32>
      %mul3A_2521 = arith.mulf %max3A_2517, %mul3A_2520 : vector<16xf32>
      %add3A_2522 = arith.addf %add3A_2500, %mul3A_2521 : vector<16xf32>
      %get3A_2523 = arith.constant 3 : i32
      %get3A_2524 = arith.index_cast %get3A_2523 : i32 to index
      %get3A_2525 = arith.constant 32 : index
      %get3A_2526 = tpu.vector_load %arg28[%get3A_2524, %get3A_2525] {strides = array<i32>} : memref<15x80xf32, #tpu.memory_space<vmem>>, vector<16xf32>,
      %get3A_2527 = arith.constant 8 : i32
      %get3A_2528 = arith.index_cast %get3A_2527 : i32 to index
      %get3A_2529 = arith.constant 32 : index
      %get3A_2530 = tpu.vector_load %arg28[%get3A_2528, %get3A_2529] {strides = array<i32>} : memref<15x80xf32, #tpu.memory_space<vmem>>, vector<16xf32>,
      %get3A_2531 = arith.constant 13 : i32
      %get3A_2532 = arith.index_cast %get3A_2531 : i32 to index
      %get3A_2533 = arith.constant 32 : index
      %get3A_2534 = tpu.vector_load %arg28[%get3A_2532, %get3A_2533] {strides = array<i32>} : memref<15x80xf32, #tpu.memory_space<vmem>>, vector<16xf32>,
      %add3A_2535 = arith.addf %get3A_2526, %get3A_2530 : vector<16xf32>
      %add3A_2536 = arith.addf %add3A_2535, %get3A_2534 : vector<16xf32>
      %max3A_2537 = arith.constant 0.000000e+00 : f32
      %max3A_2538 = vector.broadcast %max3A_2537 : f32 to vector<16xf32>
      %max3A_2539 = arith.maximumf %add3A_2536, %max3A_2538 : vector<16xf32>
      %slice3A_2540 = vector.extract_strided_slice %get3A_2203 {offsets = [3], sizes = [1], strides = [1]} : vector<16xf32> to vector<1xf32>
      %squeeze3A_2541 = vector.extract %slice3A_2540[0] : f32 from vector<1xf32>
      %mul3A_2542 = vector.broadcast %squeeze3A_2541 : f32 to vector<16xf32>
      %mul3A_2543 = arith.mulf %max3A_2539, %mul3A_2542 : vector<16xf32>
      %add3A_2544 = arith.addf %add3A_2522, %mul3A_2543 : vector<16xf32>
      %get3A_2545 = arith.constant 4 : i32
      %get3A_2546 = arith.index_cast %get3A_2545 : i32 to index
      %get3A_2547 = arith.constant 32 : index
      %get3A_2548 = tpu.vector_load %arg28[%get3A_2546, %get3A_2547] {strides = array<i32>} : memref<15x80xf32, #tpu.memory_space<vmem>>, vector<16xf32>,
      %get3A_2549 = arith.constant 9 : i32
      %get3A_2550 = arith.index_cast %get3A_2549 : i32 to index
      %get3A_2551 = arith.constant 32 : index
      %get3A_2552 = tpu.vector_load %arg28[%get3A_2550, %get3A_2551] {strides = array<i32>} : memref<15x80xf32, #tpu.memory_space<vmem>>, vector<16xf32>,
      %get3A_2553 = arith.constant 14 : i32
      %get3A_2554 = arith.index_cast %get3A_2553 : i32 to index
      %get3A_2555 = arith.constant 32 : index
      %get3A_2556 = tpu.vector_load %arg28[%get3A_2554, %get3A_2555] {strides = array<i32>} : memref<15x80xf32, #tpu.memory_space<vmem>>, vector<16xf32>,
      %add3A_2557 = arith.addf %get3A_2548, %get3A_2552 : vector<16xf32>
      %add3A_2558 = arith.addf %add3A_2557, %get3A_2556 : vector<16xf32>
      %max3A_2559 = arith.constant 0.000000e+00 : f32
      %max3A_2560 = vector.broadcast %max3A_2559 : f32 to vector<16xf32>
      %max3A_2561 = arith.maximumf %add3A_2558, %max3A_2560 : vector<16xf32>
      %slice3A_2562 = vector.extract_strided_slice %get3A_2203 {offsets = [4], sizes = [1], strides = [1]} : vector<16xf32> to vector<1xf32>
      %squeeze3A_2563 = vector.extract %slice3A_2562[0] : f32 from vector<1xf32>
      %mul3A_2564 = vector.broadcast %squeeze3A_2563 : f32 to vector<16xf32>
      %mul3A_2565 = arith.mulf %max3A_2561, %mul3A_2564 : vector<16xf32>
      %add3A_2566 = arith.addf %add3A_2544, %mul3A_2565 : vector<16xf32>
      %neg3A_2567 = arith.constant 0.000000e+00 : f32
      %neg3A_2568 = vector.broadcast %neg3A_2567 : f32 to vector<16xf32>
      %neg3A_2569 = arith.subf %neg3A_2568, %add3A_2566 : vector<16xf32>
      %exp3A_2570 = math.exp %neg3A_2569 : vector<16xf32>
      %add3A_2571 = arith.constant 1.000000e+00 : f32
      %add3A_2572 = vector.broadcast %add3A_2571 : f32 to vector<16xf32>
      %add3A_2573 = arith.addf %add3A_2572, %exp3A_2570 : vector<16xf32>
      %div3A_2574 = arith.constant 1.000000e+00 : f32
      %div3A_2575 = vector.broadcast %div3A_2574 : f32 to vector<16xf32>
      %div3A_2576 = arith.divf %div3A_2575, %add3A_2573 : vector<16xf32>
      %swap3A_2577 = arith.constant 32 : index
      %swap3A_2578 = tpu.vector_load %arg33[%swap3A_2577] {strides = array<i32>} : memref<96xf32, #tpu.memory_space<vmem>>, vector<16xf32>,
      tpu.vector_store %arg33[%swap3A_2577], %div3A_2576 {strides = array<i32>} : memref<96xf32, #tpu.memory_space<vmem>>, vector<16xf32>,
      %slice3A_2579 = vector.extract_strided_slice %get3A_2203 {offsets = [5], sizes = [1], strides = [1]} : vector<16xf32> to vector<1xf32>
      %squeeze3A_2580 = vector.extract %slice3A_2579[0] : f32 from vector<1xf32>
      %broadcast_in_dim3A_2581 = vector.broadcast %squeeze3A_2580 : f32 to vector<16xf32>
      %get3A_2582 = arith.constant 0 : i32
      %get3A_2583 = arith.index_cast %get3A_2582 : i32 to index
      %get3A_2584 = arith.constant 48 : index
      %get3A_2585 = tpu.vector_load %arg28[%get3A_2583, %get3A_2584] {strides = array<i32>} : memref<15x80xf32, #tpu.memory_space<vmem>>, vector<16xf32>,
      %get3A_2586 = arith.constant 5 : i32
      %get3A_2587 = arith.index_cast %get3A_2586 : i32 to index
      %get3A_2588 = arith.constant 48 : index
      %get3A_2589 = tpu.vector_load %arg28[%get3A_2587, %get3A_2588] {strides = array<i32>} : memref<15x80xf32, #tpu.memory_space<vmem>>, vector<16xf32>,
      %get3A_2590 = arith.constant 10 : i32
      %get3A_2591 = arith.index_cast %get3A_2590 : i32 to index
      %get3A_2592 = arith.constant 48 : index
      %get3A_2593 = tpu.vector_load %arg28[%get3A_2591, %get3A_2592] {strides = array<i32>} : memref<15x80xf32, #tpu.memory_space<vmem>>, vector<16xf32>,
      %add3A_2594 = arith.addf %get3A_2585, %get3A_2589 : vector<16xf32>
      %add3A_2595 = arith.addf %add3A_2594, %get3A_2593 : vector<16xf32>
      %max3A_2596 = arith.constant 0.000000e+00 : f32
      %max3A_2597 = vector.broadcast %max3A_2596 : f32 to vector<16xf32>
      %max3A_2598 = arith.maximumf %add3A_2595, %max3A_2597 : vector<16xf32>
      %slice3A_2599 = vector.extract_strided_slice %get3A_2203 {offsets = [0], sizes = [1], strides = [1]} : vector<16xf32> to vector<1xf32>
      %squeeze3A_2600 = vector.extract %slice3A_2599[0] : f32 from vector<1xf32>
      %mul3A_2601 = vector.broadcast %squeeze3A_2600 : f32 to vector<16xf32>
      %mul3A_2602 = arith.mulf %max3A_2598, %mul3A_2601 : vector<16xf32>
      %add3A_2603 = arith.addf %broadcast_in_dim3A_2581, %mul3A_2602 : vector<16xf32>
      %get3A_2604 = arith.constant 1 : i32
      %get3A_2605 = arith.index_cast %get3A_2604 : i32 to index
      %get3A_2606 = arith.constant 48 : index
      %get3A_2607 = tpu.vector_load %arg28[%get3A_2605, %get3A_2606] {strides = array<i32>} : memref<15x80xf32, #tpu.memory_space<vmem>>, vector<16xf32>,
      %get3A_2608 = arith.constant 6 : i32
      %get3A_2609 = arith.index_cast %get3A_2608 : i32 to index
      %get3A_2610 = arith.constant 48 : index
      %get3A_2611 = tpu.vector_load %arg28[%get3A_2609, %get3A_2610] {strides = array<i32>} : memref<15x80xf32, #tpu.memory_space<vmem>>, vector<16xf32>,
      %get3A_2612 = arith.constant 11 : i32
      %get3A_2613 = arith.index_cast %get3A_2612 : i32 to index
      %get3A_2614 = arith.constant 48 : index
      %get3A_2615 = tpu.vector_load %arg28[%get3A_2613, %get3A_2614] {strides = array<i32>} : memref<15x80xf32, #tpu.memory_space<vmem>>, vector<16xf32>,
      %add3A_2616 = arith.addf %get3A_2607, %get3A_2611 : vector<16xf32>
      %add3A_2617 = arith.addf %add3A_2616, %get3A_2615 : vector<16xf32>
      %max3A_2618 = arith.constant 0.000000e+00 : f32
      %max3A_2619 = vector.broadcast %max3A_2618 : f32 to vector<16xf32>
      %max3A_2620 = arith.maximumf %add3A_2617, %max3A_2619 : vector<16xf32>
      %slice3A_2621 = vector.extract_strided_slice %get3A_2203 {offsets = [1], sizes = [1], strides = [1]} : vector<16xf32> to vector<1xf32>
      %squeeze3A_2622 = vector.extract %slice3A_2621[0] : f32 from vector<1xf32>
      %mul3A_2623 = vector.broadcast %squeeze3A_2622 : f32 to vector<16xf32>
      %mul3A_2624 = arith.mulf %max3A_2620, %mul3A_2623 : vector<16xf32>
      %add3A_2625 = arith.addf %add3A_2603, %mul3A_2624 : vector<16xf32>
      %get3A_2626 = arith.constant 2 : i32
      %get3A_2627 = arith.index_cast %get3A_2626 : i32 to index
      %get3A_2628 = arith.constant 48 : index
      %get3A_2629 = tpu.vector_load %arg28[%get3A_2627, %get3A_2628] {strides = array<i32>} : memref<15x80xf32, #tpu.memory_space<vmem>>, vector<16xf32>,
      %get3A_2630 = arith.constant 7 : i32
      %get3A_2631 = arith.index_cast %get3A_2630 : i32 to index
      %get3A_2632 = arith.constant 48 : index
      %get3A_2633 = tpu.vector_load %arg28[%get3A_2631, %get3A_2632] {strides = array<i32>} : memref<15x80xf32, #tpu.memory_space<vmem>>, vector<16xf32>,
      %get3A_2634 = arith.constant 12 : i32
      %get3A_2635 = arith.index_cast %get3A_2634 : i32 to index
      %get3A_2636 = arith.constant 48 : index
      %get3A_2637 = tpu.vector_load %arg28[%get3A_2635, %get3A_2636] {strides = array<i32>} : memref<15x80xf32, #tpu.memory_space<vmem>>, vector<16xf32>,
      %add3A_2638 = arith.addf %get3A_2629, %get3A_2633 : vector<16xf32>
      %add3A_2639 = arith.addf %add3A_2638, %get3A_2637 : vector<16xf32>
      %max3A_2640 = arith.constant 0.000000e+00 : f32
      %max3A_2641 = vector.broadcast %max3A_2640 : f32 to vector<16xf32>
      %max3A_2642 = arith.maximumf %add3A_2639, %max3A_2641 : vector<16xf32>
      %slice3A_2643 = vector.extract_strided_slice %get3A_2203 {offsets = [2], sizes = [1], strides = [1]} : vector<16xf32> to vector<1xf32>
      %squeeze3A_2644 = vector.extract %slice3A_2643[0] : f32 from vector<1xf32>
      %mul3A_2645 = vector.broadcast %squeeze3A_2644 : f32 to vector<16xf32>
      %mul3A_2646 = arith.mulf %max3A_2642, %mul3A_2645 : vector<16xf32>
      %add3A_2647 = arith.addf %add3A_2625, %mul3A_2646 : vector<16xf32>
      %get3A_2648 = arith.constant 3 : i32
      %get3A_2649 = arith.index_cast %get3A_2648 : i32 to index
      %get3A_2650 = arith.constant 48 : index
      %get3A_2651 = tpu.vector_load %arg28[%get3A_2649, %get3A_2650] {strides = array<i32>} : memref<15x80xf32, #tpu.memory_space<vmem>>, vector<16xf32>,
      %get3A_2652 = arith.constant 8 : i32
      %get3A_2653 = arith.index_cast %get3A_2652 : i32 to index
      %get3A_2654 = arith.constant 48 : index
      %get3A_2655 = tpu.vector_load %arg28[%get3A_2653, %get3A_2654] {strides = array<i32>} : memref<15x80xf32, #tpu.memory_space<vmem>>, vector<16xf32>,
      %get3A_2656 = arith.constant 13 : i32
      %get3A_2657 = arith.index_cast %get3A_2656 : i32 to index
      %get3A_2658 = arith.constant 48 : index
      %get3A_2659 = tpu.vector_load %arg28[%get3A_2657, %get3A_2658] {strides = array<i32>} : memref<15x80xf32, #tpu.memory_space<vmem>>, vector<16xf32>,
      %add3A_2660 = arith.addf %get3A_2651, %get3A_2655 : vector<16xf32>
      %add3A_2661 = arith.addf %add3A_2660, %get3A_2659 : vector<16xf32>
      %max3A_2662 = arith.constant 0.000000e+00 : f32
      %max3A_2663 = vector.broadcast %max3A_2662 : f32 to vector<16xf32>
      %max3A_2664 = arith.maximumf %add3A_2661, %max3A_2663 : vector<16xf32>
      %slice3A_2665 = vector.extract_strided_slice %get3A_2203 {offsets = [3], sizes = [1], strides = [1]} : vector<16xf32> to vector<1xf32>
      %squeeze3A_2666 = vector.extract %slice3A_2665[0] : f32 from vector<1xf32>
      %mul3A_2667 = vector.broadcast %squeeze3A_2666 : f32 to vector<16xf32>
      %mul3A_2668 = arith.mulf %max3A_2664, %mul3A_2667 : vector<16xf32>
      %add3A_2669 = arith.addf %add3A_2647, %mul3A_2668 : vector<16xf32>
      %get3A_2670 = arith.constant 4 : i32
      %get3A_2671 = arith.index_cast %get3A_2670 : i32 to index
      %get3A_2672 = arith.constant 48 : index
      %get3A_2673 = tpu.vector_load %arg28[%get3A_2671, %get3A_2672] {strides = array<i32>} : memref<15x80xf32, #tpu.memory_space<vmem>>, vector<16xf32>,
      %get3A_2674 = arith.constant 9 : i32
      %get3A_2675 = arith.index_cast %get3A_2674 : i32 to index
      %get3A_2676 = arith.constant 48 : index
      %get3A_2677 = tpu.vector_load %arg28[%get3A_2675, %get3A_2676] {strides = array<i32>} : memref<15x80xf32, #tpu.memory_space<vmem>>, vector<16xf32>,
      %get3A_2678 = arith.constant 14 : i32
      %get3A_2679 = arith.index_cast %get3A_2678 : i32 to index
      %get3A_2680 = arith.constant 48 : index
      %get3A_2681 = tpu.vector_load %arg28[%get3A_2679, %get3A_2680] {strides = array<i32>} : memref<15x80xf32, #tpu.memory_space<vmem>>, vector<16xf32>,
      %add3A_2682 = arith.addf %get3A_2673, %get3A_2677 : vector<16xf32>
      %add3A_2683 = arith.addf %add3A_2682, %get3A_2681 : vector<16xf32>
      %max3A_2684 = arith.constant 0.000000e+00 : f32
      %max3A_2685 = vector.broadcast %max3A_2684 : f32 to vector<16xf32>
      %max3A_2686 = arith.maximumf %add3A_2683, %max3A_2685 : vector<16xf32>
      %slice3A_2687 = vector.extract_strided_slice %get3A_2203 {offsets = [4], sizes = [1], strides = [1]} : vector<16xf32> to vector<1xf32>
      %squeeze3A_2688 = vector.extract %slice3A_2687[0] : f32 from vector<1xf32>
      %mul3A_2689 = vector.broadcast %squeeze3A_2688 : f32 to vector<16xf32>
      %mul3A_2690 = arith.mulf %max3A_2686, %mul3A_2689 : vector<16xf32>
      %add3A_2691 = arith.addf %add3A_2669, %mul3A_2690 : vector<16xf32>
      %neg3A_2692 = arith.constant 0.000000e+00 : f32
      %neg3A_2693 = vector.broadcast %neg3A_2692 : f32 to vector<16xf32>
      %neg3A_2694 = arith.subf %neg3A_2693, %add3A_2691 : vector<16xf32>
      %exp3A_2695 = math.exp %neg3A_2694 : vector<16xf32>
      %add3A_2696 = arith.constant 1.000000e+00 : f32
      %add3A_2697 = vector.broadcast %add3A_2696 : f32 to vector<16xf32>
      %add3A_2698 = arith.addf %add3A_2697, %exp3A_2695 : vector<16xf32>
      %div3A_2699 = arith.constant 1.000000e+00 : f32
      %div3A_2700 = vector.broadcast %div3A_2699 : f32 to vector<16xf32>
      %div3A_2701 = arith.divf %div3A_2700, %add3A_2698 : vector<16xf32>
      %swap3A_2702 = arith.constant 48 : index
      %swap3A_2703 = tpu.vector_load %arg33[%swap3A_2702] {strides = array<i32>} : memref<96xf32, #tpu.memory_space<vmem>>, vector<16xf32>,
      tpu.vector_store %arg33[%swap3A_2702], %div3A_2701 {strides = array<i32>} : memref<96xf32, #tpu.memory_space<vmem>>, vector<16xf32>,
      %slice3A_2704 = vector.extract_strided_slice %get3A_2203 {offsets = [5], sizes = [1], strides = [1]} : vector<16xf32> to vector<1xf32>
      %squeeze3A_2705 = vector.extract %slice3A_2704[0] : f32 from vector<1xf32>
      %broadcast_in_dim3A_2706 = vector.broadcast %squeeze3A_2705 : f32 to vector<16xf32>
      %get3A_2707 = arith.constant 0 : i32
      %get3A_2708 = arith.index_cast %get3A_2707 : i32 to index
      %get3A_2709 = arith.constant 64 : index
      %get3A_2710 = tpu.vector_load %arg28[%get3A_2708, %get3A_2709] {strides = array<i32>} : memref<15x80xf32, #tpu.memory_space<vmem>>, vector<16xf32>,
      %get3A_2711 = arith.constant 5 : i32
      %get3A_2712 = arith.index_cast %get3A_2711 : i32 to index
      %get3A_2713 = arith.constant 64 : index
      %get3A_2714 = tpu.vector_load %arg28[%get3A_2712, %get3A_2713] {strides = array<i32>} : memref<15x80xf32, #tpu.memory_space<vmem>>, vector<16xf32>,
      %get3A_2715 = arith.constant 10 : i32
      %get3A_2716 = arith.index_cast %get3A_2715 : i32 to index
      %get3A_2717 = arith.constant 64 : index
      %get3A_2718 = tpu.vector_load %arg28[%get3A_2716, %get3A_2717] {strides = array<i32>} : memref<15x80xf32, #tpu.memory_space<vmem>>, vector<16xf32>,
      %add3A_2719 = arith.addf %get3A_2710, %get3A_2714 : vector<16xf32>
      %add3A_2720 = arith.addf %add3A_2719, %get3A_2718 : vector<16xf32>
      %max3A_2721 = arith.constant 0.000000e+00 : f32
      %max3A_2722 = vector.broadcast %max3A_2721 : f32 to vector<16xf32>
      %max3A_2723 = arith.maximumf %add3A_2720, %max3A_2722 : vector<16xf32>
      %slice3A_2724 = vector.extract_strided_slice %get3A_2203 {offsets = [0], sizes = [1], strides = [1]} : vector<16xf32> to vector<1xf32>
      %squeeze3A_2725 = vector.extract %slice3A_2724[0] : f32 from vector<1xf32>
      %mul3A_2726 = vector.broadcast %squeeze3A_2725 : f32 to vector<16xf32>
      %mul3A_2727 = arith.mulf %max3A_2723, %mul3A_2726 : vector<16xf32>
      %add3A_2728 = arith.addf %broadcast_in_dim3A_2706, %mul3A_2727 : vector<16xf32>
      %get3A_2729 = arith.constant 1 : i32
      %get3A_2730 = arith.index_cast %get3A_2729 : i32 to index
      %get3A_2731 = arith.constant 64 : index
      %get3A_2732 = tpu.vector_load %arg28[%get3A_2730, %get3A_2731] {strides = array<i32>} : memref<15x80xf32, #tpu.memory_space<vmem>>, vector<16xf32>,
      %get3A_2733 = arith.constant 6 : i32
      %get3A_2734 = arith.index_cast %get3A_2733 : i32 to index
      %get3A_2735 = arith.constant 64 : index
      %get3A_2736 = tpu.vector_load %arg28[%get3A_2734, %get3A_2735] {strides = array<i32>} : memref<15x80xf32, #tpu.memory_space<vmem>>, vector<16xf32>,
      %get3A_2737 = arith.constant 11 : i32
      %get3A_2738 = arith.index_cast %get3A_2737 : i32 to index
      %get3A_2739 = arith.constant 64 : index
      %get3A_2740 = tpu.vector_load %arg28[%get3A_2738, %get3A_2739] {strides = array<i32>} : memref<15x80xf32, #tpu.memory_space<vmem>>, vector<16xf32>,
      %add3A_2741 = arith.addf %get3A_2732, %get3A_2736 : vector<16xf32>
      %add3A_2742 = arith.addf %add3A_2741, %get3A_2740 : vector<16xf32>
      %max3A_2743 = arith.constant 0.000000e+00 : f32
      %max3A_2744 = vector.broadcast %max3A_2743 : f32 to vector<16xf32>
      %max3A_2745 = arith.maximumf %add3A_2742, %max3A_2744 : vector<16xf32>
      %slice3A_2746 = vector.extract_strided_slice %get3A_2203 {offsets = [1], sizes = [1], strides = [1]} : vector<16xf32> to vector<1xf32>
      %squeeze3A_2747 = vector.extract %slice3A_2746[0] : f32 from vector<1xf32>
      %mul3A_2748 = vector.broadcast %squeeze3A_2747 : f32 to vector<16xf32>
      %mul3A_2749 = arith.mulf %max3A_2745, %mul3A_2748 : vector<16xf32>
      %add3A_2750 = arith.addf %add3A_2728, %mul3A_2749 : vector<16xf32>
      %get3A_2751 = arith.constant 2 : i32
      %get3A_2752 = arith.index_cast %get3A_2751 : i32 to index
      %get3A_2753 = arith.constant 64 : index
      %get3A_2754 = tpu.vector_load %arg28[%get3A_2752, %get3A_2753] {strides = array<i32>} : memref<15x80xf32, #tpu.memory_space<vmem>>, vector<16xf32>,
      %get3A_2755 = arith.constant 7 : i32
      %get3A_2756 = arith.index_cast %get3A_2755 : i32 to index
      %get3A_2757 = arith.constant 64 : index
      %get3A_2758 = tpu.vector_load %arg28[%get3A_2756, %get3A_2757] {strides = array<i32>} : memref<15x80xf32, #tpu.memory_space<vmem>>, vector<16xf32>,
      %get3A_2759 = arith.constant 12 : i32
      %get3A_2760 = arith.index_cast %get3A_2759 : i32 to index
      %get3A_2761 = arith.constant 64 : index
      %get3A_2762 = tpu.vector_load %arg28[%get3A_2760, %get3A_2761] {strides = array<i32>} : memref<15x80xf32, #tpu.memory_space<vmem>>, vector<16xf32>,
      %add3A_2763 = arith.addf %get3A_2754, %get3A_2758 : vector<16xf32>
      %add3A_2764 = arith.addf %add3A_2763, %get3A_2762 : vector<16xf32>
      %max3A_2765 = arith.constant 0.000000e+00 : f32
      %max3A_2766 = vector.broadcast %max3A_2765 : f32 to vector<16xf32>
      %max3A_2767 = arith.maximumf %add3A_2764, %max3A_2766 : vector<16xf32>
      %slice3A_2768 = vector.extract_strided_slice %get3A_2203 {offsets = [2], sizes = [1], strides = [1]} : vector<16xf32> to vector<1xf32>
      %squeeze3A_2769 = vector.extract %slice3A_2768[0] : f32 from vector<1xf32>
      %mul3A_2770 = vector.broadcast %squeeze3A_2769 : f32 to vector<16xf32>
      %mul3A_2771 = arith.mulf %max3A_2767, %mul3A_2770 : vector<16xf32>
      %add3A_2772 = arith.addf %add3A_2750, %mul3A_2771 : vector<16xf32>
      %get3A_2773 = arith.constant 3 : i32
      %get3A_2774 = arith.index_cast %get3A_2773 : i32 to index
      %get3A_2775 = arith.constant 64 : index
      %get3A_2776 = tpu.vector_load %arg28[%get3A_2774, %get3A_2775] {strides = array<i32>} : memref<15x80xf32, #tpu.memory_space<vmem>>, vector<16xf32>,
      %get3A_2777 = arith.constant 8 : i32
      %get3A_2778 = arith.index_cast %get3A_2777 : i32 to index
      %get3A_2779 = arith.constant 64 : index
      %get3A_2780 = tpu.vector_load %arg28[%get3A_2778, %get3A_2779] {strides = array<i32>} : memref<15x80xf32, #tpu.memory_space<vmem>>, vector<16xf32>,
      %get3A_2781 = arith.constant 13 : i32
      %get3A_2782 = arith.index_cast %get3A_2781 : i32 to index
      %get3A_2783 = arith.constant 64 : index
      %get3A_2784 = tpu.vector_load %arg28[%get3A_2782, %get3A_2783] {strides = array<i32>} : memref<15x80xf32, #tpu.memory_space<vmem>>, vector<16xf32>,
      %add3A_2785 = arith.addf %get3A_2776, %get3A_2780 : vector<16xf32>
      %add3A_2786 = arith.addf %add3A_2785, %get3A_2784 : vector<16xf32>
      %max3A_2787 = arith.constant 0.000000e+00 : f32
      %max3A_2788 = vector.broadcast %max3A_2787 : f32 to vector<16xf32>
      %max3A_2789 = arith.maximumf %add3A_2786, %max3A_2788 : vector<16xf32>
      %slice3A_2790 = vector.extract_strided_slice %get3A_2203 {offsets = [3], sizes = [1], strides = [1]} : vector<16xf32> to vector<1xf32>
      %squeeze3A_2791 = vector.extract %slice3A_2790[0] : f32 from vector<1xf32>
      %mul3A_2792 = vector.broadcast %squeeze3A_2791 : f32 to vector<16xf32>
      %mul3A_2793 = arith.mulf %max3A_2789, %mul3A_2792 : vector<16xf32>
      %add3A_2794 = arith.addf %add3A_2772, %mul3A_2793 : vector<16xf32>
      %get3A_2795 = arith.constant 4 : i32
      %get3A_2796 = arith.index_cast %get3A_2795 : i32 to index
      %get3A_2797 = arith.constant 64 : index
      %get3A_2798 = tpu.vector_load %arg28[%get3A_2796, %get3A_2797] {strides = array<i32>} : memref<15x80xf32, #tpu.memory_space<vmem>>, vector<16xf32>,
      %get3A_2799 = arith.constant 9 : i32
      %get3A_2800 = arith.index_cast %get3A_2799 : i32 to index
      %get3A_2801 = arith.constant 64 : index
      %get3A_2802 = tpu.vector_load %arg28[%get3A_2800, %get3A_2801] {strides = array<i32>} : memref<15x80xf32, #tpu.memory_space<vmem>>, vector<16xf32>,
      %get3A_2803 = arith.constant 14 : i32
      %get3A_2804 = arith.index_cast %get3A_2803 : i32 to index
      %get3A_2805 = arith.constant 64 : index
      %get3A_2806 = tpu.vector_load %arg28[%get3A_2804, %get3A_2805] {strides = array<i32>} : memref<15x80xf32, #tpu.memory_space<vmem>>, vector<16xf32>,
      %add3A_2807 = arith.addf %get3A_2798, %get3A_2802 : vector<16xf32>
      %add3A_2808 = arith.addf %add3A_2807, %get3A_2806 : vector<16xf32>
      %max3A_2809 = arith.constant 0.000000e+00 : f32
      %max3A_2810 = vector.broadcast %max3A_2809 : f32 to vector<16xf32>
      %max3A_2811 = arith.maximumf %add3A_2808, %max3A_2810 : vector<16xf32>
      %slice3A_2812 = vector.extract_strided_slice %get3A_2203 {offsets = [4], sizes = [1], strides = [1]} : vector<16xf32> to vector<1xf32>
      %squeeze3A_2813 = vector.extract %slice3A_2812[0] : f32 from vector<1xf32>
      %mul3A_2814 = vector.broadcast %squeeze3A_2813 : f32 to vector<16xf32>
      %mul3A_2815 = arith.mulf %max3A_2811, %mul3A_2814 : vector<16xf32>
      %add3A_2816 = arith.addf %add3A_2794, %mul3A_2815 : vector<16xf32>
      %neg3A_2817 = arith.constant 0.000000e+00 : f32
      %neg3A_2818 = vector.broadcast %neg3A_2817 : f32 to vector<16xf32>
      %neg3A_2819 = arith.subf %neg3A_2818, %add3A_2816 : vector<16xf32>
      %exp3A_2820 = math.exp %neg3A_2819 : vector<16xf32>
      %add3A_2821 = arith.constant 1.000000e+00 : f32
      %add3A_2822 = vector.broadcast %add3A_2821 : f32 to vector<16xf32>
      %add3A_2823 = arith.addf %add3A_2822, %exp3A_2820 : vector<16xf32>
      %div3A_2824 = arith.constant 1.000000e+00 : f32
      %div3A_2825 = vector.broadcast %div3A_2824 : f32 to vector<16xf32>
      %div3A_2826 = arith.divf %div3A_2825, %add3A_2823 : vector<16xf32>
      %swap3A_2827 = arith.constant 64 : index
      %swap3A_2828 = tpu.vector_load %arg33[%swap3A_2827] {strides = array<i32>} : memref<96xf32, #tpu.memory_space<vmem>>, vector<16xf32>,
      tpu.vector_store %arg33[%swap3A_2827], %div3A_2826 {strides = array<i32>} : memref<96xf32, #tpu.memory_space<vmem>>, vector<16xf32>,
      %scan3A_2829 = arith.constant 0 : i32
      %scan3A_2830 = arith.constant 0 : i32
      %scan3A_2831 = arith.constant 80 : i32
      %scan3A_2832 = arith.addi %scan3A_2830, %scan3A_2831 : i32
      %scan3A_2833 = arith.constant 1 : i32
      scf.for %scan3A_2836 = %scan3A_2830 to %scan3A_2832 step %scan3A_2833  : i32 {
        %get3A_2837 = arith.index_cast %scan3A_2836 : i32 to index
        %get3A_2838 = tpu.vector_load %arg33[%get3A_2837] {strides = array<i32>} : memref<96xf32, #tpu.memory_space<vmem>>, vector<16xf32>,
        %slice3A_2839 = vector.extract_strided_slice %get3A_2838 {offsets = [0], sizes = [1], strides = [1]} : vector<16xf32> to vector<1xf32>
        %squeeze3A_2840 = vector.extract %slice3A_2839[0] : f32 from vector<1xf32>
        %broadcast_in_dim3A_2841 = vector.broadcast %squeeze3A_2840 : f32 to vector<16xf32>
        %get3A_2842 = arith.index_cast %scan3A_2836 : i32 to index
        %get3A_2843 = arith.constant 0 : index
        %get3A_2844 = tpu.vector_load %arg30[%get3A_2842, %get3A_2843] {strides = array<i32>} : memref<80x128xf32, #tpu.memory_space<vmem>>, vector<16xf32>,
        %get3A_2845 = arith.index_cast %scan3A_2836 : i32 to index
        %get3A_2846 = arith.constant 0 : index
        %get3A_2847 = tpu.vector_load %arg32[%get3A_2845, %get3A_2846] {strides = array<i32>} : memref<80x128xf32, #tpu.memory_space<vmem>>, vector<16xf32>,
        %add3A_2848 = arith.addf %get3A_2844, %get3A_2847 : vector<16xf32>
        %mul3A_2849 = arith.mulf %broadcast_in_dim3A_2841, %add3A_2848 : vector<16xf32>
        %swap3A_2850 = arith.index_cast %scan3A_2836 : i32 to index
        %swap3A_2851 = arith.constant 0 : index
        %swap3A_2852 = tpu.vector_load %arg30[%swap3A_2850, %swap3A_2851] {strides = array<i32>} : memref<80x128xf32, #tpu.memory_space<vmem>>, vector<16xf32>,
        tpu.vector_store %arg30[%swap3A_2850, %swap3A_2851], %mul3A_2849 {strides = array<i32>} : memref<80x128xf32, #tpu.memory_space<vmem>>, vector<16xf32>,
        %get3A_2853 = arith.index_cast %scan3A_2836 : i32 to index
        %get3A_2854 = arith.constant 16 : index
        %get3A_2855 = tpu.vector_load %arg30[%get3A_2853, %get3A_2854] {strides = array<i32>} : memref<80x128xf32, #tpu.memory_space<vmem>>, vector<16xf32>,
        %get3A_2856 = arith.index_cast %scan3A_2836 : i32 to index
        %get3A_2857 = arith.constant 16 : index
        %get3A_2858 = tpu.vector_load %arg32[%get3A_2856, %get3A_2857] {strides = array<i32>} : memref<80x128xf32, #tpu.memory_space<vmem>>, vector<16xf32>,
        %add3A_2859 = arith.addf %get3A_2855, %get3A_2858 : vector<16xf32>
        %mul3A_2860 = arith.mulf %broadcast_in_dim3A_2841, %add3A_2859 : vector<16xf32>
        %swap3A_2861 = arith.index_cast %scan3A_2836 : i32 to index
        %swap3A_2862 = arith.constant 16 : index
        %swap3A_2863 = tpu.vector_load %arg30[%swap3A_2861, %swap3A_2862] {strides = array<i32>} : memref<80x128xf32, #tpu.memory_space<vmem>>, vector<16xf32>,
        tpu.vector_store %arg30[%swap3A_2861, %swap3A_2862], %mul3A_2860 {strides = array<i32>} : memref<80x128xf32, #tpu.memory_space<vmem>>, vector<16xf32>,
        %get3A_2864 = arith.index_cast %scan3A_2836 : i32 to index
        %get3A_2865 = arith.constant 32 : index
        %get3A_2866 = tpu.vector_load %arg30[%get3A_2864, %get3A_2865] {strides = array<i32>} : memref<80x128xf32, #tpu.memory_space<vmem>>, vector<16xf32>,
        %get3A_2867 = arith.index_cast %scan3A_2836 : i32 to index
        %get3A_2868 = arith.constant 32 : index
        %get3A_2869 = tpu.vector_load %arg32[%get3A_2867, %get3A_2868] {strides = array<i32>} : memref<80x128xf32, #tpu.memory_space<vmem>>, vector<16xf32>,
        %add3A_2870 = arith.addf %get3A_2866, %get3A_2869 : vector<16xf32>
        %mul3A_2871 = arith.mulf %broadcast_in_dim3A_2841, %add3A_2870 : vector<16xf32>
        %swap3A_2872 = arith.index_cast %scan3A_2836 : i32 to index
        %swap3A_2873 = arith.constant 32 : index
        %swap3A_2874 = tpu.vector_load %arg30[%swap3A_2872, %swap3A_2873] {strides = array<i32>} : memref<80x128xf32, #tpu.memory_space<vmem>>, vector<16xf32>,
        tpu.vector_store %arg30[%swap3A_2872, %swap3A_2873], %mul3A_2871 {strides = array<i32>} : memref<80x128xf32, #tpu.memory_space<vmem>>, vector<16xf32>,
        %get3A_2875 = arith.index_cast %scan3A_2836 : i32 to index
        %get3A_2876 = arith.constant 48 : index
        %get3A_2877 = tpu.vector_load %arg30[%get3A_2875, %get3A_2876] {strides = array<i32>} : memref<80x128xf32, #tpu.memory_space<vmem>>, vector<16xf32>,
        %get3A_2878 = arith.index_cast %scan3A_2836 : i32 to index
        %get3A_2879 = arith.constant 48 : index
        %get3A_2880 = tpu.vector_load %arg32[%get3A_2878, %get3A_2879] {strides = array<i32>} : memref<80x128xf32, #tpu.memory_space<vmem>>, vector<16xf32>,
        %add3A_2881 = arith.addf %get3A_2877, %get3A_2880 : vector<16xf32>
        %mul3A_2882 = arith.mulf %broadcast_in_dim3A_2841, %add3A_2881 : vector<16xf32>
        %swap3A_2883 = arith.index_cast %scan3A_2836 : i32 to index
        %swap3A_2884 = arith.constant 48 : index
        %swap3A_2885 = tpu.vector_load %arg30[%swap3A_2883, %swap3A_2884] {strides = array<i32>} : memref<80x128xf32, #tpu.memory_space<vmem>>, vector<16xf32>,
        tpu.vector_store %arg30[%swap3A_2883, %swap3A_2884], %mul3A_2882 {strides = array<i32>} : memref<80x128xf32, #tpu.memory_space<vmem>>, vector<16xf32>,
        %get3A_2886 = arith.index_cast %scan3A_2836 : i32 to index
        %get3A_2887 = arith.constant 64 : index
        %get3A_2888 = tpu.vector_load %arg30[%get3A_2886, %get3A_2887] {strides = array<i32>} : memref<80x128xf32, #tpu.memory_space<vmem>>, vector<16xf32>,
        %get3A_2889 = arith.index_cast %scan3A_2836 : i32 to index
        %get3A_2890 = arith.constant 64 : index
        %get3A_2891 = tpu.vector_load %arg32[%get3A_2889, %get3A_2890] {strides = array<i32>} : memref<80x128xf32, #tpu.memory_space<vmem>>, vector<16xf32>,
        %add3A_2892 = arith.addf %get3A_2888, %get3A_2891 : vector<16xf32>
        %mul3A_2893 = arith.mulf %broadcast_in_dim3A_2841, %add3A_2892 : vector<16xf32>
        %swap3A_2894 = arith.index_cast %scan3A_2836 : i32 to index
        %swap3A_2895 = arith.constant 64 : index
        %swap3A_2896 = tpu.vector_load %arg30[%swap3A_2894, %swap3A_2895] {strides = array<i32>} : memref<80x128xf32, #tpu.memory_space<vmem>>, vector<16xf32>,
        tpu.vector_store %arg30[%swap3A_2894, %swap3A_2895], %mul3A_2893 {strides = array<i32>} : memref<80x128xf32, #tpu.memory_space<vmem>>, vector<16xf32>,
        %get3A_2897 = arith.index_cast %scan3A_2836 : i32 to index
        %get3A_2898 = arith.constant 80 : index
        %get3A_2899 = tpu.vector_load %arg30[%get3A_2897, %get3A_2898] {strides = array<i32>} : memref<80x128xf32, #tpu.memory_space<vmem>>, vector<16xf32>,
        %get3A_2900 = arith.index_cast %scan3A_2836 : i32 to index
        %get3A_2901 = arith.constant 80 : index
        %get3A_2902 = tpu.vector_load %arg32[%get3A_2900, %get3A_2901] {strides = array<i32>} : memref<80x128xf32, #tpu.memory_space<vmem>>, vector<16xf32>,
        %add3A_2903 = arith.addf %get3A_2899, %get3A_2902 : vector<16xf32>
        %mul3A_2904 = arith.mulf %broadcast_in_dim3A_2841, %add3A_2903 : vector<16xf32>
        %swap3A_2905 = arith.index_cast %scan3A_2836 : i32 to index
        %swap3A_2906 = arith.constant 80 : index
        %swap3A_2907 = tpu.vector_load %arg30[%swap3A_2905, %swap3A_2906] {strides = array<i32>} : memref<80x128xf32, #tpu.memory_space<vmem>>, vector<16xf32>,
        tpu.vector_store %arg30[%swap3A_2905, %swap3A_2906], %mul3A_2904 {strides = array<i32>} : memref<80x128xf32, #tpu.memory_space<vmem>>, vector<16xf32>,
        %get3A_2908 = arith.index_cast %scan3A_2836 : i32 to index
        %get3A_2909 = arith.constant 96 : index
        %get3A_2910 = tpu.vector_load %arg30[%get3A_2908, %get3A_2909] {strides = array<i32>} : memref<80x128xf32, #tpu.memory_space<vmem>>, vector<16xf32>,
        %get3A_2911 = arith.index_cast %scan3A_2836 : i32 to index
        %get3A_2912 = arith.constant 96 : index
        %get3A_2913 = tpu.vector_load %arg32[%get3A_2911, %get3A_2912] {strides = array<i32>} : memref<80x128xf32, #tpu.memory_space<vmem>>, vector<16xf32>,
        %add3A_2914 = arith.addf %get3A_2910, %get3A_2913 : vector<16xf32>
        %mul3A_2915 = arith.mulf %broadcast_in_dim3A_2841, %add3A_2914 : vector<16xf32>
        %swap3A_2916 = arith.index_cast %scan3A_2836 : i32 to index
        %swap3A_2917 = arith.constant 96 : index
        %swap3A_2918 = tpu.vector_load %arg30[%swap3A_2916, %swap3A_2917] {strides = array<i32>} : memref<80x128xf32, #tpu.memory_space<vmem>>, vector<16xf32>,
        tpu.vector_store %arg30[%swap3A_2916, %swap3A_2917], %mul3A_2915 {strides = array<i32>} : memref<80x128xf32, #tpu.memory_space<vmem>>, vector<16xf32>,
        %get3A_2919 = arith.index_cast %scan3A_2836 : i32 to index
        %get3A_2920 = arith.constant 112 : index
        %get3A_2921 = tpu.vector_load %arg30[%get3A_2919, %get3A_2920] {strides = array<i32>} : memref<80x128xf32, #tpu.memory_space<vmem>>, vector<16xf32>,
        %get3A_2922 = arith.index_cast %scan3A_2836 : i32 to index
        %get3A_2923 = arith.constant 112 : index
        %get3A_2924 = tpu.vector_load %arg32[%get3A_2922, %get3A_2923] {strides = array<i32>} : memref<80x128xf32, #tpu.memory_space<vmem>>, vector<16xf32>,
        %add3A_2925 = arith.addf %get3A_2921, %get3A_2924 : vector<16xf32>
        %mul3A_2926 = arith.mulf %broadcast_in_dim3A_2841, %add3A_2925 : vector<16xf32>
        %swap3A_2927 = arith.index_cast %scan3A_2836 : i32 to index
        %swap3A_2928 = arith.constant 112 : index
        %swap3A_2929 = tpu.vector_load %arg30[%swap3A_2927, %swap3A_2928] {strides = array<i32>} : memref<80x128xf32, #tpu.memory_space<vmem>>, vector<16xf32>,
        tpu.vector_store %arg30[%swap3A_2927, %swap3A_2928], %mul3A_2926 {strides = array<i32>} : memref<80x128xf32, #tpu.memory_space<vmem>>, vector<16xf32>,
      }
      %scan3A_2834 = arith.constant 80 : i32
      %run_scoped3A_2835 = arith.constant 3 : i32
      "tpu.region"() ({
        %run_scoped3A_2836 = tpu.sem_alloc : memref<!tpu.dma_semaphore, #tpu.memory_space<semaphore_mem>>
        %dma_start3A_2837 = arith.constant 0 : i32
        %dma_start3A_2838 = tpu.memref_slice %arg24[%run_scoped3A_2835, %dma_start3A_2837] : memref<4x80xi32, #tpu.memory_space<vmem>> -> memref<1x80xi32, #tpu.memory_space<vmem>>
        %dma_start3A_2839 = tpu.memref_squeeze %dma_start3A_2838 : memref<1x80xi32, #tpu.memory_space<vmem>> -> memref<80xi32, #tpu.memory_space<vmem>>
        %dma_start3A_2840 = arith.constant 0 : i32
        %dma_start3A_2841 = arith.constant 0 : i32
        %dma_start3A_2842 = tpu.memref_slice %arg35[%dma_start3A_2840, %dma_start3A_2841] : memref<10000x128xf32, #tpu.memory_space<vmem_shared>> -> memref<10000x128xf32, #tpu.memory_space<vmem_shared>>
        tpu.enqueue_indirect_dma source(%arg30 : memref<80x128xf32, #tpu.memory_space<vmem>>) target(%dma_start3A_2842 : memref<10000x128xf32, #tpu.memory_space<vmem_shared>>) offsets(%dma_start3A_2839 : memref<80xi32, #tpu.memory_space<vmem>>) semaphore(%run_scoped3A_2836 : memref<!tpu.dma_semaphore, #tpu.memory_space<semaphore_mem>>) {add = true}
        %dma_wait3A_2843 = arith.constant 0 : i32
        %dma_wait3A_2844 = tpu.memref_slice %arg24[%run_scoped3A_2835, %dma_wait3A_2843] : memref<4x80xi32, #tpu.memory_space<vmem>> -> memref<1x80xi32, #tpu.memory_space<vmem>>
        %dma_wait3A_2845 = tpu.memref_squeeze %dma_wait3A_2844 : memref<1x80xi32, #tpu.memory_space<vmem>> -> memref<80xi32, #tpu.memory_space<vmem>>
        %dma_wait3A_2846 = arith.constant 0 : i32
        %dma_wait3A_2847 = arith.constant 0 : i32
        %dma_wait3A_2848 = tpu.memref_slice %arg35[%dma_wait3A_2846, %dma_wait3A_2847] : memref<10000x128xf32, #tpu.memory_space<vmem_shared>> -> memref<10000x128xf32, #tpu.memory_space<vmem_shared>>
        tpu.wait_indirect_dma semaphore(%run_scoped3A_2836 : memref<!tpu.dma_semaphore, #tpu.memory_space<semaphore_mem>>) src(%arg30 : memref<80x128xf32, #tpu.memory_space<vmem>>) dst(%dma_wait3A_2848 : memref<10000x128xf32, #tpu.memory_space<vmem_shared>>)
        tpu.yield
      }) : () -> ()
    }
    %scan3A_139 = arith.constant 62 : i32
    %dma_wait3A = arith.constant 2 : i32
    %dma_wait3A_140 = arith.constant 0 : i32
    %dma_wait3A_141 = tpu.memref_slice %arg23[%dma_wait3A, %dma_wait3A_140] : memref<4x80xi32, #tpu.memory_space<vmem>> -> memref<1x80xi32, #tpu.memory_space<vmem>>
    %dma_wait3A_142 = tpu.memref_squeeze %dma_wait3A_141 : memref<1x80xi32, #tpu.memory_space<vmem>> -> memref<80xi32, #tpu.memory_space<vmem>>
    %dma_wait3A_143 = arith.constant 0 : i32
    %dma_wait3A_144 = tpu.memref_slice %arg3[%dma_wait3A_143] : memref<10000xi32, #tpu.memory_space<hbm>> -> memref<10000xi32, #tpu.memory_space<hbm>>
    tpu.wait_indirect_dma semaphore(%arg38 : memref<!tpu.dma_semaphore, #tpu.memory_space<semaphore_mem>>) src(%dma_wait3A_144 : memref<10000xi32, #tpu.memory_space<hbm>>) dst(%arg25 : memref<80xi32, #tpu.memory_space<vmem>>)
    %dma_start3A_145 = arith.constant 10 : i32
    %dma_start3A_146 = arith.constant 0 : i32
    %dma_start3A_147 = tpu.memref_slice %arg27[%dma_start3A_145, %dma_start3A_146] : memref<15x80xf32, #tpu.memory_space<vmem>> -> memref<1x80xf32, #tpu.memory_space<vmem>>
    %dma_start3A_148 = tpu.memref_squeeze %dma_start3A_147 : memref<1x80xf32, #tpu.memory_space<vmem>> -> memref<80xf32, #tpu.memory_space<vmem>>
    %dma_start3A_149 = arith.constant 0 : i32
    %dma_start3A_150 = tpu.memref_slice %arg17[%dma_start3A_149] : memref<10000xf32, #tpu.memory_space<hbm>> -> memref<10000xf32, #tpu.memory_space<hbm>>
    tpu.enqueue_indirect_dma source(%dma_start3A_150 : memref<10000xf32, #tpu.memory_space<hbm>>) target(%dma_start3A_148 : memref<80xf32, #tpu.memory_space<vmem>>) offsets(%arg25 : memref<80xi32, #tpu.memory_space<vmem>>) semaphore(%arg36 : memref<!tpu.dma_semaphore, #tpu.memory_space<semaphore_mem>>)
    %dma_start3A_151 = arith.constant 11 : i32
    %dma_start3A_152 = arith.constant 0 : i32
    %dma_start3A_153 = tpu.memref_slice %arg27[%dma_start3A_151, %dma_start3A_152] : memref<15x80xf32, #tpu.memory_space<vmem>> -> memref<1x80xf32, #tpu.memory_space<vmem>>
    %dma_start3A_154 = tpu.memref_squeeze %dma_start3A_153 : memref<1x80xf32, #tpu.memory_space<vmem>> -> memref<80xf32, #tpu.memory_space<vmem>>
    %dma_start3A_155 = arith.constant 0 : i32
    %dma_start3A_156 = tpu.memref_slice %arg18[%dma_start3A_155] : memref<10000xf32, #tpu.memory_space<hbm>> -> memref<10000xf32, #tpu.memory_space<hbm>>
    tpu.enqueue_indirect_dma source(%dma_start3A_156 : memref<10000xf32, #tpu.memory_space<hbm>>) target(%dma_start3A_154 : memref<80xf32, #tpu.memory_space<vmem>>) offsets(%arg25 : memref<80xi32, #tpu.memory_space<vmem>>) semaphore(%arg36 : memref<!tpu.dma_semaphore, #tpu.memory_space<semaphore_mem>>)
    %dma_start3A_157 = arith.constant 12 : i32
    %dma_start3A_158 = arith.constant 0 : i32
    %dma_start3A_159 = tpu.memref_slice %arg27[%dma_start3A_157, %dma_start3A_158] : memref<15x80xf32, #tpu.memory_space<vmem>> -> memref<1x80xf32, #tpu.memory_space<vmem>>
    %dma_start3A_160 = tpu.memref_squeeze %dma_start3A_159 : memref<1x80xf32, #tpu.memory_space<vmem>> -> memref<80xf32, #tpu.memory_space<vmem>>
    %dma_start3A_161 = arith.constant 0 : i32
    %dma_start3A_162 = tpu.memref_slice %arg19[%dma_start3A_161] : memref<10000xf32, #tpu.memory_space<hbm>> -> memref<10000xf32, #tpu.memory_space<hbm>>
    tpu.enqueue_indirect_dma source(%dma_start3A_162 : memref<10000xf32, #tpu.memory_space<hbm>>) target(%dma_start3A_160 : memref<80xf32, #tpu.memory_space<vmem>>) offsets(%arg25 : memref<80xi32, #tpu.memory_space<vmem>>) semaphore(%arg36 : memref<!tpu.dma_semaphore, #tpu.memory_space<semaphore_mem>>)
    %dma_start3A_163 = arith.constant 13 : i32
    %dma_start3A_164 = arith.constant 0 : i32
    %dma_start3A_165 = tpu.memref_slice %arg27[%dma_start3A_163, %dma_start3A_164] : memref<15x80xf32, #tpu.memory_space<vmem>> -> memref<1x80xf32, #tpu.memory_space<vmem>>
    %dma_start3A_166 = tpu.memref_squeeze %dma_start3A_165 : memref<1x80xf32, #tpu.memory_space<vmem>> -> memref<80xf32, #tpu.memory_space<vmem>>
    %dma_start3A_167 = arith.constant 0 : i32
    %dma_start3A_168 = tpu.memref_slice %arg20[%dma_start3A_167] : memref<10000xf32, #tpu.memory_space<hbm>> -> memref<10000xf32, #tpu.memory_space<hbm>>
    tpu.enqueue_indirect_dma source(%dma_start3A_168 : memref<10000xf32, #tpu.memory_space<hbm>>) target(%dma_start3A_166 : memref<80xf32, #tpu.memory_space<vmem>>) offsets(%arg25 : memref<80xi32, #tpu.memory_space<vmem>>) semaphore(%arg36 : memref<!tpu.dma_semaphore, #tpu.memory_space<semaphore_mem>>)
    %dma_start3A_169 = arith.constant 14 : i32
    %dma_start3A_170 = arith.constant 0 : i32
    %dma_start3A_171 = tpu.memref_slice %arg27[%dma_start3A_169, %dma_start3A_170] : memref<15x80xf32, #tpu.memory_space<vmem>> -> memref<1x80xf32, #tpu.memory_space<vmem>>
    %dma_start3A_172 = tpu.memref_squeeze %dma_start3A_171 : memref<1x80xf32, #tpu.memory_space<vmem>> -> memref<80xf32, #tpu.memory_space<vmem>>
    %dma_start3A_173 = arith.constant 0 : i32
    %dma_start3A_174 = tpu.memref_slice %arg21[%dma_start3A_173] : memref<10000xf32, #tpu.memory_space<hbm>> -> memref<10000xf32, #tpu.memory_space<hbm>>
    tpu.enqueue_indirect_dma source(%dma_start3A_174 : memref<10000xf32, #tpu.memory_space<hbm>>) target(%dma_start3A_172 : memref<80xf32, #tpu.memory_space<vmem>>) offsets(%arg25 : memref<80xi32, #tpu.memory_space<vmem>>) semaphore(%arg36 : memref<!tpu.dma_semaphore, #tpu.memory_space<semaphore_mem>>)
    %dma_wait3A_175 = arith.constant 0 : i32
    %dma_wait3A_176 = arith.constant 0 : i32
    %dma_wait3A_177 = arith.constant 0 : i32
    %dma_wait3A_178 = tpu.memref_slice %arg27[%dma_wait3A_176, %dma_wait3A_177] : memref<15x80xf32, #tpu.memory_space<vmem>> -> memref<1x80xf32, #tpu.memory_space<vmem>>
    %dma_wait3A_179 = tpu.memref_squeeze %dma_wait3A_178 : memref<1x80xf32, #tpu.memory_space<vmem>> -> memref<80xf32, #tpu.memory_space<vmem>>
    %dma_wait3A_180 = arith.constant 0 : i32
    %dma_wait3A_181 = tpu.memref_slice %arg23[%dma_wait3A_175, %dma_wait3A_180] : memref<4x80xi32, #tpu.memory_space<vmem>> -> memref<1x80xi32, #tpu.memory_space<vmem>>
    %dma_wait3A_182 = tpu.memref_squeeze %dma_wait3A_181 : memref<1x80xi32, #tpu.memory_space<vmem>> -> memref<80xi32, #tpu.memory_space<vmem>>
    %dma_wait3A_183 = arith.constant 0 : i32
    %dma_wait3A_184 = tpu.memref_slice %arg7[%dma_wait3A_183] : memref<10000xf32, #tpu.memory_space<hbm>> -> memref<10000xf32, #tpu.memory_space<hbm>>
    tpu.wait_indirect_dma semaphore(%arg36 : memref<!tpu.dma_semaphore, #tpu.memory_space<semaphore_mem>>) src(%dma_wait3A_184 : memref<10000xf32, #tpu.memory_space<hbm>>) dst(%dma_wait3A_179 : memref<80xf32, #tpu.memory_space<vmem>>)
    %dma_wait3A_185 = arith.constant 1 : i32
    %dma_wait3A_186 = arith.constant 5 : i32
    %dma_wait3A_187 = arith.constant 0 : i32
    %dma_wait3A_188 = tpu.memref_slice %arg27[%dma_wait3A_186, %dma_wait3A_187] : memref<15x80xf32, #tpu.memory_space<vmem>> -> memref<1x80xf32, #tpu.memory_space<vmem>>
    %dma_wait3A_189 = tpu.memref_squeeze %dma_wait3A_188 : memref<1x80xf32, #tpu.memory_space<vmem>> -> memref<80xf32, #tpu.memory_space<vmem>>
    %dma_wait3A_190 = arith.constant 0 : i32
    %dma_wait3A_191 = tpu.memref_slice %arg23[%dma_wait3A_185, %dma_wait3A_190] : memref<4x80xi32, #tpu.memory_space<vmem>> -> memref<1x80xi32, #tpu.memory_space<vmem>>
    %dma_wait3A_192 = tpu.memref_squeeze %dma_wait3A_191 : memref<1x80xi32, #tpu.memory_space<vmem>> -> memref<80xi32, #tpu.memory_space<vmem>>
    %dma_wait3A_193 = arith.constant 0 : i32
    %dma_wait3A_194 = tpu.memref_slice %arg12[%dma_wait3A_193] : memref<10000xf32, #tpu.memory_space<hbm>> -> memref<10000xf32, #tpu.memory_space<hbm>>
    tpu.wait_indirect_dma semaphore(%arg36 : memref<!tpu.dma_semaphore, #tpu.memory_space<semaphore_mem>>) src(%dma_wait3A_194 : memref<10000xf32, #tpu.memory_space<hbm>>) dst(%dma_wait3A_189 : memref<80xf32, #tpu.memory_space<vmem>>)
    %dma_wait3A_195 = arith.constant 0 : i32
    %dma_wait3A_196 = arith.constant 1 : i32
    %dma_wait3A_197 = arith.constant 0 : i32
    %dma_wait3A_198 = tpu.memref_slice %arg27[%dma_wait3A_196, %dma_wait3A_197] : memref<15x80xf32, #tpu.memory_space<vmem>> -> memref<1x80xf32, #tpu.memory_space<vmem>>
    %dma_wait3A_199 = tpu.memref_squeeze %dma_wait3A_198 : memref<1x80xf32, #tpu.memory_space<vmem>> -> memref<80xf32, #tpu.memory_space<vmem>>
    %dma_wait3A_200 = arith.constant 0 : i32
    %dma_wait3A_201 = tpu.memref_slice %arg23[%dma_wait3A_195, %dma_wait3A_200] : memref<4x80xi32, #tpu.memory_space<vmem>> -> memref<1x80xi32, #tpu.memory_space<vmem>>
    %dma_wait3A_202 = tpu.memref_squeeze %dma_wait3A_201 : memref<1x80xi32, #tpu.memory_space<vmem>> -> memref<80xi32, #tpu.memory_space<vmem>>
    %dma_wait3A_203 = arith.constant 0 : i32
    %dma_wait3A_204 = tpu.memref_slice %arg8[%dma_wait3A_203] : memref<10000xf32, #tpu.memory_space<hbm>> -> memref<10000xf32, #tpu.memory_space<hbm>>
    tpu.wait_indirect_dma semaphore(%arg36 : memref<!tpu.dma_semaphore, #tpu.memory_space<semaphore_mem>>) src(%dma_wait3A_204 : memref<10000xf32, #tpu.memory_space<hbm>>) dst(%dma_wait3A_199 : memref<80xf32, #tpu.memory_space<vmem>>)
    %dma_wait3A_205 = arith.constant 1 : i32
    %dma_wait3A_206 = arith.constant 6 : i32
    %dma_wait3A_207 = arith.constant 0 : i32
    %dma_wait3A_208 = tpu.memref_slice %arg27[%dma_wait3A_206, %dma_wait3A_207] : memref<15x80xf32, #tpu.memory_space<vmem>> -> memref<1x80xf32, #tpu.memory_space<vmem>>
    %dma_wait3A_209 = tpu.memref_squeeze %dma_wait3A_208 : memref<1x80xf32, #tpu.memory_space<vmem>> -> memref<80xf32, #tpu.memory_space<vmem>>
    %dma_wait3A_210 = arith.constant 0 : i32
    %dma_wait3A_211 = tpu.memref_slice %arg23[%dma_wait3A_205, %dma_wait3A_210] : memref<4x80xi32, #tpu.memory_space<vmem>> -> memref<1x80xi32, #tpu.memory_space<vmem>>
    %dma_wait3A_212 = tpu.memref_squeeze %dma_wait3A_211 : memref<1x80xi32, #tpu.memory_space<vmem>> -> memref<80xi32, #tpu.memory_space<vmem>>
    %dma_wait3A_213 = arith.constant 0 : i32
    %dma_wait3A_214 = tpu.memref_slice %arg13[%dma_wait3A_213] : memref<10000xf32, #tpu.memory_space<hbm>> -> memref<10000xf32, #tpu.memory_space<hbm>>
    tpu.wait_indirect_dma semaphore(%arg36 : memref<!tpu.dma_semaphore, #tpu.memory_space<semaphore_mem>>) src(%dma_wait3A_214 : memref<10000xf32, #tpu.memory_space<hbm>>) dst(%dma_wait3A_209 : memref<80xf32, #tpu.memory_space<vmem>>)
    %dma_wait3A_215 = arith.constant 0 : i32
    %dma_wait3A_216 = arith.constant 2 : i32
    %dma_wait3A_217 = arith.constant 0 : i32
    %dma_wait3A_218 = tpu.memref_slice %arg27[%dma_wait3A_216, %dma_wait3A_217] : memref<15x80xf32, #tpu.memory_space<vmem>> -> memref<1x80xf32, #tpu.memory_space<vmem>>
    %dma_wait3A_219 = tpu.memref_squeeze %dma_wait3A_218 : memref<1x80xf32, #tpu.memory_space<vmem>> -> memref<80xf32, #tpu.memory_space<vmem>>
    %dma_wait3A_220 = arith.constant 0 : i32
    %dma_wait3A_221 = tpu.memref_slice %arg23[%dma_wait3A_215, %dma_wait3A_220] : memref<4x80xi32, #tpu.memory_space<vmem>> -> memref<1x80xi32, #tpu.memory_space<vmem>>
    %dma_wait3A_222 = tpu.memref_squeeze %dma_wait3A_221 : memref<1x80xi32, #tpu.memory_space<vmem>> -> memref<80xi32, #tpu.memory_space<vmem>>
    %dma_wait3A_223 = arith.constant 0 : i32
    %dma_wait3A_224 = tpu.memref_slice %arg9[%dma_wait3A_223] : memref<10000xf32, #tpu.memory_space<hbm>> -> memref<10000xf32, #tpu.memory_space<hbm>>
    tpu.wait_indirect_dma semaphore(%arg36 : memref<!tpu.dma_semaphore, #tpu.memory_space<semaphore_mem>>) src(%dma_wait3A_224 : memref<10000xf32, #tpu.memory_space<hbm>>) dst(%dma_wait3A_219 : memref<80xf32, #tpu.memory_space<vmem>>)
    %dma_wait3A_225 = arith.constant 1 : i32
    %dma_wait3A_226 = arith.constant 7 : i32
    %dma_wait3A_227 = arith.constant 0 : i32
    %dma_wait3A_228 = tpu.memref_slice %arg27[%dma_wait3A_226, %dma_wait3A_227] : memref<15x80xf32, #tpu.memory_space<vmem>> -> memref<1x80xf32, #tpu.memory_space<vmem>>
    %dma_wait3A_229 = tpu.memref_squeeze %dma_wait3A_228 : memref<1x80xf32, #tpu.memory_space<vmem>> -> memref<80xf32, #tpu.memory_space<vmem>>
    %dma_wait3A_230 = arith.constant 0 : i32
    %dma_wait3A_231 = tpu.memref_slice %arg23[%dma_wait3A_225, %dma_wait3A_230] : memref<4x80xi32, #tpu.memory_space<vmem>> -> memref<1x80xi32, #tpu.memory_space<vmem>>
    %dma_wait3A_232 = tpu.memref_squeeze %dma_wait3A_231 : memref<1x80xi32, #tpu.memory_space<vmem>> -> memref<80xi32, #tpu.memory_space<vmem>>
    %dma_wait3A_233 = arith.constant 0 : i32
    %dma_wait3A_234 = tpu.memref_slice %arg14[%dma_wait3A_233] : memref<10000xf32, #tpu.memory_space<hbm>> -> memref<10000xf32, #tpu.memory_space<hbm>>
    tpu.wait_indirect_dma semaphore(%arg36 : memref<!tpu.dma_semaphore, #tpu.memory_space<semaphore_mem>>) src(%dma_wait3A_234 : memref<10000xf32, #tpu.memory_space<hbm>>) dst(%dma_wait3A_229 : memref<80xf32, #tpu.memory_space<vmem>>)
    %dma_wait3A_235 = arith.constant 0 : i32
    %dma_wait3A_236 = arith.constant 3 : i32
    %dma_wait3A_237 = arith.constant 0 : i32
    %dma_wait3A_238 = tpu.memref_slice %arg27[%dma_wait3A_236, %dma_wait3A_237] : memref<15x80xf32, #tpu.memory_space<vmem>> -> memref<1x80xf32, #tpu.memory_space<vmem>>
    %dma_wait3A_239 = tpu.memref_squeeze %dma_wait3A_238 : memref<1x80xf32, #tpu.memory_space<vmem>> -> memref<80xf32, #tpu.memory_space<vmem>>
    %dma_wait3A_240 = arith.constant 0 : i32
    %dma_wait3A_241 = tpu.memref_slice %arg23[%dma_wait3A_235, %dma_wait3A_240] : memref<4x80xi32, #tpu.memory_space<vmem>> -> memref<1x80xi32, #tpu.memory_space<vmem>>
    %dma_wait3A_242 = tpu.memref_squeeze %dma_wait3A_241 : memref<1x80xi32, #tpu.memory_space<vmem>> -> memref<80xi32, #tpu.memory_space<vmem>>
    %dma_wait3A_243 = arith.constant 0 : i32
    %dma_wait3A_244 = tpu.memref_slice %arg10[%dma_wait3A_243] : memref<10000xf32, #tpu.memory_space<hbm>> -> memref<10000xf32, #tpu.memory_space<hbm>>
    tpu.wait_indirect_dma semaphore(%arg36 : memref<!tpu.dma_semaphore, #tpu.memory_space<semaphore_mem>>) src(%dma_wait3A_244 : memref<10000xf32, #tpu.memory_space<hbm>>) dst(%dma_wait3A_239 : memref<80xf32, #tpu.memory_space<vmem>>)
    %dma_wait3A_245 = arith.constant 1 : i32
    %dma_wait3A_246 = arith.constant 8 : i32
    %dma_wait3A_247 = arith.constant 0 : i32
    %dma_wait3A_248 = tpu.memref_slice %arg27[%dma_wait3A_246, %dma_wait3A_247] : memref<15x80xf32, #tpu.memory_space<vmem>> -> memref<1x80xf32, #tpu.memory_space<vmem>>
    %dma_wait3A_249 = tpu.memref_squeeze %dma_wait3A_248 : memref<1x80xf32, #tpu.memory_space<vmem>> -> memref<80xf32, #tpu.memory_space<vmem>>
    %dma_wait3A_250 = arith.constant 0 : i32
    %dma_wait3A_251 = tpu.memref_slice %arg23[%dma_wait3A_245, %dma_wait3A_250] : memref<4x80xi32, #tpu.memory_space<vmem>> -> memref<1x80xi32, #tpu.memory_space<vmem>>
    %dma_wait3A_252 = tpu.memref_squeeze %dma_wait3A_251 : memref<1x80xi32, #tpu.memory_space<vmem>> -> memref<80xi32, #tpu.memory_space<vmem>>
    %dma_wait3A_253 = arith.constant 0 : i32
    %dma_wait3A_254 = tpu.memref_slice %arg15[%dma_wait3A_253] : memref<10000xf32, #tpu.memory_space<hbm>> -> memref<10000xf32, #tpu.memory_space<hbm>>
    tpu.wait_indirect_dma semaphore(%arg36 : memref<!tpu.dma_semaphore, #tpu.memory_space<semaphore_mem>>) src(%dma_wait3A_254 : memref<10000xf32, #tpu.memory_space<hbm>>) dst(%dma_wait3A_249 : memref<80xf32, #tpu.memory_space<vmem>>)
    %dma_wait3A_255 = arith.constant 0 : i32
    %dma_wait3A_256 = arith.constant 4 : i32
    %dma_wait3A_257 = arith.constant 0 : i32
    %dma_wait3A_258 = tpu.memref_slice %arg27[%dma_wait3A_256, %dma_wait3A_257] : memref<15x80xf32, #tpu.memory_space<vmem>> -> memref<1x80xf32, #tpu.memory_space<vmem>>
    %dma_wait3A_259 = tpu.memref_squeeze %dma_wait3A_258 : memref<1x80xf32, #tpu.memory_space<vmem>> -> memref<80xf32, #tpu.memory_space<vmem>>
    %dma_wait3A_260 = arith.constant 0 : i32
    %dma_wait3A_261 = tpu.memref_slice %arg23[%dma_wait3A_255, %dma_wait3A_260] : memref<4x80xi32, #tpu.memory_space<vmem>> -> memref<1x80xi32, #tpu.memory_space<vmem>>
    %dma_wait3A_262 = tpu.memref_squeeze %dma_wait3A_261 : memref<1x80xi32, #tpu.memory_space<vmem>> -> memref<80xi32, #tpu.memory_space<vmem>>
    %dma_wait3A_263 = arith.constant 0 : i32
    %dma_wait3A_264 = tpu.memref_slice %arg11[%dma_wait3A_263] : memref<10000xf32, #tpu.memory_space<hbm>> -> memref<10000xf32, #tpu.memory_space<hbm>>
    tpu.wait_indirect_dma semaphore(%arg36 : memref<!tpu.dma_semaphore, #tpu.memory_space<semaphore_mem>>) src(%dma_wait3A_264 : memref<10000xf32, #tpu.memory_space<hbm>>) dst(%dma_wait3A_259 : memref<80xf32, #tpu.memory_space<vmem>>)
    %dma_wait3A_265 = arith.constant 1 : i32
    %dma_wait3A_266 = arith.constant 9 : i32
    %dma_wait3A_267 = arith.constant 0 : i32
    %dma_wait3A_268 = tpu.memref_slice %arg27[%dma_wait3A_266, %dma_wait3A_267] : memref<15x80xf32, #tpu.memory_space<vmem>> -> memref<1x80xf32, #tpu.memory_space<vmem>>
    %dma_wait3A_269 = tpu.memref_squeeze %dma_wait3A_268 : memref<1x80xf32, #tpu.memory_space<vmem>> -> memref<80xf32, #tpu.memory_space<vmem>>
    %dma_wait3A_270 = arith.constant 0 : i32
    %dma_wait3A_271 = tpu.memref_slice %arg23[%dma_wait3A_265, %dma_wait3A_270] : memref<4x80xi32, #tpu.memory_space<vmem>> -> memref<1x80xi32, #tpu.memory_space<vmem>>
    %dma_wait3A_272 = tpu.memref_squeeze %dma_wait3A_271 : memref<1x80xi32, #tpu.memory_space<vmem>> -> memref<80xi32, #tpu.memory_space<vmem>>
    %dma_wait3A_273 = arith.constant 0 : i32
    %dma_wait3A_274 = tpu.memref_slice %arg16[%dma_wait3A_273] : memref<10000xf32, #tpu.memory_space<hbm>> -> memref<10000xf32, #tpu.memory_space<hbm>>
    tpu.wait_indirect_dma semaphore(%arg36 : memref<!tpu.dma_semaphore, #tpu.memory_space<semaphore_mem>>) src(%dma_wait3A_274 : memref<10000xf32, #tpu.memory_space<hbm>>) dst(%dma_wait3A_269 : memref<80xf32, #tpu.memory_space<vmem>>)
    %dma_wait3A_275 = arith.constant 0 : i32
    %dma_wait3A_276 = arith.constant 0 : i32
    %dma_wait3A_277 = tpu.memref_slice %arg23[%dma_wait3A_275, %dma_wait3A_276] : memref<4x80xi32, #tpu.memory_space<vmem>> -> memref<1x80xi32, #tpu.memory_space<vmem>>
    %dma_wait3A_278 = tpu.memref_squeeze %dma_wait3A_277 : memref<1x80xi32, #tpu.memory_space<vmem>> -> memref<80xi32, #tpu.memory_space<vmem>>
    %dma_wait3A_279 = arith.constant 0 : i32
    %dma_wait3A_280 = arith.constant 0 : i32
    %dma_wait3A_281 = tpu.memref_slice %arg4[%dma_wait3A_279, %dma_wait3A_280] : memref<10000x128xf32, #tpu.memory_space<hbm>> -> memref<10000x128xf32, #tpu.memory_space<hbm>>
    tpu.wait_indirect_dma semaphore(%arg36 : memref<!tpu.dma_semaphore, #tpu.memory_space<semaphore_mem>>) src(%dma_wait3A_281 : memref<10000x128xf32, #tpu.memory_space<hbm>>) dst(%arg29 : memref<80x128xf32, #tpu.memory_space<vmem>>)
    %dma_wait3A_282 = arith.constant 1 : i32
    %dma_wait3A_283 = arith.constant 0 : i32
    %dma_wait3A_284 = tpu.memref_slice %arg23[%dma_wait3A_282, %dma_wait3A_283] : memref<4x80xi32, #tpu.memory_space<vmem>> -> memref<1x80xi32, #tpu.memory_space<vmem>>
    %dma_wait3A_285 = tpu.memref_squeeze %dma_wait3A_284 : memref<1x80xi32, #tpu.memory_space<vmem>> -> memref<80xi32, #tpu.memory_space<vmem>>
    %dma_wait3A_286 = arith.constant 0 : i32
    %dma_wait3A_287 = arith.constant 0 : i32
    %dma_wait3A_288 = tpu.memref_slice %arg5[%dma_wait3A_286, %dma_wait3A_287] : memref<10000x128xf32, #tpu.memory_space<hbm>> -> memref<10000x128xf32, #tpu.memory_space<hbm>>
    tpu.wait_indirect_dma semaphore(%arg36 : memref<!tpu.dma_semaphore, #tpu.memory_space<semaphore_mem>>) src(%dma_wait3A_288 : memref<10000x128xf32, #tpu.memory_space<hbm>>) dst(%arg31 : memref<80x128xf32, #tpu.memory_space<vmem>>)
    %dma_wait3A_289 = arith.constant 10 : i32
    %dma_wait3A_290 = arith.constant 0 : i32
    %dma_wait3A_291 = tpu.memref_slice %arg27[%dma_wait3A_289, %dma_wait3A_290] : memref<15x80xf32, #tpu.memory_space<vmem>> -> memref<1x80xf32, #tpu.memory_space<vmem>>
    %dma_wait3A_292 = tpu.memref_squeeze %dma_wait3A_291 : memref<1x80xf32, #tpu.memory_space<vmem>> -> memref<80xf32, #tpu.memory_space<vmem>>
    %dma_wait3A_293 = arith.constant 0 : i32
    %dma_wait3A_294 = tpu.memref_slice %arg17[%dma_wait3A_293] : memref<10000xf32, #tpu.memory_space<hbm>> -> memref<10000xf32, #tpu.memory_space<hbm>>
    tpu.wait_indirect_dma semaphore(%arg36 : memref<!tpu.dma_semaphore, #tpu.memory_space<semaphore_mem>>) src(%dma_wait3A_294 : memref<10000xf32, #tpu.memory_space<hbm>>) dst(%dma_wait3A_292 : memref<80xf32, #tpu.memory_space<vmem>>)
    %dma_wait3A_295 = arith.constant 11 : i32
    %dma_wait3A_296 = arith.constant 0 : i32
    %dma_wait3A_297 = tpu.memref_slice %arg27[%dma_wait3A_295, %dma_wait3A_296] : memref<15x80xf32, #tpu.memory_space<vmem>> -> memref<1x80xf32, #tpu.memory_space<vmem>>
    %dma_wait3A_298 = tpu.memref_squeeze %dma_wait3A_297 : memref<1x80xf32, #tpu.memory_space<vmem>> -> memref<80xf32, #tpu.memory_space<vmem>>
    %dma_wait3A_299 = arith.constant 0 : i32
    %dma_wait3A_300 = tpu.memref_slice %arg18[%dma_wait3A_299] : memref<10000xf32, #tpu.memory_space<hbm>> -> memref<10000xf32, #tpu.memory_space<hbm>>
    tpu.wait_indirect_dma semaphore(%arg36 : memref<!tpu.dma_semaphore, #tpu.memory_space<semaphore_mem>>) src(%dma_wait3A_300 : memref<10000xf32, #tpu.memory_space<hbm>>) dst(%dma_wait3A_298 : memref<80xf32, #tpu.memory_space<vmem>>)
    %dma_wait3A_301 = arith.constant 12 : i32
    %dma_wait3A_302 = arith.constant 0 : i32
    %dma_wait3A_303 = tpu.memref_slice %arg27[%dma_wait3A_301, %dma_wait3A_302] : memref<15x80xf32, #tpu.memory_space<vmem>> -> memref<1x80xf32, #tpu.memory_space<vmem>>
    %dma_wait3A_304 = tpu.memref_squeeze %dma_wait3A_303 : memref<1x80xf32, #tpu.memory_space<vmem>> -> memref<80xf32, #tpu.memory_space<vmem>>
    %dma_wait3A_305 = arith.constant 0 : i32
    %dma_wait3A_306 = tpu.memref_slice %arg19[%dma_wait3A_305] : memref<10000xf32, #tpu.memory_space<hbm>> -> memref<10000xf32, #tpu.memory_space<hbm>>
    tpu.wait_indirect_dma semaphore(%arg36 : memref<!tpu.dma_semaphore, #tpu.memory_space<semaphore_mem>>) src(%dma_wait3A_306 : memref<10000xf32, #tpu.memory_space<hbm>>) dst(%dma_wait3A_304 : memref<80xf32, #tpu.memory_space<vmem>>)
    %dma_wait3A_307 = arith.constant 13 : i32
    %dma_wait3A_308 = arith.constant 0 : i32
    %dma_wait3A_309 = tpu.memref_slice %arg27[%dma_wait3A_307, %dma_wait3A_308] : memref<15x80xf32, #tpu.memory_space<vmem>> -> memref<1x80xf32, #tpu.memory_space<vmem>>
    %dma_wait3A_310 = tpu.memref_squeeze %dma_wait3A_309 : memref<1x80xf32, #tpu.memory_space<vmem>> -> memref<80xf32, #tpu.memory_space<vmem>>
    %dma_wait3A_311 = arith.constant 0 : i32
    %dma_wait3A_312 = tpu.memref_slice %arg20[%dma_wait3A_311] : memref<10000xf32, #tpu.memory_space<hbm>> -> memref<10000xf32, #tpu.memory_space<hbm>>
    tpu.wait_indirect_dma semaphore(%arg36 : memref<!tpu.dma_semaphore, #tpu.memory_space<semaphore_mem>>) src(%dma_wait3A_312 : memref<10000xf32, #tpu.memory_space<hbm>>) dst(%dma_wait3A_310 : memref<80xf32, #tpu.memory_space<vmem>>)
    %dma_wait3A_313 = arith.constant 14 : i32
    %dma_wait3A_314 = arith.constant 0 : i32
    %dma_wait3A_315 = tpu.memref_slice %arg27[%dma_wait3A_313, %dma_wait3A_314] : memref<15x80xf32, #tpu.memory_space<vmem>> -> memref<1x80xf32, #tpu.memory_space<vmem>>
    %dma_wait3A_316 = tpu.memref_squeeze %dma_wait3A_315 : memref<1x80xf32, #tpu.memory_space<vmem>> -> memref<80xf32, #tpu.memory_space<vmem>>
    %dma_wait3A_317 = arith.constant 0 : i32
    %dma_wait3A_318 = tpu.memref_slice %arg21[%dma_wait3A_317] : memref<10000xf32, #tpu.memory_space<hbm>> -> memref<10000xf32, #tpu.memory_space<hbm>>
    tpu.wait_indirect_dma semaphore(%arg36 : memref<!tpu.dma_semaphore, #tpu.memory_space<semaphore_mem>>) src(%dma_wait3A_318 : memref<10000xf32, #tpu.memory_space<hbm>>) dst(%dma_wait3A_316 : memref<80xf32, #tpu.memory_space<vmem>>)
    %get3A = arith.constant 0 : index
    %get3A_319 = tpu.vector_load %arg34[%get3A] {strides = array<i32>} : memref<16xf32, #tpu.memory_space<vmem>>, vector<16xf32>,
    %slice3A = vector.extract_strided_slice %get3A_319 {offsets = [5], sizes = [1], strides = [1]} : vector<16xf32> to vector<1xf32>
    %squeeze3A = vector.extract %slice3A[0] : f32 from vector<1xf32>
    %broadcast_in_dim3A_320 = vector.broadcast %squeeze3A : f32 to vector<16xf32>
    %get3A_321 = arith.constant 0 : i32
    %get3A_322 = arith.index_cast %get3A_321 : i32 to index
    %get3A_323 = arith.constant 0 : index
    %get3A_324 = tpu.vector_load %arg27[%get3A_322, %get3A_323] {strides = array<i32>} : memref<15x80xf32, #tpu.memory_space<vmem>>, vector<16xf32>,
    %get3A_325 = arith.constant 5 : i32
    %get3A_326 = arith.index_cast %get3A_325 : i32 to index
    %get3A_327 = arith.constant 0 : index
    %get3A_328 = tpu.vector_load %arg27[%get3A_326, %get3A_327] {strides = array<i32>} : memref<15x80xf32, #tpu.memory_space<vmem>>, vector<16xf32>,
    %get3A_329 = arith.constant 10 : i32
    %get3A_330 = arith.index_cast %get3A_329 : i32 to index
    %get3A_331 = arith.constant 0 : index
    %get3A_332 = tpu.vector_load %arg27[%get3A_330, %get3A_331] {strides = array<i32>} : memref<15x80xf32, #tpu.memory_space<vmem>>, vector<16xf32>,
    %add3A_333 = arith.addf %get3A_324, %get3A_328 : vector<16xf32>
    %add3A_334 = arith.addf %add3A_333, %get3A_332 : vector<16xf32>
    %max3A = arith.constant 0.000000e+00 : f32
    %max3A_335 = vector.broadcast %max3A : f32 to vector<16xf32>
    %max3A_336 = arith.maximumf %add3A_334, %max3A_335 : vector<16xf32>
    %slice3A_337 = vector.extract_strided_slice %get3A_319 {offsets = [0], sizes = [1], strides = [1]} : vector<16xf32> to vector<1xf32>
    %squeeze3A_338 = vector.extract %slice3A_337[0] : f32 from vector<1xf32>
    %mul3A_339 = vector.broadcast %squeeze3A_338 : f32 to vector<16xf32>
    %mul3A_340 = arith.mulf %max3A_336, %mul3A_339 : vector<16xf32>
    %add3A_341 = arith.addf %broadcast_in_dim3A_320, %mul3A_340 : vector<16xf32>
    %get3A_342 = arith.constant 1 : i32
    %get3A_343 = arith.index_cast %get3A_342 : i32 to index
    %get3A_344 = arith.constant 0 : index
    %get3A_345 = tpu.vector_load %arg27[%get3A_343, %get3A_344] {strides = array<i32>} : memref<15x80xf32, #tpu.memory_space<vmem>>, vector<16xf32>,
    %get3A_346 = arith.constant 6 : i32
    %get3A_347 = arith.index_cast %get3A_346 : i32 to index
    %get3A_348 = arith.constant 0 : index
    %get3A_349 = tpu.vector_load %arg27[%get3A_347, %get3A_348] {strides = array<i32>} : memref<15x80xf32, #tpu.memory_space<vmem>>, vector<16xf32>,
    %get3A_350 = arith.constant 11 : i32
    %get3A_351 = arith.index_cast %get3A_350 : i32 to index
    %get3A_352 = arith.constant 0 : index
    %get3A_353 = tpu.vector_load %arg27[%get3A_351, %get3A_352] {strides = array<i32>} : memref<15x80xf32, #tpu.memory_space<vmem>>, vector<16xf32>,
    %add3A_354 = arith.addf %get3A_345, %get3A_349 : vector<16xf32>
    %add3A_355 = arith.addf %add3A_354, %get3A_353 : vector<16xf32>
    %max3A_356 = arith.constant 0.000000e+00 : f32
    %max3A_357 = vector.broadcast %max3A_356 : f32 to vector<16xf32>
    %max3A_358 = arith.maximumf %add3A_355, %max3A_357 : vector<16xf32>
    %slice3A_359 = vector.extract_strided_slice %get3A_319 {offsets = [1], sizes = [1], strides = [1]} : vector<16xf32> to vector<1xf32>
    %squeeze3A_360 = vector.extract %slice3A_359[0] : f32 from vector<1xf32>
    %mul3A_361 = vector.broadcast %squeeze3A_360 : f32 to vector<16xf32>
    %mul3A_362 = arith.mulf %max3A_358, %mul3A_361 : vector<16xf32>
    %add3A_363 = arith.addf %add3A_341, %mul3A_362 : vector<16xf32>
    %get3A_364 = arith.constant 2 : i32
    %get3A_365 = arith.index_cast %get3A_364 : i32 to index
    %get3A_366 = arith.constant 0 : index
    %get3A_367 = tpu.vector_load %arg27[%get3A_365, %get3A_366] {strides = array<i32>} : memref<15x80xf32, #tpu.memory_space<vmem>>, vector<16xf32>,
    %get3A_368 = arith.constant 7 : i32
    %get3A_369 = arith.index_cast %get3A_368 : i32 to index
    %get3A_370 = arith.constant 0 : index
    %get3A_371 = tpu.vector_load %arg27[%get3A_369, %get3A_370] {strides = array<i32>} : memref<15x80xf32, #tpu.memory_space<vmem>>, vector<16xf32>,
    %get3A_372 = arith.constant 12 : i32
    %get3A_373 = arith.index_cast %get3A_372 : i32 to index
    %get3A_374 = arith.constant 0 : index
    %get3A_375 = tpu.vector_load %arg27[%get3A_373, %get3A_374] {strides = array<i32>} : memref<15x80xf32, #tpu.memory_space<vmem>>, vector<16xf32>,
    %add3A_376 = arith.addf %get3A_367, %get3A_371 : vector<16xf32>
    %add3A_377 = arith.addf %add3A_376, %get3A_375 : vector<16xf32>
    %max3A_378 = arith.constant 0.000000e+00 : f32
    %max3A_379 = vector.broadcast %max3A_378 : f32 to vector<16xf32>
    %max3A_380 = arith.maximumf %add3A_377, %max3A_379 : vector<16xf32>
    %slice3A_381 = vector.extract_strided_slice %get3A_319 {offsets = [2], sizes = [1], strides = [1]} : vector<16xf32> to vector<1xf32>
    %squeeze3A_382 = vector.extract %slice3A_381[0] : f32 from vector<1xf32>
    %mul3A_383 = vector.broadcast %squeeze3A_382 : f32 to vector<16xf32>
    %mul3A_384 = arith.mulf %max3A_380, %mul3A_383 : vector<16xf32>
    %add3A_385 = arith.addf %add3A_363, %mul3A_384 : vector<16xf32>
    %get3A_386 = arith.constant 3 : i32
    %get3A_387 = arith.index_cast %get3A_386 : i32 to index
    %get3A_388 = arith.constant 0 : index
    %get3A_389 = tpu.vector_load %arg27[%get3A_387, %get3A_388] {strides = array<i32>} : memref<15x80xf32, #tpu.memory_space<vmem>>, vector<16xf32>,
    %get3A_390 = arith.constant 8 : i32
    %get3A_391 = arith.index_cast %get3A_390 : i32 to index
    %get3A_392 = arith.constant 0 : index
    %get3A_393 = tpu.vector_load %arg27[%get3A_391, %get3A_392] {strides = array<i32>} : memref<15x80xf32, #tpu.memory_space<vmem>>, vector<16xf32>,
    %get3A_394 = arith.constant 13 : i32
    %get3A_395 = arith.index_cast %get3A_394 : i32 to index
    %get3A_396 = arith.constant 0 : index
    %get3A_397 = tpu.vector_load %arg27[%get3A_395, %get3A_396] {strides = array<i32>} : memref<15x80xf32, #tpu.memory_space<vmem>>, vector<16xf32>,
    %add3A_398 = arith.addf %get3A_389, %get3A_393 : vector<16xf32>
    %add3A_399 = arith.addf %add3A_398, %get3A_397 : vector<16xf32>
    %max3A_400 = arith.constant 0.000000e+00 : f32
    %max3A_401 = vector.broadcast %max3A_400 : f32 to vector<16xf32>
    %max3A_402 = arith.maximumf %add3A_399, %max3A_401 : vector<16xf32>
    %slice3A_403 = vector.extract_strided_slice %get3A_319 {offsets = [3], sizes = [1], strides = [1]} : vector<16xf32> to vector<1xf32>
    %squeeze3A_404 = vector.extract %slice3A_403[0] : f32 from vector<1xf32>
    %mul3A_405 = vector.broadcast %squeeze3A_404 : f32 to vector<16xf32>
    %mul3A_406 = arith.mulf %max3A_402, %mul3A_405 : vector<16xf32>
    %add3A_407 = arith.addf %add3A_385, %mul3A_406 : vector<16xf32>
    %get3A_408 = arith.constant 4 : i32
    %get3A_409 = arith.index_cast %get3A_408 : i32 to index
    %get3A_410 = arith.constant 0 : index
    %get3A_411 = tpu.vector_load %arg27[%get3A_409, %get3A_410] {strides = array<i32>} : memref<15x80xf32, #tpu.memory_space<vmem>>, vector<16xf32>,
    %get3A_412 = arith.constant 9 : i32
    %get3A_413 = arith.index_cast %get3A_412 : i32 to index
    %get3A_414 = arith.constant 0 : index
    %get3A_415 = tpu.vector_load %arg27[%get3A_413, %get3A_414] {strides = array<i32>} : memref<15x80xf32, #tpu.memory_space<vmem>>, vector<16xf32>,
    %get3A_416 = arith.constant 14 : i32
    %get3A_417 = arith.index_cast %get3A_416 : i32 to index
    %get3A_418 = arith.constant 0 : index
    %get3A_419 = tpu.vector_load %arg27[%get3A_417, %get3A_418] {strides = array<i32>} : memref<15x80xf32, #tpu.memory_space<vmem>>, vector<16xf32>,
    %add3A_420 = arith.addf %get3A_411, %get3A_415 : vector<16xf32>
    %add3A_421 = arith.addf %add3A_420, %get3A_419 : vector<16xf32>
    %max3A_422 = arith.constant 0.000000e+00 : f32
    %max3A_423 = vector.broadcast %max3A_422 : f32 to vector<16xf32>
    %max3A_424 = arith.maximumf %add3A_421, %max3A_423 : vector<16xf32>
    %slice3A_425 = vector.extract_strided_slice %get3A_319 {offsets = [4], sizes = [1], strides = [1]} : vector<16xf32> to vector<1xf32>
    %squeeze3A_426 = vector.extract %slice3A_425[0] : f32 from vector<1xf32>
    %mul3A_427 = vector.broadcast %squeeze3A_426 : f32 to vector<16xf32>
    %mul3A_428 = arith.mulf %max3A_424, %mul3A_427 : vector<16xf32>
    %add3A_429 = arith.addf %add3A_407, %mul3A_428 : vector<16xf32>
    %neg3A = arith.constant 0.000000e+00 : f32
    %neg3A_430 = vector.broadcast %neg3A : f32 to vector<16xf32>
    %neg3A_431 = arith.subf %neg3A_430, %add3A_429 : vector<16xf32>
    %exp3A = math.exp %neg3A_431 : vector<16xf32>
    %add3A_432 = arith.constant 1.000000e+00 : f32
    %add3A_433 = vector.broadcast %add3A_432 : f32 to vector<16xf32>
    %add3A_434 = arith.addf %add3A_433, %exp3A : vector<16xf32>
    %div3A = arith.constant 1.000000e+00 : f32
    %div3A_435 = vector.broadcast %div3A : f32 to vector<16xf32>
    %div3A_436 = arith.divf %div3A_435, %add3A_434 : vector<16xf32>
    %swap3A = arith.constant 0 : index
    %swap3A_437 = tpu.vector_load %arg33[%swap3A] {strides = array<i32>} : memref<96xf32, #tpu.memory_space<vmem>>, vector<16xf32>,
    tpu.vector_store %arg33[%swap3A], %div3A_436 {strides = array<i32>} : memref<96xf32, #tpu.memory_space<vmem>>, vector<16xf32>,
    %slice3A_438 = vector.extract_strided_slice %get3A_319 {offsets = [5], sizes = [1], strides = [1]} : vector<16xf32> to vector<1xf32>
    %squeeze3A_439 = vector.extract %slice3A_438[0] : f32 from vector<1xf32>
    %broadcast_in_dim3A_440 = vector.broadcast %squeeze3A_439 : f32 to vector<16xf32>
    %get3A_441 = arith.constant 0 : i32
    %get3A_442 = arith.index_cast %get3A_441 : i32 to index
    %get3A_443 = arith.constant 16 : index
    %get3A_444 = tpu.vector_load %arg27[%get3A_442, %get3A_443] {strides = array<i32>} : memref<15x80xf32, #tpu.memory_space<vmem>>, vector<16xf32>,
    %get3A_445 = arith.constant 5 : i32
    %get3A_446 = arith.index_cast %get3A_445 : i32 to index
    %get3A_447 = arith.constant 16 : index
    %get3A_448 = tpu.vector_load %arg27[%get3A_446, %get3A_447] {strides = array<i32>} : memref<15x80xf32, #tpu.memory_space<vmem>>, vector<16xf32>,
    %get3A_449 = arith.constant 10 : i32
    %get3A_450 = arith.index_cast %get3A_449 : i32 to index
    %get3A_451 = arith.constant 16 : index
    %get3A_452 = tpu.vector_load %arg27[%get3A_450, %get3A_451] {strides = array<i32>} : memref<15x80xf32, #tpu.memory_space<vmem>>, vector<16xf32>,
    %add3A_453 = arith.addf %get3A_444, %get3A_448 : vector<16xf32>
    %add3A_454 = arith.addf %add3A_453, %get3A_452 : vector<16xf32>
    %max3A_455 = arith.constant 0.000000e+00 : f32
    %max3A_456 = vector.broadcast %max3A_455 : f32 to vector<16xf32>
    %max3A_457 = arith.maximumf %add3A_454, %max3A_456 : vector<16xf32>
    %slice3A_458 = vector.extract_strided_slice %get3A_319 {offsets = [0], sizes = [1], strides = [1]} : vector<16xf32> to vector<1xf32>
    %squeeze3A_459 = vector.extract %slice3A_458[0] : f32 from vector<1xf32>
    %mul3A_460 = vector.broadcast %squeeze3A_459 : f32 to vector<16xf32>
    %mul3A_461 = arith.mulf %max3A_457, %mul3A_460 : vector<16xf32>
    %add3A_462 = arith.addf %broadcast_in_dim3A_440, %mul3A_461 : vector<16xf32>
    %get3A_463 = arith.constant 1 : i32
    %get3A_464 = arith.index_cast %get3A_463 : i32 to index
    %get3A_465 = arith.constant 16 : index
    %get3A_466 = tpu.vector_load %arg27[%get3A_464, %get3A_465] {strides = array<i32>} : memref<15x80xf32, #tpu.memory_space<vmem>>, vector<16xf32>,
    %get3A_467 = arith.constant 6 : i32
    %get3A_468 = arith.index_cast %get3A_467 : i32 to index
    %get3A_469 = arith.constant 16 : index
    %get3A_470 = tpu.vector_load %arg27[%get3A_468, %get3A_469] {strides = array<i32>} : memref<15x80xf32, #tpu.memory_space<vmem>>, vector<16xf32>,
    %get3A_471 = arith.constant 11 : i32
    %get3A_472 = arith.index_cast %get3A_471 : i32 to index
    %get3A_473 = arith.constant 16 : index
    %get3A_474 = tpu.vector_load %arg27[%get3A_472, %get3A_473] {strides = array<i32>} : memref<15x80xf32, #tpu.memory_space<vmem>>, vector<16xf32>,
    %add3A_475 = arith.addf %get3A_466, %get3A_470 : vector<16xf32>
    %add3A_476 = arith.addf %add3A_475, %get3A_474 : vector<16xf32>
    %max3A_477 = arith.constant 0.000000e+00 : f32
    %max3A_478 = vector.broadcast %max3A_477 : f32 to vector<16xf32>
    %max3A_479 = arith.maximumf %add3A_476, %max3A_478 : vector<16xf32>
    %slice3A_480 = vector.extract_strided_slice %get3A_319 {offsets = [1], sizes = [1], strides = [1]} : vector<16xf32> to vector<1xf32>
    %squeeze3A_481 = vector.extract %slice3A_480[0] : f32 from vector<1xf32>
    %mul3A_482 = vector.broadcast %squeeze3A_481 : f32 to vector<16xf32>
    %mul3A_483 = arith.mulf %max3A_479, %mul3A_482 : vector<16xf32>
    %add3A_484 = arith.addf %add3A_462, %mul3A_483 : vector<16xf32>
    %get3A_485 = arith.constant 2 : i32
    %get3A_486 = arith.index_cast %get3A_485 : i32 to index
    %get3A_487 = arith.constant 16 : index
    %get3A_488 = tpu.vector_load %arg27[%get3A_486, %get3A_487] {strides = array<i32>} : memref<15x80xf32, #tpu.memory_space<vmem>>, vector<16xf32>,
    %get3A_489 = arith.constant 7 : i32
    %get3A_490 = arith.index_cast %get3A_489 : i32 to index
    %get3A_491 = arith.constant 16 : index
    %get3A_492 = tpu.vector_load %arg27[%get3A_490, %get3A_491] {strides = array<i32>} : memref<15x80xf32, #tpu.memory_space<vmem>>, vector<16xf32>,
    %get3A_493 = arith.constant 12 : i32
    %get3A_494 = arith.index_cast %get3A_493 : i32 to index
    %get3A_495 = arith.constant 16 : index
    %get3A_496 = tpu.vector_load %arg27[%get3A_494, %get3A_495] {strides = array<i32>} : memref<15x80xf32, #tpu.memory_space<vmem>>, vector<16xf32>,
    %add3A_497 = arith.addf %get3A_488, %get3A_492 : vector<16xf32>
    %add3A_498 = arith.addf %add3A_497, %get3A_496 : vector<16xf32>
    %max3A_499 = arith.constant 0.000000e+00 : f32
    %max3A_500 = vector.broadcast %max3A_499 : f32 to vector<16xf32>
    %max3A_501 = arith.maximumf %add3A_498, %max3A_500 : vector<16xf32>
    %slice3A_502 = vector.extract_strided_slice %get3A_319 {offsets = [2], sizes = [1], strides = [1]} : vector<16xf32> to vector<1xf32>
    %squeeze3A_503 = vector.extract %slice3A_502[0] : f32 from vector<1xf32>
    %mul3A_504 = vector.broadcast %squeeze3A_503 : f32 to vector<16xf32>
    %mul3A_505 = arith.mulf %max3A_501, %mul3A_504 : vector<16xf32>
    %add3A_506 = arith.addf %add3A_484, %mul3A_505 : vector<16xf32>
    %get3A_507 = arith.constant 3 : i32
    %get3A_508 = arith.index_cast %get3A_507 : i32 to index
    %get3A_509 = arith.constant 16 : index
    %get3A_510 = tpu.vector_load %arg27[%get3A_508, %get3A_509] {strides = array<i32>} : memref<15x80xf32, #tpu.memory_space<vmem>>, vector<16xf32>,
    %get3A_511 = arith.constant 8 : i32
    %get3A_512 = arith.index_cast %get3A_511 : i32 to index
    %get3A_513 = arith.constant 16 : index
    %get3A_514 = tpu.vector_load %arg27[%get3A_512, %get3A_513] {strides = array<i32>} : memref<15x80xf32, #tpu.memory_space<vmem>>, vector<16xf32>,
    %get3A_515 = arith.constant 13 : i32
    %get3A_516 = arith.index_cast %get3A_515 : i32 to index
    %get3A_517 = arith.constant 16 : index
    %get3A_518 = tpu.vector_load %arg27[%get3A_516, %get3A_517] {strides = array<i32>} : memref<15x80xf32, #tpu.memory_space<vmem>>, vector<16xf32>,
    %add3A_519 = arith.addf %get3A_510, %get3A_514 : vector<16xf32>
    %add3A_520 = arith.addf %add3A_519, %get3A_518 : vector<16xf32>
    %max3A_521 = arith.constant 0.000000e+00 : f32
    %max3A_522 = vector.broadcast %max3A_521 : f32 to vector<16xf32>
    %max3A_523 = arith.maximumf %add3A_520, %max3A_522 : vector<16xf32>
    %slice3A_524 = vector.extract_strided_slice %get3A_319 {offsets = [3], sizes = [1], strides = [1]} : vector<16xf32> to vector<1xf32>
    %squeeze3A_525 = vector.extract %slice3A_524[0] : f32 from vector<1xf32>
    %mul3A_526 = vector.broadcast %squeeze3A_525 : f32 to vector<16xf32>
    %mul3A_527 = arith.mulf %max3A_523, %mul3A_526 : vector<16xf32>
    %add3A_528 = arith.addf %add3A_506, %mul3A_527 : vector<16xf32>
    %get3A_529 = arith.constant 4 : i32
    %get3A_530 = arith.index_cast %get3A_529 : i32 to index
    %get3A_531 = arith.constant 16 : index
    %get3A_532 = tpu.vector_load %arg27[%get3A_530, %get3A_531] {strides = array<i32>} : memref<15x80xf32, #tpu.memory_space<vmem>>, vector<16xf32>,
    %get3A_533 = arith.constant 9 : i32
    %get3A_534 = arith.index_cast %get3A_533 : i32 to index
    %get3A_535 = arith.constant 16 : index
    %get3A_536 = tpu.vector_load %arg27[%get3A_534, %get3A_535] {strides = array<i32>} : memref<15x80xf32, #tpu.memory_space<vmem>>, vector<16xf32>,
    %get3A_537 = arith.constant 14 : i32
    %get3A_538 = arith.index_cast %get3A_537 : i32 to index
    %get3A_539 = arith.constant 16 : index
    %get3A_540 = tpu.vector_load %arg27[%get3A_538, %get3A_539] {strides = array<i32>} : memref<15x80xf32, #tpu.memory_space<vmem>>, vector<16xf32>,
    %add3A_541 = arith.addf %get3A_532, %get3A_536 : vector<16xf32>
    %add3A_542 = arith.addf %add3A_541, %get3A_540 : vector<16xf32>
    %max3A_543 = arith.constant 0.000000e+00 : f32
    %max3A_544 = vector.broadcast %max3A_543 : f32 to vector<16xf32>
    %max3A_545 = arith.maximumf %add3A_542, %max3A_544 : vector<16xf32>
    %slice3A_546 = vector.extract_strided_slice %get3A_319 {offsets = [4], sizes = [1], strides = [1]} : vector<16xf32> to vector<1xf32>
    %squeeze3A_547 = vector.extract %slice3A_546[0] : f32 from vector<1xf32>
    %mul3A_548 = vector.broadcast %squeeze3A_547 : f32 to vector<16xf32>
    %mul3A_549 = arith.mulf %max3A_545, %mul3A_548 : vector<16xf32>
    %add3A_550 = arith.addf %add3A_528, %mul3A_549 : vector<16xf32>
    %neg3A_551 = arith.constant 0.000000e+00 : f32
    %neg3A_552 = vector.broadcast %neg3A_551 : f32 to vector<16xf32>
    %neg3A_553 = arith.subf %neg3A_552, %add3A_550 : vector<16xf32>
    %exp3A_554 = math.exp %neg3A_553 : vector<16xf32>
    %add3A_555 = arith.constant 1.000000e+00 : f32
    %add3A_556 = vector.broadcast %add3A_555 : f32 to vector<16xf32>
    %add3A_557 = arith.addf %add3A_556, %exp3A_554 : vector<16xf32>
    %div3A_558 = arith.constant 1.000000e+00 : f32
    %div3A_559 = vector.broadcast %div3A_558 : f32 to vector<16xf32>
    %div3A_560 = arith.divf %div3A_559, %add3A_557 : vector<16xf32>
    %swap3A_561 = arith.constant 16 : index
    %swap3A_562 = tpu.vector_load %arg33[%swap3A_561] {strides = array<i32>} : memref<96xf32, #tpu.memory_space<vmem>>, vector<16xf32>,
    tpu.vector_store %arg33[%swap3A_561], %div3A_560 {strides = array<i32>} : memref<96xf32, #tpu.memory_space<vmem>>, vector<16xf32>,
    %slice3A_563 = vector.extract_strided_slice %get3A_319 {offsets = [5], sizes = [1], strides = [1]} : vector<16xf32> to vector<1xf32>
    %squeeze3A_564 = vector.extract %slice3A_563[0] : f32 from vector<1xf32>
    %broadcast_in_dim3A_565 = vector.broadcast %squeeze3A_564 : f32 to vector<16xf32>
    %get3A_566 = arith.constant 0 : i32
    %get3A_567 = arith.index_cast %get3A_566 : i32 to index
    %get3A_568 = arith.constant 32 : index
    %get3A_569 = tpu.vector_load %arg27[%get3A_567, %get3A_568] {strides = array<i32>} : memref<15x80xf32, #tpu.memory_space<vmem>>, vector<16xf32>,
    %get3A_570 = arith.constant 5 : i32
    %get3A_571 = arith.index_cast %get3A_570 : i32 to index
    %get3A_572 = arith.constant 32 : index
    %get3A_573 = tpu.vector_load %arg27[%get3A_571, %get3A_572] {strides = array<i32>} : memref<15x80xf32, #tpu.memory_space<vmem>>, vector<16xf32>,
    %get3A_574 = arith.constant 10 : i32
    %get3A_575 = arith.index_cast %get3A_574 : i32 to index
    %get3A_576 = arith.constant 32 : index
    %get3A_577 = tpu.vector_load %arg27[%get3A_575, %get3A_576] {strides = array<i32>} : memref<15x80xf32, #tpu.memory_space<vmem>>, vector<16xf32>,
    %add3A_578 = arith.addf %get3A_569, %get3A_573 : vector<16xf32>
    %add3A_579 = arith.addf %add3A_578, %get3A_577 : vector<16xf32>
    %max3A_580 = arith.constant 0.000000e+00 : f32
    %max3A_581 = vector.broadcast %max3A_580 : f32 to vector<16xf32>
    %max3A_582 = arith.maximumf %add3A_579, %max3A_581 : vector<16xf32>
    %slice3A_583 = vector.extract_strided_slice %get3A_319 {offsets = [0], sizes = [1], strides = [1]} : vector<16xf32> to vector<1xf32>
    %squeeze3A_584 = vector.extract %slice3A_583[0] : f32 from vector<1xf32>
    %mul3A_585 = vector.broadcast %squeeze3A_584 : f32 to vector<16xf32>
    %mul3A_586 = arith.mulf %max3A_582, %mul3A_585 : vector<16xf32>
    %add3A_587 = arith.addf %broadcast_in_dim3A_565, %mul3A_586 : vector<16xf32>
    %get3A_588 = arith.constant 1 : i32
    %get3A_589 = arith.index_cast %get3A_588 : i32 to index
    %get3A_590 = arith.constant 32 : index
    %get3A_591 = tpu.vector_load %arg27[%get3A_589, %get3A_590] {strides = array<i32>} : memref<15x80xf32, #tpu.memory_space<vmem>>, vector<16xf32>,
    %get3A_592 = arith.constant 6 : i32
    %get3A_593 = arith.index_cast %get3A_592 : i32 to index
    %get3A_594 = arith.constant 32 : index
    %get3A_595 = tpu.vector_load %arg27[%get3A_593, %get3A_594] {strides = array<i32>} : memref<15x80xf32, #tpu.memory_space<vmem>>, vector<16xf32>,
    %get3A_596 = arith.constant 11 : i32
    %get3A_597 = arith.index_cast %get3A_596 : i32 to index
    %get3A_598 = arith.constant 32 : index
    %get3A_599 = tpu.vector_load %arg27[%get3A_597, %get3A_598] {strides = array<i32>} : memref<15x80xf32, #tpu.memory_space<vmem>>, vector<16xf32>,
    %add3A_600 = arith.addf %get3A_591, %get3A_595 : vector<16xf32>
    %add3A_601 = arith.addf %add3A_600, %get3A_599 : vector<16xf32>
    %max3A_602 = arith.constant 0.000000e+00 : f32
    %max3A_603 = vector.broadcast %max3A_602 : f32 to vector<16xf32>
    %max3A_604 = arith.maximumf %add3A_601, %max3A_603 : vector<16xf32>
    %slice3A_605 = vector.extract_strided_slice %get3A_319 {offsets = [1], sizes = [1], strides = [1]} : vector<16xf32> to vector<1xf32>
    %squeeze3A_606 = vector.extract %slice3A_605[0] : f32 from vector<1xf32>
    %mul3A_607 = vector.broadcast %squeeze3A_606 : f32 to vector<16xf32>
    %mul3A_608 = arith.mulf %max3A_604, %mul3A_607 : vector<16xf32>
    %add3A_609 = arith.addf %add3A_587, %mul3A_608 : vector<16xf32>
    %get3A_610 = arith.constant 2 : i32
    %get3A_611 = arith.index_cast %get3A_610 : i32 to index
    %get3A_612 = arith.constant 32 : index
    %get3A_613 = tpu.vector_load %arg27[%get3A_611, %get3A_612] {strides = array<i32>} : memref<15x80xf32, #tpu.memory_space<vmem>>, vector<16xf32>,
    %get3A_614 = arith.constant 7 : i32
    %get3A_615 = arith.index_cast %get3A_614 : i32 to index
    %get3A_616 = arith.constant 32 : index
    %get3A_617 = tpu.vector_load %arg27[%get3A_615, %get3A_616] {strides = array<i32>} : memref<15x80xf32, #tpu.memory_space<vmem>>, vector<16xf32>,
    %get3A_618 = arith.constant 12 : i32
    %get3A_619 = arith.index_cast %get3A_618 : i32 to index
    %get3A_620 = arith.constant 32 : index
    %get3A_621 = tpu.vector_load %arg27[%get3A_619, %get3A_620] {strides = array<i32>} : memref<15x80xf32, #tpu.memory_space<vmem>>, vector<16xf32>,
    %add3A_622 = arith.addf %get3A_613, %get3A_617 : vector<16xf32>
    %add3A_623 = arith.addf %add3A_622, %get3A_621 : vector<16xf32>
    %max3A_624 = arith.constant 0.000000e+00 : f32
    %max3A_625 = vector.broadcast %max3A_624 : f32 to vector<16xf32>
    %max3A_626 = arith.maximumf %add3A_623, %max3A_625 : vector<16xf32>
    %slice3A_627 = vector.extract_strided_slice %get3A_319 {offsets = [2], sizes = [1], strides = [1]} : vector<16xf32> to vector<1xf32>
    %squeeze3A_628 = vector.extract %slice3A_627[0] : f32 from vector<1xf32>
    %mul3A_629 = vector.broadcast %squeeze3A_628 : f32 to vector<16xf32>
    %mul3A_630 = arith.mulf %max3A_626, %mul3A_629 : vector<16xf32>
    %add3A_631 = arith.addf %add3A_609, %mul3A_630 : vector<16xf32>
    %get3A_632 = arith.constant 3 : i32
    %get3A_633 = arith.index_cast %get3A_632 : i32 to index
    %get3A_634 = arith.constant 32 : index
    %get3A_635 = tpu.vector_load %arg27[%get3A_633, %get3A_634] {strides = array<i32>} : memref<15x80xf32, #tpu.memory_space<vmem>>, vector<16xf32>,
    %get3A_636 = arith.constant 8 : i32
    %get3A_637 = arith.index_cast %get3A_636 : i32 to index
    %get3A_638 = arith.constant 32 : index
    %get3A_639 = tpu.vector_load %arg27[%get3A_637, %get3A_638] {strides = array<i32>} : memref<15x80xf32, #tpu.memory_space<vmem>>, vector<16xf32>,
    %get3A_640 = arith.constant 13 : i32
    %get3A_641 = arith.index_cast %get3A_640 : i32 to index
    %get3A_642 = arith.constant 32 : index
    %get3A_643 = tpu.vector_load %arg27[%get3A_641, %get3A_642] {strides = array<i32>} : memref<15x80xf32, #tpu.memory_space<vmem>>, vector<16xf32>,
    %add3A_644 = arith.addf %get3A_635, %get3A_639 : vector<16xf32>
    %add3A_645 = arith.addf %add3A_644, %get3A_643 : vector<16xf32>
    %max3A_646 = arith.constant 0.000000e+00 : f32
    %max3A_647 = vector.broadcast %max3A_646 : f32 to vector<16xf32>
    %max3A_648 = arith.maximumf %add3A_645, %max3A_647 : vector<16xf32>
    %slice3A_649 = vector.extract_strided_slice %get3A_319 {offsets = [3], sizes = [1], strides = [1]} : vector<16xf32> to vector<1xf32>
    %squeeze3A_650 = vector.extract %slice3A_649[0] : f32 from vector<1xf32>
    %mul3A_651 = vector.broadcast %squeeze3A_650 : f32 to vector<16xf32>
    %mul3A_652 = arith.mulf %max3A_648, %mul3A_651 : vector<16xf32>
    %add3A_653 = arith.addf %add3A_631, %mul3A_652 : vector<16xf32>
    %get3A_654 = arith.constant 4 : i32
    %get3A_655 = arith.index_cast %get3A_654 : i32 to index
    %get3A_656 = arith.constant 32 : index
    %get3A_657 = tpu.vector_load %arg27[%get3A_655, %get3A_656] {strides = array<i32>} : memref<15x80xf32, #tpu.memory_space<vmem>>, vector<16xf32>,
    %get3A_658 = arith.constant 9 : i32
    %get3A_659 = arith.index_cast %get3A_658 : i32 to index
    %get3A_660 = arith.constant 32 : index
    %get3A_661 = tpu.vector_load %arg27[%get3A_659, %get3A_660] {strides = array<i32>} : memref<15x80xf32, #tpu.memory_space<vmem>>, vector<16xf32>,
    %get3A_662 = arith.constant 14 : i32
    %get3A_663 = arith.index_cast %get3A_662 : i32 to index
    %get3A_664 = arith.constant 32 : index
    %get3A_665 = tpu.vector_load %arg27[%get3A_663, %get3A_664] {strides = array<i32>} : memref<15x80xf32, #tpu.memory_space<vmem>>, vector<16xf32>,
    %add3A_666 = arith.addf %get3A_657, %get3A_661 : vector<16xf32>
    %add3A_667 = arith.addf %add3A_666, %get3A_665 : vector<16xf32>
    %max3A_668 = arith.constant 0.000000e+00 : f32
    %max3A_669 = vector.broadcast %max3A_668 : f32 to vector<16xf32>
    %max3A_670 = arith.maximumf %add3A_667, %max3A_669 : vector<16xf32>
    %slice3A_671 = vector.extract_strided_slice %get3A_319 {offsets = [4], sizes = [1], strides = [1]} : vector<16xf32> to vector<1xf32>
    %squeeze3A_672 = vector.extract %slice3A_671[0] : f32 from vector<1xf32>
    %mul3A_673 = vector.broadcast %squeeze3A_672 : f32 to vector<16xf32>
    %mul3A_674 = arith.mulf %max3A_670, %mul3A_673 : vector<16xf32>
    %add3A_675 = arith.addf %add3A_653, %mul3A_674 : vector<16xf32>
    %neg3A_676 = arith.constant 0.000000e+00 : f32
    %neg3A_677 = vector.broadcast %neg3A_676 : f32 to vector<16xf32>
    %neg3A_678 = arith.subf %neg3A_677, %add3A_675 : vector<16xf32>
    %exp3A_679 = math.exp %neg3A_678 : vector<16xf32>
    %add3A_680 = arith.constant 1.000000e+00 : f32
    %add3A_681 = vector.broadcast %add3A_680 : f32 to vector<16xf32>
    %add3A_682 = arith.addf %add3A_681, %exp3A_679 : vector<16xf32>
    %div3A_683 = arith.constant 1.000000e+00 : f32
    %div3A_684 = vector.broadcast %div3A_683 : f32 to vector<16xf32>
    %div3A_685 = arith.divf %div3A_684, %add3A_682 : vector<16xf32>
    %swap3A_686 = arith.constant 32 : index
    %swap3A_687 = tpu.vector_load %arg33[%swap3A_686] {strides = array<i32>} : memref<96xf32, #tpu.memory_space<vmem>>, vector<16xf32>,
    tpu.vector_store %arg33[%swap3A_686], %div3A_685 {strides = array<i32>} : memref<96xf32, #tpu.memory_space<vmem>>, vector<16xf32>,
    %slice3A_688 = vector.extract_strided_slice %get3A_319 {offsets = [5], sizes = [1], strides = [1]} : vector<16xf32> to vector<1xf32>
    %squeeze3A_689 = vector.extract %slice3A_688[0] : f32 from vector<1xf32>
    %broadcast_in_dim3A_690 = vector.broadcast %squeeze3A_689 : f32 to vector<16xf32>
    %get3A_691 = arith.constant 0 : i32
    %get3A_692 = arith.index_cast %get3A_691 : i32 to index
    %get3A_693 = arith.constant 48 : index
    %get3A_694 = tpu.vector_load %arg27[%get3A_692, %get3A_693] {strides = array<i32>} : memref<15x80xf32, #tpu.memory_space<vmem>>, vector<16xf32>,
    %get3A_695 = arith.constant 5 : i32
    %get3A_696 = arith.index_cast %get3A_695 : i32 to index
    %get3A_697 = arith.constant 48 : index
    %get3A_698 = tpu.vector_load %arg27[%get3A_696, %get3A_697] {strides = array<i32>} : memref<15x80xf32, #tpu.memory_space<vmem>>, vector<16xf32>,
    %get3A_699 = arith.constant 10 : i32
    %get3A_700 = arith.index_cast %get3A_699 : i32 to index
    %get3A_701 = arith.constant 48 : index
    %get3A_702 = tpu.vector_load %arg27[%get3A_700, %get3A_701] {strides = array<i32>} : memref<15x80xf32, #tpu.memory_space<vmem>>, vector<16xf32>,
    %add3A_703 = arith.addf %get3A_694, %get3A_698 : vector<16xf32>
    %add3A_704 = arith.addf %add3A_703, %get3A_702 : vector<16xf32>
    %max3A_705 = arith.constant 0.000000e+00 : f32
    %max3A_706 = vector.broadcast %max3A_705 : f32 to vector<16xf32>
    %max3A_707 = arith.maximumf %add3A_704, %max3A_706 : vector<16xf32>
    %slice3A_708 = vector.extract_strided_slice %get3A_319 {offsets = [0], sizes = [1], strides = [1]} : vector<16xf32> to vector<1xf32>
    %squeeze3A_709 = vector.extract %slice3A_708[0] : f32 from vector<1xf32>
    %mul3A_710 = vector.broadcast %squeeze3A_709 : f32 to vector<16xf32>
    %mul3A_711 = arith.mulf %max3A_707, %mul3A_710 : vector<16xf32>
    %add3A_712 = arith.addf %broadcast_in_dim3A_690, %mul3A_711 : vector<16xf32>
    %get3A_713 = arith.constant 1 : i32
    %get3A_714 = arith.index_cast %get3A_713 : i32 to index
    %get3A_715 = arith.constant 48 : index
    %get3A_716 = tpu.vector_load %arg27[%get3A_714, %get3A_715] {strides = array<i32>} : memref<15x80xf32, #tpu.memory_space<vmem>>, vector<16xf32>,
    %get3A_717 = arith.constant 6 : i32
    %get3A_718 = arith.index_cast %get3A_717 : i32 to index
    %get3A_719 = arith.constant 48 : index
    %get3A_720 = tpu.vector_load %arg27[%get3A_718, %get3A_719] {strides = array<i32>} : memref<15x80xf32, #tpu.memory_space<vmem>>, vector<16xf32>,
    %get3A_721 = arith.constant 11 : i32
    %get3A_722 = arith.index_cast %get3A_721 : i32 to index
    %get3A_723 = arith.constant 48 : index
    %get3A_724 = tpu.vector_load %arg27[%get3A_722, %get3A_723] {strides = array<i32>} : memref<15x80xf32, #tpu.memory_space<vmem>>, vector<16xf32>,
    %add3A_725 = arith.addf %get3A_716, %get3A_720 : vector<16xf32>
    %add3A_726 = arith.addf %add3A_725, %get3A_724 : vector<16xf32>
    %max3A_727 = arith.constant 0.000000e+00 : f32
    %max3A_728 = vector.broadcast %max3A_727 : f32 to vector<16xf32>
    %max3A_729 = arith.maximumf %add3A_726, %max3A_728 : vector<16xf32>
    %slice3A_730 = vector.extract_strided_slice %get3A_319 {offsets = [1], sizes = [1], strides = [1]} : vector<16xf32> to vector<1xf32>
    %squeeze3A_731 = vector.extract %slice3A_730[0] : f32 from vector<1xf32>
    %mul3A_732 = vector.broadcast %squeeze3A_731 : f32 to vector<16xf32>
    %mul3A_733 = arith.mulf %max3A_729, %mul3A_732 : vector<16xf32>
    %add3A_734 = arith.addf %add3A_712, %mul3A_733 : vector<16xf32>
    %get3A_735 = arith.constant 2 : i32
    %get3A_736 = arith.index_cast %get3A_735 : i32 to index
    %get3A_737 = arith.constant 48 : index
    %get3A_738 = tpu.vector_load %arg27[%get3A_736, %get3A_737] {strides = array<i32>} : memref<15x80xf32, #tpu.memory_space<vmem>>, vector<16xf32>,
    %get3A_739 = arith.constant 7 : i32
    %get3A_740 = arith.index_cast %get3A_739 : i32 to index
    %get3A_741 = arith.constant 48 : index
    %get3A_742 = tpu.vector_load %arg27[%get3A_740, %get3A_741] {strides = array<i32>} : memref<15x80xf32, #tpu.memory_space<vmem>>, vector<16xf32>,
    %get3A_743 = arith.constant 12 : i32
    %get3A_744 = arith.index_cast %get3A_743 : i32 to index
    %get3A_745 = arith.constant 48 : index
    %get3A_746 = tpu.vector_load %arg27[%get3A_744, %get3A_745] {strides = array<i32>} : memref<15x80xf32, #tpu.memory_space<vmem>>, vector<16xf32>,
    %add3A_747 = arith.addf %get3A_738, %get3A_742 : vector<16xf32>
    %add3A_748 = arith.addf %add3A_747, %get3A_746 : vector<16xf32>
    %max3A_749 = arith.constant 0.000000e+00 : f32
    %max3A_750 = vector.broadcast %max3A_749 : f32 to vector<16xf32>
    %max3A_751 = arith.maximumf %add3A_748, %max3A_750 : vector<16xf32>
    %slice3A_752 = vector.extract_strided_slice %get3A_319 {offsets = [2], sizes = [1], strides = [1]} : vector<16xf32> to vector<1xf32>
    %squeeze3A_753 = vector.extract %slice3A_752[0] : f32 from vector<1xf32>
    %mul3A_754 = vector.broadcast %squeeze3A_753 : f32 to vector<16xf32>
    %mul3A_755 = arith.mulf %max3A_751, %mul3A_754 : vector<16xf32>
    %add3A_756 = arith.addf %add3A_734, %mul3A_755 : vector<16xf32>
    %get3A_757 = arith.constant 3 : i32
    %get3A_758 = arith.index_cast %get3A_757 : i32 to index
    %get3A_759 = arith.constant 48 : index
    %get3A_760 = tpu.vector_load %arg27[%get3A_758, %get3A_759] {strides = array<i32>} : memref<15x80xf32, #tpu.memory_space<vmem>>, vector<16xf32>,
    %get3A_761 = arith.constant 8 : i32
    %get3A_762 = arith.index_cast %get3A_761 : i32 to index
    %get3A_763 = arith.constant 48 : index
    %get3A_764 = tpu.vector_load %arg27[%get3A_762, %get3A_763] {strides = array<i32>} : memref<15x80xf32, #tpu.memory_space<vmem>>, vector<16xf32>,
    %get3A_765 = arith.constant 13 : i32
    %get3A_766 = arith.index_cast %get3A_765 : i32 to index
    %get3A_767 = arith.constant 48 : index
    %get3A_768 = tpu.vector_load %arg27[%get3A_766, %get3A_767] {strides = array<i32>} : memref<15x80xf32, #tpu.memory_space<vmem>>, vector<16xf32>,
    %add3A_769 = arith.addf %get3A_760, %get3A_764 : vector<16xf32>
    %add3A_770 = arith.addf %add3A_769, %get3A_768 : vector<16xf32>
    %max3A_771 = arith.constant 0.000000e+00 : f32
    %max3A_772 = vector.broadcast %max3A_771 : f32 to vector<16xf32>
    %max3A_773 = arith.maximumf %add3A_770, %max3A_772 : vector<16xf32>
    %slice3A_774 = vector.extract_strided_slice %get3A_319 {offsets = [3], sizes = [1], strides = [1]} : vector<16xf32> to vector<1xf32>
    %squeeze3A_775 = vector.extract %slice3A_774[0] : f32 from vector<1xf32>
    %mul3A_776 = vector.broadcast %squeeze3A_775 : f32 to vector<16xf32>
    %mul3A_777 = arith.mulf %max3A_773, %mul3A_776 : vector<16xf32>
    %add3A_778 = arith.addf %add3A_756, %mul3A_777 : vector<16xf32>
    %get3A_779 = arith.constant 4 : i32
    %get3A_780 = arith.index_cast %get3A_779 : i32 to index
    %get3A_781 = arith.constant 48 : index
    %get3A_782 = tpu.vector_load %arg27[%get3A_780, %get3A_781] {strides = array<i32>} : memref<15x80xf32, #tpu.memory_space<vmem>>, vector<16xf32>,
    %get3A_783 = arith.constant 9 : i32
    %get3A_784 = arith.index_cast %get3A_783 : i32 to index
    %get3A_785 = arith.constant 48 : index
    %get3A_786 = tpu.vector_load %arg27[%get3A_784, %get3A_785] {strides = array<i32>} : memref<15x80xf32, #tpu.memory_space<vmem>>, vector<16xf32>,
    %get3A_787 = arith.constant 14 : i32
    %get3A_788 = arith.index_cast %get3A_787 : i32 to index
    %get3A_789 = arith.constant 48 : index
    %get3A_790 = tpu.vector_load %arg27[%get3A_788, %get3A_789] {strides = array<i32>} : memref<15x80xf32, #tpu.memory_space<vmem>>, vector<16xf32>,
    %add3A_791 = arith.addf %get3A_782, %get3A_786 : vector<16xf32>
    %add3A_792 = arith.addf %add3A_791, %get3A_790 : vector<16xf32>
    %max3A_793 = arith.constant 0.000000e+00 : f32
    %max3A_794 = vector.broadcast %max3A_793 : f32 to vector<16xf32>
    %max3A_795 = arith.maximumf %add3A_792, %max3A_794 : vector<16xf32>
    %slice3A_796 = vector.extract_strided_slice %get3A_319 {offsets = [4], sizes = [1], strides = [1]} : vector<16xf32> to vector<1xf32>
    %squeeze3A_797 = vector.extract %slice3A_796[0] : f32 from vector<1xf32>
    %mul3A_798 = vector.broadcast %squeeze3A_797 : f32 to vector<16xf32>
    %mul3A_799 = arith.mulf %max3A_795, %mul3A_798 : vector<16xf32>
    %add3A_800 = arith.addf %add3A_778, %mul3A_799 : vector<16xf32>
    %neg3A_801 = arith.constant 0.000000e+00 : f32
    %neg3A_802 = vector.broadcast %neg3A_801 : f32 to vector<16xf32>
    %neg3A_803 = arith.subf %neg3A_802, %add3A_800 : vector<16xf32>
    %exp3A_804 = math.exp %neg3A_803 : vector<16xf32>
    %add3A_805 = arith.constant 1.000000e+00 : f32
    %add3A_806 = vector.broadcast %add3A_805 : f32 to vector<16xf32>
    %add3A_807 = arith.addf %add3A_806, %exp3A_804 : vector<16xf32>
    %div3A_808 = arith.constant 1.000000e+00 : f32
    %div3A_809 = vector.broadcast %div3A_808 : f32 to vector<16xf32>
    %div3A_810 = arith.divf %div3A_809, %add3A_807 : vector<16xf32>
    %swap3A_811 = arith.constant 48 : index
    %swap3A_812 = tpu.vector_load %arg33[%swap3A_811] {strides = array<i32>} : memref<96xf32, #tpu.memory_space<vmem>>, vector<16xf32>,
    tpu.vector_store %arg33[%swap3A_811], %div3A_810 {strides = array<i32>} : memref<96xf32, #tpu.memory_space<vmem>>, vector<16xf32>,
    %slice3A_813 = vector.extract_strided_slice %get3A_319 {offsets = [5], sizes = [1], strides = [1]} : vector<16xf32> to vector<1xf32>
    %squeeze3A_814 = vector.extract %slice3A_813[0] : f32 from vector<1xf32>
    %broadcast_in_dim3A_815 = vector.broadcast %squeeze3A_814 : f32 to vector<16xf32>
    %get3A_816 = arith.constant 0 : i32
    %get3A_817 = arith.index_cast %get3A_816 : i32 to index
    %get3A_818 = arith.constant 64 : index
    %get3A_819 = tpu.vector_load %arg27[%get3A_817, %get3A_818] {strides = array<i32>} : memref<15x80xf32, #tpu.memory_space<vmem>>, vector<16xf32>,
    %get3A_820 = arith.constant 5 : i32
    %get3A_821 = arith.index_cast %get3A_820 : i32 to index
    %get3A_822 = arith.constant 64 : index
    %get3A_823 = tpu.vector_load %arg27[%get3A_821, %get3A_822] {strides = array<i32>} : memref<15x80xf32, #tpu.memory_space<vmem>>, vector<16xf32>,
    %get3A_824 = arith.constant 10 : i32
    %get3A_825 = arith.index_cast %get3A_824 : i32 to index
    %get3A_826 = arith.constant 64 : index
    %get3A_827 = tpu.vector_load %arg27[%get3A_825, %get3A_826] {strides = array<i32>} : memref<15x80xf32, #tpu.memory_space<vmem>>, vector<16xf32>,
    %add3A_828 = arith.addf %get3A_819, %get3A_823 : vector<16xf32>
    %add3A_829 = arith.addf %add3A_828, %get3A_827 : vector<16xf32>
    %max3A_830 = arith.constant 0.000000e+00 : f32
    %max3A_831 = vector.broadcast %max3A_830 : f32 to vector<16xf32>
    %max3A_832 = arith.maximumf %add3A_829, %max3A_831 : vector<16xf32>
    %slice3A_833 = vector.extract_strided_slice %get3A_319 {offsets = [0], sizes = [1], strides = [1]} : vector<16xf32> to vector<1xf32>
    %squeeze3A_834 = vector.extract %slice3A_833[0] : f32 from vector<1xf32>
    %mul3A_835 = vector.broadcast %squeeze3A_834 : f32 to vector<16xf32>
    %mul3A_836 = arith.mulf %max3A_832, %mul3A_835 : vector<16xf32>
    %add3A_837 = arith.addf %broadcast_in_dim3A_815, %mul3A_836 : vector<16xf32>
    %get3A_838 = arith.constant 1 : i32
    %get3A_839 = arith.index_cast %get3A_838 : i32 to index
    %get3A_840 = arith.constant 64 : index
    %get3A_841 = tpu.vector_load %arg27[%get3A_839, %get3A_840] {strides = array<i32>} : memref<15x80xf32, #tpu.memory_space<vmem>>, vector<16xf32>,
    %get3A_842 = arith.constant 6 : i32
    %get3A_843 = arith.index_cast %get3A_842 : i32 to index
    %get3A_844 = arith.constant 64 : index
    %get3A_845 = tpu.vector_load %arg27[%get3A_843, %get3A_844] {strides = array<i32>} : memref<15x80xf32, #tpu.memory_space<vmem>>, vector<16xf32>,
    %get3A_846 = arith.constant 11 : i32
    %get3A_847 = arith.index_cast %get3A_846 : i32 to index
    %get3A_848 = arith.constant 64 : index
    %get3A_849 = tpu.vector_load %arg27[%get3A_847, %get3A_848] {strides = array<i32>} : memref<15x80xf32, #tpu.memory_space<vmem>>, vector<16xf32>,
    %add3A_850 = arith.addf %get3A_841, %get3A_845 : vector<16xf32>
    %add3A_851 = arith.addf %add3A_850, %get3A_849 : vector<16xf32>
    %max3A_852 = arith.constant 0.000000e+00 : f32
    %max3A_853 = vector.broadcast %max3A_852 : f32 to vector<16xf32>
    %max3A_854 = arith.maximumf %add3A_851, %max3A_853 : vector<16xf32>
    %slice3A_855 = vector.extract_strided_slice %get3A_319 {offsets = [1], sizes = [1], strides = [1]} : vector<16xf32> to vector<1xf32>
    %squeeze3A_856 = vector.extract %slice3A_855[0] : f32 from vector<1xf32>
    %mul3A_857 = vector.broadcast %squeeze3A_856 : f32 to vector<16xf32>
    %mul3A_858 = arith.mulf %max3A_854, %mul3A_857 : vector<16xf32>
    %add3A_859 = arith.addf %add3A_837, %mul3A_858 : vector<16xf32>
    %get3A_860 = arith.constant 2 : i32
    %get3A_861 = arith.index_cast %get3A_860 : i32 to index
    %get3A_862 = arith.constant 64 : index
    %get3A_863 = tpu.vector_load %arg27[%get3A_861, %get3A_862] {strides = array<i32>} : memref<15x80xf32, #tpu.memory_space<vmem>>, vector<16xf32>,
    %get3A_864 = arith.constant 7 : i32
    %get3A_865 = arith.index_cast %get3A_864 : i32 to index
    %get3A_866 = arith.constant 64 : index
    %get3A_867 = tpu.vector_load %arg27[%get3A_865, %get3A_866] {strides = array<i32>} : memref<15x80xf32, #tpu.memory_space<vmem>>, vector<16xf32>,
    %get3A_868 = arith.constant 12 : i32
    %get3A_869 = arith.index_cast %get3A_868 : i32 to index
    %get3A_870 = arith.constant 64 : index
    %get3A_871 = tpu.vector_load %arg27[%get3A_869, %get3A_870] {strides = array<i32>} : memref<15x80xf32, #tpu.memory_space<vmem>>, vector<16xf32>,
    %add3A_872 = arith.addf %get3A_863, %get3A_867 : vector<16xf32>
    %add3A_873 = arith.addf %add3A_872, %get3A_871 : vector<16xf32>
    %max3A_874 = arith.constant 0.000000e+00 : f32
    %max3A_875 = vector.broadcast %max3A_874 : f32 to vector<16xf32>
    %max3A_876 = arith.maximumf %add3A_873, %max3A_875 : vector<16xf32>
    %slice3A_877 = vector.extract_strided_slice %get3A_319 {offsets = [2], sizes = [1], strides = [1]} : vector<16xf32> to vector<1xf32>
    %squeeze3A_878 = vector.extract %slice3A_877[0] : f32 from vector<1xf32>
    %mul3A_879 = vector.broadcast %squeeze3A_878 : f32 to vector<16xf32>
    %mul3A_880 = arith.mulf %max3A_876, %mul3A_879 : vector<16xf32>
    %add3A_881 = arith.addf %add3A_859, %mul3A_880 : vector<16xf32>
    %get3A_882 = arith.constant 3 : i32
    %get3A_883 = arith.index_cast %get3A_882 : i32 to index
    %get3A_884 = arith.constant 64 : index
    %get3A_885 = tpu.vector_load %arg27[%get3A_883, %get3A_884] {strides = array<i32>} : memref<15x80xf32, #tpu.memory_space<vmem>>, vector<16xf32>,
    %get3A_886 = arith.constant 8 : i32
    %get3A_887 = arith.index_cast %get3A_886 : i32 to index
    %get3A_888 = arith.constant 64 : index
    %get3A_889 = tpu.vector_load %arg27[%get3A_887, %get3A_888] {strides = array<i32>} : memref<15x80xf32, #tpu.memory_space<vmem>>, vector<16xf32>,
    %get3A_890 = arith.constant 13 : i32
    %get3A_891 = arith.index_cast %get3A_890 : i32 to index
    %get3A_892 = arith.constant 64 : index
    %get3A_893 = tpu.vector_load %arg27[%get3A_891, %get3A_892] {strides = array<i32>} : memref<15x80xf32, #tpu.memory_space<vmem>>, vector<16xf32>,
    %add3A_894 = arith.addf %get3A_885, %get3A_889 : vector<16xf32>
    %add3A_895 = arith.addf %add3A_894, %get3A_893 : vector<16xf32>
    %max3A_896 = arith.constant 0.000000e+00 : f32
    %max3A_897 = vector.broadcast %max3A_896 : f32 to vector<16xf32>
    %max3A_898 = arith.maximumf %add3A_895, %max3A_897 : vector<16xf32>
    %slice3A_899 = vector.extract_strided_slice %get3A_319 {offsets = [3], sizes = [1], strides = [1]} : vector<16xf32> to vector<1xf32>
    %squeeze3A_900 = vector.extract %slice3A_899[0] : f32 from vector<1xf32>
    %mul3A_901 = vector.broadcast %squeeze3A_900 : f32 to vector<16xf32>
    %mul3A_902 = arith.mulf %max3A_898, %mul3A_901 : vector<16xf32>
    %add3A_903 = arith.addf %add3A_881, %mul3A_902 : vector<16xf32>
    %get3A_904 = arith.constant 4 : i32
    %get3A_905 = arith.index_cast %get3A_904 : i32 to index
    %get3A_906 = arith.constant 64 : index
    %get3A_907 = tpu.vector_load %arg27[%get3A_905, %get3A_906] {strides = array<i32>} : memref<15x80xf32, #tpu.memory_space<vmem>>, vector<16xf32>,
    %get3A_908 = arith.constant 9 : i32
    %get3A_909 = arith.index_cast %get3A_908 : i32 to index
    %get3A_910 = arith.constant 64 : index
    %get3A_911 = tpu.vector_load %arg27[%get3A_909, %get3A_910] {strides = array<i32>} : memref<15x80xf32, #tpu.memory_space<vmem>>, vector<16xf32>,
    %get3A_912 = arith.constant 14 : i32
    %get3A_913 = arith.index_cast %get3A_912 : i32 to index
    %get3A_914 = arith.constant 64 : index
    %get3A_915 = tpu.vector_load %arg27[%get3A_913, %get3A_914] {strides = array<i32>} : memref<15x80xf32, #tpu.memory_space<vmem>>, vector<16xf32>,
    %add3A_916 = arith.addf %get3A_907, %get3A_911 : vector<16xf32>
    %add3A_917 = arith.addf %add3A_916, %get3A_915 : vector<16xf32>
    %max3A_918 = arith.constant 0.000000e+00 : f32
    %max3A_919 = vector.broadcast %max3A_918 : f32 to vector<16xf32>
    %max3A_920 = arith.maximumf %add3A_917, %max3A_919 : vector<16xf32>
    %slice3A_921 = vector.extract_strided_slice %get3A_319 {offsets = [4], sizes = [1], strides = [1]} : vector<16xf32> to vector<1xf32>
    %squeeze3A_922 = vector.extract %slice3A_921[0] : f32 from vector<1xf32>
    %mul3A_923 = vector.broadcast %squeeze3A_922 : f32 to vector<16xf32>
    %mul3A_924 = arith.mulf %max3A_920, %mul3A_923 : vector<16xf32>
    %add3A_925 = arith.addf %add3A_903, %mul3A_924 : vector<16xf32>
    %neg3A_926 = arith.constant 0.000000e+00 : f32
    %neg3A_927 = vector.broadcast %neg3A_926 : f32 to vector<16xf32>
    %neg3A_928 = arith.subf %neg3A_927, %add3A_925 : vector<16xf32>
    %exp3A_929 = math.exp %neg3A_928 : vector<16xf32>
    %add3A_930 = arith.constant 1.000000e+00 : f32
    %add3A_931 = vector.broadcast %add3A_930 : f32 to vector<16xf32>
    %add3A_932 = arith.addf %add3A_931, %exp3A_929 : vector<16xf32>
    %div3A_933 = arith.constant 1.000000e+00 : f32
    %div3A_934 = vector.broadcast %div3A_933 : f32 to vector<16xf32>
    %div3A_935 = arith.divf %div3A_934, %add3A_932 : vector<16xf32>
    %swap3A_936 = arith.constant 64 : index
    %swap3A_937 = tpu.vector_load %arg33[%swap3A_936] {strides = array<i32>} : memref<96xf32, #tpu.memory_space<vmem>>, vector<16xf32>,
    tpu.vector_store %arg33[%swap3A_936], %div3A_935 {strides = array<i32>} : memref<96xf32, #tpu.memory_space<vmem>>, vector<16xf32>,
    %scan3A_938 = arith.constant 0 : i32
    %scan3A_939 = arith.constant 0 : i32
    %scan3A_940 = arith.constant 80 : i32
    %scan3A_941 = arith.addi %scan3A_939, %scan3A_940 : i32
    %scan3A_942 = arith.constant 1 : i32
    scf.for %scan3A_955 = %scan3A_939 to %scan3A_941 step %scan3A_942  : i32 {
      %get3A_956 = arith.index_cast %scan3A_955 : i32 to index
      %get3A_957 = tpu.vector_load %arg33[%get3A_956] {strides = array<i32>} : memref<96xf32, #tpu.memory_space<vmem>>, vector<16xf32>,
      %slice3A_958 = vector.extract_strided_slice %get3A_957 {offsets = [0], sizes = [1], strides = [1]} : vector<16xf32> to vector<1xf32>
      %squeeze3A_959 = vector.extract %slice3A_958[0] : f32 from vector<1xf32>
      %broadcast_in_dim3A_960 = vector.broadcast %squeeze3A_959 : f32 to vector<16xf32>
      %get3A_961 = arith.index_cast %scan3A_955 : i32 to index
      %get3A_962 = arith.constant 0 : index
      %get3A_963 = tpu.vector_load %arg29[%get3A_961, %get3A_962] {strides = array<i32>} : memref<80x128xf32, #tpu.memory_space<vmem>>, vector<16xf32>,
      %get3A_964 = arith.index_cast %scan3A_955 : i32 to index
      %get3A_965 = arith.constant 0 : index
      %get3A_966 = tpu.vector_load %arg31[%get3A_964, %get3A_965] {strides = array<i32>} : memref<80x128xf32, #tpu.memory_space<vmem>>, vector<16xf32>,
      %add3A_967 = arith.addf %get3A_963, %get3A_966 : vector<16xf32>
      %mul3A_968 = arith.mulf %broadcast_in_dim3A_960, %add3A_967 : vector<16xf32>
      %swap3A_969 = arith.index_cast %scan3A_955 : i32 to index
      %swap3A_970 = arith.constant 0 : index
      %swap3A_971 = tpu.vector_load %arg29[%swap3A_969, %swap3A_970] {strides = array<i32>} : memref<80x128xf32, #tpu.memory_space<vmem>>, vector<16xf32>,
      tpu.vector_store %arg29[%swap3A_969, %swap3A_970], %mul3A_968 {strides = array<i32>} : memref<80x128xf32, #tpu.memory_space<vmem>>, vector<16xf32>,
      %get3A_972 = arith.index_cast %scan3A_955 : i32 to index
      %get3A_973 = arith.constant 16 : index
      %get3A_974 = tpu.vector_load %arg29[%get3A_972, %get3A_973] {strides = array<i32>} : memref<80x128xf32, #tpu.memory_space<vmem>>, vector<16xf32>,
      %get3A_975 = arith.index_cast %scan3A_955 : i32 to index
      %get3A_976 = arith.constant 16 : index
      %get3A_977 = tpu.vector_load %arg31[%get3A_975, %get3A_976] {strides = array<i32>} : memref<80x128xf32, #tpu.memory_space<vmem>>, vector<16xf32>,
      %add3A_978 = arith.addf %get3A_974, %get3A_977 : vector<16xf32>
      %mul3A_979 = arith.mulf %broadcast_in_dim3A_960, %add3A_978 : vector<16xf32>
      %swap3A_980 = arith.index_cast %scan3A_955 : i32 to index
      %swap3A_981 = arith.constant 16 : index
      %swap3A_982 = tpu.vector_load %arg29[%swap3A_980, %swap3A_981] {strides = array<i32>} : memref<80x128xf32, #tpu.memory_space<vmem>>, vector<16xf32>,
      tpu.vector_store %arg29[%swap3A_980, %swap3A_981], %mul3A_979 {strides = array<i32>} : memref<80x128xf32, #tpu.memory_space<vmem>>, vector<16xf32>,
      %get3A_983 = arith.index_cast %scan3A_955 : i32 to index
      %get3A_984 = arith.constant 32 : index
      %get3A_985 = tpu.vector_load %arg29[%get3A_983, %get3A_984] {strides = array<i32>} : memref<80x128xf32, #tpu.memory_space<vmem>>, vector<16xf32>,
      %get3A_986 = arith.index_cast %scan3A_955 : i32 to index
      %get3A_987 = arith.constant 32 : index
      %get3A_988 = tpu.vector_load %arg31[%get3A_986, %get3A_987] {strides = array<i32>} : memref<80x128xf32, #tpu.memory_space<vmem>>, vector<16xf32>,
      %add3A_989 = arith.addf %get3A_985, %get3A_988 : vector<16xf32>
      %mul3A_990 = arith.mulf %broadcast_in_dim3A_960, %add3A_989 : vector<16xf32>
      %swap3A_991 = arith.index_cast %scan3A_955 : i32 to index
      %swap3A_992 = arith.constant 32 : index
      %swap3A_993 = tpu.vector_load %arg29[%swap3A_991, %swap3A_992] {strides = array<i32>} : memref<80x128xf32, #tpu.memory_space<vmem>>, vector<16xf32>,
      tpu.vector_store %arg29[%swap3A_991, %swap3A_992], %mul3A_990 {strides = array<i32>} : memref<80x128xf32, #tpu.memory_space<vmem>>, vector<16xf32>,
      %get3A_994 = arith.index_cast %scan3A_955 : i32 to index
      %get3A_995 = arith.constant 48 : index
      %get3A_996 = tpu.vector_load %arg29[%get3A_994, %get3A_995] {strides = array<i32>} : memref<80x128xf32, #tpu.memory_space<vmem>>, vector<16xf32>,
      %get3A_997 = arith.index_cast %scan3A_955 : i32 to index
      %get3A_998 = arith.constant 48 : index
      %get3A_999 = tpu.vector_load %arg31[%get3A_997, %get3A_998] {strides = array<i32>} : memref<80x128xf32, #tpu.memory_space<vmem>>, vector<16xf32>,
      %add3A_1000 = arith.addf %get3A_996, %get3A_999 : vector<16xf32>
      %mul3A_1001 = arith.mulf %broadcast_in_dim3A_960, %add3A_1000 : vector<16xf32>
      %swap3A_1002 = arith.index_cast %scan3A_955 : i32 to index
      %swap3A_1003 = arith.constant 48 : index
      %swap3A_1004 = tpu.vector_load %arg29[%swap3A_1002, %swap3A_1003] {strides = array<i32>} : memref<80x128xf32, #tpu.memory_space<vmem>>, vector<16xf32>,
      tpu.vector_store %arg29[%swap3A_1002, %swap3A_1003], %mul3A_1001 {strides = array<i32>} : memref<80x128xf32, #tpu.memory_space<vmem>>, vector<16xf32>,
      %get3A_1005 = arith.index_cast %scan3A_955 : i32 to index
      %get3A_1006 = arith.constant 64 : index
      %get3A_1007 = tpu.vector_load %arg29[%get3A_1005, %get3A_1006] {strides = array<i32>} : memref<80x128xf32, #tpu.memory_space<vmem>>, vector<16xf32>,
      %get3A_1008 = arith.index_cast %scan3A_955 : i32 to index
      %get3A_1009 = arith.constant 64 : index
      %get3A_1010 = tpu.vector_load %arg31[%get3A_1008, %get3A_1009] {strides = array<i32>} : memref<80x128xf32, #tpu.memory_space<vmem>>, vector<16xf32>,
      %add3A_1011 = arith.addf %get3A_1007, %get3A_1010 : vector<16xf32>
      %mul3A_1012 = arith.mulf %broadcast_in_dim3A_960, %add3A_1011 : vector<16xf32>
      %swap3A_1013 = arith.index_cast %scan3A_955 : i32 to index
      %swap3A_1014 = arith.constant 64 : index
      %swap3A_1015 = tpu.vector_load %arg29[%swap3A_1013, %swap3A_1014] {strides = array<i32>} : memref<80x128xf32, #tpu.memory_space<vmem>>, vector<16xf32>,
      tpu.vector_store %arg29[%swap3A_1013, %swap3A_1014], %mul3A_1012 {strides = array<i32>} : memref<80x128xf32, #tpu.memory_space<vmem>>, vector<16xf32>,
      %get3A_1016 = arith.index_cast %scan3A_955 : i32 to index
      %get3A_1017 = arith.constant 80 : index
      %get3A_1018 = tpu.vector_load %arg29[%get3A_1016, %get3A_1017] {strides = array<i32>} : memref<80x128xf32, #tpu.memory_space<vmem>>, vector<16xf32>,
      %get3A_1019 = arith.index_cast %scan3A_955 : i32 to index
      %get3A_1020 = arith.constant 80 : index
      %get3A_1021 = tpu.vector_load %arg31[%get3A_1019, %get3A_1020] {strides = array<i32>} : memref<80x128xf32, #tpu.memory_space<vmem>>, vector<16xf32>,
      %add3A_1022 = arith.addf %get3A_1018, %get3A_1021 : vector<16xf32>
      %mul3A_1023 = arith.mulf %broadcast_in_dim3A_960, %add3A_1022 : vector<16xf32>
      %swap3A_1024 = arith.index_cast %scan3A_955 : i32 to index
      %swap3A_1025 = arith.constant 80 : index
      %swap3A_1026 = tpu.vector_load %arg29[%swap3A_1024, %swap3A_1025] {strides = array<i32>} : memref<80x128xf32, #tpu.memory_space<vmem>>, vector<16xf32>,
      tpu.vector_store %arg29[%swap3A_1024, %swap3A_1025], %mul3A_1023 {strides = array<i32>} : memref<80x128xf32, #tpu.memory_space<vmem>>, vector<16xf32>,
      %get3A_1027 = arith.index_cast %scan3A_955 : i32 to index
      %get3A_1028 = arith.constant 96 : index
      %get3A_1029 = tpu.vector_load %arg29[%get3A_1027, %get3A_1028] {strides = array<i32>} : memref<80x128xf32, #tpu.memory_space<vmem>>, vector<16xf32>,
      %get3A_1030 = arith.index_cast %scan3A_955 : i32 to index
      %get3A_1031 = arith.constant 96 : index
      %get3A_1032 = tpu.vector_load %arg31[%get3A_1030, %get3A_1031] {strides = array<i32>} : memref<80x128xf32, #tpu.memory_space<vmem>>, vector<16xf32>,
      %add3A_1033 = arith.addf %get3A_1029, %get3A_1032 : vector<16xf32>
      %mul3A_1034 = arith.mulf %broadcast_in_dim3A_960, %add3A_1033 : vector<16xf32>
      %swap3A_1035 = arith.index_cast %scan3A_955 : i32 to index
      %swap3A_1036 = arith.constant 96 : index
      %swap3A_1037 = tpu.vector_load %arg29[%swap3A_1035, %swap3A_1036] {strides = array<i32>} : memref<80x128xf32, #tpu.memory_space<vmem>>, vector<16xf32>,
      tpu.vector_store %arg29[%swap3A_1035, %swap3A_1036], %mul3A_1034 {strides = array<i32>} : memref<80x128xf32, #tpu.memory_space<vmem>>, vector<16xf32>,
      %get3A_1038 = arith.index_cast %scan3A_955 : i32 to index
      %get3A_1039 = arith.constant 112 : index
      %get3A_1040 = tpu.vector_load %arg29[%get3A_1038, %get3A_1039] {strides = array<i32>} : memref<80x128xf32, #tpu.memory_space<vmem>>, vector<16xf32>,
      %get3A_1041 = arith.index_cast %scan3A_955 : i32 to index
      %get3A_1042 = arith.constant 112 : index
      %get3A_1043 = tpu.vector_load %arg31[%get3A_1041, %get3A_1042] {strides = array<i32>} : memref<80x128xf32, #tpu.memory_space<vmem>>, vector<16xf32>,
      %add3A_1044 = arith.addf %get3A_1040, %get3A_1043 : vector<16xf32>
      %mul3A_1045 = arith.mulf %broadcast_in_dim3A_960, %add3A_1044 : vector<16xf32>
      %swap3A_1046 = arith.index_cast %scan3A_955 : i32 to index
      %swap3A_1047 = arith.constant 112 : index
      %swap3A_1048 = tpu.vector_load %arg29[%swap3A_1046, %swap3A_1047] {strides = array<i32>} : memref<80x128xf32, #tpu.memory_space<vmem>>, vector<16xf32>,
      tpu.vector_store %arg29[%swap3A_1046, %swap3A_1047], %mul3A_1045 {strides = array<i32>} : memref<80x128xf32, #tpu.memory_space<vmem>>, vector<16xf32>,
    }
    %scan3A_943 = arith.constant 80 : i32
    %run_scoped3A = arith.constant 3 : i32
    "tpu.region"() ({
      %run_scoped3A_955 = tpu.sem_alloc : memref<!tpu.dma_semaphore, #tpu.memory_space<semaphore_mem>>
      %dma_start3A_956 = arith.constant 0 : i32
      %dma_start3A_957 = tpu.memref_slice %arg23[%run_scoped3A, %dma_start3A_956] : memref<4x80xi32, #tpu.memory_space<vmem>> -> memref<1x80xi32, #tpu.memory_space<vmem>>
      %dma_start3A_958 = tpu.memref_squeeze %dma_start3A_957 : memref<1x80xi32, #tpu.memory_space<vmem>> -> memref<80xi32, #tpu.memory_space<vmem>>
      %dma_start3A_959 = arith.constant 0 : i32
      %dma_start3A_960 = arith.constant 0 : i32
      %dma_start3A_961 = tpu.memref_slice %arg35[%dma_start3A_959, %dma_start3A_960] : memref<10000x128xf32, #tpu.memory_space<vmem_shared>> -> memref<10000x128xf32, #tpu.memory_space<vmem_shared>>
      tpu.enqueue_indirect_dma source(%arg29 : memref<80x128xf32, #tpu.memory_space<vmem>>) target(%dma_start3A_961 : memref<10000x128xf32, #tpu.memory_space<vmem_shared>>) offsets(%dma_start3A_958 : memref<80xi32, #tpu.memory_space<vmem>>) semaphore(%run_scoped3A_955 : memref<!tpu.dma_semaphore, #tpu.memory_space<semaphore_mem>>) {add = true}
      %dma_wait3A_962 = arith.constant 0 : i32
      %dma_wait3A_963 = tpu.memref_slice %arg23[%run_scoped3A, %dma_wait3A_962] : memref<4x80xi32, #tpu.memory_space<vmem>> -> memref<1x80xi32, #tpu.memory_space<vmem>>
      %dma_wait3A_964 = tpu.memref_squeeze %dma_wait3A_963 : memref<1x80xi32, #tpu.memory_space<vmem>> -> memref<80xi32, #tpu.memory_space<vmem>>
      %dma_wait3A_965 = arith.constant 0 : i32
      %dma_wait3A_966 = arith.constant 0 : i32
      %dma_wait3A_967 = tpu.memref_slice %arg35[%dma_wait3A_965, %dma_wait3A_966] : memref<10000x128xf32, #tpu.memory_space<vmem_shared>> -> memref<10000x128xf32, #tpu.memory_space<vmem_shared>>
      tpu.wait_indirect_dma semaphore(%run_scoped3A_955 : memref<!tpu.dma_semaphore, #tpu.memory_space<semaphore_mem>>) src(%arg29 : memref<80x128xf32, #tpu.memory_space<vmem>>) dst(%dma_wait3A_967 : memref<10000x128xf32, #tpu.memory_space<vmem_shared>>)
      tpu.yield
    }) : () -> ()
    %barrier3A_944 = arith.constant 0 : index
    tpu.barrier barrier_id(%barrier3A_944)
    %lt3A_945 = arith.constant 15 : i32
    %lt3A_946 = arith.cmpi slt, %arg1, %lt3A_945 : i32
    %convert_element_type3A_947 = arith.extui %lt3A_946 : i1 to i32
    %cond3A_948 = arith.constant 0 : i32
    %cond3A_949 = arith.cmpi ne, %convert_element_type3A_947, %cond3A_948 : i32
    scf.if %cond3A_949 {
      %mul3A_955 = arith.constant 632 : i32
      %mul3A_956 = arith.muli %arg1, %mul3A_955 : i32
      %mul3A_957 = arith.constant 632 : i32
      %mul3A_958 = arith.muli %arg1, %mul3A_957 : i32
      "tpu.region"() ({
        %run_scoped3A_959 = tpu.sem_alloc : memref<!tpu.dma_semaphore, #tpu.memory_space<semaphore_mem>>
        %dma_start3A_960 = arith.constant 0 : i32
        %dma_start3A_961 = tpu.memref_slice %arg22[%arg0, %mul3A_958, %dma_start3A_960] : memref<2x10000x128xf32, #tpu.memory_space<hbm>> -> memref<1x632x128xf32, #tpu.memory_space<hbm>>
        %dma_start3A_962 = tpu.memref_squeeze %dma_start3A_961 : memref<1x632x128xf32, #tpu.memory_space<hbm>> -> memref<632x128xf32, #tpu.memory_space<hbm>>
        %dma_start3A_963 = arith.constant 0 : i32
        %dma_start3A_964 = tpu.memref_slice %arg35[%mul3A_956, %dma_start3A_963] : memref<10000x128xf32, #tpu.memory_space<vmem_shared>> -> memref<632x128xf32, #tpu.memory_space<vmem_shared>>
        tpu.enqueue_dma source(%dma_start3A_964 : memref<632x128xf32, #tpu.memory_space<vmem_shared>>) target(%dma_start3A_962 : memref<632x128xf32, #tpu.memory_space<hbm>>) target_semaphore(%run_scoped3A_959 : memref<!tpu.dma_semaphore, #tpu.memory_space<semaphore_mem>>)
        %dma_wait3A_965 = arith.constant 0 : i32
        %dma_wait3A_966 = tpu.memref_slice %arg22[%arg0, %mul3A_958, %dma_wait3A_965] : memref<2x10000x128xf32, #tpu.memory_space<hbm>> -> memref<1x632x128xf32, #tpu.memory_space<hbm>>
        %dma_wait3A_967 = tpu.memref_squeeze %dma_wait3A_966 : memref<1x632x128xf32, #tpu.memory_space<hbm>> -> memref<632x128xf32, #tpu.memory_space<hbm>>
        %dma_wait3A_968 = arith.constant 0 : i32
        %dma_wait3A_969 = tpu.memref_slice %arg35[%mul3A_956, %dma_wait3A_968] : memref<10000x128xf32, #tpu.memory_space<vmem_shared>> -> memref<632x128xf32, #tpu.memory_space<vmem_shared>>
        tpu.wait_dma2 semaphore(%run_scoped3A_959 : memref<!tpu.dma_semaphore, #tpu.memory_space<semaphore_mem>>) src(%dma_wait3A_969 : memref<632x128xf32, #tpu.memory_space<vmem_shared>>) dst(%dma_wait3A_967 : memref<632x128xf32, #tpu.memory_space<hbm>>)
        tpu.yield
      }) : () -> ()
    } else {
    }
    %eq3A_950 = arith.constant 15 : i32
    %eq3A_951 = arith.cmpi eq, %arg1, %eq3A_950 : i32
    %convert_element_type3A_952 = arith.extui %eq3A_951 : i1 to i32
    %cond3A_953 = arith.constant 0 : i32
    %cond3A_954 = arith.cmpi ne, %convert_element_type3A_952, %cond3A_953 : i32
    scf.if %cond3A_954 {
      %mul3A_955 = arith.constant 632 : i32
      %mul3A_956 = arith.muli %arg1, %mul3A_955 : i32
      %mul3A_957 = arith.constant 632 : i32
      %mul3A_958 = arith.muli %arg1, %mul3A_957 : i32
      "tpu.region"() ({
        %run_scoped3A_959 = tpu.sem_alloc : memref<!tpu.dma_semaphore, #tpu.memory_space<semaphore_mem>>
        %dma_start3A_960 = arith.constant 0 : i32
        %dma_start3A_961 = tpu.memref_slice %arg22[%arg0, %mul3A_958, %dma_start3A_960] : memref<2x10000x128xf32, #tpu.memory_space<hbm>> -> memref<1x520x128xf32, #tpu.memory_space<hbm>>
        %dma_start3A_962 = tpu.memref_squeeze %dma_start3A_961 : memref<1x520x128xf32, #tpu.memory_space<hbm>> -> memref<520x128xf32, #tpu.memory_space<hbm>>
        %dma_start3A_963 = arith.constant 0 : i32
        %dma_start3A_964 = tpu.memref_slice %arg35[%mul3A_956, %dma_start3A_963] : memref<10000x128xf32, #tpu.memory_space<vmem_shared>> -> memref<520x128xf32, #tpu.memory_space<vmem_shared>>
        tpu.enqueue_dma source(%dma_start3A_964 : memref<520x128xf32, #tpu.memory_space<vmem_shared>>) target(%dma_start3A_962 : memref<520x128xf32, #tpu.memory_space<hbm>>) target_semaphore(%run_scoped3A_959 : memref<!tpu.dma_semaphore, #tpu.memory_space<semaphore_mem>>)
        %dma_wait3A_965 = arith.constant 0 : i32
        %dma_wait3A_966 = tpu.memref_slice %arg22[%arg0, %mul3A_958, %dma_wait3A_965] : memref<2x10000x128xf32, #tpu.memory_space<hbm>> -> memref<1x520x128xf32, #tpu.memory_space<hbm>>
        %dma_wait3A_967 = tpu.memref_squeeze %dma_wait3A_966 : memref<1x520x128xf32, #tpu.memory_space<hbm>> -> memref<520x128xf32, #tpu.memory_space<hbm>>
        %dma_wait3A_968 = arith.constant 0 : i32
        %dma_wait3A_969 = tpu.memref_slice %arg35[%mul3A_956, %dma_wait3A_968] : memref<10000x128xf32, #tpu.memory_space<vmem_shared>> -> memref<520x128xf32, #tpu.memory_space<vmem_shared>>
        tpu.wait_dma2 semaphore(%run_scoped3A_959 : memref<!tpu.dma_semaphore, #tpu.memory_space<semaphore_mem>>) src(%dma_wait3A_969 : memref<520x128xf32, #tpu.memory_space<vmem_shared>>) dst(%dma_wait3A_967 : memref<520x128xf32, #tpu.memory_space<hbm>>)
        tpu.yield
      }) : () -> ()
    } else {
    }
    return
  }
}

module attributes {stable_mosaic.version = 14 : i64} {
  func.func @_proj_body(%arg0: i32, %arg1: memref<1000x128xf32, #tpu.memory_space<vmem>>, %arg2: memref<1000x128xf32, #tpu.memory_space<vmem>>, %arg3: memref<128x16xf32, #tpu.memory_space<vmem>>, %arg4: memref<128x16xf32, #tpu.memory_space<vmem>>, %arg5: memref<128x16xf32, #tpu.memory_space<vmem>>, %arg6: memref<1x16xf32, #tpu.memory_space<vmem>>, %arg7: memref<1000x16xf32, #tpu.memory_space<vmem>>, %arg8: memref<1000x16xf32, #tpu.memory_space<vmem>>, %arg9: memref<1000x16xf32, #tpu.memory_space<vmem>>) attributes {dimension_semantics = [#tpu.dimension_semantics<arbitrary>], iteration_bounds = array<i64: 10>, scalar_prefetch = 0 : i64, scratch_operands = 0 : i64, tpu.core_type = #tpu.core_type<tc>, window_params = [{transform_indices = @transform_0, window_bounds = array<i64: 1000, 128>}, {transform_indices = @transform_1, window_bounds = array<i64: 1000, 128>}, {pipeline_mode = #tpu.pipeline_mode<synchronous>, transform_indices = @transform_2, window_bounds = array<i64: 128, 16>}, {pipeline_mode = #tpu.pipeline_mode<synchronous>, transform_indices = @transform_3, window_bounds = array<i64: 128, 16>}, {pipeline_mode = #tpu.pipeline_mode<synchronous>, transform_indices = @transform_4, window_bounds = array<i64: 128, 16>}, {pipeline_mode = #tpu.pipeline_mode<synchronous>, transform_indices = @transform_5, window_bounds = array<i64: 1, 16>}, {transform_indices = @transform_6, window_bounds = array<i64: 1000, 16>}, {transform_indices = @transform_7, window_bounds = array<i64: 1000, 16>}, {transform_indices = @transform_8, window_bounds = array<i64: 1000, 16>}]} {
    %get3A = arith.constant 0 : index
    %get3A_0 = arith.constant 0 : index
    %get3A_1 = vector.load %arg1[%get3A, %get3A_0] : memref<1000x128xf32, #tpu.memory_space<vmem>>, vector<1000x128xf32>
    %get3A_2 = arith.constant 0 : index
    %get3A_3 = arith.constant 0 : index
    %get3A_4 = vector.load %arg3[%get3A_2, %get3A_3] : memref<128x16xf32, #tpu.memory_space<vmem>>, vector<128x16xf32>
    %dot_general3A = arith.constant dense<0.000000e+00> : vector<1000x16xf32>
    %dot_general3A_5 = tpu.matmul %get3A_1, %get3A_4, %dot_general3A {dimension_numbers = #tpu.dot_dimension_numbers<[1], [0], [0], [1], [0, 0, 1, 1], [], []>, transpose_lhs_hint = false} : vector<1000x128xf32>, vector<128x16xf32>, vector<1000x16xf32> -> vector<1000x16xf32>
    %swap3A = arith.constant 0 : index
    %swap3A_6 = arith.constant 0 : index
    %swap3A_7 = vector.load %arg7[%swap3A, %swap3A_6] : memref<1000x16xf32, #tpu.memory_space<vmem>>, vector<1000x16xf32>
    tpu.vector_store %arg7[%swap3A, %swap3A_6], %dot_general3A_5 {strides = array<i32>} : memref<1000x16xf32, #tpu.memory_space<vmem>>, vector<1000x16xf32>,
    %get3A_8 = arith.constant 0 : index
    %get3A_9 = arith.constant 0 : index
    %get3A_10 = vector.load %arg2[%get3A_8, %get3A_9] : memref<1000x128xf32, #tpu.memory_space<vmem>>, vector<1000x128xf32>
    %get3A_11 = arith.constant 0 : index
    %get3A_12 = arith.constant 0 : index
    %get3A_13 = vector.load %arg4[%get3A_11, %get3A_12] : memref<128x16xf32, #tpu.memory_space<vmem>>, vector<128x16xf32>
    %dot_general3A_14 = arith.constant dense<0.000000e+00> : vector<1000x16xf32>
    %dot_general3A_15 = tpu.matmul %get3A_10, %get3A_13, %dot_general3A_14 {dimension_numbers = #tpu.dot_dimension_numbers<[1], [0], [0], [1], [0, 0, 1, 1], [], []>, transpose_lhs_hint = false} : vector<1000x128xf32>, vector<128x16xf32>, vector<1000x16xf32> -> vector<1000x16xf32>
    %swap3A_16 = arith.constant 0 : index
    %swap3A_17 = arith.constant 0 : index
    %swap3A_18 = vector.load %arg8[%swap3A_16, %swap3A_17] : memref<1000x16xf32, #tpu.memory_space<vmem>>, vector<1000x16xf32>
    tpu.vector_store %arg8[%swap3A_16, %swap3A_17], %dot_general3A_15 {strides = array<i32>} : memref<1000x16xf32, #tpu.memory_space<vmem>>, vector<1000x16xf32>,
    %get3A_19 = arith.constant 0 : index
    %get3A_20 = arith.constant 0 : index
    %get3A_21 = vector.load %arg2[%get3A_19, %get3A_20] : memref<1000x128xf32, #tpu.memory_space<vmem>>, vector<1000x128xf32>
    %get3A_22 = arith.constant 0 : index
    %get3A_23 = arith.constant 0 : index
    %get3A_24 = vector.load %arg5[%get3A_22, %get3A_23] : memref<128x16xf32, #tpu.memory_space<vmem>>, vector<128x16xf32>
    %dot_general3A_25 = arith.constant dense<0.000000e+00> : vector<1000x16xf32>
    %dot_general3A_26 = tpu.matmul %get3A_21, %get3A_24, %dot_general3A_25 {dimension_numbers = #tpu.dot_dimension_numbers<[1], [0], [0], [1], [0, 0, 1, 1], [], []>, transpose_lhs_hint = false} : vector<1000x128xf32>, vector<128x16xf32>, vector<1000x16xf32> -> vector<1000x16xf32>
    %get3A_27 = arith.constant 0 : index
    %get3A_28 = arith.constant 0 : index
    %get3A_29 = vector.load %arg6[%get3A_27, %get3A_28] : memref<1x16xf32, #tpu.memory_space<vmem>>, vector<1x16xf32>
    %add3A = vector.broadcast %get3A_29 : vector<1x16xf32> to vector<1000x16xf32>
    %add3A_30 = arith.addf %dot_general3A_26, %add3A : vector<1000x16xf32>
    %swap3A_31 = arith.constant 0 : index
    %swap3A_32 = arith.constant 0 : index
    %swap3A_33 = vector.load %arg9[%swap3A_31, %swap3A_32] : memref<1000x16xf32, #tpu.memory_space<vmem>>, vector<1000x16xf32>
    tpu.vector_store %arg9[%swap3A_31, %swap3A_32], %add3A_30 {strides = array<i32>} : memref<1000x16xf32, #tpu.memory_space<vmem>>, vector<1000x16xf32>,
    return
  }
  func.func @transform_0(%arg0: i32) -> (i32, i32) {
    %c0_i32 = arith.constant 0 : i32
    %c0_i32_0 = arith.constant 0 : i32
    return %arg0, %c0_i32 : i32, i32
  }
  func.func @transform_1(%arg0: i32) -> (i32, i32) {
    %c0_i32 = arith.constant 0 : i32
    %c0_i32_0 = arith.constant 0 : i32
    return %arg0, %c0_i32 : i32, i32
  }
  func.func @transform_2(%arg0: i32) -> (i32, i32) {
    %c0_i32 = arith.constant 0 : i32
    %c0_i32_0 = arith.constant 0 : i32
    %c0_i32_1 = arith.constant 0 : i32
    return %c0_i32, %c0_i32_0 : i32, i32
  }
  func.func @transform_3(%arg0: i32) -> (i32, i32) {
    %c0_i32 = arith.constant 0 : i32
    %c0_i32_0 = arith.constant 0 : i32
    %c0_i32_1 = arith.constant 0 : i32
    return %c0_i32, %c0_i32_0 : i32, i32
  }
  func.func @transform_4(%arg0: i32) -> (i32, i32) {
    %c0_i32 = arith.constant 0 : i32
    %c0_i32_0 = arith.constant 0 : i32
    %c0_i32_1 = arith.constant 0 : i32
    return %c0_i32, %c0_i32_0 : i32, i32
  }
  func.func @transform_5(%arg0: i32) -> (i32, i32) {
    %c0_i32 = arith.constant 0 : i32
    %c0_i32_0 = arith.constant 0 : i32
    %c0_i32_1 = arith.constant 0 : i32
    return %c0_i32, %c0_i32_0 : i32, i32
  }
  func.func @transform_6(%arg0: i32) -> (i32, i32) {
    %c0_i32 = arith.constant 0 : i32
    %c0_i32_0 = arith.constant 0 : i32
    return %arg0, %c0_i32 : i32, i32
  }
  func.func @transform_7(%arg0: i32) -> (i32, i32) {
    %c0_i32 = arith.constant 0 : i32
    %c0_i32_0 = arith.constant 0 : i32
    return %arg0, %c0_i32 : i32, i32
  }
  func.func @transform_8(%arg0: i32) -> (i32, i32) {
    %c0_i32 = arith.constant 0 : i32
    %c0_i32_0 = arith.constant 0 : i32
    return %arg0, %c0_i32 : i32, i32
  }
}

module attributes {stable_mosaic.version = 14 : i64} {
  func.func @_final_body(%arg0: i32, %arg1: memref<1000x128xf32, #tpu.memory_space<vmem>>, %arg2: memref<1000x128xf32, #tpu.memory_space<vmem>>, %arg3: memref<128x128xf32, #tpu.memory_space<vmem>>, %arg4: memref<1x1xf32, #tpu.memory_space<smem>>, %arg5: memref<1000x128xf32, #tpu.memory_space<vmem>>) attributes {dimension_semantics = [#tpu.dimension_semantics<arbitrary>], iteration_bounds = array<i64: 10>, scalar_prefetch = 0 : i64, scratch_operands = 0 : i64, tpu.core_type = #tpu.core_type<tc>, window_params = [{transform_indices = @transform_0, window_bounds = array<i64: 1000, 128>}, {transform_indices = @transform_1, window_bounds = array<i64: 1000, 128>}, {pipeline_mode = #tpu.pipeline_mode<synchronous>, transform_indices = @transform_2, window_bounds = array<i64: 128, 128>}, {transform_indices = @transform_3, window_bounds = array<i64: 1, 1>}, {transform_indices = @transform_4, window_bounds = array<i64: 1000, 128>}]} {
    %get3A = arith.constant 0 : index
    %get3A_0 = arith.constant 0 : index
    %get3A_1 = vector.load %arg1[%get3A, %get3A_0] : memref<1000x128xf32, #tpu.memory_space<vmem>>, vector<1000x128xf32>
    %get3A_2 = arith.constant 0 : index
    %get3A_3 = arith.constant 0 : index
    %get3A_4 = vector.load %arg2[%get3A_2, %get3A_3] : memref<1000x128xf32, #tpu.memory_space<vmem>>, vector<1000x128xf32>
    %add3A = arith.addf %get3A_1, %get3A_4 : vector<1000x128xf32>
    %get3A_5 = arith.constant 0 : index
    %get3A_6 = arith.constant 0 : index
    %get3A_7 = memref.load %arg4[%get3A_5, %get3A_6] : memref<1x1xf32, #tpu.memory_space<smem>>
    %add3A_8 = vector.broadcast %get3A_7 : f32 to vector<1000x128xf32>
    %add3A_9 = arith.addf %add3A, %add3A_8 : vector<1000x128xf32>
    %get3A_10 = arith.constant 0 : index
    %get3A_11 = arith.constant 0 : index
    %get3A_12 = vector.load %arg3[%get3A_10, %get3A_11] : memref<128x128xf32, #tpu.memory_space<vmem>>, vector<128x128xf32>
    %dot_general3A = arith.constant dense<0.000000e+00> : vector<1000x128xf32>
    %dot_general3A_13 = tpu.matmul %add3A_9, %get3A_12, %dot_general3A {dimension_numbers = #tpu.dot_dimension_numbers<[1], [0], [0], [1], [0, 0, 1, 1], [], []>, transpose_lhs_hint = false} : vector<1000x128xf32>, vector<128x128xf32>, vector<1000x128xf32> -> vector<1000x128xf32>
    %swap3A = arith.constant 0 : index
    %swap3A_14 = arith.constant 0 : index
    %swap3A_15 = vector.load %arg5[%swap3A, %swap3A_14] : memref<1000x128xf32, #tpu.memory_space<vmem>>, vector<1000x128xf32>
    tpu.vector_store %arg5[%swap3A, %swap3A_14], %dot_general3A_13 {strides = array<i32>} : memref<1000x128xf32, #tpu.memory_space<vmem>>, vector<1000x128xf32>,
    return
  }
  func.func @transform_0(%arg0: i32) -> (i32, i32) {
    %c0_i32 = arith.constant 0 : i32
    %c0_i32_0 = arith.constant 0 : i32
    return %arg0, %c0_i32 : i32, i32
  }
  func.func @transform_1(%arg0: i32) -> (i32, i32) {
    %c0_i32 = arith.constant 0 : i32
    %c0_i32_0 = arith.constant 0 : i32
    return %arg0, %c0_i32 : i32, i32
  }
  func.func @transform_2(%arg0: i32) -> (i32, i32) {
    %c0_i32 = arith.constant 0 : i32
    %c0_i32_0 = arith.constant 0 : i32
    %c0_i32_1 = arith.constant 0 : i32
    return %c0_i32, %c0_i32_0 : i32, i32
  }
  func.func @transform_3(%arg0: i32) -> (i32, i32) {
    %c0_i32 = arith.constant 0 : i32
    %c0_i32_0 = arith.constant 0 : i32
    %c0_i32_1 = arith.constant 0 : i32
    return %c0_i32, %c0_i32_0 : i32, i32
  }
  func.func @transform_4(%arg0: i32) -> (i32, i32) {
    %c0_i32 = arith.constant 0 : i32
    %c0_i32_0 = arith.constant 0 : i32
    return %arg0, %c0_i32 : i32, i32
  }
}

</mosaic_0001>

<sc_bundles>
// kernel: kernel.5.cloned.1.call-start
scs
__scs_entry_jumppad:
0x0: {  	(pc) =	sbr.rel $0x88, $3  }
0x1: {  	(tag) =	ssettag $0x0;
	lr =	simm.s32 $0x1  }
0x2: {  	[smem:$0x3F95] =	sst lr;
	_ =	strace $0xD0000000  }
0x3: {  	_ = 	snop  }
0x4: {  	_ = 	snop  }
0x5: {  	_ = 	snop  }
0x6: {  	_ = 	snop  }
0x7: {  	_ = 	snop  }
__scs_overlays_trampoline_lowered:
0x8: {  	[smem:$0x3FA4] =	sst s0  }
0x9: {  	[smem:$0x3FA5] =	sst s1  }
0xa: {  	[smem:$0x3FA6] =	sst s2  }
0xb: {  	[smem:$0x3FA7] =	sst s3  }
0xc: {  	[smem:$0x3FA8] =	sst s4  }
0xd: {  	[smem:$0x3FA9] =	sst s5  }
0xe: {  	[smem:$0x3FAA] =	sst s6  }
0xf: {  	[smem:$0x3FAB] =	sst s7  }
0x10: {  	[smem:$0x3FAC] =	sst s8  }
0x11: {  	[smem:$0x3FAD] =	sst s9;
	s0 =	simm.s32 @!p0 $0x0  }
0x12: {  	s1 =	sld [smem:$0x3F93];
	s0 =	simm.s32 @p0 $0x1  }
0x13: {  	[smem:$0x3FAE] =	sst s0;
	s0 =	simm.s32 @!p1 $0x0  }
0x14: {  	s2 =	sld [smem:$0x3F92];
	s0 =	simm.s32 @p1 $0x1  }
0x15: {  	[smem:$0x3FAF] =	sst s0;
	s0 =	simm.s32 @!p2 $0x0  }
0x16: {  	s3 =	sld [smem:$0x3FDB];
	s0 =	simm.s32 @p2 $0x1  }
0x17: {  	s4 =	simm.s32 $0x1BF5;
	[smem:$0x3FB1] =	sst s0  }
0x18: {  	s0 =	sld [smem:$0x3F94];
	_ =	swait.ge [sflag:s4], $0x0  }
0x19: {  	s7 =	sld [smem:$0x3F95]  }
0x1a: {  	s8 =	sadd.s32 $0xFFFFE003, lr  }
0x1b: {  	s9 =	sadd.s32 $0xFFFFFEF7, lr;
	s5 =	simm.s32 $0xFFFFFFFF;
	p2 =	slt.u32 s8, $0xFFFFF086  }
0x1c: {  	p1 =	slt.u32 s9, $0xF7A;
	s5 =	simm.s32 @!p2 $0x0  }
0x1d: {  	s5 =	simm.s32 @p1 $0x1;
	p0 =	seq.s32 s7, s2  }
0x1e: {  	s7 =	smul.u32 @!p0 $0xF7A, s2;
	p2 =	seq.s32 @!p0 s5, $0x0  }
0x1f: {  	s9 =	smul.u32 $0xF7A, s1;
	s8 =	simm.s32 @!p0 $0x1BF5;
	p2 =	por !p2, p0  }
0x20: {  	[sflag:s8] =	ssyncset.s32 @!p0 $0xFFFFF086;
	s6 =	sadd.s32 @!p0 s3, s7;
	s7 =	simm.s32 @!p0 $0x108  }
0x21: {  	s3 =	sadd.s32 s3, s9;
	s6 =	sadd.s32 @!p0 $0x88, s6;
	s7 =	simm.s32 @p2 $0x1082  }
0x22: {  	[simem:s7], [sflag:s8] =	dma.local @!p0 [hbm:s6], $0xF7A  }
0x23: {  	s9 =	sor.u32 $0xD0000000, s2;
	s6 =	simm.s32 $0x108;
	_ =	swait.ge @!p0 [sflag:s8], $0x0  }
0x24: {  	s3 =	sadd.s32 $0x88, s3;
	s6 =	simm.s32 @!p1 $0x1082;
	[sflag:s4] =	ssyncset.s32 $0xFFFFF086  }
0x25: {  	[simem:s6], [sflag:s4] =	dma.local [hbm:s3], $0xF7A  }
0x26: {  	[smem:$0x3F95] =	sst s1;
	(tag) =	ssettag s2;
	_ =	strace s9  }
0x27: {  	s1 =	sld [smem:$0x3FA5]  }
0x28: {  	s2 =	sld [smem:$0x3FA6]  }
0x29: {  	s4 =	sld [smem:$0x3FA8]  }
0x2a: {  	p0 =	seq.s32 s5, $0x0;
	s5 =	sld [smem:$0x3FA9]  }
0x2b: {  	s6 =	sld [smem:$0x3FAA]  }
0x2c: {  	s7 =	sld [smem:$0x3FAB]  }
0x2d: {  	s3 =	simm.s32 $0x108;
	s8 =	sld [smem:$0x3FAC]  }
0x2e: {  	s3 =	simm.s32 @!p0 $0x1082;
	s9 =	sld [smem:$0x3FAD]  }
0x2f: {  	lr =	sadd.s32 s0, s3;
	s0 =	sld [smem:$0x3FA4]  }
0x30: {  	s3 =	sld [smem:$0x3FA7]  }
0x31: {  	[smem:$0x3FB0] =	sst s10  }
0x32: {  	s10 =	sld [smem:$0x3FAE];
	_ =	sdelay $0x3  }
0x33: {  	p0 =	seq.s32 s10, $0x1;
	s10 =	sld [smem:$0x3FB0];
	_ =	sdelay $0x3  }
0x34: {  	[smem:$0x3FB0] =	sst s10  }
0x35: {  	s10 =	sld [smem:$0x3FAF];
	_ =	sdelay $0x3  }
0x36: {  	p1 =	seq.s32 s10, $0x1;
	s10 =	sld [smem:$0x3FB0];
	_ =	sdelay $0x3  }
0x37: {  	[smem:$0x3FB0] =	sst s10  }
0x38: {  	s10 =	sld [smem:$0x3FB1]  }
0x39: {  	_ = 	snop;
	(pc) =	sbr.ind lr, $3  }
0x3a: {  	_ = 	snop  }
0x3b: {  	_ = 	snop  }
0x3c: {  	p2 =	seq.s32 s10, $0x1;
	s10 =	sld [smem:$0x3FB0]  }
0x3d: {  	_ =	shalt  }
0x3e: {  	_ =	shalt  }
0x3f: {  	_ =	shalt  }
0x40: {  	_ =	shalt  }
0x41: {  	_ =	shalt  }
0x42: {  	_ =	shalt  }
0x43: {  	_ =	shalt  }
0x44: {  	_ =	shalt  }
0x45: {  	_ =	shalt  }
0x46: {  	_ =	shalt  }
0x47: {  	_ =	shalt  }
0x48: {  	_ =	shalt  }
0x49: {  	_ =	shalt  }
0x4a: {  	_ =	shalt  }
0x4b: {  	_ =	shalt  }
0x4c: {  	_ =	shalt  }
0x4d: {  	_ =	shalt  }
0x4e: {  	_ =	shalt  }
0x4f: {  	_ =	shalt  }
0x50: {  	_ =	shalt  }
0x51: {  	_ =	shalt  }
0x52: {  	_ =	shalt  }
0x53: {  	_ =	shalt  }
0x54: {  	_ =	shalt  }
0x55: {  	_ =	shalt  }
0x56: {  	_ =	shalt  }
0x57: {  	_ =	shalt  }
0x58: {  	_ =	shalt  }
0x59: {  	_ =	shalt  }
0x5a: {  	_ =	shalt  }
0x5b: {  	_ =	shalt  }
0x5c: {  	_ =	shalt  }
0x5d: {  	_ =	shalt  }
0x5e: {  	_ =	shalt  }
0x5f: {  	_ =	shalt  }
0x60: {  	_ =	shalt  }
0x61: {  	_ =	shalt  }
0x62: {  	_ =	shalt  }
0x63: {  	_ =	shalt  }
0x64: {  	_ =	shalt  }
0x65: {  	_ =	shalt  }
0x66: {  	_ =	shalt  }
0x67: {  	_ =	shalt  }
0x68: {  	_ =	shalt  }
0x69: {  	_ =	shalt  }
0x6a: {  	_ =	shalt  }
0x6b: {  	_ =	shalt  }
0x6c: {  	_ =	shalt  }
0x6d: {  	_ =	shalt  }
0x6e: {  	_ =	shalt  }
0x6f: {  	_ =	shalt  }
0x70: {  	_ =	shalt  }
0x71: {  	_ =	shalt  }
0x72: {  	_ =	shalt  }
0x73: {  	_ =	shalt  }
0x74: {  	_ =	shalt  }
0x75: {  	_ =	shalt  }
0x76: {  	_ =	shalt  }
0x77: {  	_ =	shalt  }
0x78: {  	_ =	shalt  }
0x79: {  	_ =	shalt  }
0x7a: {  	_ =	shalt  }
0x7b: {  	_ =	shalt  }
0x7c: {  	_ =	shalt  }
0x7d: {  	_ =	shalt  }
0x7e: {  	_ =	shalt  }
0x7f: {  	_ =	shalt  }
0x80: {  	_ =	shalt  }
0x81: {  	_ =	shalt  }
0x82: {  	_ =	shalt  }
0x83: {  	_ =	shalt  }
0x84: {  	_ =	shalt  }
0x85: {  	_ =	shalt  }
0x86: {  	_ =	shalt  }
0x87: {  	_ =	shalt  }
.Lfunc_end0:
.L_simem_size_0:
called_computation_lowered:
.L_overlay_start_0:
0x88: {  	s2 =	sld [smem:$0x3FD9]  }
0x89: {  	s3 =	sld [smem:$0x3FFE];
	_ =	sdelay $0x1  }
0x8a: {  	s1 =	srdreg.scid  }
0x8b: {  	s0 =	sand.u32 $0x1, s1  }
0x8c: {  	s17 =	sshll.u32 s0, $0xA;
	s2 =	sadd.s32 s3, s2  }
0x8d: {  	s2 =	sadd.s32 s2, s17  }
0x8e: {  	[smem:$0x3FBC] =	sst s2  }
0x8f: {  	_ = 	snop  }
0x90: {  	s2 =	sld [smem:$0x3FC9]  }
0x91: {  	s18 =	sld [smem:$0x3FC8]  }
0x92: {  	s4 =	sld [smem:$0x3FD0];
	(tm) =	ssettm $0x1  }
0x93: {  	s5 =	sld [smem:$0x3FFB];
	_ =	sdelay $0x3  }
0x94: {  	_ =	strace s5  }
0x95: {  	s5 =	sld [smem:$0x3FFC];
	_ =	sdelay $0x3  }
0x96: {  	_ =	strace s5  }
0x97: {  	s5 =	sld [smem:$0x3FFD];
	_ =	sdelay $0x3  }
0x98: {  	_ =	strace s5  }
0x99: {  	_ =	strace $0x8FFFFFFF  }
0x9a: {  	s19 =	sld [smem:$0x3FDB];
	_ =	sdelay $0x1  }
0x9b: {  	s6 =	simm.s32 $_scs_section_size  }
0x9c: {  	s7 =	simm.s32 $_size__tile_overlayer_lowered;
	s8 =	simm.s32 $_tile_overlayer_lowered  }
0x9d: {  	s22 =	simm.s32 $0x1BFF;
	s21 =	sshll.u32 s8, $0x1;
	s5 =	sadd.s32 s6, s19  }
0x9e: {  	s9 =	simm.s32 $0x0;
	s20 =	sshll.u32 s7, $0x1;
	s7 =	sadd.s32 s21, s5  }
0x9f: {  	[timem:s9], [sflag:s22] =	dma.local [hbm:s7], s20  }
0xa0: {  	_ =	swait.ge [sflag:s22], s20  }
0xa1: {  	s6 =	ssub.s32 $0x0, s20;
	[sflag:s22] =	ssyncset.done $0x0  }
0xa2: {  	[sflag:s22] =	ssyncadd.s32 s6;
	_ =	sdelay $0x1  }
0xa3: {  	s23 =	simm.s32 $0x1B8B  }
0xa4: {  	_ =	swait.ge [sflag:s23], $0x1  }
0xa5: {  	[sflag:s23] =	ssyncset.done $0x0  }
0xa6: {  	s25 =	simm.s32 $0x1B8E;
	s24 =	sld [smem:$0x3FFE];
	[sflag:s23] =	ssyncadd.s32 $0xFFFFFFFF  }
0xa7: {  	s26 =	simm.s32 $execute0_lowered;
	[smem:$0x3FD2] =	sst s25  }
0xa8: {  	s7 =	sshll.u32 s26, $0x1;
	_ =	strace $0x80000046;
	[dreg:$0x1] =	wrdreg $0xFFFFFFFF  }
0xa9: {  	s28 =	simm.s32 $_size_execute0_lowered;
	s5 =	sadd.s32 s5, s7;
	[dreg:$0x0] =	wrdreg $0x0  }
0xaa: {  	s7 =	sshll.u32 s28, $0x1;
	[dreg:$0x2] =	wrdreg s5  }
0xab: {  	[dreg:$0x3] =	wrdreg s7  }
0xac: {  	[dreg:$0x4] =	wrdreg $0xC0  }
0xad: {  	_ =	task [dreg:s9], $0x5FFFF  }
0xae: {  	[dreg:$0x1] =	wrdreg $0xFFFFFFFF  }
0xaf: {  	[dreg:$0x0] =	wrdreg $0x60  }
0xb0: {  	[dreg:$0x2] =	wrdreg s24  }
0xb1: {  	[dreg:$0x3] =	wrdreg s2  }
0xb2: {  	[dreg:$0x4] =	wrdreg s18  }
0xb3: {  	[dreg:$0x5] =	wrdreg s4  }
0xb4: {  	[dreg:$0x6] =	wrdreg $0xB6000  }
0xb5: {  	[dreg:$0x7] =	wrdreg $0x9  }
0xb6: {  	_ =	task.clear_ibuf [dreg:s9], $0x8FFFF;
	_ =	strace $0x90000046  }
0xb7: {  	s29 =	simm.s32 $0x9;
	_ =	strace $0x80000048  }
0xb8: {  	_ =	swait.ge [sflag:s29], $0x1  }
0xb9: {  	[sflag:s29] =	ssyncadd.s32 $0xFFFFFFFF  }
0xba: {  	_ =	strace $0x90000048  }
0xbb: {  	_ =	sfence  }
0xbc: {  	s30 =	sld [smem:$0x0];
	_ =	sdelay $0x2  }
0xbd: {  	s31 =	sshll.u32 s1, $0xD;
	s1 =	sshrl.u32 s1, $0x2  }
0xbe: {  	s3 =	sand.u32 $0x4000, s31;
	s1 =	sadd.s32 s1, s30  }
0xbf: {  	s0 =	sor.u32 s3, s0;
	s1 =	sshll.u32 s1, $0x11  }
0xc0: {  	s0 =	sor.u32 s1, s0  }
0xc1: {  	s0 =	sadd.s32 $0x8F2B, s0  }
0xc2: {  	[sflag:s0] =	ssyncadd.remote.s32 $0x1  }
0xc3: {  	_ =	sfence.sel $0xFFFF  }
0xc4: {  	[dreg:$0x0] =	wrdreg $0xFFFFFFFF;
	(pc) =	sbr.abs _section_cstart, $3  }
0xc5: {  	[dreg:$0x1] =	wrdreg $0xFFFFFFFF  }
0xc6: {  	_ =	task.clear_ibuf [dreg:s9], $0x2FFFF;
	_ =	strace $0x9FFFFFFF  }
0xc7: {  	(tm) =	ssettm $0x7FFFFFFF  }
tec
execute0_lowered:
.L_overlay_start_1:
0x0: {  	(tag) =	ssettag $0x1  }
0x1: {  	s16 =	rddreg [dreg:$0x0]  }
0x2: {  	s6 =	rddreg [dreg:$0x4];
	s0 =	simm.s32 $0x0;
	s22 =	srdreg.scid  }
0x3: {  	s7 =	stileid.u32;
	s30 =	simm.s32 $0x50;
	s31 =	simm.s32 $0x280  }
0x4: {  	[smem:$0x7FF] =	sst s0;
	s20 =	sadd.s32 $0x44200, s16;
	s21 =	sadd.s32 $0x40000, s16  }
0x5: {  	s9 =	sadd.s32 $0x3FA00, s16;
	s0 =	sand.u32 $0x1, s22;
	s4 =	smul.u32 $0x13C00, s7  }
0x6: {  	s23 =	smul.u32 $0x4F000, s7;
	_ =	strace $0x80000047;
	[dreg:$0x6] =	wrdreg s20  }
0x7: {  	s5 =	sadd.s32 $0x44400, s16;
	p0 =	seq.s32 s7, $0xF;
	[dreg:$0x7] =	wrdreg s21  }
0x8: {  	s1 =	ssub.s32 $0x2, s0;
	s2 =	smul.u32 $0x138800, s0;
	s0 =	sshll.u32 s0, $0x4  }
0x9: {  	s3 =	sshrl.u32 s1, $0x1;
	s8 =	sor.u32 s7, s0;
	s7 =	sadd.s32 $0x128400, s6  }
0xa: {  	s1 =	ssub.s32 s1, s3;
	s24 =	sadd.s32 s4, s2;
	s3 =	sshrl.u32 s23, $0x2  }
0xb: {  	s2 =	sshrl.u32 s2, $0x3;
	s26 =	sshll.u32 s8, $0x6;
	[dreg:$0x8] =	wrdreg s8  }
0xc: {  	[dreg:$0xf] =	wrdreg s7;
	s25 =	sadd.s32 s5, s2;
	s2 =	sadd.s32 s16, s26  }
0xd: {  	s20 =	sadd.s32 s3, s6;
	s3 =	sadd.s32 $0x137400, s6;
	[dreg:$0xb] =	wrdreg s2  }
0xe: {  	s10 =	sadd.s32 $0x3F400, s16;
	s0 =	sshrl.u32 s24, $0x3;
	[dreg:$0xd] =	wrdreg s3  }
0xf: {  	s11 =	sadd.s32 $0x3EE00, s16;
	s0 =	sadd.s32 s5, s0;
	[dreg:$0xa] =	wrdreg s20  }
0x10: {  	s12 =	sadd.s32 $0x3E800, s16;
	s4 =	sadd.s32 $0x11800, s20;
	[dreg:$0x9] =	wrdreg s0  }
0x11: {  	s13 =	sadd.s32 $0x42400, s16;
	s5 =	sadd.s32 $0x2800, s20;
	[dreg:$0xe] =	wrdreg s4  }
0x12: {  	s14 =	sadd.s32 $0x42A00, s16;
	s21 =	sadd.s32 $0x5000, s20;
	[dreg:$0x10] =	wrdreg s5  }
0x13: {  	s15 =	sadd.s32 $0x43000, s16;
	s22 =	sadd.s32 $0x7800, s20;
	[dreg:$0x11] =	wrdreg s21  }
0x14: {  	s17 =	sadd.s32 $0x43600, s16;
	s23 =	sadd.s32 $0xA000, s20;
	[dreg:$0x12] =	wrdreg s22  }
0x15: {  	s18 =	sadd.s32 $0x43C00, s16;
	s24 =	sadd.s32 $0xC800, s20;
	[dreg:$0x13] =	wrdreg s23  }
0x16: {  	s19 =	sadd.s32 $0x41E00, s16;
	s2 =	sadd.s32 $0xF000, s20;
	[dreg:$0x14] =	wrdreg s24  }
0x17: {  	s28 =	sadd.s32 $0x40C00, s16;
	s3 =	sadd.s32 $0x12AC00, s6;
	[dreg:$0x15] =	wrdreg s2  }
0x18: {  	s29 =	sadd.s32 $0x40600, s16;
	s0 =	sadd.s32 $0x25080, s25;
	[dreg:$0x16] =	wrdreg s3  }
0x19: {  	s26 =	sadd.s32 $0x41200, s16;
	s4 =	smax.u32 s1, $0x1;
	[dreg:$0xc] =	wrdreg s0  }
0x1a: {  	s25 =	sadd.s32 $0x41800, s16;
	s5 =	sadd.s32 $0x12D400, s6;
	[dreg:$0x17] =	wrdreg s4  }
0x1b: {  	s21 =	sadd.s32 $0x12FC00, s6;
	s22 =	sor.u32 $0x40, s8;
	[dreg:$0x18] =	wrdreg s5  }
0x1c: {  	s23 =	sadd.s32 $0x132400, s6;
	s24 =	sadd.s32 $0x134C00, s6;
	[dreg:$0x19] =	wrdreg s21  }
0x1d: {  	s6 =	simm.s32 $0x400;
	s8 =	simm.s32 $0x1500;
	[dreg:$0x1a] =	wrdreg s22  }
0x1e: {  	s2 =	simm.s32 $0x1;
	s3 =	simm.s32 $0x0;
	[dreg:$0x1b] =	wrdreg s23  }
0x1f: {  	[dreg:$0x1c] =	wrdreg s24;
	s24 =	simm.s32 $0x5;
	s21 =	simm.s32 $0x80  }
0x20: {  	v0 =	vimm.f32 $0.0e+00;
	s23 =	simm.s32 $0x200;
	s22 =	simm.s32 $0x480;
	s4 =	simm.s32 $0x2  }
.LBB2_1:
0x21: {  	[dreg:$0x1d] =	wrdreg s3  }
0x22: {  	s0 =	simm.s32 $0x0;
	s1 =	rddreg [dreg:$0x6];
	s5 =	simm.s32 $0xB580  }
0x23: {  	[tilespmem:s5], [sflag:$0x5] =	stream.linear.gather [hbm4b:s1+s0], $0x80, $0x38;
	[tilespmem:$0x1EE80] =	vst v63  }
0x24: {  	_ =	swait.ge [sflag:s24], $0x80  }
0x25: {  	[sflag:s24] =	ssyncset.done $0x0  }
0x26: {  	s1 =	simm.s32 $0x0;
	s5 =	simm.s32 $0x200;
	[sflag:s24] =	ssyncadd.s32 $0xFFFFFF80  }
.LBB2_2:
0x27: {  	p1 =	sne.s32 s5, $0x9E00;
	[tilespmem:s1+$0x1570] =	vst v0  }
0x28: {  	[tilespmem:s1+$0x1500] =	vst v0  }
0x29: {  	[tilespmem:s1+$0x1510] =	vst v0  }
.Ltmp0:
0x2a: {  	[tilespmem:s1+$0x1520] =	vst v0;
	(pc) =	sbr.rel @p1 .LBB2_2-.Ltmp0, $4  }
0x2b: {  	[tilespmem:s1+$0x1530] =	vst v0  }
0x2c: {  	[tilespmem:s1+$0x1540] =	vst v0  }
0x2d: {  	[tilespmem:s1+$0x1550] =	vst v0  }
0x2e: {  	[tilespmem:s1+$0x1560] =	vst v0;
	s1 =	sshra.s32 s5, $0x2;
	s5 =	sadd.s32 $0x200, s5  }
0x2f: {  	[tilespmem:s1+$0x1570] =	vst v0  }
0x30: {  	[tilespmem:s1+$0x1500] =	vst v0  }
0x31: {  	[tilespmem:s1+$0x1510] =	vst v0  }
0x32: {  	[tilespmem:s1+$0x1520] =	vst v0  }
0x33: {  	[tilespmem:s1+$0x1530] =	vst v0  }
0x34: {  	[tilespmem:s1+$0x1540] =	vst v0  }
0x35: {  	[tilespmem:s1+$0x1550] =	vst v0  }
0x36: {  	[tilespmem:s1+$0x1560] =	vst v0;
	s1 =	simm.s32 @p0 $0x1500;
	s5 =	simm.s32 @p0 $0x5  }
0x37: {  	[spmem:s7] =	stream.linear.scatter @p0 [tilespmem:s1], [sflag:$0x5], $0x2800, $0x38;
	[tilespmem:$0x1EE80] =	vst v63  }
0x38: {  	_ =	swait.ge @p0 [sflag:s5], $0x2800  }
0x39: {  	[sflag:s5] =	ssyncset.done @p0 $0x0  }
0x3a: {  	s0 =	rddreg [dreg:$0x16];
	[sflag:s5] =	ssyncadd.s32 @p0 $0xFFFFD800  }
0x3b: {  	[spmem:s0] =	stream.linear.scatter @p0 [tilespmem:s1], [sflag:$0x5], $0x2800, $0x38;
	[tilespmem:$0x1EE80] =	vst v63  }
0x3c: {  	_ =	swait.ge @p0 [sflag:s5], $0x2800  }
0x3d: {  	[sflag:s5] =	ssyncset.done @p0 $0x0  }
0x3e: {  	s0 =	rddreg [dreg:$0x18];
	[sflag:s5] =	ssyncadd.s32 @p0 $0xFFFFD800  }
0x3f: {  	[spmem:s0] =	stream.linear.scatter @p0 [tilespmem:s1], [sflag:$0x5], $0x2800, $0x38;
	[tilespmem:$0x1EE80] =	vst v63  }
0x40: {  	_ =	swait.ge @p0 [sflag:s5], $0x2800  }
0x41: {  	[sflag:s5] =	ssyncset.done @p0 $0x0  }
0x42: {  	s0 =	rddreg [dreg:$0x19];
	[sflag:s5] =	ssyncadd.s32 @p0 $0xFFFFD800  }
0x43: {  	[spmem:s0] =	stream.linear.scatter @p0 [tilespmem:s1], [sflag:$0x5], $0x2800, $0x38;
	[tilespmem:$0x1EE80] =	vst v63  }
0x44: {  	_ =	swait.ge @p0 [sflag:s5], $0x2800  }
0x45: {  	[sflag:s5] =	ssyncset.done @p0 $0x0  }
0x46: {  	s0 =	rddreg [dreg:$0x1b];
	[sflag:s5] =	ssyncadd.s32 @p0 $0xFFFFD800  }
0x47: {  	[spmem:s0] =	stream.linear.scatter @p0 [tilespmem:s1], [sflag:$0x5], $0x2800, $0x38;
	[tilespmem:$0x1EE80] =	vst v63  }
0x48: {  	_ =	swait.ge @p0 [sflag:s5], $0x2800  }
0x49: {  	[sflag:s5] =	ssyncset.done @p0 $0x0  }
0x4a: {  	s0 =	rddreg [dreg:$0x1c];
	[sflag:s5] =	ssyncadd.s32 @p0 $0xFFFFD800  }
0x4b: {  	[spmem:s0] =	stream.linear.scatter @p0 [tilespmem:s1], [sflag:$0x5], $0x2800, $0x38;
	[tilespmem:$0x1EE80] =	vst v63  }
0x4c: {  	_ =	swait.ge @p0 [sflag:s5], $0x2800  }
0x4d: {  	[sflag:s5] =	ssyncset.done @p0 $0x0  }
0x4e: {  	s0 =	rddreg [dreg:$0xd];
	[sflag:s5] =	ssyncadd.s32 @p0 $0xFFFFD800  }
0x4f: {  	[spmem:s0] =	stream.linear.scatter @p0 [tilespmem:s1], [sflag:$0x5], $0x1400, $0x38;
	[tilespmem:$0x1EE80] =	vst v63  }
0x50: {  	_ =	swait.ge @p0 [sflag:s5], $0x1400  }
0x51: {  	[sflag:s5] =	ssyncset.done @p0 $0x0  }
0x52: {  	s1 =	simm.s32 @!p0 $0x1500;
	[sflag:s5] =	ssyncadd.s32 @p0 $0xFFFFEC00;
	s5 =	simm.s32 @!p0 $0x5  }
0x53: {  	[spmem:s20] =	stream.linear.scatter @!p0 [tilespmem:s1], [sflag:$0x5], $0x2800, $0x38;
	[tilespmem:$0x1EE80] =	vst v63  }
0x54: {  	_ =	swait.ge @!p0 [sflag:s5], $0x2800  }
0x55: {  	[sflag:s5] =	ssyncset.done @!p0 $0x0  }
0x56: {  	s0 =	rddreg [dreg:$0x10];
	[sflag:s5] =	ssyncadd.s32 @!p0 $0xFFFFD800  }
0x57: {  	[spmem:s0] =	stream.linear.scatter @!p0 [tilespmem:s1], [sflag:$0x5], $0x2800, $0x38;
	[tilespmem:$0x1EE80] =	vst v63  }
0x58: {  	_ =	swait.ge @!p0 [sflag:s5], $0x2800  }
0x59: {  	[sflag:s5] =	ssyncset.done @!p0 $0x0  }
0x5a: {  	s0 =	rddreg [dreg:$0x11];
	[sflag:s5] =	ssyncadd.s32 @!p0 $0xFFFFD800  }
0x5b: {  	[spmem:s0] =	stream.linear.scatter @!p0 [tilespmem:s1], [sflag:$0x5], $0x2800, $0x38;
	[tilespmem:$0x1EE80] =	vst v63  }
0x5c: {  	_ =	swait.ge @!p0 [sflag:s5], $0x2800  }
0x5d: {  	[sflag:s5] =	ssyncset.done @!p0 $0x0  }
0x5e: {  	s0 =	rddreg [dreg:$0x12];
	[sflag:s5] =	ssyncadd.s32 @!p0 $0xFFFFD800  }
0x5f: {  	[spmem:s0] =	stream.linear.scatter @!p0 [tilespmem:s1], [sflag:$0x5], $0x2800, $0x38;
	[tilespmem:$0x1EE80] =	vst v63  }
0x60: {  	_ =	swait.ge @!p0 [sflag:s5], $0x2800  }
0x61: {  	[sflag:s5] =	ssyncset.done @!p0 $0x0  }
0x62: {  	s0 =	rddreg [dreg:$0x13];
	[sflag:s5] =	ssyncadd.s32 @!p0 $0xFFFFD800  }
0x63: {  	[spmem:s0] =	stream.linear.scatter @!p0 [tilespmem:s1], [sflag:$0x5], $0x2800, $0x38;
	[tilespmem:$0x1EE80] =	vst v63  }
0x64: {  	_ =	swait.ge @!p0 [sflag:s5], $0x2800  }
0x65: {  	[sflag:s5] =	ssyncset.done @!p0 $0x0  }
0x66: {  	s0 =	rddreg [dreg:$0x14];
	[sflag:s5] =	ssyncadd.s32 @!p0 $0xFFFFD800  }
0x67: {  	[spmem:s0] =	stream.linear.scatter @!p0 [tilespmem:s1], [sflag:$0x5], $0x2800, $0x38;
	[tilespmem:$0x1EE80] =	vst v63  }
0x68: {  	_ =	swait.ge @!p0 [sflag:s5], $0x2800  }
0x69: {  	[sflag:s5] =	ssyncset.done @!p0 $0x0  }
0x6a: {  	s0 =	rddreg [dreg:$0x15];
	[sflag:s5] =	ssyncadd.s32 @!p0 $0xFFFFD800  }
0x6b: {  	[spmem:s0] =	stream.linear.scatter @!p0 [tilespmem:s1], [sflag:$0x5], $0x2800, $0x38;
	[tilespmem:$0x1EE80] =	vst v63  }
0x6c: {  	_ =	swait.ge @!p0 [sflag:s5], $0x2800  }
0x6d: {  	[sflag:s5] =	ssyncset.done @!p0 $0x0  }
0x6e: {  	s0 =	rddreg [dreg:$0xe];
	[sflag:s5] =	ssyncadd.s32 @!p0 $0xFFFFD800  }
0x6f: {  	[spmem:s0] =	stream.linear.scatter @!p0 [tilespmem:s1], [sflag:$0x5], $0x2400, $0x38;
	[tilespmem:$0x1EE80] =	vst v63  }
0x70: {  	_ =	swait.ge @!p0 [sflag:s5], $0x2400  }
0x71: {  	[sflag:s5] =	ssyncset.done @!p0 $0x0  }
0x72: {  	[sflag:s5] =	ssyncadd.s32 @!p0 $0xFFFFDC00  }
0x73: {  	[bflag:$0x0] =	sbarrier.arrive $0xFFFF  }
0x74: {  	s3 =	simm.s32 $0x0;
	s20 =	rddreg [dreg:$0xb]  }
0x75: {  	[tilespmem:s3], [sflag:$0x5] =	stream.linear.gather [hbm4b:s20+s3], $0x200, $0x38;
	[tilespmem:$0x1EE80] =	vst v63  }
0x76: {  	_ =	swait.ge [sflag:s24], $0x200  }
0x77: {  	[sflag:s24] =	ssyncset.done $0x0  }
0x78: {  	[sflag:s24] =	ssyncadd.s32 $0xFFFFFE00  }
0x79: {  	s5 =	simm.s32 $0x100;
	s1 =	rddreg [dreg:$0x1]  }
0x7a: {  	[tilespmem:s6], [sflag:$0x3] =	stream.indirect.gather [hbm4b:s1+s30], $0x1, s5, s30, $0xb8;
	[tilespmem:$0x1EE80] =	vst v63  }
0x7b: {  	s20 =	simm.s32 $0x500;
	s7 =	rddreg [dreg:$0x7]  }
0x7c: {  	[tilespmem:s20], [sflag:$0x1] =	stream.indirect.gather [hbm4b:s7+s30], $0x1, s3, s30, $0xb8;
	[tilespmem:$0x1EE80] =	vst v63  }
0x7d: {  	s5 =	simm.s32 $0x780  }
0x7e: {  	[tilespmem:s5], [sflag:$0x1] =	stream.indirect.gather [hbm4b:s13+s30], $0x1, s21, s30, $0xb8;
	[tilespmem:$0x1EE80] =	vst v63  }
0x7f: {  	s7 =	simm.s32 $0x580  }
0x80: {  	[tilespmem:s7], [sflag:$0x1] =	stream.indirect.gather [hbm4b:s9+s30], $0x1, s3, s30, $0xb8;
	[tilespmem:$0x1EE80] =	vst v63  }
0x81: {  	s20 =	simm.s32 $0x800  }
0x82: {  	[tilespmem:s20], [sflag:$0x1] =	stream.indirect.gather [hbm4b:s14+s30], $0x1, s21, s30, $0xb8;
	[tilespmem:$0x1EE80] =	vst v63  }
0x83: {  	s1 =	simm.s32 $0x600  }
0x84: {  	[tilespmem:s1], [sflag:$0x1] =	stream.indirect.gather [hbm4b:s10+s30], $0x1, s3, s30, $0xb8;
	[tilespmem:$0x1EE80] =	vst v63  }
0x85: {  	s5 =	simm.s32 $0x880  }
0x86: {  	[tilespmem:s5], [sflag:$0x1] =	stream.indirect.gather [hbm4b:s15+s30], $0x1, s21, s30, $0xb8;
	[tilespmem:$0x1EE80] =	vst v63  }
0x87: {  	s7 =	simm.s32 $0x680  }
0x88: {  	[tilespmem:s7], [sflag:$0x1] =	stream.indirect.gather [hbm4b:s11+s30], $0x1, s3, s30, $0xb8;
	[tilespmem:$0x1EE80] =	vst v63  }
0x89: {  	s20 =	simm.s32 $0x900  }
0x8a: {  	[tilespmem:s20], [sflag:$0x1] =	stream.indirect.gather [hbm4b:s17+s30], $0x1, s21, s30, $0xb8;
	[tilespmem:$0x1EE80] =	vst v63  }
0x8b: {  	s1 =	simm.s32 $0x700  }
0x8c: {  	[tilespmem:s1], [sflag:$0x1] =	stream.indirect.gather [hbm4b:s12+s30], $0x1, s3, s30, $0xb8;
	[tilespmem:$0x1EE80] =	vst v63  }
0x8d: {  	s5 =	simm.s32 $0x980  }
0x8e: {  	[tilespmem:s5], [sflag:$0x1] =	stream.indirect.gather [hbm4b:s18+s30], $0x1, s21, s30, $0xb8;
	[tilespmem:$0x1EE80] =	vst v63  }
0x8f: {  	s7 =	rddreg [dreg:$0x2]  }
0x90: {  	[tilespmem:s8], [sflag:$0x1] =	stream.indirect.gather [hbm4b:s7+s30], $0x80, s3, s30, $0xb8;
	[tilespmem:$0x1EE80] =	vst v63  }
0x91: {  	s20 =	simm.s32 $0x6500;
	s8 =	rddreg [dreg:$0x3]  }
0x92: {  	[tilespmem:s20], [sflag:$0x1] =	stream.indirect.gather [hbm4b:s8+s30], $0x80, s21, s30, $0xb8;
	[tilespmem:$0x1EE80] =	vst v63  }
0x93: {  	s3 =	simm.s32 $0x3D00;
	s20 =	simm.s32 $0x0  }
.LBB2_4:
0x94: {  	s0 =	simm.s32 $0x3  }
0x95: {  	_ =	swait.ge [sflag:s0], $0x50  }
0x96: {  	[sflag:s0] =	ssyncset.done $0x0  }
0x97: {  	s5 =	simm.s32 $0xA00;
	[sflag:s0] =	ssyncadd.s32 $0xFFFFFFB0  }
0x98: {  	[tilespmem:s5], [sflag:$0x1] =	stream.indirect.gather [hbm4b:s19+s30], $0x1, s6, s30, $0xb8;
	[tilespmem:$0x1EE80] =	vst v63  }
0x99: {  	s7 =	simm.s32 $0xA80  }
0x9a: {  	[tilespmem:s7], [sflag:$0x1] =	stream.indirect.gather [hbm4b:s25+s30], $0x1, s6, s30, $0xb8;
	[tilespmem:$0x1EE80] =	vst v63  }
0x9b: {  	s8 =	simm.s32 $0xB00  }
0x9c: {  	[tilespmem:s8], [sflag:$0x1] =	stream.indirect.gather [hbm4b:s26+s30], $0x1, s6, s30, $0xb8;
	[tilespmem:$0x1EE80] =	vst v63  }
0x9d: {  	s1 =	simm.s32 $0xB80;
	s7 =	sshll.u32 s20, $0x6;
	s8 =	rddreg [dreg:$0x8]  }
0x9e: {  	[tilespmem:s1], [sflag:$0x1] =	stream.indirect.gather [hbm4b:s28+s30], $0x1, s6, s30, $0xb8;
	[tilespmem:$0x1EE80] =	vst v63  }
0x9f: {  	s1 =	sor.u32 s8, s7  }
0xa0: {  	s5 =	simm.s32 $0xC00;
	s1 =	sshll.u32 s1, $0x6  }
0xa1: {  	[tilespmem:s5], [sflag:$0x1] =	stream.indirect.gather [hbm4b:s29+s30], $0x1, s6, s30, $0xb8;
	[tilespmem:$0x1EE80] =	vst v63  }
0xa2: {  	s1 =	sadd.s32 s1, s16  }
0xa3: {  	s8 =	smov.u32 s16;
	s16 =	simm.s32 $0x0;
	s1 =	sadd.s32 $0x800, s1  }
0xa4: {  	[tilespmem:s23], [sflag:$0x5] =	stream.linear.gather [hbm4b:s1+s16], $0x200, $0x38;
	[tilespmem:$0x1EE80] =	vst v63  }
0xa5: {  	_ =	swait.ge [sflag:s24], $0x200  }
0xa6: {  	[sflag:s24] =	ssyncset.done $0x0  }
0xa7: {  	[sflag:s24] =	ssyncadd.s32 $0xFFFFFE00  }
0xa8: {  	s16 =	simm.s32 $0x300;
	s5 =	rddreg [dreg:$0x1]  }
0xa9: {  	[tilespmem:s22], [sflag:$0x4] =	stream.indirect.gather [hbm4b:s5+s30], $0x1, s16, s30, $0xb8;
	[tilespmem:$0x1EE80] =	vst v63  }
0xaa: {  	s5 =	rddreg [dreg:$0x7];
	s16 =	simm.s32 $0xD00  }
0xab: {  	[tilespmem:s16], [sflag:$0x2] =	stream.indirect.gather [hbm4b:s5+s30], $0x1, s23, s30, $0xb8;
	[tilespmem:$0x1EE80] =	vst v63  }
0xac: {  	s1 =	simm.s32 $0xF80  }
0xad: {  	[tilespmem:s1], [sflag:$0x2] =	stream.indirect.gather [hbm4b:s13+s30], $0x1, s31, s30, $0xb8;
	[tilespmem:$0x1EE80] =	vst v63  }
0xae: {  	s5 =	simm.s32 $0xD80  }
0xaf: {  	[tilespmem:s5], [sflag:$0x2] =	stream.indirect.gather [hbm4b:s9+s30], $0x1, s23, s30, $0xb8;
	[tilespmem:$0x1EE80] =	vst v63  }
0xb0: {  	s16 =	simm.s32 $0x1000  }
0xb1: {  	[tilespmem:s16], [sflag:$0x2] =	stream.indirect.gather [hbm4b:s14+s30], $0x1, s31, s30, $0xb8;
	[tilespmem:$0x1EE80] =	vst v63  }
0xb2: {  	s1 =	simm.s32 $0xE00  }
0xb3: {  	[tilespmem:s1], [sflag:$0x2] =	stream.indirect.gather [hbm4b:s10+s30], $0x1, s23, s30, $0xb8;
	[tilespmem:$0x1EE80] =	vst v63  }
0xb4: {  	s5 =	simm.s32 $0x1080  }
0xb5: {  	[tilespmem:s5], [sflag:$0x2] =	stream.indirect.gather [hbm4b:s15+s30], $0x1, s31, s30, $0xb8;
	[tilespmem:$0x1EE80] =	vst v63  }
0xb6: {  	s16 =	simm.s32 $0xE80  }
0xb7: {  	[tilespmem:s16], [sflag:$0x2] =	stream.indirect.gather [hbm4b:s11+s30], $0x1, s23, s30, $0xb8;
	[tilespmem:$0x1EE80] =	vst v63  }
0xb8: {  	s1 =	simm.s32 $0x1100  }
0xb9: {  	[tilespmem:s1], [sflag:$0x2] =	stream.indirect.gather [hbm4b:s17+s30], $0x1, s31, s30, $0xb8;
	[tilespmem:$0x1EE80] =	vst v63  }
0xba: {  	s5 =	simm.s32 $0xF00  }
0xbb: {  	[tilespmem:s5], [sflag:$0x2] =	stream.indirect.gather [hbm4b:s12+s30], $0x1, s23, s30, $0xb8;
	[tilespmem:$0x1EE80] =	vst v63  }
0xbc: {  	s16 =	simm.s32 $0x1180  }
0xbd: {  	[tilespmem:s16], [sflag:$0x2] =	stream.indirect.gather [hbm4b:s18+s30], $0x1, s31, s30, $0xb8;
	[tilespmem:$0x1EE80] =	vst v63  }
0xbe: {  	s1 =	rddreg [dreg:$0x2]  }
0xbf: {  	[tilespmem:s3], [sflag:$0x2] =	stream.indirect.gather [hbm4b:s1+s30], $0x80, s23, s30, $0xb8;
	[tilespmem:$0x1EE80] =	vst v63  }
0xc0: {  	s5 =	rddreg [dreg:$0x3];
	s16 =	simm.s32 $0x8D00  }
0xc1: {  	[tilespmem:s16], [sflag:$0x2] =	stream.indirect.gather [hbm4b:s5+s30], $0x80, s31, s30, $0xb8;
	[tilespmem:$0x1EE80] =	vst v63  }
0xc2: {  	_ =	swait.ge [sflag:s2], $0x50  }
0xc3: {  	[sflag:s2] =	ssyncset.done $0x0  }
0xc4: {  	[sflag:s2] =	ssyncadd.s32 $0xFFFFFFB0  }
0xc5: {  	_ =	swait.ge [sflag:s2], $0x50  }
0xc6: {  	[sflag:s2] =	ssyncset.done $0x0  }
0xc7: {  	[sflag:s2] =	ssyncadd.s32 $0xFFFFFFB0  }
0xc8: {  	_ =	swait.ge [sflag:s2], $0x50  }
0xc9: {  	[sflag:s2] =	ssyncset.done $0x0  }
0xca: {  	[sflag:s2] =	ssyncadd.s32 $0xFFFFFFB0  }
0xcb: {  	_ =	swait.ge [sflag:s2], $0x50  }
0xcc: {  	[sflag:s2] =	ssyncset.done $0x0  }
0xcd: {  	[sflag:s2] =	ssyncadd.s32 $0xFFFFFFB0  }
0xce: {  	_ =	swait.ge [sflag:s2], $0x50  }
0xcf: {  	[sflag:s2] =	ssyncset.done $0x0  }
0xd0: {  	[sflag:s2] =	ssyncadd.s32 $0xFFFFFFB0  }
0xd1: {  	_ =	swait.ge [sflag:s2], $0x50  }
0xd2: {  	[sflag:s2] =	ssyncset.done $0x0  }
0xd3: {  	[sflag:s2] =	ssyncadd.s32 $0xFFFFFFB0  }
0xd4: {  	_ =	swait.ge [sflag:s2], $0x50  }
0xd5: {  	[sflag:s2] =	ssyncset.done $0x0  }
0xd6: {  	[sflag:s2] =	ssyncadd.s32 $0xFFFFFFB0  }
0xd7: {  	_ =	swait.ge [sflag:s2], $0x50  }
0xd8: {  	[sflag:s2] =	ssyncset.done $0x0  }
0xd9: {  	[sflag:s2] =	ssyncadd.s32 $0xFFFFFFB0  }
0xda: {  	_ =	swait.ge [sflag:s2], $0x50  }
0xdb: {  	[sflag:s2] =	ssyncset.done $0x0  }
0xdc: {  	[sflag:s2] =	ssyncadd.s32 $0xFFFFFFB0  }
0xdd: {  	_ =	swait.ge [sflag:s2], $0x50  }
0xde: {  	[sflag:s2] =	ssyncset.done $0x0  }
0xdf: {  	[sflag:s2] =	ssyncadd.s32 $0xFFFFFFB0  }
0xe0: {  	_ =	swait.ge [sflag:s2], $0x2800  }
0xe1: {  	[sflag:s2] =	ssyncset.done $0x0  }
0xe2: {  	[sflag:s2] =	ssyncadd.s32 $0xFFFFD800  }
0xe3: {  	_ =	swait.ge [sflag:s2], $0x2800  }
0xe4: {  	[sflag:s2] =	ssyncset.done $0x0  }
0xe5: {  	[sflag:s2] =	ssyncadd.s32 $0xFFFFD800  }
0xe6: {  	_ =	swait.ge [sflag:s2], $0x50  }
0xe7: {  	[sflag:s2] =	ssyncset.done $0x0  }
0xe8: {  	[sflag:s2] =	ssyncadd.s32 $0xFFFFFFB0  }
0xe9: {  	_ =	swait.ge [sflag:s2], $0x50  }
0xea: {  	[sflag:s2] =	ssyncset.done $0x0  }
0xeb: {  	[sflag:s2] =	ssyncadd.s32 $0xFFFFFFB0  }
0xec: {  	_ =	swait.ge [sflag:s2], $0x50  }
0xed: {  	[sflag:s2] =	ssyncset.done $0x0  }
0xee: {  	[sflag:s2] =	ssyncadd.s32 $0xFFFFFFB0  }
0xef: {  	_ =	swait.ge [sflag:s2], $0x50  }
0xf0: {  	[sflag:s2] =	ssyncset.done $0x0  }
0xf1: {  	[sflag:s2] =	ssyncadd.s32 $0xFFFFFFB0  }
0xf2: {  	_ =	swait.ge [sflag:s2], $0x50  }
0xf3: {  	[sflag:s2] =	ssyncset.done $0x0  }
0xf4: {  	[sflag:s2] =	ssyncadd.s32 $0xFFFFFFB0  }
0xf5: {  	v6 =	vld [tilespmem:$0xB580]  }
0xf6: {  	v1 =	vld [tilespmem:$0x500]  }
0xf7: {  	v2 =	vld [tilespmem:$0x780]  }
0xf8: {  	v3 =	vld [tilespmem:$0xA00]  }
0xf9: {  	v4 =	vld [tilespmem:$0x580]  }
0xfa: {  	v5 =	vld [tilespmem:$0x800]  }
0xfb: {  	v7 =	vld [tilespmem:$0xA80]  }
0xfc: {  	v8 =	vld [tilespmem:$0x600]  }
0xfd: {  	v9 =	vld [tilespmem:$0x880]  }
0xfe: {  	v10 =	vld [tilespmem:$0xB00]  }
0xff: {  	v11 =	vld [tilespmem:$0x680]  }
0x100: {  	v12 =	vld [tilespmem:$0x900]  }
0x101: {  	v13 =	vld [tilespmem:$0xB80];
	v1 =	vadd.f32 v2, v1  }
0x102: {  	v14 =	vld [tilespmem:$0x980]  }
0x103: {  	v15 =	vld [tilespmem:$0x510];
	v4 =	vadd.f32 v5, v4;
	v3 =	vadd.f32 v3, v1  }
0x104: {  	v5 =	vld [tilespmem:$0x700];
	v2 =	vbroadcast v6, $0x0;
	v1 =	vbroadcast v6, $0x5  }
0x105: {  	v16 =	vld [tilespmem:$0xA10];
	v4 =	vadd.f32 v7, v4;
	v7 =	vadd.f32 v9, v8;
	v3 =	vmax.f32 v3, $0.0e+00  }
0x106: {  	v8 =	vld [tilespmem:$0xC00];
	v9 =	vmul.f32 v3, v2;
	v3 =	vbroadcast v6, $0x1  }
0x107: {  	v17 =	vld [tilespmem:$0x890];
	v4 =	vmax.f32 v4, $0.0e+00;
	v7 =	vadd.f32 v10, v7;
	v10 =	vadd.f32 v12, v11  }
0x108: {  	v18 =	vld [tilespmem:$0x690];
	v9 =	vadd.f32 v9, v1;
	v12 =	vmul.f32 v4, v3;
	v4 =	vbroadcast v6, $0x2  }
0x109: {  	v19 =	vld [tilespmem:$0x710];
	v7 =	vmax.f32 v7, $0.0e+00;
	v10 =	vadd.f32 v13, v10;
	v13 =	vadd.f32 v14, v5  }
0x10a: {  	v48 =	vld [tilespmem:$0xC10];
	v5 =	vbroadcast v6, $0x3;
	v9 =	vadd.f32 v12, v9;
	v7 =	vmul.f32 v7, v4  }
0x10b: {  	v49 =	vld [tilespmem:$0x5A0];
	v10 =	vmax.f32 v10, $0.0e+00;
	v8 =	vadd.f32 v8, v13  }
0x10c: {  	v11 =	vld [tilespmem:$0x790];
	v6 =	vbroadcast v6, $0x4;
	v7 =	vadd.f32 v7, v9;
	v9 =	vmul.f32 v10, v5  }
0x10d: {  	v14 =	vld [tilespmem:$0x590];
	v8 =	vmax.f32 v8, $0.0e+00  }
0x10e: {  	v12 =	vld [tilespmem:$0x810];
	v8 =	vmul.f32 v8, v6;
	v7 =	vadd.f32 v9, v7  }
0x10f: {  	v13 =	vld [tilespmem:$0xA90]  }
0x110: {  	v10 =	vld [tilespmem:$0x610];
	v7 =	vadd.f32 v8, v7  }
0x111: {  	v11 =	vadd.f32 v11, v15;
	v9 =	vld [tilespmem:$0xB10]  }
0x112: {  	v8 =	vld [tilespmem:$0x910];
	v7 =	vsub.f32 $0.0e+00, v7  }
0x113: {  	v15 =	vld [tilespmem:$0xB90];
	v11 =	vadd.f32 v16, v11;
	v12 =	vadd.f32 v12, v14  }
0x114: {  	v14 =	vld [tilespmem:$0x990];
	v7 =	vmul.f32 $1.442695020e+00, v7  }
0x115: {  	v50 =	vld [tilespmem:$0x620];
	v11 =	vmax.f32 v11, $0.0e+00;
	v12 =	vadd.f32 v13, v12;
	v10 =	vadd.f32 v17, v10  }
0x116: {  	v51 =	vld [tilespmem:$0xB20];
	(erf) = vpow2.f32 v7;
	v7 =	vmul.f32 v11, v2  }
0x117: {  	v13 =	vld [tilespmem:$0x520];
	v12 =	vmax.f32 v12, $0.0e+00;
	v9 =	vadd.f32 v9, v10;
	v8 =	vadd.f32 v8, v18  }
0x118: {  	v12 =	vmul.f32 v12, v3;
	v11 =	vld [tilespmem:$0x7A0];
	v7 =	vadd.f32 v7, v1  }
0x119: {  	v53 =	vld [tilespmem:$0x9A0];
	v14 =	vadd.f32 v14, v19;
	v9 =	vmax.f32 v9, $0.0e+00;
	v8 =	vadd.f32 v15, v8  }
0x11a: {  	v10 =	vld [tilespmem:$0xA20];
	v9 =	vmul.f32 v9, v4;
	v7 =	vadd.f32 v12, v7  }
0x11b: {  	v14 =	vadd.f32 v48, v14;
	v15 =	vld [tilespmem:$0x820];
	v8 =	vmax.f32 v8, $0.0e+00  }
0x11c: {  	v54 =	vld [tilespmem:$0x530];
	v8 =	vmul.f32 v8, v5;
	v7 =	vadd.f32 v9, v7  }
0x11d: {  	v14 =	vmax.f32 v14, $0.0e+00;
	v12 =	vld [tilespmem:$0xAA0];
	v11 =	vadd.f32 v11, v13  }
0x11e: {  	v9 =	vld [tilespmem:$0x8A0];
	v7 =	vadd.f32 v8, v7;
	v8 =	vmul.f32 v14, v6  }
0x11f: {  	v13 =	vld [tilespmem:$0x920];
	v10 =	vadd.f32 v10, v11  }
0x120: {  	v11 =	vadd.f32 v15, v49;
	v14 =	vld [tilespmem:$0x6A0];
	v7 =	vadd.f32 v8, v7  }
0x121: {  	v15 =	vld [tilespmem:$0x720]  }
0x122: {  	v52 =	vpop (erf);
	v11 =	vadd.f32 v12, v11;
	v8 =	vld [tilespmem:$0xBA0];
	v7 =	vsub.f32 $0.0e+00, v7  }
0x123: {  	v55 =	vld [tilespmem:$0x8B0];
	v10 =	vmax.f32 v10, $0.0e+00;
	v19 =	vadd.f32 $1.000000000e+00, v52;
	v9 =	vadd.f32 v9, v50  }
0x124: {  	v12 =	vld [tilespmem:$0xC20];
	v10 =	vmul.f32 v10, v2;
	v11 =	vmax.f32 v11, $0.0e+00;
	v7 =	vmul.f32 $1.442695020e+00, v7  }
0x125: {  	v56 =	vld [tilespmem:$0x6B0];
	(erf) = vrcp.f32 v19;
	v9 =	vadd.f32 v51, v9;
	v13 =	vadd.f32 v13, v14  }
0x126: {  	v57 =	vld [tilespmem:$0xBB0];
	(erf) = vpow2.f32 v7;
	v7 =	vadd.f32 v10, v1;
	v10 =	vmul.f32 v11, v3  }
0x127: {  	v21 =	vld [tilespmem:$0x730];
	v9 =	vmax.f32 v9, $0.0e+00;
	v8 =	vadd.f32 v8, v13;
	v13 =	vadd.f32 v53, v15  }
0x128: {  	v58 =	vld [tilespmem:$0x5C0];
	v9 =	vmul.f32 v9, v4;
	v7 =	vadd.f32 v10, v7  }
0x129: {  	v14 =	vld [tilespmem:$0x7B0];
	v8 =	vmax.f32 v8, $0.0e+00;
	v12 =	vadd.f32 v12, v13  }
0x12a: {  	v15 =	vld [tilespmem:$0x5B0];
	v8 =	vmul.f32 v8, v5;
	v7 =	vadd.f32 v9, v7  }
0x12b: {  	v11 =	vld [tilespmem:$0xA30];
	v12 =	vmax.f32 v12, $0.0e+00  }
0x12c: {  	v10 =	vld [tilespmem:$0x830];
	v7 =	vadd.f32 v8, v7;
	v8 =	vmul.f32 v12, v6  }
0x12d: {  	v13 =	vld [tilespmem:$0xAB0]  }
0x12e: {  	v14 =	vadd.f32 v14, v54;
	v9 =	vld [tilespmem:$0x630];
	v7 =	vadd.f32 v8, v7  }
0x12f: {  	v19 =	vpop (erf);
	v12 =	vld [tilespmem:$0xB30]  }
0x130: {  	v11 =	vadd.f32 v11, v14;
	v8 =	vld [tilespmem:$0x930];
	v20 =	vpop (erf);
	v7 =	vsub.f32 $0.0e+00, v7  }
0x131: {  	v14 =	vld [tilespmem:$0x9B0];
	v10 =	vadd.f32 v10, v15;
	v20 =	vadd.f32 $1.000000000e+00, v20  }
0x132: {  	v59 =	vld [tilespmem:$0x840];
	v11 =	vmax.f32 v11, $0.0e+00;
	v7 =	vmul.f32 $1.442695020e+00, v7  }
0x133: {  	v15 =	vld [tilespmem:$0xC30];
	v10 =	vadd.f32 v13, v10;
	v9 =	vadd.f32 v55, v9;
	(erf) = vrcp.f32 v20  }
0x134: {  	v60 =	vld [tilespmem:$0xB40];
	(erf) = vpow2.f32 v7;
	v7 =	vmul.f32 v11, v2  }
0x135: {  	v13 =	vld [tilespmem:$0x540];
	v10 =	vmax.f32 v10, $0.0e+00;
	v9 =	vadd.f32 v12, v9;
	v8 =	vadd.f32 v8, v56  }
0x136: {  	v14 =	vadd.f32 v14, v21;
	v10 =	vmul.f32 v10, v3;
	v11 =	vld [tilespmem:$0x7C0];
	v7 =	vadd.f32 v7, v1  }
0x137: {  	v12 =	vld [tilespmem:$0xA40];
	v9 =	vmax.f32 v9, $0.0e+00;
	v8 =	vadd.f32 v57, v8  }
0x138: {  	v14 =	vadd.f32 v15, v14;
	v15 =	vld [tilespmem:$0x640];
	v9 =	vmul.f32 v9, v4;
	v7 =	vadd.f32 v10, v7  }
0x139: {  	v8 =	vmax.f32 v8, $0.0e+00;
	v10 =	vld [tilespmem:$0xAC0]  }
0x13a: {  	v8 =	vmul.f32 v8, v5;
	v7 =	vadd.f32 v9, v7;
	v9 =	vld [tilespmem:$0x8C0]  }
0x13b: {  	v62 =	vld [tilespmem:$0x740];
	v14 =	vmax.f32 v14, $0.0e+00;
	v11 =	vadd.f32 v11, v13  }
0x13c: {  	v13 =	vld [tilespmem:$0x940];
	v7 =	vadd.f32 v8, v7;
	v8 =	vmul.f32 v14, v6  }
0x13d: {  	v11 =	vadd.f32 v12, v11;
	v12 =	vadd.f32 v59, v58;
	v14 =	vld [tilespmem:$0x6C0]  }
0x13e: {  	v63 =	vld [tilespmem:$0x9C0];
	v20 =	vpop (erf);
	v7 =	vadd.f32 v8, v7  }
0x13f: {  	v61 =	vpop (erf);
	v10 =	vadd.f32 v10, v12;
	v8 =	vld [tilespmem:$0xBC0];
	v9 =	vadd.f32 v9, v15  }
0x140: {  	v11 =	vmax.f32 v11, $0.0e+00;
	v21 =	vadd.f32 $1.000000000e+00, v61;
	v7 =	vsub.f32 $0.0e+00, v7  }
0x141: {  	v2 =	vmul.f32 v11, v2;
	v11 =	vld [tilespmem:$0xC40];
	v10 =	vmax.f32 v10, $0.0e+00;
	v9 =	vadd.f32 v60, v9  }
0x142: {  	(erf) = vrcp.f32 v21;
	v12 =	vadd.f32 v13, v14;
	v7 =	vmul.f32 $1.442695020e+00, v7  }
0x143: {  	v1 =	vadd.f32 v2, v1;
	v2 =	vmul.f32 v10, v3;
	v3 =	vmax.f32 v9, $0.0e+00  }
0x144: {  	(erf) = vpow2.f32 v7;
	v7 =	vadd.f32 v8, v12;
	v8 =	vadd.f32 v63, v62  }
0x145: {  	v1 =	vadd.f32 v2, v1;
	v2 =	vmul.f32 v3, v4  }
0x146: {  	v3 =	vmax.f32 v7, $0.0e+00;
	v4 =	vadd.f32 v11, v8  }
0x147: {  	v1 =	vadd.f32 v2, v1;
	v2 =	vmul.f32 v3, v5  }
0x148: {  	v3 =	vmax.f32 v4, $0.0e+00  }
0x149: {  	v1 =	vadd.f32 v2, v1;
	v2 =	vmul.f32 v3, v6;
	_ =	sdelay $0x2  }
0x14a: {  	v1 =	vadd.f32 v2, v1  }
0x14b: {  	v2 =	vpop (erf)  }
0x14c: {  	v1 =	vsub.f32 $0.0e+00, v1;
	v3 =	vpop (erf)  }
0x14d: {  	v3 =	vadd.f32 $1.000000000e+00, v3  }
0x14e: {  	v1 =	vmul.f32 $1.442695020e+00, v1  }
0x14f: {  	(erf) = vrcp.f32 v3  }
0x150: {  	(erf) = vpow2.f32 v1;
	_ =	sdelay $0x7  }
0x151: {  	v1 =	vpop (erf)  }
0x152: {  	v3 =	vpop (erf)  }
0x153: {  	v3 =	vadd.f32 $1.000000000e+00, v3;
	_ =	sdelay $0x1  }
0x154: {  	(erf) = vrcp.f32 v3;
	_ =	sdelay $0x5  }
0x155: {  	[tilespmem:$0xB500] =	vst v19  }
0x156: {  	[tilespmem:$0xB510] =	vst v20  }
0x157: {  	[tilespmem:$0xB520] =	vst v2  }
0x158: {  	[tilespmem:$0xB530] =	vst v1;
	v1 =	vpop (erf)  }
0x159: {  	s5 =	simm.s32 $0x0;
	[tilespmem:$0xB540] =	vst v1  }
0x15a: {  	v1 =	vld [tilespmem:s5+$0x6550]  }
0x15b: {  	v8 =	vld [tilespmem:s5+$0x6540]  }
0x15c: {  	v2 =	vld [tilespmem:s5+$0x6530]  }
0x15d: {  	v5 =	vld [tilespmem:s5+$0x6560]  }
0x15e: {  	v6 =	vld [tilespmem:s5+$0x6570]  }
0x15f: {  	v10 =	vld [tilespmem:s5+$0x1540]  }
0x160: {  	v4 =	vld [tilespmem:s5+$0x6500]  }
0x161: {  	v14 =	vld [tilespmem:s5+$0x6520]  }
0x162: {  	v15 =	vld [tilespmem:s5+$0x1520]  }
0x163: {  	v12 =	vld [tilespmem:s5+$0x1560]  }
0x164: {  	v11 =	vld [tilespmem:s5+$0x1570]  }
0x165: {  	s1 =	simm.s32 $0xB500;
	v9 =	vld [tilespmem:s5+$0x1550]  }
0x166: {  	v3 =	vld.msk [tilespmem:s1+$0x0 ss:$0x0], $0xffff  }
0x167: {  	v7 =	vld [tilespmem:s5+$0x1500]  }
0x168: {  	v13 =	vld [tilespmem:s5+$0x1530]  }
0x169: {  	s16 =	simm.s32 $0x200;
	v10 =	vadd.f32 v8, v10;
	v14 =	vadd.f32 v14, v15;
	v8 =	vld [tilespmem:s5+$0x1510]  }
.LBB2_5:
0x16a: {  	s0 =	smov.u32 s16  }
0x16b: {  	s3 =	sshra.s32 s16, $0x2;
	v15 =	vld [tilespmem:s5+$0x6510];
	v5 =	vadd.f32 v5, v12;
	s1 =	sadd.s32 $0x1, s1;
	s0 =	sadd.s32 $0x200, s16  }
0x16c: {  	p1 =	sne.s32 s16, $0x9E00;
	v9 =	vadd.f32 v1, v9;
	v6 =	vadd.f32 v6, v11;
	v1 =	vld [tilespmem:s3+$0x6550]  }
0x16d: {  	v10 =	vmul.f32 v10, v3;
	v4 =	vadd.f32 v4, v7;
	v7 =	vmul.f32 v14, v3;
	v11 =	vld [tilespmem:s3+$0x6540]  }
0x16e: {  	v9 =	vmul.f32 v9, v3;
	v12 =	vadd.f32 v2, v13;
	v13 =	vmul.f32 v5, v3;
	v2 =	vld [tilespmem:s3+$0x6530]  }
0x16f: {  	v14 =	vmul.f32 v4, v3;
	v4 =	vmul.f32 v6, v3;
	v5 =	vld [tilespmem:s3+$0x6560];
	[tilespmem:s5+$0x1540] =	vst v10  }
0x170: {  	v8 =	vadd.f32 v15, v8;
	v6 =	vld [tilespmem:s3+$0x6570];
	[tilespmem:s5+$0x1520] =	vst v7;
	v7 =	vmul.f32 v12, v3  }
0x171: {  	v10 =	vld [tilespmem:s3+$0x1540];
	[tilespmem:s5+$0x1570] =	vst v4  }
0x172: {  	v3 =	vmul.f32 v8, v3;
	v4 =	vld [tilespmem:s3+$0x6500];
	[tilespmem:s5+$0x1560] =	vst v13  }
0x173: {  	v8 =	vld [tilespmem:s3+$0x6520];
	[tilespmem:s5+$0x1530] =	vst v7  }
0x174: {  	v13 =	vld [tilespmem:s3+$0x1520];
	[tilespmem:s5+$0x1510] =	vst v3  }
0x175: {  	v12 =	vld [tilespmem:s3+$0x1560];
	[tilespmem:s5+$0x1550] =	vst v9  }
0x176: {  	v10 =	vadd.f32 v11, v10;
	v11 =	vld [tilespmem:s3+$0x1570];
	[tilespmem:s5+$0x1500] =	vst v14;
	s5 =	smov.u32 s3  }
.Ltmp1:
0x177: {  	v9 =	vld [tilespmem:s5+$0x1550];
	(pc) =	sbr.rel @p1 .LBB2_5-.Ltmp1, $4  }
0x178: {  	v3 =	vld.msk [tilespmem:s1+$0x0 ss:$0x0], $0xffff  }
0x179: {  	v7 =	vld [tilespmem:s5+$0x1500];
	v14 =	vadd.f32 v8, v13  }
0x17a: {  	v13 =	vld [tilespmem:s5+$0x1530]  }
0x17b: {  	s16 =	smov.u32 s0;
	v8 =	vld [tilespmem:s5+$0x1510]  }
0x17c: {  	v15 =	vld [tilespmem:s5+$0x6510]  }
0x17d: {  	v6 =	vadd.f32 v6, v11;
	v10 =	vmul.f32 v10, v3  }
0x17e: {  	v5 =	vadd.f32 v5, v12;
	v11 =	vmul.f32 v14, v3  }
0x17f: {  	v1 =	vadd.f32 v1, v9;
	v6 =	vmul.f32 v6, v3;
	[tilespmem:s5+$0x1540] =	vst v10  }
0x180: {  	v5 =	vmul.f32 v5, v3;
	v2 =	vadd.f32 v2, v13;
	[tilespmem:s5+$0x1520] =	vst v11  }
0x181: {  	v1 =	vmul.f32 v1, v3;
	[tilespmem:s5+$0x1570] =	vst v6;
	v8 =	vadd.f32 v15, v8  }
0x182: {  	v4 =	vadd.f32 v4, v7;
	[tilespmem:s5+$0x1560] =	vst v5;
	v2 =	vmul.f32 v2, v3  }
0x183: {  	[tilespmem:s5+$0x1550] =	vst v1;
	v6 =	vmul.f32 v8, v3  }
0x184: {  	[tilespmem:s5+$0x1530] =	vst v2;
	v2 =	vmul.f32 v4, v3  }
0x185: {  	[tilespmem:s5+$0x1510] =	vst v6  }
0x186: {  	s0 =	rddreg [dreg:$0x4];
	s1 =	simm.s32 $0x180;
	[tilespmem:s5+$0x1500] =	vst v2;
	s5 =	simm.s32 $0x1500  }
0x187: {  	[spmem:s0] =	stream.indirect.scatter.add.f32 [tilespmem:s5], [sflag:$0x5], $0x80, s1, s30, $0xb8;
	[tilespmem:$0x1EE80] =	vst v63  }
0x188: {  	_ =	swait.ge [sflag:s24], $0x2800  }
0x189: {  	[sflag:s24] =	ssyncset.done $0x0  }
0x18a: {  	s3 =	simm.s32 $0x4;
	[sflag:s24] =	ssyncadd.s32 $0xFFFFD800  }
0x18b: {  	_ =	swait.ge [sflag:s3], $0x50  }
0x18c: {  	[sflag:s3] =	ssyncset.done $0x0  }
0x18d: {  	s16 =	simm.s32 $0x1200;
	[sflag:s3] =	ssyncadd.s32 $0xFFFFFFB0  }
0x18e: {  	[tilespmem:s16], [sflag:$0x2] =	stream.indirect.gather [hbm4b:s19+s30], $0x1, s22, s30, $0xb8;
	[tilespmem:$0x1EE80] =	vst v63  }
0x18f: {  	s1 =	simm.s32 $0x1280  }
0x190: {  	[tilespmem:s1], [sflag:$0x2] =	stream.indirect.gather [hbm4b:s25+s30], $0x1, s22, s30, $0xb8;
	[tilespmem:$0x1EE80] =	vst v63  }
0x191: {  	s3 =	simm.s32 $0x1300  }
0x192: {  	[tilespmem:s3], [sflag:$0x2] =	stream.indirect.gather [hbm4b:s26+s30], $0x1, s22, s30, $0xb8;
	[tilespmem:$0x1EE80] =	vst v63  }
0x193: {  	s3 =	rddreg [dreg:$0x1a]  }
0x194: {  	s16 =	simm.s32 $0x1380;
	s0 =	sadd.s32 s3, s7  }
0x195: {  	[tilespmem:s16], [sflag:$0x2] =	stream.indirect.gather [hbm4b:s28+s30], $0x1, s22, s30, $0xb8;
	[tilespmem:$0x1EE80] =	vst v63  }
0x196: {  	s1 =	simm.s32 $0x1400;
	s0 =	sshll.u32 s0, $0x6  }
0x197: {  	[tilespmem:s1], [sflag:$0x2] =	stream.indirect.gather [hbm4b:s29+s30], $0x1, s22, s30, $0xb8;
	[tilespmem:$0x1EE80] =	vst v63  }
0x198: {  	s0 =	sadd.s32 s8, s0;
	s1 =	simm.s32 $0x0  }
0x199: {  	[tilespmem:s1], [sflag:$0x5] =	stream.linear.gather [hbm4b:s0+s1], $0x200, $0x38;
	[tilespmem:$0x1EE80] =	vst v63  }
0x19a: {  	_ =	swait.ge [sflag:s24], $0x200  }
0x19b: {  	[sflag:s24] =	ssyncset.done $0x0  }
0x19c: {  	[sflag:s24] =	ssyncadd.s32 $0xFFFFFE00  }
0x19d: {  	s3 =	simm.s32 $0x100;
	s16 =	smov.u32 s8;
	s8 =	rddreg [dreg:$0x1]  }
0x19e: {  	[tilespmem:s6], [sflag:$0x3] =	stream.indirect.gather [hbm4b:s8+s30], $0x1, s3, s30, $0xb8;
	[tilespmem:$0x1EE80] =	vst v63  }
0x19f: {  	s7 =	rddreg [dreg:$0x7];
	s8 =	simm.s32 $0x500  }
0x1a0: {  	[tilespmem:s8], [sflag:$0x1] =	stream.indirect.gather [hbm4b:s7+s30], $0x1, s1, s30, $0xb8;
	[tilespmem:$0x1EE80] =	vst v63  }
0x1a1: {  	s3 =	simm.s32 $0x780  }
0x1a2: {  	[tilespmem:s3], [sflag:$0x1] =	stream.indirect.gather [hbm4b:s13+s30], $0x1, s21, s30, $0xb8;
	[tilespmem:$0x1EE80] =	vst v63  }
0x1a3: {  	s7 =	simm.s32 $0x580  }
0x1a4: {  	[tilespmem:s7], [sflag:$0x1] =	stream.indirect.gather [hbm4b:s9+s30], $0x1, s1, s30, $0xb8;
	[tilespmem:$0x1EE80] =	vst v63  }
0x1a5: {  	s8 =	simm.s32 $0x800  }
0x1a6: {  	[tilespmem:s8], [sflag:$0x1] =	stream.indirect.gather [hbm4b:s14+s30], $0x1, s21, s30, $0xb8;
	[tilespmem:$0x1EE80] =	vst v63  }
0x1a7: {  	s3 =	simm.s32 $0x600  }
0x1a8: {  	[tilespmem:s3], [sflag:$0x1] =	stream.indirect.gather [hbm4b:s10+s30], $0x1, s1, s30, $0xb8;
	[tilespmem:$0x1EE80] =	vst v63  }
0x1a9: {  	s7 =	simm.s32 $0x880  }
0x1aa: {  	[tilespmem:s7], [sflag:$0x1] =	stream.indirect.gather [hbm4b:s15+s30], $0x1, s21, s30, $0xb8;
	[tilespmem:$0x1EE80] =	vst v63  }
0x1ab: {  	s8 =	simm.s32 $0x680  }
0x1ac: {  	[tilespmem:s8], [sflag:$0x1] =	stream.indirect.gather [hbm4b:s11+s30], $0x1, s1, s30, $0xb8;
	[tilespmem:$0x1EE80] =	vst v63  }
0x1ad: {  	s3 =	simm.s32 $0x900  }
0x1ae: {  	[tilespmem:s3], [sflag:$0x1] =	stream.indirect.gather [hbm4b:s17+s30], $0x1, s21, s30, $0xb8;
	[tilespmem:$0x1EE80] =	vst v63  }
0x1af: {  	s7 =	simm.s32 $0x700  }
0x1b0: {  	[tilespmem:s7], [sflag:$0x1] =	stream.indirect.gather [hbm4b:s12+s30], $0x1, s1, s30, $0xb8;
	[tilespmem:$0x1EE80] =	vst v63  }
0x1b1: {  	s8 =	simm.s32 $0x980  }
0x1b2: {  	[tilespmem:s8], [sflag:$0x1] =	stream.indirect.gather [hbm4b:s18+s30], $0x1, s21, s30, $0xb8;
	[tilespmem:$0x1EE80] =	vst v63  }
0x1b3: {  	s3 =	rddreg [dreg:$0x2]  }
0x1b4: {  	[tilespmem:s5], [sflag:$0x1] =	stream.indirect.gather [hbm4b:s3+s30], $0x80, s1, s30, $0xb8;
	[tilespmem:$0x1EE80] =	vst v63  }
0x1b5: {  	s7 =	simm.s32 $0x6500;
	s5 =	rddreg [dreg:$0x3]  }
0x1b6: {  	[tilespmem:s7], [sflag:$0x1] =	stream.indirect.gather [hbm4b:s5+s30], $0x80, s21, s30, $0xb8;
	[tilespmem:$0x1EE80] =	vst v63  }
0x1b7: {  	_ =	swait.ge [sflag:s4], $0x50  }
0x1b8: {  	[sflag:s4] =	ssyncset.done $0x0  }
0x1b9: {  	[sflag:s4] =	ssyncadd.s32 $0xFFFFFFB0  }
0x1ba: {  	_ =	swait.ge [sflag:s4], $0x50  }
0x1bb: {  	[sflag:s4] =	ssyncset.done $0x0  }
0x1bc: {  	[sflag:s4] =	ssyncadd.s32 $0xFFFFFFB0  }
0x1bd: {  	_ =	swait.ge [sflag:s4], $0x50  }
0x1be: {  	[sflag:s4] =	ssyncset.done $0x0  }
0x1bf: {  	[sflag:s4] =	ssyncadd.s32 $0xFFFFFFB0  }
0x1c0: {  	_ =	swait.ge [sflag:s4], $0x50  }
0x1c1: {  	[sflag:s4] =	ssyncset.done $0x0  }
0x1c2: {  	[sflag:s4] =	ssyncadd.s32 $0xFFFFFFB0  }
0x1c3: {  	_ =	swait.ge [sflag:s4], $0x50  }
0x1c4: {  	[sflag:s4] =	ssyncset.done $0x0  }
0x1c5: {  	[sflag:s4] =	ssyncadd.s32 $0xFFFFFFB0  }
0x1c6: {  	_ =	swait.ge [sflag:s4], $0x50  }
0x1c7: {  	[sflag:s4] =	ssyncset.done $0x0  }
0x1c8: {  	[sflag:s4] =	ssyncadd.s32 $0xFFFFFFB0  }
0x1c9: {  	_ =	swait.ge [sflag:s4], $0x50  }
0x1ca: {  	[sflag:s4] =	ssyncset.done $0x0  }
0x1cb: {  	[sflag:s4] =	ssyncadd.s32 $0xFFFFFFB0  }
0x1cc: {  	_ =	swait.ge [sflag:s4], $0x50  }
0x1cd: {  	[sflag:s4] =	ssyncset.done $0x0  }
0x1ce: {  	[sflag:s4] =	ssyncadd.s32 $0xFFFFFFB0  }
0x1cf: {  	_ =	swait.ge [sflag:s4], $0x50  }
0x1d0: {  	[sflag:s4] =	ssyncset.done $0x0  }
0x1d1: {  	[sflag:s4] =	ssyncadd.s32 $0xFFFFFFB0  }
0x1d2: {  	_ =	swait.ge [sflag:s4], $0x50  }
0x1d3: {  	[sflag:s4] =	ssyncset.done $0x0  }
0x1d4: {  	[sflag:s4] =	ssyncadd.s32 $0xFFFFFFB0  }
0x1d5: {  	_ =	swait.ge [sflag:s4], $0x2800  }
0x1d6: {  	[sflag:s4] =	ssyncset.done $0x0  }
0x1d7: {  	[sflag:s4] =	ssyncadd.s32 $0xFFFFD800  }
0x1d8: {  	_ =	swait.ge [sflag:s4], $0x2800  }
0x1d9: {  	[sflag:s4] =	ssyncset.done $0x0  }
0x1da: {  	[sflag:s4] =	ssyncadd.s32 $0xFFFFD800  }
0x1db: {  	_ =	swait.ge [sflag:s4], $0x50  }
0x1dc: {  	[sflag:s4] =	ssyncset.done $0x0  }
0x1dd: {  	[sflag:s4] =	ssyncadd.s32 $0xFFFFFFB0  }
0x1de: {  	_ =	swait.ge [sflag:s4], $0x50  }
0x1df: {  	[sflag:s4] =	ssyncset.done $0x0  }
0x1e0: {  	[sflag:s4] =	ssyncadd.s32 $0xFFFFFFB0  }
0x1e1: {  	_ =	swait.ge [sflag:s4], $0x50  }
0x1e2: {  	[sflag:s4] =	ssyncset.done $0x0  }
0x1e3: {  	[sflag:s4] =	ssyncadd.s32 $0xFFFFFFB0  }
0x1e4: {  	_ =	swait.ge [sflag:s4], $0x50  }
0x1e5: {  	[sflag:s4] =	ssyncset.done $0x0  }
0x1e6: {  	[sflag:s4] =	ssyncadd.s32 $0xFFFFFFB0  }
0x1e7: {  	_ =	swait.ge [sflag:s4], $0x50  }
0x1e8: {  	[sflag:s4] =	ssyncset.done $0x0  }
0x1e9: {  	[sflag:s4] =	ssyncadd.s32 $0xFFFFFFB0  }
0x1ea: {  	v6 =	vld [tilespmem:$0xB580]  }
0x1eb: {  	v1 =	vld [tilespmem:$0xD00]  }
0x1ec: {  	v2 =	vld [tilespmem:$0xF80]  }
0x1ed: {  	v3 =	vld [tilespmem:$0x1200]  }
0x1ee: {  	v4 =	vld [tilespmem:$0xD80]  }
0x1ef: {  	v5 =	vld [tilespmem:$0x1000]  }
0x1f0: {  	v7 =	vld [tilespmem:$0x1280]  }
0x1f1: {  	v8 =	vld [tilespmem:$0xE00]  }
0x1f2: {  	v9 =	vld [tilespmem:$0x1080]  }
0x1f3: {  	v10 =	vld [tilespmem:$0x1300]  }
0x1f4: {  	v11 =	vld [tilespmem:$0xE80]  }
0x1f5: {  	v12 =	vld [tilespmem:$0x1100]  }
0x1f6: {  	v13 =	vld [tilespmem:$0x1380];
	v1 =	vadd.f32 v2, v1  }
0x1f7: {  	v14 =	vld [tilespmem:$0x1180]  }
0x1f8: {  	v15 =	vld [tilespmem:$0xD10];
	v4 =	vadd.f32 v5, v4;
	v3 =	vadd.f32 v3, v1  }
0x1f9: {  	v5 =	vld [tilespmem:$0xF00];
	v2 =	vbroadcast v6, $0x0;
	v1 =	vbroadcast v6, $0x5  }
0x1fa: {  	v16 =	vld [tilespmem:$0x1210];
	v4 =	vadd.f32 v7, v4;
	v7 =	vadd.f32 v9, v8;
	v3 =	vmax.f32 v3, $0.0e+00  }
0x1fb: {  	v8 =	vld [tilespmem:$0x1400];
	v9 =	vmul.f32 v3, v2;
	v3 =	vbroadcast v6, $0x1  }
0x1fc: {  	v17 =	vld [tilespmem:$0x1090];
	v4 =	vmax.f32 v4, $0.0e+00;
	v7 =	vadd.f32 v10, v7;
	v10 =	vadd.f32 v12, v11  }
0x1fd: {  	v18 =	vld [tilespmem:$0xE90];
	v9 =	vadd.f32 v9, v1;
	v12 =	vmul.f32 v4, v3;
	v4 =	vbroadcast v6, $0x2  }
0x1fe: {  	v19 =	vld [tilespmem:$0xF10];
	v7 =	vmax.f32 v7, $0.0e+00;
	v10 =	vadd.f32 v13, v10;
	v13 =	vadd.f32 v14, v5  }
0x1ff: {  	v48 =	vld [tilespmem:$0x1410];
	v5 =	vbroadcast v6, $0x3;
	v9 =	vadd.f32 v12, v9;
	v7 =	vmul.f32 v7, v4  }
0x200: {  	v49 =	vld [tilespmem:$0xDA0];
	v10 =	vmax.f32 v10, $0.0e+00;
	v8 =	vadd.f32 v8, v13  }
0x201: {  	v11 =	vld [tilespmem:$0xF90];
	v6 =	vbroadcast v6, $0x4;
	v7 =	vadd.f32 v7, v9;
	v9 =	vmul.f32 v10, v5  }
0x202: {  	v14 =	vld [tilespmem:$0xD90];
	v8 =	vmax.f32 v8, $0.0e+00  }
0x203: {  	v12 =	vld [tilespmem:$0x1010];
	v8 =	vmul.f32 v8, v6;
	v7 =	vadd.f32 v9, v7  }
0x204: {  	v13 =	vld [tilespmem:$0x1290]  }
0x205: {  	v10 =	vld [tilespmem:$0xE10];
	v7 =	vadd.f32 v8, v7  }
0x206: {  	v11 =	vadd.f32 v11, v15;
	v9 =	vld [tilespmem:$0x1310]  }
0x207: {  	v8 =	vld [tilespmem:$0x1110];
	v7 =	vsub.f32 $0.0e+00, v7  }
0x208: {  	v15 =	vld [tilespmem:$0x1390];
	v11 =	vadd.f32 v16, v11;
	v12 =	vadd.f32 v12, v14  }
0x209: {  	v14 =	vld [tilespmem:$0x1190];
	v7 =	vmul.f32 $1.442695020e+00, v7  }
0x20a: {  	v50 =	vld [tilespmem:$0xE20];
	v11 =	vmax.f32 v11, $0.0e+00;
	v12 =	vadd.f32 v13, v12;
	v10 =	vadd.f32 v17, v10  }
0x20b: {  	v51 =	vld [tilespmem:$0x1320];
	(erf) = vpow2.f32 v7;
	v7 =	vmul.f32 v11, v2  }
0x20c: {  	v13 =	vld [tilespmem:$0xD20];
	v12 =	vmax.f32 v12, $0.0e+00;
	v9 =	vadd.f32 v9, v10;
	v8 =	vadd.f32 v8, v18  }
0x20d: {  	v12 =	vmul.f32 v12, v3;
	v11 =	vld [tilespmem:$0xFA0];
	v7 =	vadd.f32 v7, v1  }
0x20e: {  	v53 =	vld [tilespmem:$0x11A0];
	v14 =	vadd.f32 v14, v19;
	v9 =	vmax.f32 v9, $0.0e+00;
	v8 =	vadd.f32 v15, v8  }
0x20f: {  	v10 =	vld [tilespmem:$0x1220];
	v9 =	vmul.f32 v9, v4;
	v7 =	vadd.f32 v12, v7  }
0x210: {  	v14 =	vadd.f32 v48, v14;
	v15 =	vld [tilespmem:$0x1020];
	v8 =	vmax.f32 v8, $0.0e+00  }
0x211: {  	v54 =	vld [tilespmem:$0xD30];
	v8 =	vmul.f32 v8, v5;
	v7 =	vadd.f32 v9, v7  }
0x212: {  	v14 =	vmax.f32 v14, $0.0e+00;
	v12 =	vld [tilespmem:$0x12A0];
	v11 =	vadd.f32 v11, v13  }
0x213: {  	v9 =	vld [tilespmem:$0x10A0];
	v7 =	vadd.f32 v8, v7;
	v8 =	vmul.f32 v14, v6  }
0x214: {  	v13 =	vld [tilespmem:$0x1120];
	v10 =	vadd.f32 v10, v11  }
0x215: {  	v11 =	vadd.f32 v15, v49;
	v14 =	vld [tilespmem:$0xEA0];
	v7 =	vadd.f32 v8, v7  }
0x216: {  	v15 =	vld [tilespmem:$0xF20]  }
0x217: {  	v52 =	vpop (erf);
	v11 =	vadd.f32 v12, v11;
	v8 =	vld [tilespmem:$0x13A0];
	v7 =	vsub.f32 $0.0e+00, v7  }
0x218: {  	v55 =	vld [tilespmem:$0x10B0];
	v10 =	vmax.f32 v10, $0.0e+00;
	v19 =	vadd.f32 $1.000000000e+00, v52;
	v9 =	vadd.f32 v9, v50  }
0x219: {  	v12 =	vld [tilespmem:$0x1420];
	v10 =	vmul.f32 v10, v2;
	v11 =	vmax.f32 v11, $0.0e+00;
	v7 =	vmul.f32 $1.442695020e+00, v7  }
0x21a: {  	v56 =	vld [tilespmem:$0xEB0];
	(erf) = vrcp.f32 v19;
	v9 =	vadd.f32 v51, v9;
	v13 =	vadd.f32 v13, v14  }
0x21b: {  	v57 =	vld [tilespmem:$0x13B0];
	(erf) = vpow2.f32 v7;
	v7 =	vadd.f32 v10, v1;
	v10 =	vmul.f32 v11, v3  }
0x21c: {  	v21 =	vld [tilespmem:$0xF30];
	v9 =	vmax.f32 v9, $0.0e+00;
	v8 =	vadd.f32 v8, v13;
	v13 =	vadd.f32 v53, v15  }
0x21d: {  	v58 =	vld [tilespmem:$0xDC0];
	v9 =	vmul.f32 v9, v4;
	v7 =	vadd.f32 v10, v7  }
0x21e: {  	v14 =	vld [tilespmem:$0xFB0];
	v8 =	vmax.f32 v8, $0.0e+00;
	v12 =	vadd.f32 v12, v13  }
0x21f: {  	v15 =	vld [tilespmem:$0xDB0];
	v8 =	vmul.f32 v8, v5;
	v7 =	vadd.f32 v9, v7  }
0x220: {  	v11 =	vld [tilespmem:$0x1230];
	v12 =	vmax.f32 v12, $0.0e+00  }
0x221: {  	v10 =	vld [tilespmem:$0x1030];
	v7 =	vadd.f32 v8, v7;
	v8 =	vmul.f32 v12, v6  }
0x222: {  	v13 =	vld [tilespmem:$0x12B0]  }
0x223: {  	v14 =	vadd.f32 v14, v54;
	v9 =	vld [tilespmem:$0xE30];
	v7 =	vadd.f32 v8, v7  }
0x224: {  	v19 =	vpop (erf);
	v12 =	vld [tilespmem:$0x1330]  }
0x225: {  	v11 =	vadd.f32 v11, v14;
	v8 =	vld [tilespmem:$0x1130];
	v20 =	vpop (erf);
	v7 =	vsub.f32 $0.0e+00, v7  }
0x226: {  	v14 =	vld [tilespmem:$0x11B0];
	v10 =	vadd.f32 v10, v15;
	v20 =	vadd.f32 $1.000000000e+00, v20  }
0x227: {  	v59 =	vld [tilespmem:$0x1040];
	v11 =	vmax.f32 v11, $0.0e+00;
	v7 =	vmul.f32 $1.442695020e+00, v7  }
0x228: {  	v15 =	vld [tilespmem:$0x1430];
	v10 =	vadd.f32 v13, v10;
	v9 =	vadd.f32 v55, v9;
	(erf) = vrcp.f32 v20  }
0x229: {  	v60 =	vld [tilespmem:$0x1340];
	(erf) = vpow2.f32 v7;
	v7 =	vmul.f32 v11, v2  }
0x22a: {  	v13 =	vld [tilespmem:$0xD40];
	v10 =	vmax.f32 v10, $0.0e+00;
	v9 =	vadd.f32 v12, v9;
	v8 =	vadd.f32 v8, v56  }
0x22b: {  	v14 =	vadd.f32 v14, v21;
	v10 =	vmul.f32 v10, v3;
	v11 =	vld [tilespmem:$0xFC0];
	v7 =	vadd.f32 v7, v1  }
0x22c: {  	v12 =	vld [tilespmem:$0x1240];
	v9 =	vmax.f32 v9, $0.0e+00;
	v8 =	vadd.f32 v57, v8  }
0x22d: {  	v14 =	vadd.f32 v15, v14;
	v15 =	vld [tilespmem:$0xE40];
	v9 =	vmul.f32 v9, v4;
	v7 =	vadd.f32 v10, v7  }
0x22e: {  	v8 =	vmax.f32 v8, $0.0e+00;
	v10 =	vld [tilespmem:$0x12C0]  }
0x22f: {  	v8 =	vmul.f32 v8, v5;
	v7 =	vadd.f32 v9, v7;
	v9 =	vld [tilespmem:$0x10C0]  }
0x230: {  	v62 =	vld [tilespmem:$0xF40];
	v14 =	vmax.f32 v14, $0.0e+00;
	v11 =	vadd.f32 v11, v13  }
0x231: {  	v13 =	vld [tilespmem:$0x1140];
	v7 =	vadd.f32 v8, v7;
	v8 =	vmul.f32 v14, v6  }
0x232: {  	v11 =	vadd.f32 v12, v11;
	v12 =	vadd.f32 v59, v58;
	v14 =	vld [tilespmem:$0xEC0]  }
0x233: {  	v63 =	vld [tilespmem:$0x11C0];
	v20 =	vpop (erf);
	v7 =	vadd.f32 v8, v7  }
0x234: {  	v61 =	vpop (erf);
	v10 =	vadd.f32 v10, v12;
	v8 =	vld [tilespmem:$0x13C0];
	v9 =	vadd.f32 v9, v15  }
0x235: {  	v11 =	vmax.f32 v11, $0.0e+00;
	v21 =	vadd.f32 $1.000000000e+00, v61;
	v7 =	vsub.f32 $0.0e+00, v7  }
0x236: {  	v2 =	vmul.f32 v11, v2;
	v11 =	vld [tilespmem:$0x1440];
	v10 =	vmax.f32 v10, $0.0e+00;
	v9 =	vadd.f32 v60, v9  }
0x237: {  	(erf) = vrcp.f32 v21;
	v12 =	vadd.f32 v13, v14;
	v7 =	vmul.f32 $1.442695020e+00, v7  }
0x238: {  	v1 =	vadd.f32 v2, v1;
	v2 =	vmul.f32 v10, v3;
	v3 =	vmax.f32 v9, $0.0e+00  }
0x239: {  	(erf) = vpow2.f32 v7;
	v7 =	vadd.f32 v8, v12;
	v8 =	vadd.f32 v63, v62  }
0x23a: {  	v1 =	vadd.f32 v2, v1;
	v2 =	vmul.f32 v3, v4  }
0x23b: {  	v3 =	vmax.f32 v7, $0.0e+00;
	v4 =	vadd.f32 v11, v8  }
0x23c: {  	v1 =	vadd.f32 v2, v1;
	v2 =	vmul.f32 v3, v5  }
0x23d: {  	v3 =	vmax.f32 v4, $0.0e+00  }
0x23e: {  	v1 =	vadd.f32 v2, v1;
	v2 =	vmul.f32 v3, v6;
	_ =	sdelay $0x2  }
0x23f: {  	v1 =	vadd.f32 v2, v1  }
0x240: {  	v2 =	vpop (erf)  }
0x241: {  	v1 =	vsub.f32 $0.0e+00, v1;
	v3 =	vpop (erf)  }
0x242: {  	v3 =	vadd.f32 $1.000000000e+00, v3  }
0x243: {  	v1 =	vmul.f32 $1.442695020e+00, v1  }
0x244: {  	(erf) = vrcp.f32 v3  }
0x245: {  	(erf) = vpow2.f32 v1;
	_ =	sdelay $0x7  }
0x246: {  	v1 =	vpop (erf)  }
0x247: {  	v3 =	vpop (erf)  }
0x248: {  	v3 =	vadd.f32 $1.000000000e+00, v3;
	_ =	sdelay $0x1  }
0x249: {  	(erf) = vrcp.f32 v3;
	_ =	sdelay $0x5  }
0x24a: {  	[tilespmem:$0xB500] =	vst v19  }
0x24b: {  	[tilespmem:$0xB510] =	vst v20  }
0x24c: {  	[tilespmem:$0xB520] =	vst v2  }
0x24d: {  	[tilespmem:$0xB530] =	vst v1;
	v1 =	vpop (erf)  }
0x24e: {  	s5 =	simm.s32 $0x0;
	[tilespmem:$0xB540] =	vst v1  }
0x24f: {  	v1 =	vld [tilespmem:s5+$0x8D50]  }
0x250: {  	v8 =	vld [tilespmem:s5+$0x8D40]  }
0x251: {  	v2 =	vld [tilespmem:s5+$0x8D30]  }
0x252: {  	v5 =	vld [tilespmem:s5+$0x8D60]  }
0x253: {  	v6 =	vld [tilespmem:s5+$0x8D70]  }
0x254: {  	v11 =	vld [tilespmem:s5+$0x3D40]  }
0x255: {  	v4 =	vld [tilespmem:s5+$0x8D00]  }
0x256: {  	v14 =	vld [tilespmem:s5+$0x8D20]  }
0x257: {  	v15 =	vld [tilespmem:s5+$0x3D20]  }
0x258: {  	v12 =	vld [tilespmem:s5+$0x3D60]  }
0x259: {  	v10 =	vld [tilespmem:s5+$0x3D70]  }
0x25a: {  	s1 =	simm.s32 $0xB500;
	v9 =	vld [tilespmem:s5+$0x3D50]  }
0x25b: {  	v3 =	vld.msk [tilespmem:s1+$0x0 ss:$0x0], $0xffff  }
0x25c: {  	v7 =	vld [tilespmem:s5+$0x3D00]  }
0x25d: {  	v13 =	vld [tilespmem:s5+$0x3D30]  }
0x25e: {  	s8 =	simm.s32 $0x1500;
	s7 =	simm.s32 $0x200;
	v11 =	vadd.f32 v8, v11;
	v14 =	vadd.f32 v14, v15;
	v8 =	vld [tilespmem:s5+$0x3D10]  }
.LBB2_7:
0x25f: {  	s3 =	smov.u32 s7  }
0x260: {  	s0 =	sshra.s32 s7, $0x2;
	v15 =	vld [tilespmem:s5+$0x8D10];
	v5 =	vadd.f32 v5, v12;
	s1 =	sadd.s32 $0x1, s1;
	s3 =	sadd.s32 $0x200, s7  }
0x261: {  	p1 =	sne.s32 s7, $0x9E00;
	v9 =	vadd.f32 v1, v9;
	v6 =	vadd.f32 v6, v10;
	v1 =	vld [tilespmem:s0+$0x8D50]  }
0x262: {  	v11 =	vmul.f32 v11, v3;
	v4 =	vadd.f32 v4, v7;
	v7 =	vmul.f32 v14, v3;
	v10 =	vld [tilespmem:s0+$0x8D40]  }
0x263: {  	v9 =	vmul.f32 v9, v3;
	v12 =	vadd.f32 v2, v13;
	v13 =	vmul.f32 v5, v3;
	v2 =	vld [tilespmem:s0+$0x8D30]  }
0x264: {  	v14 =	vmul.f32 v4, v3;
	v4 =	vmul.f32 v6, v3;
	v5 =	vld [tilespmem:s0+$0x8D60];
	[tilespmem:s5+$0x3D40] =	vst v11  }
0x265: {  	v8 =	vadd.f32 v15, v8;
	v6 =	vld [tilespmem:s0+$0x8D70];
	[tilespmem:s5+$0x3D20] =	vst v7;
	v7 =	vmul.f32 v12, v3  }
0x266: {  	v11 =	vld [tilespmem:s0+$0x3D40];
	[tilespmem:s5+$0x3D70] =	vst v4  }
0x267: {  	v3 =	vmul.f32 v8, v3;
	v4 =	vld [tilespmem:s0+$0x8D00];
	[tilespmem:s5+$0x3D60] =	vst v13  }
0x268: {  	v8 =	vld [tilespmem:s0+$0x8D20];
	[tilespmem:s5+$0x3D30] =	vst v7  }
0x269: {  	v13 =	vld [tilespmem:s0+$0x3D20];
	[tilespmem:s5+$0x3D10] =	vst v3  }
0x26a: {  	v12 =	vld [tilespmem:s0+$0x3D60];
	[tilespmem:s5+$0x3D50] =	vst v9  }
0x26b: {  	v11 =	vadd.f32 v10, v11;
	v10 =	vld [tilespmem:s0+$0x3D70];
	[tilespmem:s5+$0x3D00] =	vst v14;
	s5 =	smov.u32 s0  }
.Ltmp2:
0x26c: {  	v9 =	vld [tilespmem:s5+$0x3D50];
	(pc) =	sbr.rel @p1 .LBB2_7-.Ltmp2, $4  }
0x26d: {  	v3 =	vld.msk [tilespmem:s1+$0x0 ss:$0x0], $0xffff  }
0x26e: {  	v7 =	vld [tilespmem:s5+$0x3D00];
	v14 =	vadd.f32 v8, v13  }
0x26f: {  	v13 =	vld [tilespmem:s5+$0x3D30]  }
0x270: {  	s7 =	smov.u32 s3;
	v8 =	vld [tilespmem:s5+$0x3D10]  }
0x271: {  	v15 =	vld [tilespmem:s5+$0x8D10]  }
0x272: {  	v6 =	vadd.f32 v6, v10;
	v61 =	vmul.f32 v11, v3  }
0x273: {  	v5 =	vadd.f32 v5, v12;
	v62 =	vmul.f32 v14, v3  }
0x274: {  	v1 =	vadd.f32 v1, v9;
	v6 =	vmul.f32 v6, v3;
	[tilespmem:s5+$0x3D40] =	vst v61  }
0x275: {  	v5 =	vmul.f32 v5, v3;
	v2 =	vadd.f32 v2, v13;
	[tilespmem:s5+$0x3D20] =	vst v62  }
0x276: {  	v1 =	vmul.f32 v1, v3;
	[tilespmem:s5+$0x3D70] =	vst v6;
	v8 =	vadd.f32 v15, v8  }
0x277: {  	v4 =	vadd.f32 v4, v7;
	[tilespmem:s5+$0x3D60] =	vst v5;
	v2 =	vmul.f32 v2, v3  }
0x278: {  	[tilespmem:s5+$0x3D50] =	vst v1;
	v63 =	vmul.f32 v8, v3  }
0x279: {  	s20 =	sadd.s32 $0x1, s20;
	[tilespmem:s5+$0x3D30] =	vst v2;
	v2 =	vmul.f32 v4, v3  }
0x27a: {  	s0 =	rddreg [dreg:$0x4];
	p1 =	sne.s32 s20, $0x3E;
	[tilespmem:s5+$0x3D10] =	vst v63  }
.Ltmp3:
0x27b: {  	s3 =	simm.s32 $0x3D00;
	s1 =	simm.s32 $0x380;
	[tilespmem:s5+$0x3D00] =	vst v2;
	(pc) =	sbr.rel @p1 .LBB2_4-.Ltmp3, $4  }
0x27c: {  	[spmem:s0] =	stream.indirect.scatter.add.f32 [tilespmem:s3], [sflag:$0x5], $0x80, s1, s30, $0xb8;
	[tilespmem:$0x1EE80] =	vst v63  }
0x27d: {  	_ =	swait.ge [sflag:s24], $0x2800  }
0x27e: {  	[sflag:s24] =	ssyncset.done $0x0  }
0x27f: {  	[sflag:s24] =	ssyncadd.s32 $0xFFFFD800  }
0x280: {  	s0 =	simm.s32 $0x3  }
0x281: {  	_ =	swait.ge [sflag:s0], $0x50  }
0x282: {  	[sflag:s0] =	ssyncset.done $0x0  }
0x283: {  	s1 =	simm.s32 $0xA00;
	[sflag:s0] =	ssyncadd.s32 $0xFFFFFFB0  }
0x284: {  	[tilespmem:s1], [sflag:$0x1] =	stream.indirect.gather [hbm4b:s19+s30], $0x1, s6, s30, $0xb8;
	[tilespmem:$0x1EE80] =	vst v63  }
0x285: {  	s3 =	simm.s32 $0xA80  }
0x286: {  	[tilespmem:s3], [sflag:$0x1] =	stream.indirect.gather [hbm4b:s25+s30], $0x1, s6, s30, $0xb8;
	[tilespmem:$0x1EE80] =	vst v63  }
0x287: {  	s5 =	simm.s32 $0xB00  }
0x288: {  	[tilespmem:s5], [sflag:$0x1] =	stream.indirect.gather [hbm4b:s26+s30], $0x1, s6, s30, $0xb8;
	[tilespmem:$0x1EE80] =	vst v63  }
0x289: {  	s7 =	simm.s32 $0xB80  }
0x28a: {  	[tilespmem:s7], [sflag:$0x1] =	stream.indirect.gather [hbm4b:s28+s30], $0x1, s6, s30, $0xb8;
	[tilespmem:$0x1EE80] =	vst v63  }
0x28b: {  	s20 =	simm.s32 $0xC00  }
0x28c: {  	[tilespmem:s20], [sflag:$0x1] =	stream.indirect.gather [hbm4b:s29+s30], $0x1, s6, s30, $0xb8;
	[tilespmem:$0x1EE80] =	vst v63  }
0x28d: {  	_ =	swait.ge [sflag:s2], $0x50  }
0x28e: {  	[sflag:s2] =	ssyncset.done $0x0  }
0x28f: {  	[sflag:s2] =	ssyncadd.s32 $0xFFFFFFB0  }
0x290: {  	_ =	swait.ge [sflag:s2], $0x50  }
0x291: {  	[sflag:s2] =	ssyncset.done $0x0  }
0x292: {  	[sflag:s2] =	ssyncadd.s32 $0xFFFFFFB0  }
0x293: {  	_ =	swait.ge [sflag:s2], $0x50  }
0x294: {  	[sflag:s2] =	ssyncset.done $0x0  }
0x295: {  	[sflag:s2] =	ssyncadd.s32 $0xFFFFFFB0  }
0x296: {  	_ =	swait.ge [sflag:s2], $0x50  }
0x297: {  	[sflag:s2] =	ssyncset.done $0x0  }
0x298: {  	[sflag:s2] =	ssyncadd.s32 $0xFFFFFFB0  }
0x299: {  	_ =	swait.ge [sflag:s2], $0x50  }
0x29a: {  	[sflag:s2] =	ssyncset.done $0x0  }
0x29b: {  	[sflag:s2] =	ssyncadd.s32 $0xFFFFFFB0  }
0x29c: {  	_ =	swait.ge [sflag:s2], $0x50  }
0x29d: {  	[sflag:s2] =	ssyncset.done $0x0  }
0x29e: {  	[sflag:s2] =	ssyncadd.s32 $0xFFFFFFB0  }
0x29f: {  	_ =	swait.ge [sflag:s2], $0x50  }
0x2a0: {  	[sflag:s2] =	ssyncset.done $0x0  }
0x2a1: {  	[sflag:s2] =	ssyncadd.s32 $0xFFFFFFB0  }
0x2a2: {  	_ =	swait.ge [sflag:s2], $0x50  }
0x2a3: {  	[sflag:s2] =	ssyncset.done $0x0  }
0x2a4: {  	[sflag:s2] =	ssyncadd.s32 $0xFFFFFFB0  }
0x2a5: {  	_ =	swait.ge [sflag:s2], $0x50  }
0x2a6: {  	[sflag:s2] =	ssyncset.done $0x0  }
0x2a7: {  	[sflag:s2] =	ssyncadd.s32 $0xFFFFFFB0  }
0x2a8: {  	_ =	swait.ge [sflag:s2], $0x50  }
0x2a9: {  	[sflag:s2] =	ssyncset.done $0x0  }
0x2aa: {  	[sflag:s2] =	ssyncadd.s32 $0xFFFFFFB0  }
0x2ab: {  	_ =	swait.ge [sflag:s2], $0x2800  }
0x2ac: {  	[sflag:s2] =	ssyncset.done $0x0  }
0x2ad: {  	[sflag:s2] =	ssyncadd.s32 $0xFFFFD800  }
0x2ae: {  	_ =	swait.ge [sflag:s2], $0x2800  }
0x2af: {  	[sflag:s2] =	ssyncset.done $0x0  }
0x2b0: {  	[sflag:s2] =	ssyncadd.s32 $0xFFFFD800  }
0x2b1: {  	_ =	swait.ge [sflag:s2], $0x50  }
0x2b2: {  	[sflag:s2] =	ssyncset.done $0x0  }
0x2b3: {  	[sflag:s2] =	ssyncadd.s32 $0xFFFFFFB0  }
0x2b4: {  	_ =	swait.ge [sflag:s2], $0x50  }
0x2b5: {  	[sflag:s2] =	ssyncset.done $0x0  }
0x2b6: {  	[sflag:s2] =	ssyncadd.s32 $0xFFFFFFB0  }
0x2b7: {  	_ =	swait.ge [sflag:s2], $0x50  }
0x2b8: {  	[sflag:s2] =	ssyncset.done $0x0  }
0x2b9: {  	[sflag:s2] =	ssyncadd.s32 $0xFFFFFFB0  }
0x2ba: {  	_ =	swait.ge [sflag:s2], $0x50  }
0x2bb: {  	[sflag:s2] =	ssyncset.done $0x0  }
0x2bc: {  	[sflag:s2] =	ssyncadd.s32 $0xFFFFFFB0  }
0x2bd: {  	_ =	swait.ge [sflag:s2], $0x50  }
0x2be: {  	[sflag:s2] =	ssyncset.done $0x0  }
0x2bf: {  	[sflag:s2] =	ssyncadd.s32 $0xFFFFFFB0  }
0x2c0: {  	v6 =	vld [tilespmem:$0xB580]  }
0x2c1: {  	v1 =	vld [tilespmem:$0x500]  }
0x2c2: {  	v2 =	vld [tilespmem:$0x780]  }
0x2c3: {  	v3 =	vld [tilespmem:$0xA00]  }
0x2c4: {  	v4 =	vld [tilespmem:$0x580]  }
0x2c5: {  	v5 =	vld [tilespmem:$0x800]  }
0x2c6: {  	v7 =	vld [tilespmem:$0xA80]  }
0x2c7: {  	v8 =	vld [tilespmem:$0x600]  }
0x2c8: {  	v9 =	vld [tilespmem:$0x880]  }
0x2c9: {  	v10 =	vld [tilespmem:$0xB00]  }
0x2ca: {  	v11 =	vld [tilespmem:$0x680]  }
0x2cb: {  	v12 =	vld [tilespmem:$0x900]  }
0x2cc: {  	v13 =	vld [tilespmem:$0xB80];
	v1 =	vadd.f32 v2, v1  }
0x2cd: {  	v14 =	vld [tilespmem:$0x980]  }
0x2ce: {  	v15 =	vld [tilespmem:$0x510];
	v4 =	vadd.f32 v5, v4;
	v3 =	vadd.f32 v3, v1  }
0x2cf: {  	v5 =	vld [tilespmem:$0x700];
	v2 =	vbroadcast v6, $0x0;
	v1 =	vbroadcast v6, $0x5  }
0x2d0: {  	v16 =	vld [tilespmem:$0xA10];
	v4 =	vadd.f32 v7, v4;
	v7 =	vadd.f32 v9, v8;
	v3 =	vmax.f32 v3, $0.0e+00  }
0x2d1: {  	v8 =	vld [tilespmem:$0xC00];
	v9 =	vmul.f32 v3, v2;
	v3 =	vbroadcast v6, $0x1  }
0x2d2: {  	v17 =	vld [tilespmem:$0x890];
	v4 =	vmax.f32 v4, $0.0e+00;
	v7 =	vadd.f32 v10, v7;
	v10 =	vadd.f32 v12, v11  }
0x2d3: {  	v18 =	vld [tilespmem:$0x690];
	v9 =	vadd.f32 v9, v1;
	v12 =	vmul.f32 v4, v3;
	v4 =	vbroadcast v6, $0x2  }
0x2d4: {  	v19 =	vld [tilespmem:$0x710];
	v7 =	vmax.f32 v7, $0.0e+00;
	v10 =	vadd.f32 v13, v10;
	v13 =	vadd.f32 v14, v5  }
0x2d5: {  	v48 =	vld [tilespmem:$0xC10];
	v5 =	vbroadcast v6, $0x3;
	v9 =	vadd.f32 v12, v9;
	v7 =	vmul.f32 v7, v4  }
0x2d6: {  	v49 =	vld [tilespmem:$0x5A0];
	v10 =	vmax.f32 v10, $0.0e+00;
	v8 =	vadd.f32 v8, v13  }
0x2d7: {  	v11 =	vld [tilespmem:$0x790];
	v6 =	vbroadcast v6, $0x4;
	v7 =	vadd.f32 v7, v9;
	v9 =	vmul.f32 v10, v5  }
0x2d8: {  	v14 =	vld [tilespmem:$0x590];
	v8 =	vmax.f32 v8, $0.0e+00  }
0x2d9: {  	v12 =	vld [tilespmem:$0x810];
	v8 =	vmul.f32 v8, v6;
	v7 =	vadd.f32 v9, v7  }
0x2da: {  	v13 =	vld [tilespmem:$0xA90]  }
0x2db: {  	v10 =	vld [tilespmem:$0x610];
	v7 =	vadd.f32 v8, v7  }
0x2dc: {  	v11 =	vadd.f32 v11, v15;
	v9 =	vld [tilespmem:$0xB10]  }
0x2dd: {  	v8 =	vld [tilespmem:$0x910];
	v7 =	vsub.f32 $0.0e+00, v7  }
0x2de: {  	v15 =	vld [tilespmem:$0xB90];
	v11 =	vadd.f32 v16, v11;
	v12 =	vadd.f32 v12, v14  }
0x2df: {  	v14 =	vld [tilespmem:$0x990];
	v7 =	vmul.f32 $1.442695020e+00, v7  }
0x2e0: {  	v50 =	vld [tilespmem:$0x620];
	v11 =	vmax.f32 v11, $0.0e+00;
	v12 =	vadd.f32 v13, v12;
	v10 =	vadd.f32 v17, v10  }
0x2e1: {  	v51 =	vld [tilespmem:$0xB20];
	(erf) = vpow2.f32 v7;
	v7 =	vmul.f32 v11, v2  }
0x2e2: {  	v13 =	vld [tilespmem:$0x520];
	v12 =	vmax.f32 v12, $0.0e+00;
	v9 =	vadd.f32 v9, v10;
	v8 =	vadd.f32 v8, v18  }
0x2e3: {  	v12 =	vmul.f32 v12, v3;
	v11 =	vld [tilespmem:$0x7A0];
	v7 =	vadd.f32 v7, v1  }
0x2e4: {  	v53 =	vld [tilespmem:$0x9A0];
	v14 =	vadd.f32 v14, v19;
	v9 =	vmax.f32 v9, $0.0e+00;
	v8 =	vadd.f32 v15, v8  }
0x2e5: {  	v10 =	vld [tilespmem:$0xA20];
	v9 =	vmul.f32 v9, v4;
	v7 =	vadd.f32 v12, v7  }
0x2e6: {  	v14 =	vadd.f32 v48, v14;
	v15 =	vld [tilespmem:$0x820];
	v8 =	vmax.f32 v8, $0.0e+00  }
0x2e7: {  	v54 =	vld [tilespmem:$0x530];
	v8 =	vmul.f32 v8, v5;
	v7 =	vadd.f32 v9, v7  }
0x2e8: {  	v14 =	vmax.f32 v14, $0.0e+00;
	v12 =	vld [tilespmem:$0xAA0];
	v11 =	vadd.f32 v11, v13  }
0x2e9: {  	v9 =	vld [tilespmem:$0x8A0];
	v7 =	vadd.f32 v8, v7;
	v8 =	vmul.f32 v14, v6  }
0x2ea: {  	v13 =	vld [tilespmem:$0x920];
	v10 =	vadd.f32 v10, v11  }
0x2eb: {  	v11 =	vadd.f32 v15, v49;
	v14 =	vld [tilespmem:$0x6A0];
	v7 =	vadd.f32 v8, v7  }
0x2ec: {  	v15 =	vld [tilespmem:$0x720]  }
0x2ed: {  	v52 =	vpop (erf);
	v11 =	vadd.f32 v12, v11;
	v8 =	vld [tilespmem:$0xBA0];
	v7 =	vsub.f32 $0.0e+00, v7  }
0x2ee: {  	v55 =	vld [tilespmem:$0x8B0];
	v10 =	vmax.f32 v10, $0.0e+00;
	v19 =	vadd.f32 $1.000000000e+00, v52;
	v9 =	vadd.f32 v9, v50  }
0x2ef: {  	v12 =	vld [tilespmem:$0xC20];
	v10 =	vmul.f32 v10, v2;
	v11 =	vmax.f32 v11, $0.0e+00;
	v7 =	vmul.f32 $1.442695020e+00, v7  }
0x2f0: {  	v56 =	vld [tilespmem:$0x6B0];
	(erf) = vrcp.f32 v19;
	v9 =	vadd.f32 v51, v9;
	v13 =	vadd.f32 v13, v14  }
0x2f1: {  	v57 =	vld [tilespmem:$0xBB0];
	(erf) = vpow2.f32 v7;
	v7 =	vadd.f32 v10, v1;
	v10 =	vmul.f32 v11, v3  }
0x2f2: {  	v21 =	vld [tilespmem:$0x730];
	v9 =	vmax.f32 v9, $0.0e+00;
	v8 =	vadd.f32 v8, v13;
	v13 =	vadd.f32 v53, v15  }
0x2f3: {  	v58 =	vld [tilespmem:$0x5C0];
	v9 =	vmul.f32 v9, v4;
	v7 =	vadd.f32 v10, v7  }
0x2f4: {  	v14 =	vld [tilespmem:$0x7B0];
	v8 =	vmax.f32 v8, $0.0e+00;
	v12 =	vadd.f32 v12, v13  }
0x2f5: {  	v15 =	vld [tilespmem:$0x5B0];
	v8 =	vmul.f32 v8, v5;
	v7 =	vadd.f32 v9, v7  }
0x2f6: {  	v11 =	vld [tilespmem:$0xA30];
	v12 =	vmax.f32 v12, $0.0e+00  }
0x2f7: {  	v10 =	vld [tilespmem:$0x830];
	v7 =	vadd.f32 v8, v7;
	v8 =	vmul.f32 v12, v6  }
0x2f8: {  	v13 =	vld [tilespmem:$0xAB0]  }
0x2f9: {  	v14 =	vadd.f32 v14, v54;
	v9 =	vld [tilespmem:$0x630];
	v7 =	vadd.f32 v8, v7  }
0x2fa: {  	v19 =	vpop (erf);
	v12 =	vld [tilespmem:$0xB30]  }
0x2fb: {  	v11 =	vadd.f32 v11, v14;
	v8 =	vld [tilespmem:$0x930];
	v20 =	vpop (erf);
	v7 =	vsub.f32 $0.0e+00, v7  }
0x2fc: {  	v14 =	vld [tilespmem:$0x9B0];
	v10 =	vadd.f32 v10, v15;
	v20 =	vadd.f32 $1.000000000e+00, v20  }
0x2fd: {  	v59 =	vld [tilespmem:$0x840];
	v11 =	vmax.f32 v11, $0.0e+00;
	v7 =	vmul.f32 $1.442695020e+00, v7  }
0x2fe: {  	v15 =	vld [tilespmem:$0xC30];
	v10 =	vadd.f32 v13, v10;
	v9 =	vadd.f32 v55, v9;
	(erf) = vrcp.f32 v20  }
0x2ff: {  	v60 =	vld [tilespmem:$0xB40];
	(erf) = vpow2.f32 v7;
	v7 =	vmul.f32 v11, v2  }
0x300: {  	v13 =	vld [tilespmem:$0x540];
	v10 =	vmax.f32 v10, $0.0e+00;
	v9 =	vadd.f32 v12, v9;
	v8 =	vadd.f32 v8, v56  }
0x301: {  	v14 =	vadd.f32 v14, v21;
	v10 =	vmul.f32 v10, v3;
	v11 =	vld [tilespmem:$0x7C0];
	v7 =	vadd.f32 v7, v1  }
0x302: {  	v12 =	vld [tilespmem:$0xA40];
	v9 =	vmax.f32 v9, $0.0e+00;
	v8 =	vadd.f32 v57, v8  }
0x303: {  	v14 =	vadd.f32 v15, v14;
	v15 =	vld [tilespmem:$0x640];
	v9 =	vmul.f32 v9, v4;
	v7 =	vadd.f32 v10, v7  }
0x304: {  	v8 =	vmax.f32 v8, $0.0e+00;
	v10 =	vld [tilespmem:$0xAC0]  }
0x305: {  	v8 =	vmul.f32 v8, v5;
	v7 =	vadd.f32 v9, v7;
	v9 =	vld [tilespmem:$0x8C0]  }
0x306: {  	v62 =	vld [tilespmem:$0x740];
	v14 =	vmax.f32 v14, $0.0e+00;
	v11 =	vadd.f32 v11, v13  }
0x307: {  	v13 =	vld [tilespmem:$0x940];
	v7 =	vadd.f32 v8, v7;
	v8 =	vmul.f32 v14, v6  }
0x308: {  	v11 =	vadd.f32 v12, v11;
	v12 =	vadd.f32 v59, v58;
	v14 =	vld [tilespmem:$0x6C0]  }
0x309: {  	v63 =	vld [tilespmem:$0x9C0];
	v20 =	vpop (erf);
	v7 =	vadd.f32 v8, v7  }
0x30a: {  	v61 =	vpop (erf);
	v10 =	vadd.f32 v10, v12;
	v8 =	vld [tilespmem:$0xBC0];
	v9 =	vadd.f32 v9, v15  }
0x30b: {  	v11 =	vmax.f32 v11, $0.0e+00;
	v21 =	vadd.f32 $1.000000000e+00, v61;
	v7 =	vsub.f32 $0.0e+00, v7  }
0x30c: {  	v2 =	vmul.f32 v11, v2;
	v11 =	vld [tilespmem:$0xC40];
	v10 =	vmax.f32 v10, $0.0e+00;
	v9 =	vadd.f32 v60, v9  }
0x30d: {  	(erf) = vrcp.f32 v21;
	v12 =	vadd.f32 v13, v14;
	v7 =	vmul.f32 $1.442695020e+00, v7  }
0x30e: {  	v1 =	vadd.f32 v2, v1;
	v2 =	vmul.f32 v10, v3;
	v3 =	vmax.f32 v9, $0.0e+00  }
0x30f: {  	(erf) = vpow2.f32 v7;
	v7 =	vadd.f32 v8, v12;
	v8 =	vadd.f32 v63, v62  }
0x310: {  	v1 =	vadd.f32 v2, v1;
	v2 =	vmul.f32 v3, v4  }
0x311: {  	v3 =	vmax.f32 v7, $0.0e+00;
	v4 =	vadd.f32 v11, v8  }
0x312: {  	v1 =	vadd.f32 v2, v1;
	v2 =	vmul.f32 v3, v5  }
0x313: {  	v3 =	vmax.f32 v4, $0.0e+00  }
0x314: {  	v1 =	vadd.f32 v2, v1;
	v2 =	vmul.f32 v3, v6;
	_ =	sdelay $0x2  }
0x315: {  	v1 =	vadd.f32 v2, v1  }
0x316: {  	v2 =	vpop (erf)  }
0x317: {  	v1 =	vsub.f32 $0.0e+00, v1;
	v3 =	vpop (erf)  }
0x318: {  	v3 =	vadd.f32 $1.000000000e+00, v3  }
0x319: {  	v1 =	vmul.f32 $1.442695020e+00, v1  }
0x31a: {  	(erf) = vrcp.f32 v3  }
0x31b: {  	(erf) = vpow2.f32 v1;
	_ =	sdelay $0x7  }
0x31c: {  	v1 =	vpop (erf)  }
0x31d: {  	v3 =	vpop (erf)  }
0x31e: {  	v3 =	vadd.f32 $1.000000000e+00, v3;
	_ =	sdelay $0x1  }
0x31f: {  	(erf) = vrcp.f32 v3;
	_ =	sdelay $0x5  }
0x320: {  	[tilespmem:$0xB500] =	vst v19  }
0x321: {  	[tilespmem:$0xB510] =	vst v20  }
0x322: {  	[tilespmem:$0xB520] =	vst v2  }
0x323: {  	[tilespmem:$0xB530] =	vst v1;
	v1 =	vpop (erf)  }
0x324: {  	s5 =	simm.s32 $0x0;
	[tilespmem:$0xB540] =	vst v1  }
0x325: {  	v1 =	vld [tilespmem:s5+$0x6550]  }
0x326: {  	v8 =	vld [tilespmem:s5+$0x6540]  }
0x327: {  	v2 =	vld [tilespmem:s5+$0x6530]  }
0x328: {  	v5 =	vld [tilespmem:s5+$0x6560]  }
0x329: {  	v6 =	vld [tilespmem:s5+$0x6570]  }
0x32a: {  	v10 =	vld [tilespmem:s5+$0x1540]  }
0x32b: {  	v4 =	vld [tilespmem:s5+$0x6500]  }
0x32c: {  	v14 =	vld [tilespmem:s5+$0x6520]  }
0x32d: {  	v15 =	vld [tilespmem:s5+$0x1520]  }
0x32e: {  	v12 =	vld [tilespmem:s5+$0x1560]  }
0x32f: {  	v11 =	vld [tilespmem:s5+$0x1570]  }
0x330: {  	s1 =	simm.s32 $0xB500;
	v9 =	vld [tilespmem:s5+$0x1550]  }
0x331: {  	v3 =	vld.msk [tilespmem:s1+$0x0 ss:$0x0], $0xffff  }
0x332: {  	v7 =	vld [tilespmem:s5+$0x1500]  }
0x333: {  	v13 =	vld [tilespmem:s5+$0x1530]  }
0x334: {  	s7 =	simm.s32 $0x200;
	v10 =	vadd.f32 v8, v10;
	v14 =	vadd.f32 v14, v15;
	v8 =	vld [tilespmem:s5+$0x1510]  }
.LBB2_10:
0x335: {  	s3 =	smov.u32 s7  }
0x336: {  	s0 =	sshra.s32 s7, $0x2;
	v15 =	vld [tilespmem:s5+$0x6510];
	v5 =	vadd.f32 v5, v12;
	s1 =	sadd.s32 $0x1, s1;
	s3 =	sadd.s32 $0x200, s7  }
0x337: {  	p1 =	sne.s32 s7, $0x9E00;
	v9 =	vadd.f32 v1, v9;
	v6 =	vadd.f32 v6, v11;
	v1 =	vld [tilespmem:s0+$0x6550]  }
0x338: {  	v10 =	vmul.f32 v10, v3;
	v4 =	vadd.f32 v4, v7;
	v7 =	vmul.f32 v14, v3;
	v11 =	vld [tilespmem:s0+$0x6540]  }
0x339: {  	v9 =	vmul.f32 v9, v3;
	v12 =	vadd.f32 v2, v13;
	v13 =	vmul.f32 v5, v3;
	v2 =	vld [tilespmem:s0+$0x6530]  }
0x33a: {  	v14 =	vmul.f32 v4, v3;
	v4 =	vmul.f32 v6, v3;
	v5 =	vld [tilespmem:s0+$0x6560];
	[tilespmem:s5+$0x1540] =	vst v10  }
0x33b: {  	v8 =	vadd.f32 v15, v8;
	v6 =	vld [tilespmem:s0+$0x6570];
	[tilespmem:s5+$0x1520] =	vst v7;
	v7 =	vmul.f32 v12, v3  }
0x33c: {  	v10 =	vld [tilespmem:s0+$0x1540];
	[tilespmem:s5+$0x1570] =	vst v4  }
0x33d: {  	v3 =	vmul.f32 v8, v3;
	v4 =	vld [tilespmem:s0+$0x6500];
	[tilespmem:s5+$0x1560] =	vst v13  }
0x33e: {  	v8 =	vld [tilespmem:s0+$0x6520];
	[tilespmem:s5+$0x1530] =	vst v7  }
0x33f: {  	v13 =	vld [tilespmem:s0+$0x1520];
	[tilespmem:s5+$0x1510] =	vst v3  }
0x340: {  	v12 =	vld [tilespmem:s0+$0x1560];
	[tilespmem:s5+$0x1550] =	vst v9  }
0x341: {  	v10 =	vadd.f32 v11, v10;
	v11 =	vld [tilespmem:s0+$0x1570];
	[tilespmem:s5+$0x1500] =	vst v14;
	s5 =	smov.u32 s0  }
.Ltmp4:
0x342: {  	v9 =	vld [tilespmem:s5+$0x1550];
	(pc) =	sbr.rel @p1 .LBB2_10-.Ltmp4, $4  }
0x343: {  	v3 =	vld.msk [tilespmem:s1+$0x0 ss:$0x0], $0xffff  }
0x344: {  	v7 =	vld [tilespmem:s5+$0x1500];
	v14 =	vadd.f32 v8, v13  }
0x345: {  	v13 =	vld [tilespmem:s5+$0x1530]  }
0x346: {  	s7 =	smov.u32 s3;
	v8 =	vld [tilespmem:s5+$0x1510]  }
0x347: {  	v15 =	vld [tilespmem:s5+$0x6510]  }
0x348: {  	v6 =	vadd.f32 v6, v11;
	v10 =	vmul.f32 v10, v3  }
0x349: {  	v5 =	vadd.f32 v5, v12;
	v62 =	vmul.f32 v14, v3  }
0x34a: {  	v1 =	vadd.f32 v1, v9;
	v6 =	vmul.f32 v6, v3;
	[tilespmem:s5+$0x1540] =	vst v10  }
0x34b: {  	v5 =	vmul.f32 v5, v3;
	v2 =	vadd.f32 v2, v13;
	[tilespmem:s5+$0x1520] =	vst v62  }
0x34c: {  	v1 =	vmul.f32 v1, v3;
	[tilespmem:s5+$0x1570] =	vst v6;
	v8 =	vadd.f32 v15, v8  }
0x34d: {  	v4 =	vadd.f32 v4, v7;
	[tilespmem:s5+$0x1560] =	vst v5;
	v2 =	vmul.f32 v2, v3  }
0x34e: {  	[tilespmem:s5+$0x1550] =	vst v1;
	v63 =	vmul.f32 v8, v3  }
0x34f: {  	[tilespmem:s5+$0x1530] =	vst v2;
	v2 =	vmul.f32 v4, v3  }
0x350: {  	[tilespmem:s5+$0x1510] =	vst v63  }
0x351: {  	s0 =	rddreg [dreg:$0x4];
	s1 =	simm.s32 $0x180;
	[tilespmem:s5+$0x1500] =	vst v2  }
0x352: {  	[spmem:s0] =	stream.indirect.scatter.add.f32 [tilespmem:s8], [sflag:$0x5], $0x80, s1, s30, $0xb8;
	[tilespmem:$0x1EE80] =	vst v63  }
0x353: {  	_ =	swait.ge [sflag:s24], $0x2800  }
0x354: {  	[sflag:s24] =	ssyncset.done $0x0  }
0x355: {  	[sflag:s24] =	ssyncadd.s32 $0xFFFFD800  }
0x356: {  	[bflag:$0x0] =	sbarrier.arrive $0xFFFF  }
0x357: {  	s7 =	rddreg [dreg:$0xf]  }
0x358: {  	s1 =	simm.s32 @p0 $0x1FC5;
	s3 =	rddreg [dreg:$0xc];
	s0 =	sshrl.u32 @p0 s7, $0x3  }
0x359: {  	[hbm:s3], [sflag:s1] =	dma.local @p0 [spmem:s0], $0x2080  }
0x35a: {  	s0 =	simm.s32 @p0 $0x5  }
0x35b: {  	_ =	swait.ge @p0 [sflag:s0], $0x2080  }
0x35c: {  	s1 =	stileid.u32;
	s20 =	rddreg [dreg:$0xa]  }
0x35d: {  	s1 =	sshll.u32 @!p0 s1, $0x6;
	[sflag:s0] =	ssyncset.done @p0 $0x0;
	s3 =	rddreg [dreg:$0x9]  }
0x35e: {  	[sflag:s0] =	ssyncadd.s32 @p0 $0xFFFFDF80;
	s0 =	sor.u32 @!p0 $0x1C05, s1;
	s1 =	sshrl.u32 @!p0 s20, $0x3  }
0x35f: {  	[hbm:s3], [sflag:s0] =	dma.local @!p0 [spmem:s1], $0x2780  }
0x360: {  	s0 =	simm.s32 @!p0 $0x5  }
0x361: {  	_ =	swait.ge @!p0 [sflag:s0], $0x2780  }
0x362: {  	s1 =	rddreg [dreg:$0x1d]  }
0x363: {  	s5 =	rddreg [dreg:$0x17];
	s3 =	sadd.s32 $0x1, s1  }
0x364: {  	p1 =	sne.s32 s3, s5  }
.Ltmp5:
0x365: {  	_ = 	snop;
	(pc) =	sbr.rel @p1 .LBB2_1-.Ltmp5, $3  }
0x366: {  	_ =	sdelay $0x1  }
0x367: {  	[sflag:s0] =	ssyncset.done @!p0 $0x0  }
0x368: {  	[sflag:s0] =	ssyncadd.s32 @!p0 $0xFFFFD880  }
0x369: {  	_ =	sfence.sel $0x180000  }
0x36a: {  	[bflag:$0x0] =	sbarrier.arrive $0xFFFF  }
0x36b: {  	_ =	strace $0x90000047  }
0x36c: {  	s0 =	stileid.u32;
	[bflag:$0x2] =	sbarrier.arrive $0xFFFF  }
0x36d: {  	p0 =	sne.s32 s0, $0x0;
	s0 =	rddreg [dreg:$0x5]  }
0x36e: {  	s0 =	sadd.s32 @!p0 $0x100000, s0  }
0x36f: {  	[sflag:s0] =	ssyncadd.tile.s32 @!p0 $0x1;
	_ =	shalt  }
.Lfunc_end2:
_tile_overlayer_lowered:
.L_overlay_start_2:
0x370: {  	(tag) =	ssettag $0x2  }
0x371: {  	s0 =	rddreg [dreg:$0x0];
	s2 =	stileid.u32  }
0x372: {  	s1 =	rddreg [dreg:$0x1];
	p0 =	sne.s32 s2, $0x0  }
0x373: {  	s3 =	rddreg [dreg:$0x2];
	[bflag:$0x3] =	sbarrier.arrive $0xFFFF;
	s2 =	simm.s32 @!p0 $0x1C05  }
0x374: {  	[timem:s3], [sflag:s2] =	dma.local @!p0 [hbm:s0], s1  }
0x375: {  	s0 =	simm.s32 @!p0 $0x5  }
0x376: {  	_ =	swait.ge @!p0 [sflag:s0], s1  }
0x377: {  	s1 =	ssub.s32 @!p0 $0x0, s1;
	[sflag:s0] =	ssyncset.done @!p0 $0x0  }
0x378: {  	[sflag:s0] =	ssyncadd.s32 @!p0 s1  }
0x379: {  	[bflag:$0x3] =	sbarrier.arrive $0xFFFF  }
0x37a: {  	_ =	shalt  }

</sc_bundles>
